<compile_context>
chip_gen: v7x
topology: tpu7x:2x2x1
jax: 0.10.2.dev20260603
libtpu: 0.0.44.dev20260713+nightly
codegen_flags: <defaults>
</compile_context>

<pallas_src>
import functools

import jax
import jax.numpy as jnp
from jax import lax
from jax.experimental import pallas as pl
from jax.experimental.pallas import tpu as pltpu
from jax.experimental.pallas import tpu_sc as plsc

BATCH = 1024
SEQ = 512
NTOK = BATCH * SEQ
DIM = 128
VOCAB = 33
PAD_ID = 0
MASK_ID = 1
MLM_PROB = 0.15

NCORES = 2
NSUB = 16
NLANE = 16
NWORK = NCORES * NSUB
PER_W = NTOK // NWORK
CHUNK = 128
STEPS = PER_W // CHUNK
NBUF = 2
GROUPS = CHUNK // NLANE
JUNROLL = 4


def _mlm_aux():
    key = jax.random.key(1)
    k1, k2, k3 = jax.random.split(key, 3)
    sel_raw = jax.random.uniform(k1, (BATCH, SEQ)) < MLM_PROB
    probs = jax.random.uniform(k2, (BATCH, SEQ))
    rtok = jax.random.randint(k3, (BATCH, SEQ), 0, VOCAB)
    rtok = jnp.where(rtok == PAD_ID, MASK_ID, rtok)
    aux = jnp.where(
        ~sel_raw, -1,
        jnp.where(probs < 0.8, MASK_ID, jnp.where(probs < 0.9, rtok, -2)))
    return aux.astype(jnp.int32).reshape(NTOK)


@functools.lru_cache(maxsize=None)
def _build_sc_embed():
    @functools.partial(
        pl.kernel,
        out_type=(
            jax.ShapeDtypeStruct((NTOK, DIM), jnp.float32),
            jax.ShapeDtypeStruct((NTOK,), jnp.int32),
        ),
        mesh=plsc.VectorSubcoreMesh(core_axis_name="c", subcore_axis_name="s"),
        compiler_params=pltpu.CompilerParams(needs_layout_passes=False),
        scratch_types=[
            pltpu.VMEM((VOCAB * DIM,), jnp.float32),
            pltpu.VMEM((NBUF, CHUNK), jnp.int32),
            pltpu.VMEM((NBUF, CHUNK), jnp.int32),
            pltpu.VMEM((CHUNK,), jnp.int32),
            pltpu.VMEM((NBUF, CHUNK), jnp.int32),
            pltpu.VMEM((NBUF, CHUNK, DIM), jnp.float32),
            [pltpu.SemaphoreType.DMA] * NBUF,
            [pltpu.SemaphoreType.DMA] * NBUF,
        ],
    )
    def _sc_embed(x_hbm, aux_hbm, table_hbm, emb_hbm, lab_hbm,
                  tab_v, ids_v, aux_v, rb_v, lab_v, rows_v, wsem, isem):
        wid = lax.axis_index("s") * NCORES + lax.axis_index("c")
        base_w = wid * PER_W

        def fire_loads(s, b):
            base = base_w + s * CHUNK
            pltpu.async_copy(x_hbm.at[pl.ds(base, CHUNK)], ids_v.at[b], isem[b])
            pltpu.async_copy(aux_hbm.at[pl.ds(base, CHUNK)], aux_v.at[b], isem[b])

        def wait_loads(b):
            pltpu.make_async_copy(x_hbm.at[pl.ds(0, CHUNK)], ids_v.at[b], isem[b]).wait()
            pltpu.make_async_copy(aux_hbm.at[pl.ds(0, CHUNK)], aux_v.at[b], isem[b]).wait()

        def fire_writes(s, b):
            base = base_w + s * CHUNK
            pltpu.async_copy(rows_v.at[b], emb_hbm.at[pl.ds(base, CHUNK)], wsem[b])
            pltpu.async_copy(lab_v.at[b], lab_hbm.at[pl.ds(base, CHUNK)], wsem[b])

        def wait_writes(b):
            pltpu.make_async_copy(rows_v.at[b], emb_hbm.at[pl.ds(0, CHUNK)], wsem[b]).wait()
            pltpu.make_async_copy(lab_v.at[b], lab_hbm.at[pl.ds(0, CHUNK)], wsem[b]).wait()

        iota = lax.iota(jnp.int32, NLANE)
        coff = [iota + c * NLANE for c in range(DIM // NLANE)]

        def compute(b):
            for i in range(GROUPS):
                sl = pl.ds(i * NLANE, NLANE)
                xv = ids_v[b, sl]
                av = aux_v[b, sl]
                sel = (xv != PAD_ID) & (av != -1)
                mid = jnp.where(sel & (av >= 0), av, xv)
                rb_v[sl] = mid * DIM
                lab_v[b, sl] = jnp.where(sel, xv, -100)

        def expand(b):
            def token(t):
                tv = jnp.full((NLANE,), t, jnp.int32)
                rj = plsc.load_gather(rb_v, [tv])
                for c in range(DIM // NLANE):
                    val = plsc.load_gather(tab_v, [rj + coff[c]])
                    rows_v[b, t, pl.ds(c * NLANE, NLANE)] = val

            def tbody(to, carry):
                for ti in range(JUNROLL):
                    token(to * JUNROLL + ti)
                return carry

            lax.fori_loop(0, CHUNK // JUNROLL, tbody, 0)

        def step(s, b, first, last):
            wait_loads(b)
            if not first:
                wait_writes(b)
            compute(b)
            expand(b)
            fire_writes(s, b)
            if not last:
                fire_loads(s + NBUF, b)

        pltpu.sync_copy(table_hbm, tab_v)
        for b in range(NBUF):
            fire_loads(b, b)
        for s in range(NBUF):
            step(s, s % NBUF, first=True, last=False)

        def group(g, carry):
            for b in range(NBUF):
                step(g * NBUF + b, b, first=False, last=False)
            return carry

        lax.fori_loop(1, STEPS // NBUF - 1, group, 0)

        for s in range(STEPS - NBUF, STEPS):
            step(s, s % NBUF, first=False, last=True)
        for b in range(NBUF):
            wait_writes(b)

    return _sc_embed


def kernel(x, table):
    aux = _mlm_aux()
    xf = x.reshape(NTOK).astype(jnp.int32)
    emb, lab = _build_sc_embed()(xf, aux, table.reshape(VOCAB * DIM))
    return emb.reshape(BATCH, SEQ, DIM), lab.reshape(BATCH, SEQ)

# --- scband reference (transcript-rebuilt; emitter-appended) ---
"""Pipeline reference for scband-amino-acid-embedding-50337016709467 (READ-ONLY COPY).

The authoritative reference and input builder live on the scoring server;
editing this copy changes nothing except your own understanding.
"""

import jax, jax.numpy as jnp
import numpy as np

VOCAB_SIZE = 33
PAD_ID = 0
MASK_ID = 1
DIM_EMB = 128
MLM_PROB = 0.15


def mask_mlm(key, input_ids, pad_token_id, mask_token_id, vocab_size, mlm_prob):
    k1, k2, k3 = jax.random.split(key, 3)
    is_pad = input_ids == pad_token_id
    can_mask = ~is_pad
    mask_selector = (jax.random.uniform(k1, input_ids.shape) < mlm_prob) & can_mask
    labels = jnp.where(mask_selector, input_ids, -100)
    probs = jax.random.uniform(k2, input_ids.shape)
    masked_input_ids = input_ids
    mask80 = (probs < 0.8) & mask_selector
    masked_input_ids = jnp.where(mask80, mask_token_id, masked_input_ids)
    rand10 = (probs >= 0.8) & (probs < 0.9) & mask_selector
    random_tokens = jax.random.randint(k3, input_ids.shape, 0, vocab_size)
    random_tokens = jnp.where(random_tokens == pad_token_id, mask_token_id, random_tokens)
    masked_input_ids = jnp.where(rand10, random_tokens, masked_input_ids)
    return masked_input_ids, labels


def setup_inputs(seed: int = 0) -> dict:
    key = jax.random.key(seed)
    kx, kw = jax.random.split(key)
    x = jax.random.randint(kx, (1024, 512), 0, VOCAB_SIZE, dtype=jnp.int64) if jax.config.jax_enable_x64 else jax.random.randint(kx, (1024, 512), 0, VOCAB_SIZE, dtype=jnp.int32)
    table = jax.random.normal(kw, (VOCAB_SIZE, DIM_EMB), dtype=jnp.float32)
    # emulate padding_idx: zero the pad row
    table = table.at[PAD_ID].set(0.0)
    return {"x": x, "table": table}


def reference(x, table):
    # module in training mode -> mask_rate = params['mask_rate']
    masked_ids, labels = mask_mlm(jax.random.key(1), x, PAD_ID, MASK_ID, VOCAB_SIZE, MLM_PROB)
    emb = jnp.take(table, masked_ids, axis=0)
    return emb, labels

if __name__ == "__main__":
    import jax
    _d = setup_inputs()
    print(jax.jit(kernel)(*tuple(_d.values())))

</pallas_src>

<mosaic_0001>
#map = affine_map<(d0, d1) -> (0)>
#map1 = affine_map<(d0, d1) -> (0, 0)>
module attributes {stable_mosaic.version = 14 : i64} {
  func.func @_sc_embed(%arg0: i32, %arg1: i32, %arg2: memref<524288xi32, #tpu.memory_space<hbm>>, %arg3: memref<524288xi32, #tpu.memory_space<hbm>>, %arg4: memref<4224xf32, #tpu.memory_space<hbm>>, %arg5: memref<524288x128xf32, #tpu.memory_space<hbm>>, %arg6: memref<524288xi32, #tpu.memory_space<hbm>>, %arg7: memref<4224xf32, #tpu.memory_space<vmem>>, %arg8: memref<2x128xi32, #tpu.memory_space<vmem>>, %arg9: memref<2x128xi32, #tpu.memory_space<vmem>>, %arg10: memref<128xi32, #tpu.memory_space<vmem>>, %arg11: memref<2x128xi32, #tpu.memory_space<vmem>>, %arg12: memref<2x128x128xf32, #tpu.memory_space<vmem>>, %arg13: memref<!tpu.dma_semaphore, #tpu.memory_space<semaphore_mem>>, %arg14: memref<!tpu.dma_semaphore, #tpu.memory_space<semaphore_mem>>, %arg15: memref<!tpu.dma_semaphore, #tpu.memory_space<semaphore_mem>>, %arg16: memref<!tpu.dma_semaphore, #tpu.memory_space<semaphore_mem>>) attributes {dimension_semantics = [#tpu.dimension_semantics<core_parallel>, #tpu.dimension_semantics<subcore_parallel>], iteration_bounds = array<i64: 2, 16>, scalar_prefetch = 0 : i64, scratch_operands = 10 : i64, tpu.core_type = #tpu.core_type<sc_vector_subcore>, window_params = [{transform_indices = #map}, {transform_indices = #map}, {transform_indices = #map}, {transform_indices = #map1}, {transform_indices = #map}]} {
    %mul3A = arith.constant 2 : i32
    %mul3A_0 = arith.muli %arg1, %mul3A : i32
    %add3A = arith.addi %mul3A_0, %arg0 : i32
    %mul3A_1 = arith.constant 16384 : i32
    %mul3A_2 = arith.muli %add3A, %mul3A_1 : i32
    %iota3A = tpu.iota {dimensions = array<i32: 0>} : vector<16xi32>
    %add3A_3 = arith.constant 0 : i32
    %add3A_4 = vector.broadcast %add3A_3 : i32 to vector<16xi32>
    %add3A_5 = arith.addi %iota3A, %add3A_4 : vector<16xi32>
    %add3A_6 = arith.constant 16 : i32
    %add3A_7 = vector.broadcast %add3A_6 : i32 to vector<16xi32>
    %add3A_8 = arith.addi %iota3A, %add3A_7 : vector<16xi32>
    %add3A_9 = arith.constant 32 : i32
    %add3A_10 = vector.broadcast %add3A_9 : i32 to vector<16xi32>
    %add3A_11 = arith.addi %iota3A, %add3A_10 : vector<16xi32>
    %add3A_12 = arith.constant 48 : i32
    %add3A_13 = vector.broadcast %add3A_12 : i32 to vector<16xi32>
    %add3A_14 = arith.addi %iota3A, %add3A_13 : vector<16xi32>
    %add3A_15 = arith.constant 64 : i32
    %add3A_16 = vector.broadcast %add3A_15 : i32 to vector<16xi32>
    %add3A_17 = arith.addi %iota3A, %add3A_16 : vector<16xi32>
    %add3A_18 = arith.constant 80 : i32
    %add3A_19 = vector.broadcast %add3A_18 : i32 to vector<16xi32>
    %add3A_20 = arith.addi %iota3A, %add3A_19 : vector<16xi32>
    %add3A_21 = arith.constant 96 : i32
    %add3A_22 = vector.broadcast %add3A_21 : i32 to vector<16xi32>
    %add3A_23 = arith.addi %iota3A, %add3A_22 : vector<16xi32>
    %add3A_24 = arith.constant 112 : i32
    %add3A_25 = vector.broadcast %add3A_24 : i32 to vector<16xi32>
    %add3A_26 = arith.addi %iota3A, %add3A_25 : vector<16xi32>
    "tpu.region"() ({
      %run_scoped3A = tpu.sem_alloc : memref<!tpu.dma_semaphore, #tpu.memory_space<semaphore_mem>>
      tpu.enqueue_dma source(%arg4 : memref<4224xf32, #tpu.memory_space<hbm>>) target(%arg7 : memref<4224xf32, #tpu.memory_space<vmem>>) target_semaphore(%run_scoped3A : memref<!tpu.dma_semaphore, #tpu.memory_space<semaphore_mem>>)
      tpu.wait_dma2 semaphore(%run_scoped3A : memref<!tpu.dma_semaphore, #tpu.memory_space<semaphore_mem>>) src(%arg4 : memref<4224xf32, #tpu.memory_space<hbm>>) dst(%arg7 : memref<4224xf32, #tpu.memory_space<vmem>>)
      tpu.yield
    }) : () -> ()
    %add3A_27 = arith.constant 0 : i32
    %add3A_28 = arith.addi %mul3A_2, %add3A_27 : i32
    %dma_start3A = arith.constant 0 : i32
    %dma_start3A_29 = arith.constant 0 : i32
    %dma_start3A_30 = tpu.memref_slice %arg8[%dma_start3A, %dma_start3A_29] : memref<2x128xi32, #tpu.memory_space<vmem>> -> memref<1x128xi32, #tpu.memory_space<vmem>>
    %dma_start3A_31 = tpu.memref_squeeze %dma_start3A_30 : memref<1x128xi32, #tpu.memory_space<vmem>> -> memref<128xi32, #tpu.memory_space<vmem>>
    %dma_start3A_32 = tpu.memref_slice %arg2[%add3A_28] : memref<524288xi32, #tpu.memory_space<hbm>> -> memref<128xi32, #tpu.memory_space<hbm>>
    %dma_start3A_33 = arith.constant 0 : i32
    %dma_start3A_34 = tpu.memref_slice %arg8[%dma_start3A, %dma_start3A_33] : memref<2x128xi32, #tpu.memory_space<vmem>> -> memref<1x128xi32, #tpu.memory_space<vmem>>
    %dma_start3A_35 = tpu.memref_squeeze %dma_start3A_34 : memref<1x128xi32, #tpu.memory_space<vmem>> -> memref<128xi32, #tpu.memory_space<vmem>>
    %dma_start3A_36 = tpu.memref_slice %arg2[%add3A_28] : memref<524288xi32, #tpu.memory_space<hbm>> -> memref<128xi32, #tpu.memory_space<hbm>>
    tpu.enqueue_dma source(%dma_start3A_36 : memref<128xi32, #tpu.memory_space<hbm>>) target(%dma_start3A_35 : memref<128xi32, #tpu.memory_space<vmem>>) target_semaphore(%arg15 : memref<!tpu.dma_semaphore, #tpu.memory_space<semaphore_mem>>)
    %dma_start3A_37 = arith.constant 0 : i32
    %dma_start3A_38 = arith.constant 0 : i32
    %dma_start3A_39 = tpu.memref_slice %arg9[%dma_start3A_37, %dma_start3A_38] : memref<2x128xi32, #tpu.memory_space<vmem>> -> memref<1x128xi32, #tpu.memory_space<vmem>>
    %dma_start3A_40 = tpu.memref_squeeze %dma_start3A_39 : memref<1x128xi32, #tpu.memory_space<vmem>> -> memref<128xi32, #tpu.memory_space<vmem>>
    %dma_start3A_41 = tpu.memref_slice %arg3[%add3A_28] : memref<524288xi32, #tpu.memory_space<hbm>> -> memref<128xi32, #tpu.memory_space<hbm>>
    %dma_start3A_42 = arith.constant 0 : i32
    %dma_start3A_43 = tpu.memref_slice %arg9[%dma_start3A_37, %dma_start3A_42] : memref<2x128xi32, #tpu.memory_space<vmem>> -> memref<1x128xi32, #tpu.memory_space<vmem>>
    %dma_start3A_44 = tpu.memref_squeeze %dma_start3A_43 : memref<1x128xi32, #tpu.memory_space<vmem>> -> memref<128xi32, #tpu.memory_space<vmem>>
    %dma_start3A_45 = tpu.memref_slice %arg3[%add3A_28] : memref<524288xi32, #tpu.memory_space<hbm>> -> memref<128xi32, #tpu.memory_space<hbm>>
    tpu.enqueue_dma source(%dma_start3A_45 : memref<128xi32, #tpu.memory_space<hbm>>) target(%dma_start3A_44 : memref<128xi32, #tpu.memory_space<vmem>>) target_semaphore(%arg15 : memref<!tpu.dma_semaphore, #tpu.memory_space<semaphore_mem>>)
    %add3A_46 = arith.constant 128 : i32
    %add3A_47 = arith.addi %mul3A_2, %add3A_46 : i32
    %dma_start3A_48 = arith.constant 1 : i32
    %dma_start3A_49 = arith.constant 0 : i32
    %dma_start3A_50 = tpu.memref_slice %arg8[%dma_start3A_48, %dma_start3A_49] : memref<2x128xi32, #tpu.memory_space<vmem>> -> memref<1x128xi32, #tpu.memory_space<vmem>>
    %dma_start3A_51 = tpu.memref_squeeze %dma_start3A_50 : memref<1x128xi32, #tpu.memory_space<vmem>> -> memref<128xi32, #tpu.memory_space<vmem>>
    %dma_start3A_52 = tpu.memref_slice %arg2[%add3A_47] : memref<524288xi32, #tpu.memory_space<hbm>> -> memref<128xi32, #tpu.memory_space<hbm>>
    %dma_start3A_53 = arith.constant 0 : i32
    %dma_start3A_54 = tpu.memref_slice %arg8[%dma_start3A_48, %dma_start3A_53] : memref<2x128xi32, #tpu.memory_space<vmem>> -> memref<1x128xi32, #tpu.memory_space<vmem>>
    %dma_start3A_55 = tpu.memref_squeeze %dma_start3A_54 : memref<1x128xi32, #tpu.memory_space<vmem>> -> memref<128xi32, #tpu.memory_space<vmem>>
    %dma_start3A_56 = tpu.memref_slice %arg2[%add3A_47] : memref<524288xi32, #tpu.memory_space<hbm>> -> memref<128xi32, #tpu.memory_space<hbm>>
    tpu.enqueue_dma source(%dma_start3A_56 : memref<128xi32, #tpu.memory_space<hbm>>) target(%dma_start3A_55 : memref<128xi32, #tpu.memory_space<vmem>>) target_semaphore(%arg16 : memref<!tpu.dma_semaphore, #tpu.memory_space<semaphore_mem>>)
    %dma_start3A_57 = arith.constant 1 : i32
    %dma_start3A_58 = arith.constant 0 : i32
    %dma_start3A_59 = tpu.memref_slice %arg9[%dma_start3A_57, %dma_start3A_58] : memref<2x128xi32, #tpu.memory_space<vmem>> -> memref<1x128xi32, #tpu.memory_space<vmem>>
    %dma_start3A_60 = tpu.memref_squeeze %dma_start3A_59 : memref<1x128xi32, #tpu.memory_space<vmem>> -> memref<128xi32, #tpu.memory_space<vmem>>
    %dma_start3A_61 = tpu.memref_slice %arg3[%add3A_47] : memref<524288xi32, #tpu.memory_space<hbm>> -> memref<128xi32, #tpu.memory_space<hbm>>
    %dma_start3A_62 = arith.constant 0 : i32
    %dma_start3A_63 = tpu.memref_slice %arg9[%dma_start3A_57, %dma_start3A_62] : memref<2x128xi32, #tpu.memory_space<vmem>> -> memref<1x128xi32, #tpu.memory_space<vmem>>
    %dma_start3A_64 = tpu.memref_squeeze %dma_start3A_63 : memref<1x128xi32, #tpu.memory_space<vmem>> -> memref<128xi32, #tpu.memory_space<vmem>>
    %dma_start3A_65 = tpu.memref_slice %arg3[%add3A_47] : memref<524288xi32, #tpu.memory_space<hbm>> -> memref<128xi32, #tpu.memory_space<hbm>>
    tpu.enqueue_dma source(%dma_start3A_65 : memref<128xi32, #tpu.memory_space<hbm>>) target(%dma_start3A_64 : memref<128xi32, #tpu.memory_space<vmem>>) target_semaphore(%arg16 : memref<!tpu.dma_semaphore, #tpu.memory_space<semaphore_mem>>)
    %dma_wait3A = arith.constant 0 : i32
    %dma_wait3A_66 = arith.constant 0 : i32
    %dma_wait3A_67 = tpu.memref_slice %arg8[%dma_wait3A, %dma_wait3A_66] : memref<2x128xi32, #tpu.memory_space<vmem>> -> memref<1x128xi32, #tpu.memory_space<vmem>>
    %dma_wait3A_68 = tpu.memref_squeeze %dma_wait3A_67 : memref<1x128xi32, #tpu.memory_space<vmem>> -> memref<128xi32, #tpu.memory_space<vmem>>
    %dma_wait3A_69 = arith.constant 0 : i32
    %dma_wait3A_70 = tpu.memref_slice %arg2[%dma_wait3A_69] : memref<524288xi32, #tpu.memory_space<hbm>> -> memref<128xi32, #tpu.memory_space<hbm>>
    %dma_wait3A_71 = arith.constant 0 : i32
    %dma_wait3A_72 = tpu.memref_slice %arg8[%dma_wait3A, %dma_wait3A_71] : memref<2x128xi32, #tpu.memory_space<vmem>> -> memref<1x128xi32, #tpu.memory_space<vmem>>
    %dma_wait3A_73 = tpu.memref_squeeze %dma_wait3A_72 : memref<1x128xi32, #tpu.memory_space<vmem>> -> memref<128xi32, #tpu.memory_space<vmem>>
    %dma_wait3A_74 = arith.constant 0 : i32
    %dma_wait3A_75 = tpu.memref_slice %arg2[%dma_wait3A_74] : memref<524288xi32, #tpu.memory_space<hbm>> -> memref<128xi32, #tpu.memory_space<hbm>>
    tpu.wait_dma2 semaphore(%arg15 : memref<!tpu.dma_semaphore, #tpu.memory_space<semaphore_mem>>) src(%dma_wait3A_75 : memref<128xi32, #tpu.memory_space<hbm>>) dst(%dma_wait3A_73 : memref<128xi32, #tpu.memory_space<vmem>>)
    %dma_wait3A_76 = arith.constant 0 : i32
    %dma_wait3A_77 = arith.constant 0 : i32
    %dma_wait3A_78 = tpu.memref_slice %arg9[%dma_wait3A_76, %dma_wait3A_77] : memref<2x128xi32, #tpu.memory_space<vmem>> -> memref<1x128xi32, #tpu.memory_space<vmem>>
    %dma_wait3A_79 = tpu.memref_squeeze %dma_wait3A_78 : memref<1x128xi32, #tpu.memory_space<vmem>> -> memref<128xi32, #tpu.memory_space<vmem>>
    %dma_wait3A_80 = arith.constant 0 : i32
    %dma_wait3A_81 = tpu.memref_slice %arg3[%dma_wait3A_80] : memref<524288xi32, #tpu.memory_space<hbm>> -> memref<128xi32, #tpu.memory_space<hbm>>
    %dma_wait3A_82 = arith.constant 0 : i32
    %dma_wait3A_83 = tpu.memref_slice %arg9[%dma_wait3A_76, %dma_wait3A_82] : memref<2x128xi32, #tpu.memory_space<vmem>> -> memref<1x128xi32, #tpu.memory_space<vmem>>
    %dma_wait3A_84 = tpu.memref_squeeze %dma_wait3A_83 : memref<1x128xi32, #tpu.memory_space<vmem>> -> memref<128xi32, #tpu.memory_space<vmem>>
    %dma_wait3A_85 = arith.constant 0 : i32
    %dma_wait3A_86 = tpu.memref_slice %arg3[%dma_wait3A_85] : memref<524288xi32, #tpu.memory_space<hbm>> -> memref<128xi32, #tpu.memory_space<hbm>>
    tpu.wait_dma2 semaphore(%arg15 : memref<!tpu.dma_semaphore, #tpu.memory_space<semaphore_mem>>) src(%dma_wait3A_86 : memref<128xi32, #tpu.memory_space<hbm>>) dst(%dma_wait3A_84 : memref<128xi32, #tpu.memory_space<vmem>>)
    %get3A = arith.constant 0 : i32
    %get3A_87 = arith.index_cast %get3A : i32 to index
    %get3A_88 = arith.constant 0 : index
    %get3A_89 = tpu.vector_load %arg8[%get3A_87, %get3A_88] {strides = array<i32>} : memref<2x128xi32, #tpu.memory_space<vmem>>, vector<16xi32>,
    %get3A_90 = arith.constant 0 : i32
    %get3A_91 = arith.index_cast %get3A_90 : i32 to index
    %get3A_92 = arith.constant 0 : index
    %get3A_93 = tpu.vector_load %arg9[%get3A_91, %get3A_92] {strides = array<i32>} : memref<2x128xi32, #tpu.memory_space<vmem>>, vector<16xi32>,
    %ne3A = arith.constant 0 : i32
    %ne3A_94 = vector.broadcast %ne3A : i32 to vector<16xi32>
    %ne3A_95 = arith.cmpi ne, %get3A_89, %ne3A_94 : vector<16xi32>
    %ne3A_96 = arith.constant -1 : i32
    %ne3A_97 = vector.broadcast %ne3A_96 : i32 to vector<16xi32>
    %ne3A_98 = arith.cmpi ne, %get3A_93, %ne3A_97 : vector<16xi32>
    %and3A = arith.andi %ne3A_95, %ne3A_98 : vector<16xi1>
    %ge3A = arith.constant 0 : i32
    %ge3A_99 = vector.broadcast %ge3A : i32 to vector<16xi32>
    %ge3A_100 = arith.cmpi sge, %get3A_93, %ge3A_99 : vector<16xi32>
    %and3A_101 = arith.andi %and3A, %ge3A_100 : vector<16xi1>
    %select_n3A = arith.select %and3A_101, %get3A_93, %get3A_89 : vector<16xi1>, vector<16xi32>
    %mul3A_102 = arith.constant 128 : i32
    %mul3A_103 = vector.broadcast %mul3A_102 : i32 to vector<16xi32>
    %mul3A_104 = arith.muli %select_n3A, %mul3A_103 : vector<16xi32>
    %swap3A = arith.constant 0 : index
    %swap3A_105 = tpu.vector_load %arg10[%swap3A] {strides = array<i32>} : memref<128xi32, #tpu.memory_space<vmem>>, vector<16xi32>,
    tpu.vector_store %arg10[%swap3A], %mul3A_104 {strides = array<i32>} : memref<128xi32, #tpu.memory_space<vmem>>, vector<16xi32>,
    %jit3A = arith.constant -100 : i32
    %broadcast_in_dim3A = vector.broadcast %jit3A : i32 to vector<16xi32>
    %select_n3A_106 = arith.select %and3A, %get3A_89, %broadcast_in_dim3A : vector<16xi1>, vector<16xi32>
    %swap3A_107 = arith.constant 0 : i32
    %swap3A_108 = arith.index_cast %swap3A_107 : i32 to index
    %swap3A_109 = arith.constant 0 : index
    %swap3A_110 = tpu.vector_load %arg11[%swap3A_108, %swap3A_109] {strides = array<i32>} : memref<2x128xi32, #tpu.memory_space<vmem>>, vector<16xi32>,
    tpu.vector_store %arg11[%swap3A_108, %swap3A_109], %select_n3A_106 {strides = array<i32>} : memref<2x128xi32, #tpu.memory_space<vmem>>, vector<16xi32>,
    %get3A_111 = arith.constant 0 : i32
    %get3A_112 = arith.index_cast %get3A_111 : i32 to index
    %get3A_113 = arith.constant 16 : index
    %get3A_114 = tpu.vector_load %arg8[%get3A_112, %get3A_113] {strides = array<i32>} : memref<2x128xi32, #tpu.memory_space<vmem>>, vector<16xi32>,
    %get3A_115 = arith.constant 0 : i32
    %get3A_116 = arith.index_cast %get3A_115 : i32 to index
    %get3A_117 = arith.constant 16 : index
    %get3A_118 = tpu.vector_load %arg9[%get3A_116, %get3A_117] {strides = array<i32>} : memref<2x128xi32, #tpu.memory_space<vmem>>, vector<16xi32>,
    %ne3A_119 = arith.constant 0 : i32
    %ne3A_120 = vector.broadcast %ne3A_119 : i32 to vector<16xi32>
    %ne3A_121 = arith.cmpi ne, %get3A_114, %ne3A_120 : vector<16xi32>
    %ne3A_122 = arith.constant -1 : i32
    %ne3A_123 = vector.broadcast %ne3A_122 : i32 to vector<16xi32>
    %ne3A_124 = arith.cmpi ne, %get3A_118, %ne3A_123 : vector<16xi32>
    %and3A_125 = arith.andi %ne3A_121, %ne3A_124 : vector<16xi1>
    %ge3A_126 = arith.constant 0 : i32
    %ge3A_127 = vector.broadcast %ge3A_126 : i32 to vector<16xi32>
    %ge3A_128 = arith.cmpi sge, %get3A_118, %ge3A_127 : vector<16xi32>
    %and3A_129 = arith.andi %and3A_125, %ge3A_128 : vector<16xi1>
    %select_n3A_130 = arith.select %and3A_129, %get3A_118, %get3A_114 : vector<16xi1>, vector<16xi32>
    %mul3A_131 = arith.constant 128 : i32
    %mul3A_132 = vector.broadcast %mul3A_131 : i32 to vector<16xi32>
    %mul3A_133 = arith.muli %select_n3A_130, %mul3A_132 : vector<16xi32>
    %swap3A_134 = arith.constant 16 : index
    %swap3A_135 = tpu.vector_load %arg10[%swap3A_134] {strides = array<i32>} : memref<128xi32, #tpu.memory_space<vmem>>, vector<16xi32>,
    tpu.vector_store %arg10[%swap3A_134], %mul3A_133 {strides = array<i32>} : memref<128xi32, #tpu.memory_space<vmem>>, vector<16xi32>,
    %jit3A_136 = arith.constant -100 : i32
    %broadcast_in_dim3A_137 = vector.broadcast %jit3A_136 : i32 to vector<16xi32>
    %select_n3A_138 = arith.select %and3A_125, %get3A_114, %broadcast_in_dim3A_137 : vector<16xi1>, vector<16xi32>
    %swap3A_139 = arith.constant 0 : i32
    %swap3A_140 = arith.index_cast %swap3A_139 : i32 to index
    %swap3A_141 = arith.constant 16 : index
    %swap3A_142 = tpu.vector_load %arg11[%swap3A_140, %swap3A_141] {strides = array<i32>} : memref<2x128xi32, #tpu.memory_space<vmem>>, vector<16xi32>,
    tpu.vector_store %arg11[%swap3A_140, %swap3A_141], %select_n3A_138 {strides = array<i32>} : memref<2x128xi32, #tpu.memory_space<vmem>>, vector<16xi32>,
    %get3A_143 = arith.constant 0 : i32
    %get3A_144 = arith.index_cast %get3A_143 : i32 to index
    %get3A_145 = arith.constant 32 : index
    %get3A_146 = tpu.vector_load %arg8[%get3A_144, %get3A_145] {strides = array<i32>} : memref<2x128xi32, #tpu.memory_space<vmem>>, vector<16xi32>,
    %get3A_147 = arith.constant 0 : i32
    %get3A_148 = arith.index_cast %get3A_147 : i32 to index
    %get3A_149 = arith.constant 32 : index
    %get3A_150 = tpu.vector_load %arg9[%get3A_148, %get3A_149] {strides = array<i32>} : memref<2x128xi32, #tpu.memory_space<vmem>>, vector<16xi32>,
    %ne3A_151 = arith.constant 0 : i32
    %ne3A_152 = vector.broadcast %ne3A_151 : i32 to vector<16xi32>
    %ne3A_153 = arith.cmpi ne, %get3A_146, %ne3A_152 : vector<16xi32>
    %ne3A_154 = arith.constant -1 : i32
    %ne3A_155 = vector.broadcast %ne3A_154 : i32 to vector<16xi32>
    %ne3A_156 = arith.cmpi ne, %get3A_150, %ne3A_155 : vector<16xi32>
    %and3A_157 = arith.andi %ne3A_153, %ne3A_156 : vector<16xi1>
    %ge3A_158 = arith.constant 0 : i32
    %ge3A_159 = vector.broadcast %ge3A_158 : i32 to vector<16xi32>
    %ge3A_160 = arith.cmpi sge, %get3A_150, %ge3A_159 : vector<16xi32>
    %and3A_161 = arith.andi %and3A_157, %ge3A_160 : vector<16xi1>
    %select_n3A_162 = arith.select %and3A_161, %get3A_150, %get3A_146 : vector<16xi1>, vector<16xi32>
    %mul3A_163 = arith.constant 128 : i32
    %mul3A_164 = vector.broadcast %mul3A_163 : i32 to vector<16xi32>
    %mul3A_165 = arith.muli %select_n3A_162, %mul3A_164 : vector<16xi32>
    %swap3A_166 = arith.constant 32 : index
    %swap3A_167 = tpu.vector_load %arg10[%swap3A_166] {strides = array<i32>} : memref<128xi32, #tpu.memory_space<vmem>>, vector<16xi32>,
    tpu.vector_store %arg10[%swap3A_166], %mul3A_165 {strides = array<i32>} : memref<128xi32, #tpu.memory_space<vmem>>, vector<16xi32>,
    %jit3A_168 = arith.constant -100 : i32
    %broadcast_in_dim3A_169 = vector.broadcast %jit3A_168 : i32 to vector<16xi32>
    %select_n3A_170 = arith.select %and3A_157, %get3A_146, %broadcast_in_dim3A_169 : vector<16xi1>, vector<16xi32>
    %swap3A_171 = arith.constant 0 : i32
    %swap3A_172 = arith.index_cast %swap3A_171 : i32 to index
    %swap3A_173 = arith.constant 32 : index
    %swap3A_174 = tpu.vector_load %arg11[%swap3A_172, %swap3A_173] {strides = array<i32>} : memref<2x128xi32, #tpu.memory_space<vmem>>, vector<16xi32>,
    tpu.vector_store %arg11[%swap3A_172, %swap3A_173], %select_n3A_170 {strides = array<i32>} : memref<2x128xi32, #tpu.memory_space<vmem>>, vector<16xi32>,
    %get3A_175 = arith.constant 0 : i32
    %get3A_176 = arith.index_cast %get3A_175 : i32 to index
    %get3A_177 = arith.constant 48 : index
    %get3A_178 = tpu.vector_load %arg8[%get3A_176, %get3A_177] {strides = array<i32>} : memref<2x128xi32, #tpu.memory_space<vmem>>, vector<16xi32>,
    %get3A_179 = arith.constant 0 : i32
    %get3A_180 = arith.index_cast %get3A_179 : i32 to index
    %get3A_181 = arith.constant 48 : index
    %get3A_182 = tpu.vector_load %arg9[%get3A_180, %get3A_181] {strides = array<i32>} : memref<2x128xi32, #tpu.memory_space<vmem>>, vector<16xi32>,
    %ne3A_183 = arith.constant 0 : i32
    %ne3A_184 = vector.broadcast %ne3A_183 : i32 to vector<16xi32>
    %ne3A_185 = arith.cmpi ne, %get3A_178, %ne3A_184 : vector<16xi32>
    %ne3A_186 = arith.constant -1 : i32
    %ne3A_187 = vector.broadcast %ne3A_186 : i32 to vector<16xi32>
    %ne3A_188 = arith.cmpi ne, %get3A_182, %ne3A_187 : vector<16xi32>
    %and3A_189 = arith.andi %ne3A_185, %ne3A_188 : vector<16xi1>
    %ge3A_190 = arith.constant 0 : i32
    %ge3A_191 = vector.broadcast %ge3A_190 : i32 to vector<16xi32>
    %ge3A_192 = arith.cmpi sge, %get3A_182, %ge3A_191 : vector<16xi32>
    %and3A_193 = arith.andi %and3A_189, %ge3A_192 : vector<16xi1>
    %select_n3A_194 = arith.select %and3A_193, %get3A_182, %get3A_178 : vector<16xi1>, vector<16xi32>
    %mul3A_195 = arith.constant 128 : i32
    %mul3A_196 = vector.broadcast %mul3A_195 : i32 to vector<16xi32>
    %mul3A_197 = arith.muli %select_n3A_194, %mul3A_196 : vector<16xi32>
    %swap3A_198 = arith.constant 48 : index
    %swap3A_199 = tpu.vector_load %arg10[%swap3A_198] {strides = array<i32>} : memref<128xi32, #tpu.memory_space<vmem>>, vector<16xi32>,
    tpu.vector_store %arg10[%swap3A_198], %mul3A_197 {strides = array<i32>} : memref<128xi32, #tpu.memory_space<vmem>>, vector<16xi32>,
    %jit3A_200 = arith.constant -100 : i32
    %broadcast_in_dim3A_201 = vector.broadcast %jit3A_200 : i32 to vector<16xi32>
    %select_n3A_202 = arith.select %and3A_189, %get3A_178, %broadcast_in_dim3A_201 : vector<16xi1>, vector<16xi32>
    %swap3A_203 = arith.constant 0 : i32
    %swap3A_204 = arith.index_cast %swap3A_203 : i32 to index
    %swap3A_205 = arith.constant 48 : index
    %swap3A_206 = tpu.vector_load %arg11[%swap3A_204, %swap3A_205] {strides = array<i32>} : memref<2x128xi32, #tpu.memory_space<vmem>>, vector<16xi32>,
    tpu.vector_store %arg11[%swap3A_204, %swap3A_205], %select_n3A_202 {strides = array<i32>} : memref<2x128xi32, #tpu.memory_space<vmem>>, vector<16xi32>,
    %get3A_207 = arith.constant 0 : i32
    %get3A_208 = arith.index_cast %get3A_207 : i32 to index
    %get3A_209 = arith.constant 64 : index
    %get3A_210 = tpu.vector_load %arg8[%get3A_208, %get3A_209] {strides = array<i32>} : memref<2x128xi32, #tpu.memory_space<vmem>>, vector<16xi32>,
    %get3A_211 = arith.constant 0 : i32
    %get3A_212 = arith.index_cast %get3A_211 : i32 to index
    %get3A_213 = arith.constant 64 : index
    %get3A_214 = tpu.vector_load %arg9[%get3A_212, %get3A_213] {strides = array<i32>} : memref<2x128xi32, #tpu.memory_space<vmem>>, vector<16xi32>,
    %ne3A_215 = arith.constant 0 : i32
    %ne3A_216 = vector.broadcast %ne3A_215 : i32 to vector<16xi32>
    %ne3A_217 = arith.cmpi ne, %get3A_210, %ne3A_216 : vector<16xi32>
    %ne3A_218 = arith.constant -1 : i32
    %ne3A_219 = vector.broadcast %ne3A_218 : i32 to vector<16xi32>
    %ne3A_220 = arith.cmpi ne, %get3A_214, %ne3A_219 : vector<16xi32>
    %and3A_221 = arith.andi %ne3A_217, %ne3A_220 : vector<16xi1>
    %ge3A_222 = arith.constant 0 : i32
    %ge3A_223 = vector.broadcast %ge3A_222 : i32 to vector<16xi32>
    %ge3A_224 = arith.cmpi sge, %get3A_214, %ge3A_223 : vector<16xi32>
    %and3A_225 = arith.andi %and3A_221, %ge3A_224 : vector<16xi1>
    %select_n3A_226 = arith.select %and3A_225, %get3A_214, %get3A_210 : vector<16xi1>, vector<16xi32>
    %mul3A_227 = arith.constant 128 : i32
    %mul3A_228 = vector.broadcast %mul3A_227 : i32 to vector<16xi32>
    %mul3A_229 = arith.muli %select_n3A_226, %mul3A_228 : vector<16xi32>
    %swap3A_230 = arith.constant 64 : index
    %swap3A_231 = tpu.vector_load %arg10[%swap3A_230] {strides = array<i32>} : memref<128xi32, #tpu.memory_space<vmem>>, vector<16xi32>,
    tpu.vector_store %arg10[%swap3A_230], %mul3A_229 {strides = array<i32>} : memref<128xi32, #tpu.memory_space<vmem>>, vector<16xi32>,
    %jit3A_232 = arith.constant -100 : i32
    %broadcast_in_dim3A_233 = vector.broadcast %jit3A_232 : i32 to vector<16xi32>
    %select_n3A_234 = arith.select %and3A_221, %get3A_210, %broadcast_in_dim3A_233 : vector<16xi1>, vector<16xi32>
    %swap3A_235 = arith.constant 0 : i32
    %swap3A_236 = arith.index_cast %swap3A_235 : i32 to index
    %swap3A_237 = arith.constant 64 : index
    %swap3A_238 = tpu.vector_load %arg11[%swap3A_236, %swap3A_237] {strides = array<i32>} : memref<2x128xi32, #tpu.memory_space<vmem>>, vector<16xi32>,
    tpu.vector_store %arg11[%swap3A_236, %swap3A_237], %select_n3A_234 {strides = array<i32>} : memref<2x128xi32, #tpu.memory_space<vmem>>, vector<16xi32>,
    %get3A_239 = arith.constant 0 : i32
    %get3A_240 = arith.index_cast %get3A_239 : i32 to index
    %get3A_241 = arith.constant 80 : index
    %get3A_242 = tpu.vector_load %arg8[%get3A_240, %get3A_241] {strides = array<i32>} : memref<2x128xi32, #tpu.memory_space<vmem>>, vector<16xi32>,
    %get3A_243 = arith.constant 0 : i32
    %get3A_244 = arith.index_cast %get3A_243 : i32 to index
    %get3A_245 = arith.constant 80 : index
    %get3A_246 = tpu.vector_load %arg9[%get3A_244, %get3A_245] {strides = array<i32>} : memref<2x128xi32, #tpu.memory_space<vmem>>, vector<16xi32>,
    %ne3A_247 = arith.constant 0 : i32
    %ne3A_248 = vector.broadcast %ne3A_247 : i32 to vector<16xi32>
    %ne3A_249 = arith.cmpi ne, %get3A_242, %ne3A_248 : vector<16xi32>
    %ne3A_250 = arith.constant -1 : i32
    %ne3A_251 = vector.broadcast %ne3A_250 : i32 to vector<16xi32>
    %ne3A_252 = arith.cmpi ne, %get3A_246, %ne3A_251 : vector<16xi32>
    %and3A_253 = arith.andi %ne3A_249, %ne3A_252 : vector<16xi1>
    %ge3A_254 = arith.constant 0 : i32
    %ge3A_255 = vector.broadcast %ge3A_254 : i32 to vector<16xi32>
    %ge3A_256 = arith.cmpi sge, %get3A_246, %ge3A_255 : vector<16xi32>
    %and3A_257 = arith.andi %and3A_253, %ge3A_256 : vector<16xi1>
    %select_n3A_258 = arith.select %and3A_257, %get3A_246, %get3A_242 : vector<16xi1>, vector<16xi32>
    %mul3A_259 = arith.constant 128 : i32
    %mul3A_260 = vector.broadcast %mul3A_259 : i32 to vector<16xi32>
    %mul3A_261 = arith.muli %select_n3A_258, %mul3A_260 : vector<16xi32>
    %swap3A_262 = arith.constant 80 : index
    %swap3A_263 = tpu.vector_load %arg10[%swap3A_262] {strides = array<i32>} : memref<128xi32, #tpu.memory_space<vmem>>, vector<16xi32>,
    tpu.vector_store %arg10[%swap3A_262], %mul3A_261 {strides = array<i32>} : memref<128xi32, #tpu.memory_space<vmem>>, vector<16xi32>,
    %jit3A_264 = arith.constant -100 : i32
    %broadcast_in_dim3A_265 = vector.broadcast %jit3A_264 : i32 to vector<16xi32>
    %select_n3A_266 = arith.select %and3A_253, %get3A_242, %broadcast_in_dim3A_265 : vector<16xi1>, vector<16xi32>
    %swap3A_267 = arith.constant 0 : i32
    %swap3A_268 = arith.index_cast %swap3A_267 : i32 to index
    %swap3A_269 = arith.constant 80 : index
    %swap3A_270 = tpu.vector_load %arg11[%swap3A_268, %swap3A_269] {strides = array<i32>} : memref<2x128xi32, #tpu.memory_space<vmem>>, vector<16xi32>,
    tpu.vector_store %arg11[%swap3A_268, %swap3A_269], %select_n3A_266 {strides = array<i32>} : memref<2x128xi32, #tpu.memory_space<vmem>>, vector<16xi32>,
    %get3A_271 = arith.constant 0 : i32
    %get3A_272 = arith.index_cast %get3A_271 : i32 to index
    %get3A_273 = arith.constant 96 : index
    %get3A_274 = tpu.vector_load %arg8[%get3A_272, %get3A_273] {strides = array<i32>} : memref<2x128xi32, #tpu.memory_space<vmem>>, vector<16xi32>,
    %get3A_275 = arith.constant 0 : i32
    %get3A_276 = arith.index_cast %get3A_275 : i32 to index
    %get3A_277 = arith.constant 96 : index
    %get3A_278 = tpu.vector_load %arg9[%get3A_276, %get3A_277] {strides = array<i32>} : memref<2x128xi32, #tpu.memory_space<vmem>>, vector<16xi32>,
    %ne3A_279 = arith.constant 0 : i32
    %ne3A_280 = vector.broadcast %ne3A_279 : i32 to vector<16xi32>
    %ne3A_281 = arith.cmpi ne, %get3A_274, %ne3A_280 : vector<16xi32>
    %ne3A_282 = arith.constant -1 : i32
    %ne3A_283 = vector.broadcast %ne3A_282 : i32 to vector<16xi32>
    %ne3A_284 = arith.cmpi ne, %get3A_278, %ne3A_283 : vector<16xi32>
    %and3A_285 = arith.andi %ne3A_281, %ne3A_284 : vector<16xi1>
    %ge3A_286 = arith.constant 0 : i32
    %ge3A_287 = vector.broadcast %ge3A_286 : i32 to vector<16xi32>
    %ge3A_288 = arith.cmpi sge, %get3A_278, %ge3A_287 : vector<16xi32>
    %and3A_289 = arith.andi %and3A_285, %ge3A_288 : vector<16xi1>
    %select_n3A_290 = arith.select %and3A_289, %get3A_278, %get3A_274 : vector<16xi1>, vector<16xi32>
    %mul3A_291 = arith.constant 128 : i32
    %mul3A_292 = vector.broadcast %mul3A_291 : i32 to vector<16xi32>
    %mul3A_293 = arith.muli %select_n3A_290, %mul3A_292 : vector<16xi32>
    %swap3A_294 = arith.constant 96 : index
    %swap3A_295 = tpu.vector_load %arg10[%swap3A_294] {strides = array<i32>} : memref<128xi32, #tpu.memory_space<vmem>>, vector<16xi32>,
    tpu.vector_store %arg10[%swap3A_294], %mul3A_293 {strides = array<i32>} : memref<128xi32, #tpu.memory_space<vmem>>, vector<16xi32>,
    %jit3A_296 = arith.constant -100 : i32
    %broadcast_in_dim3A_297 = vector.broadcast %jit3A_296 : i32 to vector<16xi32>
    %select_n3A_298 = arith.select %and3A_285, %get3A_274, %broadcast_in_dim3A_297 : vector<16xi1>, vector<16xi32>
    %swap3A_299 = arith.constant 0 : i32
    %swap3A_300 = arith.index_cast %swap3A_299 : i32 to index
    %swap3A_301 = arith.constant 96 : index
    %swap3A_302 = tpu.vector_load %arg11[%swap3A_300, %swap3A_301] {strides = array<i32>} : memref<2x128xi32, #tpu.memory_space<vmem>>, vector<16xi32>,
    tpu.vector_store %arg11[%swap3A_300, %swap3A_301], %select_n3A_298 {strides = array<i32>} : memref<2x128xi32, #tpu.memory_space<vmem>>, vector<16xi32>,
    %get3A_303 = arith.constant 0 : i32
    %get3A_304 = arith.index_cast %get3A_303 : i32 to index
    %get3A_305 = arith.constant 112 : index
    %get3A_306 = tpu.vector_load %arg8[%get3A_304, %get3A_305] {strides = array<i32>} : memref<2x128xi32, #tpu.memory_space<vmem>>, vector<16xi32>,
    %get3A_307 = arith.constant 0 : i32
    %get3A_308 = arith.index_cast %get3A_307 : i32 to index
    %get3A_309 = arith.constant 112 : index
    %get3A_310 = tpu.vector_load %arg9[%get3A_308, %get3A_309] {strides = array<i32>} : memref<2x128xi32, #tpu.memory_space<vmem>>, vector<16xi32>,
    %ne3A_311 = arith.constant 0 : i32
    %ne3A_312 = vector.broadcast %ne3A_311 : i32 to vector<16xi32>
    %ne3A_313 = arith.cmpi ne, %get3A_306, %ne3A_312 : vector<16xi32>
    %ne3A_314 = arith.constant -1 : i32
    %ne3A_315 = vector.broadcast %ne3A_314 : i32 to vector<16xi32>
    %ne3A_316 = arith.cmpi ne, %get3A_310, %ne3A_315 : vector<16xi32>
    %and3A_317 = arith.andi %ne3A_313, %ne3A_316 : vector<16xi1>
    %ge3A_318 = arith.constant 0 : i32
    %ge3A_319 = vector.broadcast %ge3A_318 : i32 to vector<16xi32>
    %ge3A_320 = arith.cmpi sge, %get3A_310, %ge3A_319 : vector<16xi32>
    %and3A_321 = arith.andi %and3A_317, %ge3A_320 : vector<16xi1>
    %select_n3A_322 = arith.select %and3A_321, %get3A_310, %get3A_306 : vector<16xi1>, vector<16xi32>
    %mul3A_323 = arith.constant 128 : i32
    %mul3A_324 = vector.broadcast %mul3A_323 : i32 to vector<16xi32>
    %mul3A_325 = arith.muli %select_n3A_322, %mul3A_324 : vector<16xi32>
    %swap3A_326 = arith.constant 112 : index
    %swap3A_327 = tpu.vector_load %arg10[%swap3A_326] {strides = array<i32>} : memref<128xi32, #tpu.memory_space<vmem>>, vector<16xi32>,
    tpu.vector_store %arg10[%swap3A_326], %mul3A_325 {strides = array<i32>} : memref<128xi32, #tpu.memory_space<vmem>>, vector<16xi32>,
    %jit3A_328 = arith.constant -100 : i32
    %broadcast_in_dim3A_329 = vector.broadcast %jit3A_328 : i32 to vector<16xi32>
    %select_n3A_330 = arith.select %and3A_317, %get3A_306, %broadcast_in_dim3A_329 : vector<16xi1>, vector<16xi32>
    %swap3A_331 = arith.constant 0 : i32
    %swap3A_332 = arith.index_cast %swap3A_331 : i32 to index
    %swap3A_333 = arith.constant 112 : index
    %swap3A_334 = tpu.vector_load %arg11[%swap3A_332, %swap3A_333] {strides = array<i32>} : memref<2x128xi32, #tpu.memory_space<vmem>>, vector<16xi32>,
    tpu.vector_store %arg11[%swap3A_332, %swap3A_333], %select_n3A_330 {strides = array<i32>} : memref<2x128xi32, #tpu.memory_space<vmem>>, vector<16xi32>,
    %scan3A = arith.constant 0 : i32
    %scan3A_335 = arith.constant 0 : i32
    %scan3A_336 = arith.constant 32 : i32
    %scan3A_337 = arith.addi %scan3A_335, %scan3A_336 : i32
    %scan3A_338 = arith.constant 1 : i32
    scf.for %scan3A_1438 = %scan3A_335 to %scan3A_337 step %scan3A_338  : i32 {
      %mul3A_1439 = arith.constant 4 : i32
      %mul3A_1440 = arith.muli %scan3A_1438, %mul3A_1439 : i32
      %add3A_1441 = arith.constant 0 : i32
      %add3A_1442 = arith.addi %mul3A_1440, %add3A_1441 : i32
      %broadcast_in_dim3A_1443 = vector.broadcast %add3A_1442 : i32 to vector<16xi32>
      %gather3A = tpu.vector_load_idx %arg10[%broadcast_in_dim3A_1443] : memref<128xi32, #tpu.memory_space<vmem>>[vector<16xi32>], vector<16xi32>,
      %add3A_1444 = arith.addi %gather3A, %add3A_5 : vector<16xi32>
      %gather3A_1445 = tpu.vector_load_idx %arg7[%add3A_1444] : memref<4224xf32, #tpu.memory_space<vmem>>[vector<16xi32>], vector<16xf32>,
      %swap3A_1446 = arith.constant 0 : i32
      %swap3A_1447 = arith.index_cast %swap3A_1446 : i32 to index
      %swap3A_1448 = arith.index_cast %add3A_1442 : i32 to index
      %swap3A_1449 = arith.constant 0 : index
      %swap3A_1450 = tpu.vector_load %arg12[%swap3A_1447, %swap3A_1448, %swap3A_1449] {strides = array<i32>} : memref<2x128x128xf32, #tpu.memory_space<vmem>>, vector<16xf32>,
      tpu.vector_store %arg12[%swap3A_1447, %swap3A_1448, %swap3A_1449], %gather3A_1445 {strides = array<i32>} : memref<2x128x128xf32, #tpu.memory_space<vmem>>, vector<16xf32>,
      %add3A_1451 = arith.addi %gather3A, %add3A_8 : vector<16xi32>
      %gather3A_1452 = tpu.vector_load_idx %arg7[%add3A_1451] : memref<4224xf32, #tpu.memory_space<vmem>>[vector<16xi32>], vector<16xf32>,
      %swap3A_1453 = arith.constant 0 : i32
      %swap3A_1454 = arith.index_cast %swap3A_1453 : i32 to index
      %swap3A_1455 = arith.index_cast %add3A_1442 : i32 to index
      %swap3A_1456 = arith.constant 16 : index
      %swap3A_1457 = tpu.vector_load %arg12[%swap3A_1454, %swap3A_1455, %swap3A_1456] {strides = array<i32>} : memref<2x128x128xf32, #tpu.memory_space<vmem>>, vector<16xf32>,
      tpu.vector_store %arg12[%swap3A_1454, %swap3A_1455, %swap3A_1456], %gather3A_1452 {strides = array<i32>} : memref<2x128x128xf32, #tpu.memory_space<vmem>>, vector<16xf32>,
      %add3A_1458 = arith.addi %gather3A, %add3A_11 : vector<16xi32>
      %gather3A_1459 = tpu.vector_load_idx %arg7[%add3A_1458] : memref<4224xf32, #tpu.memory_space<vmem>>[vector<16xi32>], vector<16xf32>,
      %swap3A_1460 = arith.constant 0 : i32
      %swap3A_1461 = arith.index_cast %swap3A_1460 : i32 to index
      %swap3A_1462 = arith.index_cast %add3A_1442 : i32 to index
      %swap3A_1463 = arith.constant 32 : index
      %swap3A_1464 = tpu.vector_load %arg12[%swap3A_1461, %swap3A_1462, %swap3A_1463] {strides = array<i32>} : memref<2x128x128xf32, #tpu.memory_space<vmem>>, vector<16xf32>,
      tpu.vector_store %arg12[%swap3A_1461, %swap3A_1462, %swap3A_1463], %gather3A_1459 {strides = array<i32>} : memref<2x128x128xf32, #tpu.memory_space<vmem>>, vector<16xf32>,
      %add3A_1465 = arith.addi %gather3A, %add3A_14 : vector<16xi32>
      %gather3A_1466 = tpu.vector_load_idx %arg7[%add3A_1465] : memref<4224xf32, #tpu.memory_space<vmem>>[vector<16xi32>], vector<16xf32>,
      %swap3A_1467 = arith.constant 0 : i32
      %swap3A_1468 = arith.index_cast %swap3A_1467 : i32 to index
      %swap3A_1469 = arith.index_cast %add3A_1442 : i32 to index
      %swap3A_1470 = arith.constant 48 : index
      %swap3A_1471 = tpu.vector_load %arg12[%swap3A_1468, %swap3A_1469, %swap3A_1470] {strides = array<i32>} : memref<2x128x128xf32, #tpu.memory_space<vmem>>, vector<16xf32>,
      tpu.vector_store %arg12[%swap3A_1468, %swap3A_1469, %swap3A_1470], %gather3A_1466 {strides = array<i32>} : memref<2x128x128xf32, #tpu.memory_space<vmem>>, vector<16xf32>,
      %add3A_1472 = arith.addi %gather3A, %add3A_17 : vector<16xi32>
      %gather3A_1473 = tpu.vector_load_idx %arg7[%add3A_1472] : memref<4224xf32, #tpu.memory_space<vmem>>[vector<16xi32>], vector<16xf32>,
      %swap3A_1474 = arith.constant 0 : i32
      %swap3A_1475 = arith.index_cast %swap3A_1474 : i32 to index
      %swap3A_1476 = arith.index_cast %add3A_1442 : i32 to index
      %swap3A_1477 = arith.constant 64 : index
      %swap3A_1478 = tpu.vector_load %arg12[%swap3A_1475, %swap3A_1476, %swap3A_1477] {strides = array<i32>} : memref<2x128x128xf32, #tpu.memory_space<vmem>>, vector<16xf32>,
      tpu.vector_store %arg12[%swap3A_1475, %swap3A_1476, %swap3A_1477], %gather3A_1473 {strides = array<i32>} : memref<2x128x128xf32, #tpu.memory_space<vmem>>, vector<16xf32>,
      %add3A_1479 = arith.addi %gather3A, %add3A_20 : vector<16xi32>
      %gather3A_1480 = tpu.vector_load_idx %arg7[%add3A_1479] : memref<4224xf32, #tpu.memory_space<vmem>>[vector<16xi32>], vector<16xf32>,
      %swap3A_1481 = arith.constant 0 : i32
      %swap3A_1482 = arith.index_cast %swap3A_1481 : i32 to index
      %swap3A_1483 = arith.index_cast %add3A_1442 : i32 to index
      %swap3A_1484 = arith.constant 80 : index
      %swap3A_1485 = tpu.vector_load %arg12[%swap3A_1482, %swap3A_1483, %swap3A_1484] {strides = array<i32>} : memref<2x128x128xf32, #tpu.memory_space<vmem>>, vector<16xf32>,
      tpu.vector_store %arg12[%swap3A_1482, %swap3A_1483, %swap3A_1484], %gather3A_1480 {strides = array<i32>} : memref<2x128x128xf32, #tpu.memory_space<vmem>>, vector<16xf32>,
      %add3A_1486 = arith.addi %gather3A, %add3A_23 : vector<16xi32>
      %gather3A_1487 = tpu.vector_load_idx %arg7[%add3A_1486] : memref<4224xf32, #tpu.memory_space<vmem>>[vector<16xi32>], vector<16xf32>,
      %swap3A_1488 = arith.constant 0 : i32
      %swap3A_1489 = arith.index_cast %swap3A_1488 : i32 to index
      %swap3A_1490 = arith.index_cast %add3A_1442 : i32 to index
      %swap3A_1491 = arith.constant 96 : index
      %swap3A_1492 = tpu.vector_load %arg12[%swap3A_1489, %swap3A_1490, %swap3A_1491] {strides = array<i32>} : memref<2x128x128xf32, #tpu.memory_space<vmem>>, vector<16xf32>,
      tpu.vector_store %arg12[%swap3A_1489, %swap3A_1490, %swap3A_1491], %gather3A_1487 {strides = array<i32>} : memref<2x128x128xf32, #tpu.memory_space<vmem>>, vector<16xf32>,
      %add3A_1493 = arith.addi %gather3A, %add3A_26 : vector<16xi32>
      %gather3A_1494 = tpu.vector_load_idx %arg7[%add3A_1493] : memref<4224xf32, #tpu.memory_space<vmem>>[vector<16xi32>], vector<16xf32>,
      %swap3A_1495 = arith.constant 0 : i32
      %swap3A_1496 = arith.index_cast %swap3A_1495 : i32 to index
      %swap3A_1497 = arith.index_cast %add3A_1442 : i32 to index
      %swap3A_1498 = arith.constant 112 : index
      %swap3A_1499 = tpu.vector_load %arg12[%swap3A_1496, %swap3A_1497, %swap3A_1498] {strides = array<i32>} : memref<2x128x128xf32, #tpu.memory_space<vmem>>, vector<16xf32>,
      tpu.vector_store %arg12[%swap3A_1496, %swap3A_1497, %swap3A_1498], %gather3A_1494 {strides = array<i32>} : memref<2x128x128xf32, #tpu.memory_space<vmem>>, vector<16xf32>,
      %mul3A_1500 = arith.constant 4 : i32
      %mul3A_1501 = arith.muli %scan3A_1438, %mul3A_1500 : i32
      %add3A_1502 = arith.constant 1 : i32
      %add3A_1503 = arith.addi %mul3A_1501, %add3A_1502 : i32
      %broadcast_in_dim3A_1504 = vector.broadcast %add3A_1503 : i32 to vector<16xi32>
      %gather3A_1505 = tpu.vector_load_idx %arg10[%broadcast_in_dim3A_1504] : memref<128xi32, #tpu.memory_space<vmem>>[vector<16xi32>], vector<16xi32>,
      %add3A_1506 = arith.addi %gather3A_1505, %add3A_5 : vector<16xi32>
      %gather3A_1507 = tpu.vector_load_idx %arg7[%add3A_1506] : memref<4224xf32, #tpu.memory_space<vmem>>[vector<16xi32>], vector<16xf32>,
      %swap3A_1508 = arith.constant 0 : i32
      %swap3A_1509 = arith.index_cast %swap3A_1508 : i32 to index
      %swap3A_1510 = arith.index_cast %add3A_1503 : i32 to index
      %swap3A_1511 = arith.constant 0 : index
      %swap3A_1512 = tpu.vector_load %arg12[%swap3A_1509, %swap3A_1510, %swap3A_1511] {strides = array<i32>} : memref<2x128x128xf32, #tpu.memory_space<vmem>>, vector<16xf32>,
      tpu.vector_store %arg12[%swap3A_1509, %swap3A_1510, %swap3A_1511], %gather3A_1507 {strides = array<i32>} : memref<2x128x128xf32, #tpu.memory_space<vmem>>, vector<16xf32>,
      %add3A_1513 = arith.addi %gather3A_1505, %add3A_8 : vector<16xi32>
      %gather3A_1514 = tpu.vector_load_idx %arg7[%add3A_1513] : memref<4224xf32, #tpu.memory_space<vmem>>[vector<16xi32>], vector<16xf32>,
      %swap3A_1515 = arith.constant 0 : i32
      %swap3A_1516 = arith.index_cast %swap3A_1515 : i32 to index
      %swap3A_1517 = arith.index_cast %add3A_1503 : i32 to index
      %swap3A_1518 = arith.constant 16 : index
      %swap3A_1519 = tpu.vector_load %arg12[%swap3A_1516, %swap3A_1517, %swap3A_1518] {strides = array<i32>} : memref<2x128x128xf32, #tpu.memory_space<vmem>>, vector<16xf32>,
      tpu.vector_store %arg12[%swap3A_1516, %swap3A_1517, %swap3A_1518], %gather3A_1514 {strides = array<i32>} : memref<2x128x128xf32, #tpu.memory_space<vmem>>, vector<16xf32>,
      %add3A_1520 = arith.addi %gather3A_1505, %add3A_11 : vector<16xi32>
      %gather3A_1521 = tpu.vector_load_idx %arg7[%add3A_1520] : memref<4224xf32, #tpu.memory_space<vmem>>[vector<16xi32>], vector<16xf32>,
      %swap3A_1522 = arith.constant 0 : i32
      %swap3A_1523 = arith.index_cast %swap3A_1522 : i32 to index
      %swap3A_1524 = arith.index_cast %add3A_1503 : i32 to index
      %swap3A_1525 = arith.constant 32 : index
      %swap3A_1526 = tpu.vector_load %arg12[%swap3A_1523, %swap3A_1524, %swap3A_1525] {strides = array<i32>} : memref<2x128x128xf32, #tpu.memory_space<vmem>>, vector<16xf32>,
      tpu.vector_store %arg12[%swap3A_1523, %swap3A_1524, %swap3A_1525], %gather3A_1521 {strides = array<i32>} : memref<2x128x128xf32, #tpu.memory_space<vmem>>, vector<16xf32>,
      %add3A_1527 = arith.addi %gather3A_1505, %add3A_14 : vector<16xi32>
      %gather3A_1528 = tpu.vector_load_idx %arg7[%add3A_1527] : memref<4224xf32, #tpu.memory_space<vmem>>[vector<16xi32>], vector<16xf32>,
      %swap3A_1529 = arith.constant 0 : i32
      %swap3A_1530 = arith.index_cast %swap3A_1529 : i32 to index
      %swap3A_1531 = arith.index_cast %add3A_1503 : i32 to index
      %swap3A_1532 = arith.constant 48 : index
      %swap3A_1533 = tpu.vector_load %arg12[%swap3A_1530, %swap3A_1531, %swap3A_1532] {strides = array<i32>} : memref<2x128x128xf32, #tpu.memory_space<vmem>>, vector<16xf32>,
      tpu.vector_store %arg12[%swap3A_1530, %swap3A_1531, %swap3A_1532], %gather3A_1528 {strides = array<i32>} : memref<2x128x128xf32, #tpu.memory_space<vmem>>, vector<16xf32>,
      %add3A_1534 = arith.addi %gather3A_1505, %add3A_17 : vector<16xi32>
      %gather3A_1535 = tpu.vector_load_idx %arg7[%add3A_1534] : memref<4224xf32, #tpu.memory_space<vmem>>[vector<16xi32>], vector<16xf32>,
      %swap3A_1536 = arith.constant 0 : i32
      %swap3A_1537 = arith.index_cast %swap3A_1536 : i32 to index
      %swap3A_1538 = arith.index_cast %add3A_1503 : i32 to index
      %swap3A_1539 = arith.constant 64 : index
      %swap3A_1540 = tpu.vector_load %arg12[%swap3A_1537, %swap3A_1538, %swap3A_1539] {strides = array<i32>} : memref<2x128x128xf32, #tpu.memory_space<vmem>>, vector<16xf32>,
      tpu.vector_store %arg12[%swap3A_1537, %swap3A_1538, %swap3A_1539], %gather3A_1535 {strides = array<i32>} : memref<2x128x128xf32, #tpu.memory_space<vmem>>, vector<16xf32>,
      %add3A_1541 = arith.addi %gather3A_1505, %add3A_20 : vector<16xi32>
      %gather3A_1542 = tpu.vector_load_idx %arg7[%add3A_1541] : memref<4224xf32, #tpu.memory_space<vmem>>[vector<16xi32>], vector<16xf32>,
      %swap3A_1543 = arith.constant 0 : i32
      %swap3A_1544 = arith.index_cast %swap3A_1543 : i32 to index
      %swap3A_1545 = arith.index_cast %add3A_1503 : i32 to index
      %swap3A_1546 = arith.constant 80 : index
      %swap3A_1547 = tpu.vector_load %arg12[%swap3A_1544, %swap3A_1545, %swap3A_1546] {strides = array<i32>} : memref<2x128x128xf32, #tpu.memory_space<vmem>>, vector<16xf32>,
      tpu.vector_store %arg12[%swap3A_1544, %swap3A_1545, %swap3A_1546], %gather3A_1542 {strides = array<i32>} : memref<2x128x128xf32, #tpu.memory_space<vmem>>, vector<16xf32>,
      %add3A_1548 = arith.addi %gather3A_1505, %add3A_23 : vector<16xi32>
      %gather3A_1549 = tpu.vector_load_idx %arg7[%add3A_1548] : memref<4224xf32, #tpu.memory_space<vmem>>[vector<16xi32>], vector<16xf32>,
      %swap3A_1550 = arith.constant 0 : i32
      %swap3A_1551 = arith.index_cast %swap3A_1550 : i32 to index
      %swap3A_1552 = arith.index_cast %add3A_1503 : i32 to index
      %swap3A_1553 = arith.constant 96 : index
      %swap3A_1554 = tpu.vector_load %arg12[%swap3A_1551, %swap3A_1552, %swap3A_1553] {strides = array<i32>} : memref<2x128x128xf32, #tpu.memory_space<vmem>>, vector<16xf32>,
      tpu.vector_store %arg12[%swap3A_1551, %swap3A_1552, %swap3A_1553], %gather3A_1549 {strides = array<i32>} : memref<2x128x128xf32, #tpu.memory_space<vmem>>, vector<16xf32>,
      %add3A_1555 = arith.addi %gather3A_1505, %add3A_26 : vector<16xi32>
      %gather3A_1556 = tpu.vector_load_idx %arg7[%add3A_1555] : memref<4224xf32, #tpu.memory_space<vmem>>[vector<16xi32>], vector<16xf32>,
      %swap3A_1557 = arith.constant 0 : i32
      %swap3A_1558 = arith.index_cast %swap3A_1557 : i32 to index
      %swap3A_1559 = arith.index_cast %add3A_1503 : i32 to index
      %swap3A_1560 = arith.constant 112 : index
      %swap3A_1561 = tpu.vector_load %arg12[%swap3A_1558, %swap3A_1559, %swap3A_1560] {strides = array<i32>} : memref<2x128x128xf32, #tpu.memory_space<vmem>>, vector<16xf32>,
      tpu.vector_store %arg12[%swap3A_1558, %swap3A_1559, %swap3A_1560], %gather3A_1556 {strides = array<i32>} : memref<2x128x128xf32, #tpu.memory_space<vmem>>, vector<16xf32>,
      %mul3A_1562 = arith.constant 4 : i32
      %mul3A_1563 = arith.muli %scan3A_1438, %mul3A_1562 : i32
      %add3A_1564 = arith.constant 2 : i32
      %add3A_1565 = arith.addi %mul3A_1563, %add3A_1564 : i32
      %broadcast_in_dim3A_1566 = vector.broadcast %add3A_1565 : i32 to vector<16xi32>
      %gather3A_1567 = tpu.vector_load_idx %arg10[%broadcast_in_dim3A_1566] : memref<128xi32, #tpu.memory_space<vmem>>[vector<16xi32>], vector<16xi32>,
      %add3A_1568 = arith.addi %gather3A_1567, %add3A_5 : vector<16xi32>
      %gather3A_1569 = tpu.vector_load_idx %arg7[%add3A_1568] : memref<4224xf32, #tpu.memory_space<vmem>>[vector<16xi32>], vector<16xf32>,
      %swap3A_1570 = arith.constant 0 : i32
      %swap3A_1571 = arith.index_cast %swap3A_1570 : i32 to index
      %swap3A_1572 = arith.index_cast %add3A_1565 : i32 to index
      %swap3A_1573 = arith.constant 0 : index
      %swap3A_1574 = tpu.vector_load %arg12[%swap3A_1571, %swap3A_1572, %swap3A_1573] {strides = array<i32>} : memref<2x128x128xf32, #tpu.memory_space<vmem>>, vector<16xf32>,
      tpu.vector_store %arg12[%swap3A_1571, %swap3A_1572, %swap3A_1573], %gather3A_1569 {strides = array<i32>} : memref<2x128x128xf32, #tpu.memory_space<vmem>>, vector<16xf32>,
      %add3A_1575 = arith.addi %gather3A_1567, %add3A_8 : vector<16xi32>
      %gather3A_1576 = tpu.vector_load_idx %arg7[%add3A_1575] : memref<4224xf32, #tpu.memory_space<vmem>>[vector<16xi32>], vector<16xf32>,
      %swap3A_1577 = arith.constant 0 : i32
      %swap3A_1578 = arith.index_cast %swap3A_1577 : i32 to index
      %swap3A_1579 = arith.index_cast %add3A_1565 : i32 to index
      %swap3A_1580 = arith.constant 16 : index
      %swap3A_1581 = tpu.vector_load %arg12[%swap3A_1578, %swap3A_1579, %swap3A_1580] {strides = array<i32>} : memref<2x128x128xf32, #tpu.memory_space<vmem>>, vector<16xf32>,
      tpu.vector_store %arg12[%swap3A_1578, %swap3A_1579, %swap3A_1580], %gather3A_1576 {strides = array<i32>} : memref<2x128x128xf32, #tpu.memory_space<vmem>>, vector<16xf32>,
      %add3A_1582 = arith.addi %gather3A_1567, %add3A_11 : vector<16xi32>
      %gather3A_1583 = tpu.vector_load_idx %arg7[%add3A_1582] : memref<4224xf32, #tpu.memory_space<vmem>>[vector<16xi32>], vector<16xf32>,
      %swap3A_1584 = arith.constant 0 : i32
      %swap3A_1585 = arith.index_cast %swap3A_1584 : i32 to index
      %swap3A_1586 = arith.index_cast %add3A_1565 : i32 to index
      %swap3A_1587 = arith.constant 32 : index
      %swap3A_1588 = tpu.vector_load %arg12[%swap3A_1585, %swap3A_1586, %swap3A_1587] {strides = array<i32>} : memref<2x128x128xf32, #tpu.memory_space<vmem>>, vector<16xf32>,
      tpu.vector_store %arg12[%swap3A_1585, %swap3A_1586, %swap3A_1587], %gather3A_1583 {strides = array<i32>} : memref<2x128x128xf32, #tpu.memory_space<vmem>>, vector<16xf32>,
      %add3A_1589 = arith.addi %gather3A_1567, %add3A_14 : vector<16xi32>
      %gather3A_1590 = tpu.vector_load_idx %arg7[%add3A_1589] : memref<4224xf32, #tpu.memory_space<vmem>>[vector<16xi32>], vector<16xf32>,
      %swap3A_1591 = arith.constant 0 : i32
      %swap3A_1592 = arith.index_cast %swap3A_1591 : i32 to index
      %swap3A_1593 = arith.index_cast %add3A_1565 : i32 to index
      %swap3A_1594 = arith.constant 48 : index
      %swap3A_1595 = tpu.vector_load %arg12[%swap3A_1592, %swap3A_1593, %swap3A_1594] {strides = array<i32>} : memref<2x128x128xf32, #tpu.memory_space<vmem>>, vector<16xf32>,
      tpu.vector_store %arg12[%swap3A_1592, %swap3A_1593, %swap3A_1594], %gather3A_1590 {strides = array<i32>} : memref<2x128x128xf32, #tpu.memory_space<vmem>>, vector<16xf32>,
      %add3A_1596 = arith.addi %gather3A_1567, %add3A_17 : vector<16xi32>
      %gather3A_1597 = tpu.vector_load_idx %arg7[%add3A_1596] : memref<4224xf32, #tpu.memory_space<vmem>>[vector<16xi32>], vector<16xf32>,
      %swap3A_1598 = arith.constant 0 : i32
      %swap3A_1599 = arith.index_cast %swap3A_1598 : i32 to index
      %swap3A_1600 = arith.index_cast %add3A_1565 : i32 to index
      %swap3A_1601 = arith.constant 64 : index
      %swap3A_1602 = tpu.vector_load %arg12[%swap3A_1599, %swap3A_1600, %swap3A_1601] {strides = array<i32>} : memref<2x128x128xf32, #tpu.memory_space<vmem>>, vector<16xf32>,
      tpu.vector_store %arg12[%swap3A_1599, %swap3A_1600, %swap3A_1601], %gather3A_1597 {strides = array<i32>} : memref<2x128x128xf32, #tpu.memory_space<vmem>>, vector<16xf32>,
      %add3A_1603 = arith.addi %gather3A_1567, %add3A_20 : vector<16xi32>
      %gather3A_1604 = tpu.vector_load_idx %arg7[%add3A_1603] : memref<4224xf32, #tpu.memory_space<vmem>>[vector<16xi32>], vector<16xf32>,
      %swap3A_1605 = arith.constant 0 : i32
      %swap3A_1606 = arith.index_cast %swap3A_1605 : i32 to index
      %swap3A_1607 = arith.index_cast %add3A_1565 : i32 to index
      %swap3A_1608 = arith.constant 80 : index
      %swap3A_1609 = tpu.vector_load %arg12[%swap3A_1606, %swap3A_1607, %swap3A_1608] {strides = array<i32>} : memref<2x128x128xf32, #tpu.memory_space<vmem>>, vector<16xf32>,
      tpu.vector_store %arg12[%swap3A_1606, %swap3A_1607, %swap3A_1608], %gather3A_1604 {strides = array<i32>} : memref<2x128x128xf32, #tpu.memory_space<vmem>>, vector<16xf32>,
      %add3A_1610 = arith.addi %gather3A_1567, %add3A_23 : vector<16xi32>
      %gather3A_1611 = tpu.vector_load_idx %arg7[%add3A_1610] : memref<4224xf32, #tpu.memory_space<vmem>>[vector<16xi32>], vector<16xf32>,
      %swap3A_1612 = arith.constant 0 : i32
      %swap3A_1613 = arith.index_cast %swap3A_1612 : i32 to index
      %swap3A_1614 = arith.index_cast %add3A_1565 : i32 to index
      %swap3A_1615 = arith.constant 96 : index
      %swap3A_1616 = tpu.vector_load %arg12[%swap3A_1613, %swap3A_1614, %swap3A_1615] {strides = array<i32>} : memref<2x128x128xf32, #tpu.memory_space<vmem>>, vector<16xf32>,
      tpu.vector_store %arg12[%swap3A_1613, %swap3A_1614, %swap3A_1615], %gather3A_1611 {strides = array<i32>} : memref<2x128x128xf32, #tpu.memory_space<vmem>>, vector<16xf32>,
      %add3A_1617 = arith.addi %gather3A_1567, %add3A_26 : vector<16xi32>
      %gather3A_1618 = tpu.vector_load_idx %arg7[%add3A_1617] : memref<4224xf32, #tpu.memory_space<vmem>>[vector<16xi32>], vector<16xf32>,
      %swap3A_1619 = arith.constant 0 : i32
      %swap3A_1620 = arith.index_cast %swap3A_1619 : i32 to index
      %swap3A_1621 = arith.index_cast %add3A_1565 : i32 to index
      %swap3A_1622 = arith.constant 112 : index
      %swap3A_1623 = tpu.vector_load %arg12[%swap3A_1620, %swap3A_1621, %swap3A_1622] {strides = array<i32>} : memref<2x128x128xf32, #tpu.memory_space<vmem>>, vector<16xf32>,
      tpu.vector_store %arg12[%swap3A_1620, %swap3A_1621, %swap3A_1622], %gather3A_1618 {strides = array<i32>} : memref<2x128x128xf32, #tpu.memory_space<vmem>>, vector<16xf32>,
      %mul3A_1624 = arith.constant 4 : i32
      %mul3A_1625 = arith.muli %scan3A_1438, %mul3A_1624 : i32
      %add3A_1626 = arith.constant 3 : i32
      %add3A_1627 = arith.addi %mul3A_1625, %add3A_1626 : i32
      %broadcast_in_dim3A_1628 = vector.broadcast %add3A_1627 : i32 to vector<16xi32>
      %gather3A_1629 = tpu.vector_load_idx %arg10[%broadcast_in_dim3A_1628] : memref<128xi32, #tpu.memory_space<vmem>>[vector<16xi32>], vector<16xi32>,
      %add3A_1630 = arith.addi %gather3A_1629, %add3A_5 : vector<16xi32>
      %gather3A_1631 = tpu.vector_load_idx %arg7[%add3A_1630] : memref<4224xf32, #tpu.memory_space<vmem>>[vector<16xi32>], vector<16xf32>,
      %swap3A_1632 = arith.constant 0 : i32
      %swap3A_1633 = arith.index_cast %swap3A_1632 : i32 to index
      %swap3A_1634 = arith.index_cast %add3A_1627 : i32 to index
      %swap3A_1635 = arith.constant 0 : index
      %swap3A_1636 = tpu.vector_load %arg12[%swap3A_1633, %swap3A_1634, %swap3A_1635] {strides = array<i32>} : memref<2x128x128xf32, #tpu.memory_space<vmem>>, vector<16xf32>,
      tpu.vector_store %arg12[%swap3A_1633, %swap3A_1634, %swap3A_1635], %gather3A_1631 {strides = array<i32>} : memref<2x128x128xf32, #tpu.memory_space<vmem>>, vector<16xf32>,
      %add3A_1637 = arith.addi %gather3A_1629, %add3A_8 : vector<16xi32>
      %gather3A_1638 = tpu.vector_load_idx %arg7[%add3A_1637] : memref<4224xf32, #tpu.memory_space<vmem>>[vector<16xi32>], vector<16xf32>,
      %swap3A_1639 = arith.constant 0 : i32
      %swap3A_1640 = arith.index_cast %swap3A_1639 : i32 to index
      %swap3A_1641 = arith.index_cast %add3A_1627 : i32 to index
      %swap3A_1642 = arith.constant 16 : index
      %swap3A_1643 = tpu.vector_load %arg12[%swap3A_1640, %swap3A_1641, %swap3A_1642] {strides = array<i32>} : memref<2x128x128xf32, #tpu.memory_space<vmem>>, vector<16xf32>,
      tpu.vector_store %arg12[%swap3A_1640, %swap3A_1641, %swap3A_1642], %gather3A_1638 {strides = array<i32>} : memref<2x128x128xf32, #tpu.memory_space<vmem>>, vector<16xf32>,
      %add3A_1644 = arith.addi %gather3A_1629, %add3A_11 : vector<16xi32>
      %gather3A_1645 = tpu.vector_load_idx %arg7[%add3A_1644] : memref<4224xf32, #tpu.memory_space<vmem>>[vector<16xi32>], vector<16xf32>,
      %swap3A_1646 = arith.constant 0 : i32
      %swap3A_1647 = arith.index_cast %swap3A_1646 : i32 to index
      %swap3A_1648 = arith.index_cast %add3A_1627 : i32 to index
      %swap3A_1649 = arith.constant 32 : index
      %swap3A_1650 = tpu.vector_load %arg12[%swap3A_1647, %swap3A_1648, %swap3A_1649] {strides = array<i32>} : memref<2x128x128xf32, #tpu.memory_space<vmem>>, vector<16xf32>,
      tpu.vector_store %arg12[%swap3A_1647, %swap3A_1648, %swap3A_1649], %gather3A_1645 {strides = array<i32>} : memref<2x128x128xf32, #tpu.memory_space<vmem>>, vector<16xf32>,
      %add3A_1651 = arith.addi %gather3A_1629, %add3A_14 : vector<16xi32>
      %gather3A_1652 = tpu.vector_load_idx %arg7[%add3A_1651] : memref<4224xf32, #tpu.memory_space<vmem>>[vector<16xi32>], vector<16xf32>,
      %swap3A_1653 = arith.constant 0 : i32
      %swap3A_1654 = arith.index_cast %swap3A_1653 : i32 to index
      %swap3A_1655 = arith.index_cast %add3A_1627 : i32 to index
      %swap3A_1656 = arith.constant 48 : index
      %swap3A_1657 = tpu.vector_load %arg12[%swap3A_1654, %swap3A_1655, %swap3A_1656] {strides = array<i32>} : memref<2x128x128xf32, #tpu.memory_space<vmem>>, vector<16xf32>,
      tpu.vector_store %arg12[%swap3A_1654, %swap3A_1655, %swap3A_1656], %gather3A_1652 {strides = array<i32>} : memref<2x128x128xf32, #tpu.memory_space<vmem>>, vector<16xf32>,
      %add3A_1658 = arith.addi %gather3A_1629, %add3A_17 : vector<16xi32>
      %gather3A_1659 = tpu.vector_load_idx %arg7[%add3A_1658] : memref<4224xf32, #tpu.memory_space<vmem>>[vector<16xi32>], vector<16xf32>,
      %swap3A_1660 = arith.constant 0 : i32
      %swap3A_1661 = arith.index_cast %swap3A_1660 : i32 to index
      %swap3A_1662 = arith.index_cast %add3A_1627 : i32 to index
      %swap3A_1663 = arith.constant 64 : index
      %swap3A_1664 = tpu.vector_load %arg12[%swap3A_1661, %swap3A_1662, %swap3A_1663] {strides = array<i32>} : memref<2x128x128xf32, #tpu.memory_space<vmem>>, vector<16xf32>,
      tpu.vector_store %arg12[%swap3A_1661, %swap3A_1662, %swap3A_1663], %gather3A_1659 {strides = array<i32>} : memref<2x128x128xf32, #tpu.memory_space<vmem>>, vector<16xf32>,
      %add3A_1665 = arith.addi %gather3A_1629, %add3A_20 : vector<16xi32>
      %gather3A_1666 = tpu.vector_load_idx %arg7[%add3A_1665] : memref<4224xf32, #tpu.memory_space<vmem>>[vector<16xi32>], vector<16xf32>,
      %swap3A_1667 = arith.constant 0 : i32
      %swap3A_1668 = arith.index_cast %swap3A_1667 : i32 to index
      %swap3A_1669 = arith.index_cast %add3A_1627 : i32 to index
      %swap3A_1670 = arith.constant 80 : index
      %swap3A_1671 = tpu.vector_load %arg12[%swap3A_1668, %swap3A_1669, %swap3A_1670] {strides = array<i32>} : memref<2x128x128xf32, #tpu.memory_space<vmem>>, vector<16xf32>,
      tpu.vector_store %arg12[%swap3A_1668, %swap3A_1669, %swap3A_1670], %gather3A_1666 {strides = array<i32>} : memref<2x128x128xf32, #tpu.memory_space<vmem>>, vector<16xf32>,
      %add3A_1672 = arith.addi %gather3A_1629, %add3A_23 : vector<16xi32>
      %gather3A_1673 = tpu.vector_load_idx %arg7[%add3A_1672] : memref<4224xf32, #tpu.memory_space<vmem>>[vector<16xi32>], vector<16xf32>,
      %swap3A_1674 = arith.constant 0 : i32
      %swap3A_1675 = arith.index_cast %swap3A_1674 : i32 to index
      %swap3A_1676 = arith.index_cast %add3A_1627 : i32 to index
      %swap3A_1677 = arith.constant 96 : index
      %swap3A_1678 = tpu.vector_load %arg12[%swap3A_1675, %swap3A_1676, %swap3A_1677] {strides = array<i32>} : memref<2x128x128xf32, #tpu.memory_space<vmem>>, vector<16xf32>,
      tpu.vector_store %arg12[%swap3A_1675, %swap3A_1676, %swap3A_1677], %gather3A_1673 {strides = array<i32>} : memref<2x128x128xf32, #tpu.memory_space<vmem>>, vector<16xf32>,
      %add3A_1679 = arith.addi %gather3A_1629, %add3A_26 : vector<16xi32>
      %gather3A_1680 = tpu.vector_load_idx %arg7[%add3A_1679] : memref<4224xf32, #tpu.memory_space<vmem>>[vector<16xi32>], vector<16xf32>,
      %swap3A_1681 = arith.constant 0 : i32
      %swap3A_1682 = arith.index_cast %swap3A_1681 : i32 to index
      %swap3A_1683 = arith.index_cast %add3A_1627 : i32 to index
      %swap3A_1684 = arith.constant 112 : index
      %swap3A_1685 = tpu.vector_load %arg12[%swap3A_1682, %swap3A_1683, %swap3A_1684] {strides = array<i32>} : memref<2x128x128xf32, #tpu.memory_space<vmem>>, vector<16xf32>,
      tpu.vector_store %arg12[%swap3A_1682, %swap3A_1683, %swap3A_1684], %gather3A_1680 {strides = array<i32>} : memref<2x128x128xf32, #tpu.memory_space<vmem>>, vector<16xf32>,
    }
    %scan3A_339 = arith.constant 32 : i32
    %add3A_340 = arith.constant 0 : i32
    %add3A_341 = arith.addi %mul3A_2, %add3A_340 : i32
    %dma_start3A_342 = arith.constant 0 : i32
    %dma_start3A_343 = arith.constant 0 : i32
    %dma_start3A_344 = arith.constant 0 : i32
    %dma_start3A_345 = tpu.memref_slice %arg12[%dma_start3A_342, %dma_start3A_343, %dma_start3A_344] : memref<2x128x128xf32, #tpu.memory_space<vmem>> -> memref<1x128x128xf32, #tpu.memory_space<vmem>>
    %dma_start3A_346 = tpu.memref_squeeze %dma_start3A_345 : memref<1x128x128xf32, #tpu.memory_space<vmem>> -> memref<128x128xf32, #tpu.memory_space<vmem>>
    %dma_start3A_347 = arith.constant 0 : i32
    %dma_start3A_348 = tpu.memref_slice %arg5[%add3A_341, %dma_start3A_347] : memref<524288x128xf32, #tpu.memory_space<hbm>> -> memref<128x128xf32, #tpu.memory_space<hbm>>
    %dma_start3A_349 = arith.constant 0 : i32
    %dma_start3A_350 = tpu.memref_slice %arg5[%add3A_341, %dma_start3A_349] : memref<524288x128xf32, #tpu.memory_space<hbm>> -> memref<128x128xf32, #tpu.memory_space<hbm>>
    %dma_start3A_351 = arith.constant 0 : i32
    %dma_start3A_352 = arith.constant 0 : i32
    %dma_start3A_353 = tpu.memref_slice %arg12[%dma_start3A_342, %dma_start3A_351, %dma_start3A_352] : memref<2x128x128xf32, #tpu.memory_space<vmem>> -> memref<1x128x128xf32, #tpu.memory_space<vmem>>
    %dma_start3A_354 = tpu.memref_squeeze %dma_start3A_353 : memref<1x128x128xf32, #tpu.memory_space<vmem>> -> memref<128x128xf32, #tpu.memory_space<vmem>>
    tpu.enqueue_dma source(%dma_start3A_354 : memref<128x128xf32, #tpu.memory_space<vmem>>) target(%dma_start3A_350 : memref<128x128xf32, #tpu.memory_space<hbm>>) target_semaphore(%arg13 : memref<!tpu.dma_semaphore, #tpu.memory_space<semaphore_mem>>)
    %dma_start3A_355 = arith.constant 0 : i32
    %dma_start3A_356 = arith.constant 0 : i32
    %dma_start3A_357 = tpu.memref_slice %arg11[%dma_start3A_355, %dma_start3A_356] : memref<2x128xi32, #tpu.memory_space<vmem>> -> memref<1x128xi32, #tpu.memory_space<vmem>>
    %dma_start3A_358 = tpu.memref_squeeze %dma_start3A_357 : memref<1x128xi32, #tpu.memory_space<vmem>> -> memref<128xi32, #tpu.memory_space<vmem>>
    %dma_start3A_359 = tpu.memref_slice %arg6[%add3A_341] : memref<524288xi32, #tpu.memory_space<hbm>> -> memref<128xi32, #tpu.memory_space<hbm>>
    %dma_start3A_360 = tpu.memref_slice %arg6[%add3A_341] : memref<524288xi32, #tpu.memory_space<hbm>> -> memref<128xi32, #tpu.memory_space<hbm>>
    %dma_start3A_361 = arith.constant 0 : i32
    %dma_start3A_362 = tpu.memref_slice %arg11[%dma_start3A_355, %dma_start3A_361] : memref<2x128xi32, #tpu.memory_space<vmem>> -> memref<1x128xi32, #tpu.memory_space<vmem>>
    %dma_start3A_363 = tpu.memref_squeeze %dma_start3A_362 : memref<1x128xi32, #tpu.memory_space<vmem>> -> memref<128xi32, #tpu.memory_space<vmem>>
    tpu.enqueue_dma source(%dma_start3A_363 : memref<128xi32, #tpu.memory_space<vmem>>) target(%dma_start3A_360 : memref<128xi32, #tpu.memory_space<hbm>>) target_semaphore(%arg13 : memref<!tpu.dma_semaphore, #tpu.memory_space<semaphore_mem>>)
    %add3A_364 = arith.constant 256 : i32
    %add3A_365 = arith.addi %mul3A_2, %add3A_364 : i32
    %dma_start3A_366 = arith.constant 0 : i32
    %dma_start3A_367 = arith.constant 0 : i32
    %dma_start3A_368 = tpu.memref_slice %arg8[%dma_start3A_366, %dma_start3A_367] : memref<2x128xi32, #tpu.memory_space<vmem>> -> memref<1x128xi32, #tpu.memory_space<vmem>>
    %dma_start3A_369 = tpu.memref_squeeze %dma_start3A_368 : memref<1x128xi32, #tpu.memory_space<vmem>> -> memref<128xi32, #tpu.memory_space<vmem>>
    %dma_start3A_370 = tpu.memref_slice %arg2[%add3A_365] : memref<524288xi32, #tpu.memory_space<hbm>> -> memref<128xi32, #tpu.memory_space<hbm>>
    %dma_start3A_371 = arith.constant 0 : i32
    %dma_start3A_372 = tpu.memref_slice %arg8[%dma_start3A_366, %dma_start3A_371] : memref<2x128xi32, #tpu.memory_space<vmem>> -> memref<1x128xi32, #tpu.memory_space<vmem>>
    %dma_start3A_373 = tpu.memref_squeeze %dma_start3A_372 : memref<1x128xi32, #tpu.memory_space<vmem>> -> memref<128xi32, #tpu.memory_space<vmem>>
    %dma_start3A_374 = tpu.memref_slice %arg2[%add3A_365] : memref<524288xi32, #tpu.memory_space<hbm>> -> memref<128xi32, #tpu.memory_space<hbm>>
    tpu.enqueue_dma source(%dma_start3A_374 : memref<128xi32, #tpu.memory_space<hbm>>) target(%dma_start3A_373 : memref<128xi32, #tpu.memory_space<vmem>>) target_semaphore(%arg15 : memref<!tpu.dma_semaphore, #tpu.memory_space<semaphore_mem>>)
    %dma_start3A_375 = arith.constant 0 : i32
    %dma_start3A_376 = arith.constant 0 : i32
    %dma_start3A_377 = tpu.memref_slice %arg9[%dma_start3A_375, %dma_start3A_376] : memref<2x128xi32, #tpu.memory_space<vmem>> -> memref<1x128xi32, #tpu.memory_space<vmem>>
    %dma_start3A_378 = tpu.memref_squeeze %dma_start3A_377 : memref<1x128xi32, #tpu.memory_space<vmem>> -> memref<128xi32, #tpu.memory_space<vmem>>
    %dma_start3A_379 = tpu.memref_slice %arg3[%add3A_365] : memref<524288xi32, #tpu.memory_space<hbm>> -> memref<128xi32, #tpu.memory_space<hbm>>
    %dma_start3A_380 = arith.constant 0 : i32
    %dma_start3A_381 = tpu.memref_slice %arg9[%dma_start3A_375, %dma_start3A_380] : memref<2x128xi32, #tpu.memory_space<vmem>> -> memref<1x128xi32, #tpu.memory_space<vmem>>
    %dma_start3A_382 = tpu.memref_squeeze %dma_start3A_381 : memref<1x128xi32, #tpu.memory_space<vmem>> -> memref<128xi32, #tpu.memory_space<vmem>>
    %dma_start3A_383 = tpu.memref_slice %arg3[%add3A_365] : memref<524288xi32, #tpu.memory_space<hbm>> -> memref<128xi32, #tpu.memory_space<hbm>>
    tpu.enqueue_dma source(%dma_start3A_383 : memref<128xi32, #tpu.memory_space<hbm>>) target(%dma_start3A_382 : memref<128xi32, #tpu.memory_space<vmem>>) target_semaphore(%arg15 : memref<!tpu.dma_semaphore, #tpu.memory_space<semaphore_mem>>)
    %dma_wait3A_384 = arith.constant 1 : i32
    %dma_wait3A_385 = arith.constant 0 : i32
    %dma_wait3A_386 = tpu.memref_slice %arg8[%dma_wait3A_384, %dma_wait3A_385] : memref<2x128xi32, #tpu.memory_space<vmem>> -> memref<1x128xi32, #tpu.memory_space<vmem>>
    %dma_wait3A_387 = tpu.memref_squeeze %dma_wait3A_386 : memref<1x128xi32, #tpu.memory_space<vmem>> -> memref<128xi32, #tpu.memory_space<vmem>>
    %dma_wait3A_388 = arith.constant 0 : i32
    %dma_wait3A_389 = tpu.memref_slice %arg2[%dma_wait3A_388] : memref<524288xi32, #tpu.memory_space<hbm>> -> memref<128xi32, #tpu.memory_space<hbm>>
    %dma_wait3A_390 = arith.constant 0 : i32
    %dma_wait3A_391 = tpu.memref_slice %arg8[%dma_wait3A_384, %dma_wait3A_390] : memref<2x128xi32, #tpu.memory_space<vmem>> -> memref<1x128xi32, #tpu.memory_space<vmem>>
    %dma_wait3A_392 = tpu.memref_squeeze %dma_wait3A_391 : memref<1x128xi32, #tpu.memory_space<vmem>> -> memref<128xi32, #tpu.memory_space<vmem>>
    %dma_wait3A_393 = arith.constant 0 : i32
    %dma_wait3A_394 = tpu.memref_slice %arg2[%dma_wait3A_393] : memref<524288xi32, #tpu.memory_space<hbm>> -> memref<128xi32, #tpu.memory_space<hbm>>
    tpu.wait_dma2 semaphore(%arg16 : memref<!tpu.dma_semaphore, #tpu.memory_space<semaphore_mem>>) src(%dma_wait3A_394 : memref<128xi32, #tpu.memory_space<hbm>>) dst(%dma_wait3A_392 : memref<128xi32, #tpu.memory_space<vmem>>)
    %dma_wait3A_395 = arith.constant 1 : i32
    %dma_wait3A_396 = arith.constant 0 : i32
    %dma_wait3A_397 = tpu.memref_slice %arg9[%dma_wait3A_395, %dma_wait3A_396] : memref<2x128xi32, #tpu.memory_space<vmem>> -> memref<1x128xi32, #tpu.memory_space<vmem>>
    %dma_wait3A_398 = tpu.memref_squeeze %dma_wait3A_397 : memref<1x128xi32, #tpu.memory_space<vmem>> -> memref<128xi32, #tpu.memory_space<vmem>>
    %dma_wait3A_399 = arith.constant 0 : i32
    %dma_wait3A_400 = tpu.memref_slice %arg3[%dma_wait3A_399] : memref<524288xi32, #tpu.memory_space<hbm>> -> memref<128xi32, #tpu.memory_space<hbm>>
    %dma_wait3A_401 = arith.constant 0 : i32
    %dma_wait3A_402 = tpu.memref_slice %arg9[%dma_wait3A_395, %dma_wait3A_401] : memref<2x128xi32, #tpu.memory_space<vmem>> -> memref<1x128xi32, #tpu.memory_space<vmem>>
    %dma_wait3A_403 = tpu.memref_squeeze %dma_wait3A_402 : memref<1x128xi32, #tpu.memory_space<vmem>> -> memref<128xi32, #tpu.memory_space<vmem>>
    %dma_wait3A_404 = arith.constant 0 : i32
    %dma_wait3A_405 = tpu.memref_slice %arg3[%dma_wait3A_404] : memref<524288xi32, #tpu.memory_space<hbm>> -> memref<128xi32, #tpu.memory_space<hbm>>
    tpu.wait_dma2 semaphore(%arg16 : memref<!tpu.dma_semaphore, #tpu.memory_space<semaphore_mem>>) src(%dma_wait3A_405 : memref<128xi32, #tpu.memory_space<hbm>>) dst(%dma_wait3A_403 : memref<128xi32, #tpu.memory_space<vmem>>)
    %get3A_406 = arith.constant 1 : i32
    %get3A_407 = arith.index_cast %get3A_406 : i32 to index
    %get3A_408 = arith.constant 0 : index
    %get3A_409 = tpu.vector_load %arg8[%get3A_407, %get3A_408] {strides = array<i32>} : memref<2x128xi32, #tpu.memory_space<vmem>>, vector<16xi32>,
    %get3A_410 = arith.constant 1 : i32
    %get3A_411 = arith.index_cast %get3A_410 : i32 to index
    %get3A_412 = arith.constant 0 : index
    %get3A_413 = tpu.vector_load %arg9[%get3A_411, %get3A_412] {strides = array<i32>} : memref<2x128xi32, #tpu.memory_space<vmem>>, vector<16xi32>,
    %ne3A_414 = arith.constant 0 : i32
    %ne3A_415 = vector.broadcast %ne3A_414 : i32 to vector<16xi32>
    %ne3A_416 = arith.cmpi ne, %get3A_409, %ne3A_415 : vector<16xi32>
    %ne3A_417 = arith.constant -1 : i32
    %ne3A_418 = vector.broadcast %ne3A_417 : i32 to vector<16xi32>
    %ne3A_419 = arith.cmpi ne, %get3A_413, %ne3A_418 : vector<16xi32>
    %and3A_420 = arith.andi %ne3A_416, %ne3A_419 : vector<16xi1>
    %ge3A_421 = arith.constant 0 : i32
    %ge3A_422 = vector.broadcast %ge3A_421 : i32 to vector<16xi32>
    %ge3A_423 = arith.cmpi sge, %get3A_413, %ge3A_422 : vector<16xi32>
    %and3A_424 = arith.andi %and3A_420, %ge3A_423 : vector<16xi1>
    %select_n3A_425 = arith.select %and3A_424, %get3A_413, %get3A_409 : vector<16xi1>, vector<16xi32>
    %mul3A_426 = arith.constant 128 : i32
    %mul3A_427 = vector.broadcast %mul3A_426 : i32 to vector<16xi32>
    %mul3A_428 = arith.muli %select_n3A_425, %mul3A_427 : vector<16xi32>
    %swap3A_429 = arith.constant 0 : index
    %swap3A_430 = tpu.vector_load %arg10[%swap3A_429] {strides = array<i32>} : memref<128xi32, #tpu.memory_space<vmem>>, vector<16xi32>,
    tpu.vector_store %arg10[%swap3A_429], %mul3A_428 {strides = array<i32>} : memref<128xi32, #tpu.memory_space<vmem>>, vector<16xi32>,
    %jit3A_431 = arith.constant -100 : i32
    %broadcast_in_dim3A_432 = vector.broadcast %jit3A_431 : i32 to vector<16xi32>
    %select_n3A_433 = arith.select %and3A_420, %get3A_409, %broadcast_in_dim3A_432 : vector<16xi1>, vector<16xi32>
    %swap3A_434 = arith.constant 1 : i32
    %swap3A_435 = arith.index_cast %swap3A_434 : i32 to index
    %swap3A_436 = arith.constant 0 : index
    %swap3A_437 = tpu.vector_load %arg11[%swap3A_435, %swap3A_436] {strides = array<i32>} : memref<2x128xi32, #tpu.memory_space<vmem>>, vector<16xi32>,
    tpu.vector_store %arg11[%swap3A_435, %swap3A_436], %select_n3A_433 {strides = array<i32>} : memref<2x128xi32, #tpu.memory_space<vmem>>, vector<16xi32>,
    %get3A_438 = arith.constant 1 : i32
    %get3A_439 = arith.index_cast %get3A_438 : i32 to index
    %get3A_440 = arith.constant 16 : index
    %get3A_441 = tpu.vector_load %arg8[%get3A_439, %get3A_440] {strides = array<i32>} : memref<2x128xi32, #tpu.memory_space<vmem>>, vector<16xi32>,
    %get3A_442 = arith.constant 1 : i32
    %get3A_443 = arith.index_cast %get3A_442 : i32 to index
    %get3A_444 = arith.constant 16 : index
    %get3A_445 = tpu.vector_load %arg9[%get3A_443, %get3A_444] {strides = array<i32>} : memref<2x128xi32, #tpu.memory_space<vmem>>, vector<16xi32>,
    %ne3A_446 = arith.constant 0 : i32
    %ne3A_447 = vector.broadcast %ne3A_446 : i32 to vector<16xi32>
    %ne3A_448 = arith.cmpi ne, %get3A_441, %ne3A_447 : vector<16xi32>
    %ne3A_449 = arith.constant -1 : i32
    %ne3A_450 = vector.broadcast %ne3A_449 : i32 to vector<16xi32>
    %ne3A_451 = arith.cmpi ne, %get3A_445, %ne3A_450 : vector<16xi32>
    %and3A_452 = arith.andi %ne3A_448, %ne3A_451 : vector<16xi1>
    %ge3A_453 = arith.constant 0 : i32
    %ge3A_454 = vector.broadcast %ge3A_453 : i32 to vector<16xi32>
    %ge3A_455 = arith.cmpi sge, %get3A_445, %ge3A_454 : vector<16xi32>
    %and3A_456 = arith.andi %and3A_452, %ge3A_455 : vector<16xi1>
    %select_n3A_457 = arith.select %and3A_456, %get3A_445, %get3A_441 : vector<16xi1>, vector<16xi32>
    %mul3A_458 = arith.constant 128 : i32
    %mul3A_459 = vector.broadcast %mul3A_458 : i32 to vector<16xi32>
    %mul3A_460 = arith.muli %select_n3A_457, %mul3A_459 : vector<16xi32>
    %swap3A_461 = arith.constant 16 : index
    %swap3A_462 = tpu.vector_load %arg10[%swap3A_461] {strides = array<i32>} : memref<128xi32, #tpu.memory_space<vmem>>, vector<16xi32>,
    tpu.vector_store %arg10[%swap3A_461], %mul3A_460 {strides = array<i32>} : memref<128xi32, #tpu.memory_space<vmem>>, vector<16xi32>,
    %jit3A_463 = arith.constant -100 : i32
    %broadcast_in_dim3A_464 = vector.broadcast %jit3A_463 : i32 to vector<16xi32>
    %select_n3A_465 = arith.select %and3A_452, %get3A_441, %broadcast_in_dim3A_464 : vector<16xi1>, vector<16xi32>
    %swap3A_466 = arith.constant 1 : i32
    %swap3A_467 = arith.index_cast %swap3A_466 : i32 to index
    %swap3A_468 = arith.constant 16 : index
    %swap3A_469 = tpu.vector_load %arg11[%swap3A_467, %swap3A_468] {strides = array<i32>} : memref<2x128xi32, #tpu.memory_space<vmem>>, vector<16xi32>,
    tpu.vector_store %arg11[%swap3A_467, %swap3A_468], %select_n3A_465 {strides = array<i32>} : memref<2x128xi32, #tpu.memory_space<vmem>>, vector<16xi32>,
    %get3A_470 = arith.constant 1 : i32
    %get3A_471 = arith.index_cast %get3A_470 : i32 to index
    %get3A_472 = arith.constant 32 : index
    %get3A_473 = tpu.vector_load %arg8[%get3A_471, %get3A_472] {strides = array<i32>} : memref<2x128xi32, #tpu.memory_space<vmem>>, vector<16xi32>,
    %get3A_474 = arith.constant 1 : i32
    %get3A_475 = arith.index_cast %get3A_474 : i32 to index
    %get3A_476 = arith.constant 32 : index
    %get3A_477 = tpu.vector_load %arg9[%get3A_475, %get3A_476] {strides = array<i32>} : memref<2x128xi32, #tpu.memory_space<vmem>>, vector<16xi32>,
    %ne3A_478 = arith.constant 0 : i32
    %ne3A_479 = vector.broadcast %ne3A_478 : i32 to vector<16xi32>
    %ne3A_480 = arith.cmpi ne, %get3A_473, %ne3A_479 : vector<16xi32>
    %ne3A_481 = arith.constant -1 : i32
    %ne3A_482 = vector.broadcast %ne3A_481 : i32 to vector<16xi32>
    %ne3A_483 = arith.cmpi ne, %get3A_477, %ne3A_482 : vector<16xi32>
    %and3A_484 = arith.andi %ne3A_480, %ne3A_483 : vector<16xi1>
    %ge3A_485 = arith.constant 0 : i32
    %ge3A_486 = vector.broadcast %ge3A_485 : i32 to vector<16xi32>
    %ge3A_487 = arith.cmpi sge, %get3A_477, %ge3A_486 : vector<16xi32>
    %and3A_488 = arith.andi %and3A_484, %ge3A_487 : vector<16xi1>
    %select_n3A_489 = arith.select %and3A_488, %get3A_477, %get3A_473 : vector<16xi1>, vector<16xi32>
    %mul3A_490 = arith.constant 128 : i32
    %mul3A_491 = vector.broadcast %mul3A_490 : i32 to vector<16xi32>
    %mul3A_492 = arith.muli %select_n3A_489, %mul3A_491 : vector<16xi32>
    %swap3A_493 = arith.constant 32 : index
    %swap3A_494 = tpu.vector_load %arg10[%swap3A_493] {strides = array<i32>} : memref<128xi32, #tpu.memory_space<vmem>>, vector<16xi32>,
    tpu.vector_store %arg10[%swap3A_493], %mul3A_492 {strides = array<i32>} : memref<128xi32, #tpu.memory_space<vmem>>, vector<16xi32>,
    %jit3A_495 = arith.constant -100 : i32
    %broadcast_in_dim3A_496 = vector.broadcast %jit3A_495 : i32 to vector<16xi32>
    %select_n3A_497 = arith.select %and3A_484, %get3A_473, %broadcast_in_dim3A_496 : vector<16xi1>, vector<16xi32>
    %swap3A_498 = arith.constant 1 : i32
    %swap3A_499 = arith.index_cast %swap3A_498 : i32 to index
    %swap3A_500 = arith.constant 32 : index
    %swap3A_501 = tpu.vector_load %arg11[%swap3A_499, %swap3A_500] {strides = array<i32>} : memref<2x128xi32, #tpu.memory_space<vmem>>, vector<16xi32>,
    tpu.vector_store %arg11[%swap3A_499, %swap3A_500], %select_n3A_497 {strides = array<i32>} : memref<2x128xi32, #tpu.memory_space<vmem>>, vector<16xi32>,
    %get3A_502 = arith.constant 1 : i32
    %get3A_503 = arith.index_cast %get3A_502 : i32 to index
    %get3A_504 = arith.constant 48 : index
    %get3A_505 = tpu.vector_load %arg8[%get3A_503, %get3A_504] {strides = array<i32>} : memref<2x128xi32, #tpu.memory_space<vmem>>, vector<16xi32>,
    %get3A_506 = arith.constant 1 : i32
    %get3A_507 = arith.index_cast %get3A_506 : i32 to index
    %get3A_508 = arith.constant 48 : index
    %get3A_509 = tpu.vector_load %arg9[%get3A_507, %get3A_508] {strides = array<i32>} : memref<2x128xi32, #tpu.memory_space<vmem>>, vector<16xi32>,
    %ne3A_510 = arith.constant 0 : i32
    %ne3A_511 = vector.broadcast %ne3A_510 : i32 to vector<16xi32>
    %ne3A_512 = arith.cmpi ne, %get3A_505, %ne3A_511 : vector<16xi32>
    %ne3A_513 = arith.constant -1 : i32
    %ne3A_514 = vector.broadcast %ne3A_513 : i32 to vector<16xi32>
    %ne3A_515 = arith.cmpi ne, %get3A_509, %ne3A_514 : vector<16xi32>
    %and3A_516 = arith.andi %ne3A_512, %ne3A_515 : vector<16xi1>
    %ge3A_517 = arith.constant 0 : i32
    %ge3A_518 = vector.broadcast %ge3A_517 : i32 to vector<16xi32>
    %ge3A_519 = arith.cmpi sge, %get3A_509, %ge3A_518 : vector<16xi32>
    %and3A_520 = arith.andi %and3A_516, %ge3A_519 : vector<16xi1>
    %select_n3A_521 = arith.select %and3A_520, %get3A_509, %get3A_505 : vector<16xi1>, vector<16xi32>
    %mul3A_522 = arith.constant 128 : i32
    %mul3A_523 = vector.broadcast %mul3A_522 : i32 to vector<16xi32>
    %mul3A_524 = arith.muli %select_n3A_521, %mul3A_523 : vector<16xi32>
    %swap3A_525 = arith.constant 48 : index
    %swap3A_526 = tpu.vector_load %arg10[%swap3A_525] {strides = array<i32>} : memref<128xi32, #tpu.memory_space<vmem>>, vector<16xi32>,
    tpu.vector_store %arg10[%swap3A_525], %mul3A_524 {strides = array<i32>} : memref<128xi32, #tpu.memory_space<vmem>>, vector<16xi32>,
    %jit3A_527 = arith.constant -100 : i32
    %broadcast_in_dim3A_528 = vector.broadcast %jit3A_527 : i32 to vector<16xi32>
    %select_n3A_529 = arith.select %and3A_516, %get3A_505, %broadcast_in_dim3A_528 : vector<16xi1>, vector<16xi32>
    %swap3A_530 = arith.constant 1 : i32
    %swap3A_531 = arith.index_cast %swap3A_530 : i32 to index
    %swap3A_532 = arith.constant 48 : index
    %swap3A_533 = tpu.vector_load %arg11[%swap3A_531, %swap3A_532] {strides = array<i32>} : memref<2x128xi32, #tpu.memory_space<vmem>>, vector<16xi32>,
    tpu.vector_store %arg11[%swap3A_531, %swap3A_532], %select_n3A_529 {strides = array<i32>} : memref<2x128xi32, #tpu.memory_space<vmem>>, vector<16xi32>,
    %get3A_534 = arith.constant 1 : i32
    %get3A_535 = arith.index_cast %get3A_534 : i32 to index
    %get3A_536 = arith.constant 64 : index
    %get3A_537 = tpu.vector_load %arg8[%get3A_535, %get3A_536] {strides = array<i32>} : memref<2x128xi32, #tpu.memory_space<vmem>>, vector<16xi32>,
    %get3A_538 = arith.constant 1 : i32
    %get3A_539 = arith.index_cast %get3A_538 : i32 to index
    %get3A_540 = arith.constant 64 : index
    %get3A_541 = tpu.vector_load %arg9[%get3A_539, %get3A_540] {strides = array<i32>} : memref<2x128xi32, #tpu.memory_space<vmem>>, vector<16xi32>,
    %ne3A_542 = arith.constant 0 : i32
    %ne3A_543 = vector.broadcast %ne3A_542 : i32 to vector<16xi32>
    %ne3A_544 = arith.cmpi ne, %get3A_537, %ne3A_543 : vector<16xi32>
    %ne3A_545 = arith.constant -1 : i32
    %ne3A_546 = vector.broadcast %ne3A_545 : i32 to vector<16xi32>
    %ne3A_547 = arith.cmpi ne, %get3A_541, %ne3A_546 : vector<16xi32>
    %and3A_548 = arith.andi %ne3A_544, %ne3A_547 : vector<16xi1>
    %ge3A_549 = arith.constant 0 : i32
    %ge3A_550 = vector.broadcast %ge3A_549 : i32 to vector<16xi32>
    %ge3A_551 = arith.cmpi sge, %get3A_541, %ge3A_550 : vector<16xi32>
    %and3A_552 = arith.andi %and3A_548, %ge3A_551 : vector<16xi1>
    %select_n3A_553 = arith.select %and3A_552, %get3A_541, %get3A_537 : vector<16xi1>, vector<16xi32>
    %mul3A_554 = arith.constant 128 : i32
    %mul3A_555 = vector.broadcast %mul3A_554 : i32 to vector<16xi32>
    %mul3A_556 = arith.muli %select_n3A_553, %mul3A_555 : vector<16xi32>
    %swap3A_557 = arith.constant 64 : index
    %swap3A_558 = tpu.vector_load %arg10[%swap3A_557] {strides = array<i32>} : memref<128xi32, #tpu.memory_space<vmem>>, vector<16xi32>,
    tpu.vector_store %arg10[%swap3A_557], %mul3A_556 {strides = array<i32>} : memref<128xi32, #tpu.memory_space<vmem>>, vector<16xi32>,
    %jit3A_559 = arith.constant -100 : i32
    %broadcast_in_dim3A_560 = vector.broadcast %jit3A_559 : i32 to vector<16xi32>
    %select_n3A_561 = arith.select %and3A_548, %get3A_537, %broadcast_in_dim3A_560 : vector<16xi1>, vector<16xi32>
    %swap3A_562 = arith.constant 1 : i32
    %swap3A_563 = arith.index_cast %swap3A_562 : i32 to index
    %swap3A_564 = arith.constant 64 : index
    %swap3A_565 = tpu.vector_load %arg11[%swap3A_563, %swap3A_564] {strides = array<i32>} : memref<2x128xi32, #tpu.memory_space<vmem>>, vector<16xi32>,
    tpu.vector_store %arg11[%swap3A_563, %swap3A_564], %select_n3A_561 {strides = array<i32>} : memref<2x128xi32, #tpu.memory_space<vmem>>, vector<16xi32>,
    %get3A_566 = arith.constant 1 : i32
    %get3A_567 = arith.index_cast %get3A_566 : i32 to index
    %get3A_568 = arith.constant 80 : index
    %get3A_569 = tpu.vector_load %arg8[%get3A_567, %get3A_568] {strides = array<i32>} : memref<2x128xi32, #tpu.memory_space<vmem>>, vector<16xi32>,
    %get3A_570 = arith.constant 1 : i32
    %get3A_571 = arith.index_cast %get3A_570 : i32 to index
    %get3A_572 = arith.constant 80 : index
    %get3A_573 = tpu.vector_load %arg9[%get3A_571, %get3A_572] {strides = array<i32>} : memref<2x128xi32, #tpu.memory_space<vmem>>, vector<16xi32>,
    %ne3A_574 = arith.constant 0 : i32
    %ne3A_575 = vector.broadcast %ne3A_574 : i32 to vector<16xi32>
    %ne3A_576 = arith.cmpi ne, %get3A_569, %ne3A_575 : vector<16xi32>
    %ne3A_577 = arith.constant -1 : i32
    %ne3A_578 = vector.broadcast %ne3A_577 : i32 to vector<16xi32>
    %ne3A_579 = arith.cmpi ne, %get3A_573, %ne3A_578 : vector<16xi32>
    %and3A_580 = arith.andi %ne3A_576, %ne3A_579 : vector<16xi1>
    %ge3A_581 = arith.constant 0 : i32
    %ge3A_582 = vector.broadcast %ge3A_581 : i32 to vector<16xi32>
    %ge3A_583 = arith.cmpi sge, %get3A_573, %ge3A_582 : vector<16xi32>
    %and3A_584 = arith.andi %and3A_580, %ge3A_583 : vector<16xi1>
    %select_n3A_585 = arith.select %and3A_584, %get3A_573, %get3A_569 : vector<16xi1>, vector<16xi32>
    %mul3A_586 = arith.constant 128 : i32
    %mul3A_587 = vector.broadcast %mul3A_586 : i32 to vector<16xi32>
    %mul3A_588 = arith.muli %select_n3A_585, %mul3A_587 : vector<16xi32>
    %swap3A_589 = arith.constant 80 : index
    %swap3A_590 = tpu.vector_load %arg10[%swap3A_589] {strides = array<i32>} : memref<128xi32, #tpu.memory_space<vmem>>, vector<16xi32>,
    tpu.vector_store %arg10[%swap3A_589], %mul3A_588 {strides = array<i32>} : memref<128xi32, #tpu.memory_space<vmem>>, vector<16xi32>,
    %jit3A_591 = arith.constant -100 : i32
    %broadcast_in_dim3A_592 = vector.broadcast %jit3A_591 : i32 to vector<16xi32>
    %select_n3A_593 = arith.select %and3A_580, %get3A_569, %broadcast_in_dim3A_592 : vector<16xi1>, vector<16xi32>
    %swap3A_594 = arith.constant 1 : i32
    %swap3A_595 = arith.index_cast %swap3A_594 : i32 to index
    %swap3A_596 = arith.constant 80 : index
    %swap3A_597 = tpu.vector_load %arg11[%swap3A_595, %swap3A_596] {strides = array<i32>} : memref<2x128xi32, #tpu.memory_space<vmem>>, vector<16xi32>,
    tpu.vector_store %arg11[%swap3A_595, %swap3A_596], %select_n3A_593 {strides = array<i32>} : memref<2x128xi32, #tpu.memory_space<vmem>>, vector<16xi32>,
    %get3A_598 = arith.constant 1 : i32
    %get3A_599 = arith.index_cast %get3A_598 : i32 to index
    %get3A_600 = arith.constant 96 : index
    %get3A_601 = tpu.vector_load %arg8[%get3A_599, %get3A_600] {strides = array<i32>} : memref<2x128xi32, #tpu.memory_space<vmem>>, vector<16xi32>,
    %get3A_602 = arith.constant 1 : i32
    %get3A_603 = arith.index_cast %get3A_602 : i32 to index
    %get3A_604 = arith.constant 96 : index
    %get3A_605 = tpu.vector_load %arg9[%get3A_603, %get3A_604] {strides = array<i32>} : memref<2x128xi32, #tpu.memory_space<vmem>>, vector<16xi32>,
    %ne3A_606 = arith.constant 0 : i32
    %ne3A_607 = vector.broadcast %ne3A_606 : i32 to vector<16xi32>
    %ne3A_608 = arith.cmpi ne, %get3A_601, %ne3A_607 : vector<16xi32>
    %ne3A_609 = arith.constant -1 : i32
    %ne3A_610 = vector.broadcast %ne3A_609 : i32 to vector<16xi32>
    %ne3A_611 = arith.cmpi ne, %get3A_605, %ne3A_610 : vector<16xi32>
    %and3A_612 = arith.andi %ne3A_608, %ne3A_611 : vector<16xi1>
    %ge3A_613 = arith.constant 0 : i32
    %ge3A_614 = vector.broadcast %ge3A_613 : i32 to vector<16xi32>
    %ge3A_615 = arith.cmpi sge, %get3A_605, %ge3A_614 : vector<16xi32>
    %and3A_616 = arith.andi %and3A_612, %ge3A_615 : vector<16xi1>
    %select_n3A_617 = arith.select %and3A_616, %get3A_605, %get3A_601 : vector<16xi1>, vector<16xi32>
    %mul3A_618 = arith.constant 128 : i32
    %mul3A_619 = vector.broadcast %mul3A_618 : i32 to vector<16xi32>
    %mul3A_620 = arith.muli %select_n3A_617, %mul3A_619 : vector<16xi32>
    %swap3A_621 = arith.constant 96 : index
    %swap3A_622 = tpu.vector_load %arg10[%swap3A_621] {strides = array<i32>} : memref<128xi32, #tpu.memory_space<vmem>>, vector<16xi32>,
    tpu.vector_store %arg10[%swap3A_621], %mul3A_620 {strides = array<i32>} : memref<128xi32, #tpu.memory_space<vmem>>, vector<16xi32>,
    %jit3A_623 = arith.constant -100 : i32
    %broadcast_in_dim3A_624 = vector.broadcast %jit3A_623 : i32 to vector<16xi32>
    %select_n3A_625 = arith.select %and3A_612, %get3A_601, %broadcast_in_dim3A_624 : vector<16xi1>, vector<16xi32>
    %swap3A_626 = arith.constant 1 : i32
    %swap3A_627 = arith.index_cast %swap3A_626 : i32 to index
    %swap3A_628 = arith.constant 96 : index
    %swap3A_629 = tpu.vector_load %arg11[%swap3A_627, %swap3A_628] {strides = array<i32>} : memref<2x128xi32, #tpu.memory_space<vmem>>, vector<16xi32>,
    tpu.vector_store %arg11[%swap3A_627, %swap3A_628], %select_n3A_625 {strides = array<i32>} : memref<2x128xi32, #tpu.memory_space<vmem>>, vector<16xi32>,
    %get3A_630 = arith.constant 1 : i32
    %get3A_631 = arith.index_cast %get3A_630 : i32 to index
    %get3A_632 = arith.constant 112 : index
    %get3A_633 = tpu.vector_load %arg8[%get3A_631, %get3A_632] {strides = array<i32>} : memref<2x128xi32, #tpu.memory_space<vmem>>, vector<16xi32>,
    %get3A_634 = arith.constant 1 : i32
    %get3A_635 = arith.index_cast %get3A_634 : i32 to index
    %get3A_636 = arith.constant 112 : index
    %get3A_637 = tpu.vector_load %arg9[%get3A_635, %get3A_636] {strides = array<i32>} : memref<2x128xi32, #tpu.memory_space<vmem>>, vector<16xi32>,
    %ne3A_638 = arith.constant 0 : i32
    %ne3A_639 = vector.broadcast %ne3A_638 : i32 to vector<16xi32>
    %ne3A_640 = arith.cmpi ne, %get3A_633, %ne3A_639 : vector<16xi32>
    %ne3A_641 = arith.constant -1 : i32
    %ne3A_642 = vector.broadcast %ne3A_641 : i32 to vector<16xi32>
    %ne3A_643 = arith.cmpi ne, %get3A_637, %ne3A_642 : vector<16xi32>
    %and3A_644 = arith.andi %ne3A_640, %ne3A_643 : vector<16xi1>
    %ge3A_645 = arith.constant 0 : i32
    %ge3A_646 = vector.broadcast %ge3A_645 : i32 to vector<16xi32>
    %ge3A_647 = arith.cmpi sge, %get3A_637, %ge3A_646 : vector<16xi32>
    %and3A_648 = arith.andi %and3A_644, %ge3A_647 : vector<16xi1>
    %select_n3A_649 = arith.select %and3A_648, %get3A_637, %get3A_633 : vector<16xi1>, vector<16xi32>
    %mul3A_650 = arith.constant 128 : i32
    %mul3A_651 = vector.broadcast %mul3A_650 : i32 to vector<16xi32>
    %mul3A_652 = arith.muli %select_n3A_649, %mul3A_651 : vector<16xi32>
    %swap3A_653 = arith.constant 112 : index
    %swap3A_654 = tpu.vector_load %arg10[%swap3A_653] {strides = array<i32>} : memref<128xi32, #tpu.memory_space<vmem>>, vector<16xi32>,
    tpu.vector_store %arg10[%swap3A_653], %mul3A_652 {strides = array<i32>} : memref<128xi32, #tpu.memory_space<vmem>>, vector<16xi32>,
    %jit3A_655 = arith.constant -100 : i32
    %broadcast_in_dim3A_656 = vector.broadcast %jit3A_655 : i32 to vector<16xi32>
    %select_n3A_657 = arith.select %and3A_644, %get3A_633, %broadcast_in_dim3A_656 : vector<16xi1>, vector<16xi32>
    %swap3A_658 = arith.constant 1 : i32
    %swap3A_659 = arith.index_cast %swap3A_658 : i32 to index
    %swap3A_660 = arith.constant 112 : index
    %swap3A_661 = tpu.vector_load %arg11[%swap3A_659, %swap3A_660] {strides = array<i32>} : memref<2x128xi32, #tpu.memory_space<vmem>>, vector<16xi32>,
    tpu.vector_store %arg11[%swap3A_659, %swap3A_660], %select_n3A_657 {strides = array<i32>} : memref<2x128xi32, #tpu.memory_space<vmem>>, vector<16xi32>,
    %scan3A_662 = arith.constant 0 : i32
    %scan3A_663 = arith.constant 0 : i32
    %scan3A_664 = arith.constant 32 : i32
    %scan3A_665 = arith.addi %scan3A_663, %scan3A_664 : i32
    %scan3A_666 = arith.constant 1 : i32
    scf.for %scan3A_1438 = %scan3A_663 to %scan3A_665 step %scan3A_666  : i32 {
      %mul3A_1439 = arith.constant 4 : i32
      %mul3A_1440 = arith.muli %scan3A_1438, %mul3A_1439 : i32
      %add3A_1441 = arith.constant 0 : i32
      %add3A_1442 = arith.addi %mul3A_1440, %add3A_1441 : i32
      %broadcast_in_dim3A_1443 = vector.broadcast %add3A_1442 : i32 to vector<16xi32>
      %gather3A = tpu.vector_load_idx %arg10[%broadcast_in_dim3A_1443] : memref<128xi32, #tpu.memory_space<vmem>>[vector<16xi32>], vector<16xi32>,
      %add3A_1444 = arith.addi %gather3A, %add3A_5 : vector<16xi32>
      %gather3A_1445 = tpu.vector_load_idx %arg7[%add3A_1444] : memref<4224xf32, #tpu.memory_space<vmem>>[vector<16xi32>], vector<16xf32>,
      %swap3A_1446 = arith.constant 1 : i32
      %swap3A_1447 = arith.index_cast %swap3A_1446 : i32 to index
      %swap3A_1448 = arith.index_cast %add3A_1442 : i32 to index
      %swap3A_1449 = arith.constant 0 : index
      %swap3A_1450 = tpu.vector_load %arg12[%swap3A_1447, %swap3A_1448, %swap3A_1449] {strides = array<i32>} : memref<2x128x128xf32, #tpu.memory_space<vmem>>, vector<16xf32>,
      tpu.vector_store %arg12[%swap3A_1447, %swap3A_1448, %swap3A_1449], %gather3A_1445 {strides = array<i32>} : memref<2x128x128xf32, #tpu.memory_space<vmem>>, vector<16xf32>,
      %add3A_1451 = arith.addi %gather3A, %add3A_8 : vector<16xi32>
      %gather3A_1452 = tpu.vector_load_idx %arg7[%add3A_1451] : memref<4224xf32, #tpu.memory_space<vmem>>[vector<16xi32>], vector<16xf32>,
      %swap3A_1453 = arith.constant 1 : i32
      %swap3A_1454 = arith.index_cast %swap3A_1453 : i32 to index
      %swap3A_1455 = arith.index_cast %add3A_1442 : i32 to index
      %swap3A_1456 = arith.constant 16 : index
      %swap3A_1457 = tpu.vector_load %arg12[%swap3A_1454, %swap3A_1455, %swap3A_1456] {strides = array<i32>} : memref<2x128x128xf32, #tpu.memory_space<vmem>>, vector<16xf32>,
      tpu.vector_store %arg12[%swap3A_1454, %swap3A_1455, %swap3A_1456], %gather3A_1452 {strides = array<i32>} : memref<2x128x128xf32, #tpu.memory_space<vmem>>, vector<16xf32>,
      %add3A_1458 = arith.addi %gather3A, %add3A_11 : vector<16xi32>
      %gather3A_1459 = tpu.vector_load_idx %arg7[%add3A_1458] : memref<4224xf32, #tpu.memory_space<vmem>>[vector<16xi32>], vector<16xf32>,
      %swap3A_1460 = arith.constant 1 : i32
      %swap3A_1461 = arith.index_cast %swap3A_1460 : i32 to index
      %swap3A_1462 = arith.index_cast %add3A_1442 : i32 to index
      %swap3A_1463 = arith.constant 32 : index
      %swap3A_1464 = tpu.vector_load %arg12[%swap3A_1461, %swap3A_1462, %swap3A_1463] {strides = array<i32>} : memref<2x128x128xf32, #tpu.memory_space<vmem>>, vector<16xf32>,
      tpu.vector_store %arg12[%swap3A_1461, %swap3A_1462, %swap3A_1463], %gather3A_1459 {strides = array<i32>} : memref<2x128x128xf32, #tpu.memory_space<vmem>>, vector<16xf32>,
      %add3A_1465 = arith.addi %gather3A, %add3A_14 : vector<16xi32>
      %gather3A_1466 = tpu.vector_load_idx %arg7[%add3A_1465] : memref<4224xf32, #tpu.memory_space<vmem>>[vector<16xi32>], vector<16xf32>,
      %swap3A_1467 = arith.constant 1 : i32
      %swap3A_1468 = arith.index_cast %swap3A_1467 : i32 to index
      %swap3A_1469 = arith.index_cast %add3A_1442 : i32 to index
      %swap3A_1470 = arith.constant 48 : index
      %swap3A_1471 = tpu.vector_load %arg12[%swap3A_1468, %swap3A_1469, %swap3A_1470] {strides = array<i32>} : memref<2x128x128xf32, #tpu.memory_space<vmem>>, vector<16xf32>,
      tpu.vector_store %arg12[%swap3A_1468, %swap3A_1469, %swap3A_1470], %gather3A_1466 {strides = array<i32>} : memref<2x128x128xf32, #tpu.memory_space<vmem>>, vector<16xf32>,
      %add3A_1472 = arith.addi %gather3A, %add3A_17 : vector<16xi32>
      %gather3A_1473 = tpu.vector_load_idx %arg7[%add3A_1472] : memref<4224xf32, #tpu.memory_space<vmem>>[vector<16xi32>], vector<16xf32>,
      %swap3A_1474 = arith.constant 1 : i32
      %swap3A_1475 = arith.index_cast %swap3A_1474 : i32 to index
      %swap3A_1476 = arith.index_cast %add3A_1442 : i32 to index
      %swap3A_1477 = arith.constant 64 : index
      %swap3A_1478 = tpu.vector_load %arg12[%swap3A_1475, %swap3A_1476, %swap3A_1477] {strides = array<i32>} : memref<2x128x128xf32, #tpu.memory_space<vmem>>, vector<16xf32>,
      tpu.vector_store %arg12[%swap3A_1475, %swap3A_1476, %swap3A_1477], %gather3A_1473 {strides = array<i32>} : memref<2x128x128xf32, #tpu.memory_space<vmem>>, vector<16xf32>,
      %add3A_1479 = arith.addi %gather3A, %add3A_20 : vector<16xi32>
      %gather3A_1480 = tpu.vector_load_idx %arg7[%add3A_1479] : memref<4224xf32, #tpu.memory_space<vmem>>[vector<16xi32>], vector<16xf32>,
      %swap3A_1481 = arith.constant 1 : i32
      %swap3A_1482 = arith.index_cast %swap3A_1481 : i32 to index
      %swap3A_1483 = arith.index_cast %add3A_1442 : i32 to index
      %swap3A_1484 = arith.constant 80 : index
      %swap3A_1485 = tpu.vector_load %arg12[%swap3A_1482, %swap3A_1483, %swap3A_1484] {strides = array<i32>} : memref<2x128x128xf32, #tpu.memory_space<vmem>>, vector<16xf32>,
      tpu.vector_store %arg12[%swap3A_1482, %swap3A_1483, %swap3A_1484], %gather3A_1480 {strides = array<i32>} : memref<2x128x128xf32, #tpu.memory_space<vmem>>, vector<16xf32>,
      %add3A_1486 = arith.addi %gather3A, %add3A_23 : vector<16xi32>
      %gather3A_1487 = tpu.vector_load_idx %arg7[%add3A_1486] : memref<4224xf32, #tpu.memory_space<vmem>>[vector<16xi32>], vector<16xf32>,
      %swap3A_1488 = arith.constant 1 : i32
      %swap3A_1489 = arith.index_cast %swap3A_1488 : i32 to index
      %swap3A_1490 = arith.index_cast %add3A_1442 : i32 to index
      %swap3A_1491 = arith.constant 96 : index
      %swap3A_1492 = tpu.vector_load %arg12[%swap3A_1489, %swap3A_1490, %swap3A_1491] {strides = array<i32>} : memref<2x128x128xf32, #tpu.memory_space<vmem>>, vector<16xf32>,
      tpu.vector_store %arg12[%swap3A_1489, %swap3A_1490, %swap3A_1491], %gather3A_1487 {strides = array<i32>} : memref<2x128x128xf32, #tpu.memory_space<vmem>>, vector<16xf32>,
      %add3A_1493 = arith.addi %gather3A, %add3A_26 : vector<16xi32>
      %gather3A_1494 = tpu.vector_load_idx %arg7[%add3A_1493] : memref<4224xf32, #tpu.memory_space<vmem>>[vector<16xi32>], vector<16xf32>,
      %swap3A_1495 = arith.constant 1 : i32
      %swap3A_1496 = arith.index_cast %swap3A_1495 : i32 to index
      %swap3A_1497 = arith.index_cast %add3A_1442 : i32 to index
      %swap3A_1498 = arith.constant 112 : index
      %swap3A_1499 = tpu.vector_load %arg12[%swap3A_1496, %swap3A_1497, %swap3A_1498] {strides = array<i32>} : memref<2x128x128xf32, #tpu.memory_space<vmem>>, vector<16xf32>,
      tpu.vector_store %arg12[%swap3A_1496, %swap3A_1497, %swap3A_1498], %gather3A_1494 {strides = array<i32>} : memref<2x128x128xf32, #tpu.memory_space<vmem>>, vector<16xf32>,
      %mul3A_1500 = arith.constant 4 : i32
      %mul3A_1501 = arith.muli %scan3A_1438, %mul3A_1500 : i32
      %add3A_1502 = arith.constant 1 : i32
      %add3A_1503 = arith.addi %mul3A_1501, %add3A_1502 : i32
      %broadcast_in_dim3A_1504 = vector.broadcast %add3A_1503 : i32 to vector<16xi32>
      %gather3A_1505 = tpu.vector_load_idx %arg10[%broadcast_in_dim3A_1504] : memref<128xi32, #tpu.memory_space<vmem>>[vector<16xi32>], vector<16xi32>,
      %add3A_1506 = arith.addi %gather3A_1505, %add3A_5 : vector<16xi32>
      %gather3A_1507 = tpu.vector_load_idx %arg7[%add3A_1506] : memref<4224xf32, #tpu.memory_space<vmem>>[vector<16xi32>], vector<16xf32>,
      %swap3A_1508 = arith.constant 1 : i32
      %swap3A_1509 = arith.index_cast %swap3A_1508 : i32 to index
      %swap3A_1510 = arith.index_cast %add3A_1503 : i32 to index
      %swap3A_1511 = arith.constant 0 : index
      %swap3A_1512 = tpu.vector_load %arg12[%swap3A_1509, %swap3A_1510, %swap3A_1511] {strides = array<i32>} : memref<2x128x128xf32, #tpu.memory_space<vmem>>, vector<16xf32>,
      tpu.vector_store %arg12[%swap3A_1509, %swap3A_1510, %swap3A_1511], %gather3A_1507 {strides = array<i32>} : memref<2x128x128xf32, #tpu.memory_space<vmem>>, vector<16xf32>,
      %add3A_1513 = arith.addi %gather3A_1505, %add3A_8 : vector<16xi32>
      %gather3A_1514 = tpu.vector_load_idx %arg7[%add3A_1513] : memref<4224xf32, #tpu.memory_space<vmem>>[vector<16xi32>], vector<16xf32>,
      %swap3A_1515 = arith.constant 1 : i32
      %swap3A_1516 = arith.index_cast %swap3A_1515 : i32 to index
      %swap3A_1517 = arith.index_cast %add3A_1503 : i32 to index
      %swap3A_1518 = arith.constant 16 : index
      %swap3A_1519 = tpu.vector_load %arg12[%swap3A_1516, %swap3A_1517, %swap3A_1518] {strides = array<i32>} : memref<2x128x128xf32, #tpu.memory_space<vmem>>, vector<16xf32>,
      tpu.vector_store %arg12[%swap3A_1516, %swap3A_1517, %swap3A_1518], %gather3A_1514 {strides = array<i32>} : memref<2x128x128xf32, #tpu.memory_space<vmem>>, vector<16xf32>,
      %add3A_1520 = arith.addi %gather3A_1505, %add3A_11 : vector<16xi32>
      %gather3A_1521 = tpu.vector_load_idx %arg7[%add3A_1520] : memref<4224xf32, #tpu.memory_space<vmem>>[vector<16xi32>], vector<16xf32>,
      %swap3A_1522 = arith.constant 1 : i32
      %swap3A_1523 = arith.index_cast %swap3A_1522 : i32 to index
      %swap3A_1524 = arith.index_cast %add3A_1503 : i32 to index
      %swap3A_1525 = arith.constant 32 : index
      %swap3A_1526 = tpu.vector_load %arg12[%swap3A_1523, %swap3A_1524, %swap3A_1525] {strides = array<i32>} : memref<2x128x128xf32, #tpu.memory_space<vmem>>, vector<16xf32>,
      tpu.vector_store %arg12[%swap3A_1523, %swap3A_1524, %swap3A_1525], %gather3A_1521 {strides = array<i32>} : memref<2x128x128xf32, #tpu.memory_space<vmem>>, vector<16xf32>,
      %add3A_1527 = arith.addi %gather3A_1505, %add3A_14 : vector<16xi32>
      %gather3A_1528 = tpu.vector_load_idx %arg7[%add3A_1527] : memref<4224xf32, #tpu.memory_space<vmem>>[vector<16xi32>], vector<16xf32>,
      %swap3A_1529 = arith.constant 1 : i32
      %swap3A_1530 = arith.index_cast %swap3A_1529 : i32 to index
      %swap3A_1531 = arith.index_cast %add3A_1503 : i32 to index
      %swap3A_1532 = arith.constant 48 : index
      %swap3A_1533 = tpu.vector_load %arg12[%swap3A_1530, %swap3A_1531, %swap3A_1532] {strides = array<i32>} : memref<2x128x128xf32, #tpu.memory_space<vmem>>, vector<16xf32>,
      tpu.vector_store %arg12[%swap3A_1530, %swap3A_1531, %swap3A_1532], %gather3A_1528 {strides = array<i32>} : memref<2x128x128xf32, #tpu.memory_space<vmem>>, vector<16xf32>,
      %add3A_1534 = arith.addi %gather3A_1505, %add3A_17 : vector<16xi32>
      %gather3A_1535 = tpu.vector_load_idx %arg7[%add3A_1534] : memref<4224xf32, #tpu.memory_space<vmem>>[vector<16xi32>], vector<16xf32>,
      %swap3A_1536 = arith.constant 1 : i32
      %swap3A_1537 = arith.index_cast %swap3A_1536 : i32 to index
      %swap3A_1538 = arith.index_cast %add3A_1503 : i32 to index
      %swap3A_1539 = arith.constant 64 : index
      %swap3A_1540 = tpu.vector_load %arg12[%swap3A_1537, %swap3A_1538, %swap3A_1539] {strides = array<i32>} : memref<2x128x128xf32, #tpu.memory_space<vmem>>, vector<16xf32>,
      tpu.vector_store %arg12[%swap3A_1537, %swap3A_1538, %swap3A_1539], %gather3A_1535 {strides = array<i32>} : memref<2x128x128xf32, #tpu.memory_space<vmem>>, vector<16xf32>,
      %add3A_1541 = arith.addi %gather3A_1505, %add3A_20 : vector<16xi32>
      %gather3A_1542 = tpu.vector_load_idx %arg7[%add3A_1541] : memref<4224xf32, #tpu.memory_space<vmem>>[vector<16xi32>], vector<16xf32>,
      %swap3A_1543 = arith.constant 1 : i32
      %swap3A_1544 = arith.index_cast %swap3A_1543 : i32 to index
      %swap3A_1545 = arith.index_cast %add3A_1503 : i32 to index
      %swap3A_1546 = arith.constant 80 : index
      %swap3A_1547 = tpu.vector_load %arg12[%swap3A_1544, %swap3A_1545, %swap3A_1546] {strides = array<i32>} : memref<2x128x128xf32, #tpu.memory_space<vmem>>, vector<16xf32>,
      tpu.vector_store %arg12[%swap3A_1544, %swap3A_1545, %swap3A_1546], %gather3A_1542 {strides = array<i32>} : memref<2x128x128xf32, #tpu.memory_space<vmem>>, vector<16xf32>,
      %add3A_1548 = arith.addi %gather3A_1505, %add3A_23 : vector<16xi32>
      %gather3A_1549 = tpu.vector_load_idx %arg7[%add3A_1548] : memref<4224xf32, #tpu.memory_space<vmem>>[vector<16xi32>], vector<16xf32>,
      %swap3A_1550 = arith.constant 1 : i32
      %swap3A_1551 = arith.index_cast %swap3A_1550 : i32 to index
      %swap3A_1552 = arith.index_cast %add3A_1503 : i32 to index
      %swap3A_1553 = arith.constant 96 : index
      %swap3A_1554 = tpu.vector_load %arg12[%swap3A_1551, %swap3A_1552, %swap3A_1553] {strides = array<i32>} : memref<2x128x128xf32, #tpu.memory_space<vmem>>, vector<16xf32>,
      tpu.vector_store %arg12[%swap3A_1551, %swap3A_1552, %swap3A_1553], %gather3A_1549 {strides = array<i32>} : memref<2x128x128xf32, #tpu.memory_space<vmem>>, vector<16xf32>,
      %add3A_1555 = arith.addi %gather3A_1505, %add3A_26 : vector<16xi32>
      %gather3A_1556 = tpu.vector_load_idx %arg7[%add3A_1555] : memref<4224xf32, #tpu.memory_space<vmem>>[vector<16xi32>], vector<16xf32>,
      %swap3A_1557 = arith.constant 1 : i32
      %swap3A_1558 = arith.index_cast %swap3A_1557 : i32 to index
      %swap3A_1559 = arith.index_cast %add3A_1503 : i32 to index
      %swap3A_1560 = arith.constant 112 : index
      %swap3A_1561 = tpu.vector_load %arg12[%swap3A_1558, %swap3A_1559, %swap3A_1560] {strides = array<i32>} : memref<2x128x128xf32, #tpu.memory_space<vmem>>, vector<16xf32>,
      tpu.vector_store %arg12[%swap3A_1558, %swap3A_1559, %swap3A_1560], %gather3A_1556 {strides = array<i32>} : memref<2x128x128xf32, #tpu.memory_space<vmem>>, vector<16xf32>,
      %mul3A_1562 = arith.constant 4 : i32
      %mul3A_1563 = arith.muli %scan3A_1438, %mul3A_1562 : i32
      %add3A_1564 = arith.constant 2 : i32
      %add3A_1565 = arith.addi %mul3A_1563, %add3A_1564 : i32
      %broadcast_in_dim3A_1566 = vector.broadcast %add3A_1565 : i32 to vector<16xi32>
      %gather3A_1567 = tpu.vector_load_idx %arg10[%broadcast_in_dim3A_1566] : memref<128xi32, #tpu.memory_space<vmem>>[vector<16xi32>], vector<16xi32>,
      %add3A_1568 = arith.addi %gather3A_1567, %add3A_5 : vector<16xi32>
      %gather3A_1569 = tpu.vector_load_idx %arg7[%add3A_1568] : memref<4224xf32, #tpu.memory_space<vmem>>[vector<16xi32>], vector<16xf32>,
      %swap3A_1570 = arith.constant 1 : i32
      %swap3A_1571 = arith.index_cast %swap3A_1570 : i32 to index
      %swap3A_1572 = arith.index_cast %add3A_1565 : i32 to index
      %swap3A_1573 = arith.constant 0 : index
      %swap3A_1574 = tpu.vector_load %arg12[%swap3A_1571, %swap3A_1572, %swap3A_1573] {strides = array<i32>} : memref<2x128x128xf32, #tpu.memory_space<vmem>>, vector<16xf32>,
      tpu.vector_store %arg12[%swap3A_1571, %swap3A_1572, %swap3A_1573], %gather3A_1569 {strides = array<i32>} : memref<2x128x128xf32, #tpu.memory_space<vmem>>, vector<16xf32>,
      %add3A_1575 = arith.addi %gather3A_1567, %add3A_8 : vector<16xi32>
      %gather3A_1576 = tpu.vector_load_idx %arg7[%add3A_1575] : memref<4224xf32, #tpu.memory_space<vmem>>[vector<16xi32>], vector<16xf32>,
      %swap3A_1577 = arith.constant 1 : i32
      %swap3A_1578 = arith.index_cast %swap3A_1577 : i32 to index
      %swap3A_1579 = arith.index_cast %add3A_1565 : i32 to index
      %swap3A_1580 = arith.constant 16 : index
      %swap3A_1581 = tpu.vector_load %arg12[%swap3A_1578, %swap3A_1579, %swap3A_1580] {strides = array<i32>} : memref<2x128x128xf32, #tpu.memory_space<vmem>>, vector<16xf32>,
      tpu.vector_store %arg12[%swap3A_1578, %swap3A_1579, %swap3A_1580], %gather3A_1576 {strides = array<i32>} : memref<2x128x128xf32, #tpu.memory_space<vmem>>, vector<16xf32>,
      %add3A_1582 = arith.addi %gather3A_1567, %add3A_11 : vector<16xi32>
      %gather3A_1583 = tpu.vector_load_idx %arg7[%add3A_1582] : memref<4224xf32, #tpu.memory_space<vmem>>[vector<16xi32>], vector<16xf32>,
      %swap3A_1584 = arith.constant 1 : i32
      %swap3A_1585 = arith.index_cast %swap3A_1584 : i32 to index
      %swap3A_1586 = arith.index_cast %add3A_1565 : i32 to index
      %swap3A_1587 = arith.constant 32 : index
      %swap3A_1588 = tpu.vector_load %arg12[%swap3A_1585, %swap3A_1586, %swap3A_1587] {strides = array<i32>} : memref<2x128x128xf32, #tpu.memory_space<vmem>>, vector<16xf32>,
      tpu.vector_store %arg12[%swap3A_1585, %swap3A_1586, %swap3A_1587], %gather3A_1583 {strides = array<i32>} : memref<2x128x128xf32, #tpu.memory_space<vmem>>, vector<16xf32>,
      %add3A_1589 = arith.addi %gather3A_1567, %add3A_14 : vector<16xi32>
      %gather3A_1590 = tpu.vector_load_idx %arg7[%add3A_1589] : memref<4224xf32, #tpu.memory_space<vmem>>[vector<16xi32>], vector<16xf32>,
      %swap3A_1591 = arith.constant 1 : i32
      %swap3A_1592 = arith.index_cast %swap3A_1591 : i32 to index
      %swap3A_1593 = arith.index_cast %add3A_1565 : i32 to index
      %swap3A_1594 = arith.constant 48 : index
      %swap3A_1595 = tpu.vector_load %arg12[%swap3A_1592, %swap3A_1593, %swap3A_1594] {strides = array<i32>} : memref<2x128x128xf32, #tpu.memory_space<vmem>>, vector<16xf32>,
      tpu.vector_store %arg12[%swap3A_1592, %swap3A_1593, %swap3A_1594], %gather3A_1590 {strides = array<i32>} : memref<2x128x128xf32, #tpu.memory_space<vmem>>, vector<16xf32>,
      %add3A_1596 = arith.addi %gather3A_1567, %add3A_17 : vector<16xi32>
      %gather3A_1597 = tpu.vector_load_idx %arg7[%add3A_1596] : memref<4224xf32, #tpu.memory_space<vmem>>[vector<16xi32>], vector<16xf32>,
      %swap3A_1598 = arith.constant 1 : i32
      %swap3A_1599 = arith.index_cast %swap3A_1598 : i32 to index
      %swap3A_1600 = arith.index_cast %add3A_1565 : i32 to index
      %swap3A_1601 = arith.constant 64 : index
      %swap3A_1602 = tpu.vector_load %arg12[%swap3A_1599, %swap3A_1600, %swap3A_1601] {strides = array<i32>} : memref<2x128x128xf32, #tpu.memory_space<vmem>>, vector<16xf32>,
      tpu.vector_store %arg12[%swap3A_1599, %swap3A_1600, %swap3A_1601], %gather3A_1597 {strides = array<i32>} : memref<2x128x128xf32, #tpu.memory_space<vmem>>, vector<16xf32>,
      %add3A_1603 = arith.addi %gather3A_1567, %add3A_20 : vector<16xi32>
      %gather3A_1604 = tpu.vector_load_idx %arg7[%add3A_1603] : memref<4224xf32, #tpu.memory_space<vmem>>[vector<16xi32>], vector<16xf32>,
      %swap3A_1605 = arith.constant 1 : i32
      %swap3A_1606 = arith.index_cast %swap3A_1605 : i32 to index
      %swap3A_1607 = arith.index_cast %add3A_1565 : i32 to index
      %swap3A_1608 = arith.constant 80 : index
      %swap3A_1609 = tpu.vector_load %arg12[%swap3A_1606, %swap3A_1607, %swap3A_1608] {strides = array<i32>} : memref<2x128x128xf32, #tpu.memory_space<vmem>>, vector<16xf32>,
      tpu.vector_store %arg12[%swap3A_1606, %swap3A_1607, %swap3A_1608], %gather3A_1604 {strides = array<i32>} : memref<2x128x128xf32, #tpu.memory_space<vmem>>, vector<16xf32>,
      %add3A_1610 = arith.addi %gather3A_1567, %add3A_23 : vector<16xi32>
      %gather3A_1611 = tpu.vector_load_idx %arg7[%add3A_1610] : memref<4224xf32, #tpu.memory_space<vmem>>[vector<16xi32>], vector<16xf32>,
      %swap3A_1612 = arith.constant 1 : i32
      %swap3A_1613 = arith.index_cast %swap3A_1612 : i32 to index
      %swap3A_1614 = arith.index_cast %add3A_1565 : i32 to index
      %swap3A_1615 = arith.constant 96 : index
      %swap3A_1616 = tpu.vector_load %arg12[%swap3A_1613, %swap3A_1614, %swap3A_1615] {strides = array<i32>} : memref<2x128x128xf32, #tpu.memory_space<vmem>>, vector<16xf32>,
      tpu.vector_store %arg12[%swap3A_1613, %swap3A_1614, %swap3A_1615], %gather3A_1611 {strides = array<i32>} : memref<2x128x128xf32, #tpu.memory_space<vmem>>, vector<16xf32>,
      %add3A_1617 = arith.addi %gather3A_1567, %add3A_26 : vector<16xi32>
      %gather3A_1618 = tpu.vector_load_idx %arg7[%add3A_1617] : memref<4224xf32, #tpu.memory_space<vmem>>[vector<16xi32>], vector<16xf32>,
      %swap3A_1619 = arith.constant 1 : i32
      %swap3A_1620 = arith.index_cast %swap3A_1619 : i32 to index
      %swap3A_1621 = arith.index_cast %add3A_1565 : i32 to index
      %swap3A_1622 = arith.constant 112 : index
      %swap3A_1623 = tpu.vector_load %arg12[%swap3A_1620, %swap3A_1621, %swap3A_1622] {strides = array<i32>} : memref<2x128x128xf32, #tpu.memory_space<vmem>>, vector<16xf32>,
      tpu.vector_store %arg12[%swap3A_1620, %swap3A_1621, %swap3A_1622], %gather3A_1618 {strides = array<i32>} : memref<2x128x128xf32, #tpu.memory_space<vmem>>, vector<16xf32>,
      %mul3A_1624 = arith.constant 4 : i32
      %mul3A_1625 = arith.muli %scan3A_1438, %mul3A_1624 : i32
      %add3A_1626 = arith.constant 3 : i32
      %add3A_1627 = arith.addi %mul3A_1625, %add3A_1626 : i32
      %broadcast_in_dim3A_1628 = vector.broadcast %add3A_1627 : i32 to vector<16xi32>
      %gather3A_1629 = tpu.vector_load_idx %arg10[%broadcast_in_dim3A_1628] : memref<128xi32, #tpu.memory_space<vmem>>[vector<16xi32>], vector<16xi32>,
      %add3A_1630 = arith.addi %gather3A_1629, %add3A_5 : vector<16xi32>
      %gather3A_1631 = tpu.vector_load_idx %arg7[%add3A_1630] : memref<4224xf32, #tpu.memory_space<vmem>>[vector<16xi32>], vector<16xf32>,
      %swap3A_1632 = arith.constant 1 : i32
      %swap3A_1633 = arith.index_cast %swap3A_1632 : i32 to index
      %swap3A_1634 = arith.index_cast %add3A_1627 : i32 to index
      %swap3A_1635 = arith.constant 0 : index
      %swap3A_1636 = tpu.vector_load %arg12[%swap3A_1633, %swap3A_1634, %swap3A_1635] {strides = array<i32>} : memref<2x128x128xf32, #tpu.memory_space<vmem>>, vector<16xf32>,
      tpu.vector_store %arg12[%swap3A_1633, %swap3A_1634, %swap3A_1635], %gather3A_1631 {strides = array<i32>} : memref<2x128x128xf32, #tpu.memory_space<vmem>>, vector<16xf32>,
      %add3A_1637 = arith.addi %gather3A_1629, %add3A_8 : vector<16xi32>
      %gather3A_1638 = tpu.vector_load_idx %arg7[%add3A_1637] : memref<4224xf32, #tpu.memory_space<vmem>>[vector<16xi32>], vector<16xf32>,
      %swap3A_1639 = arith.constant 1 : i32
      %swap3A_1640 = arith.index_cast %swap3A_1639 : i32 to index
      %swap3A_1641 = arith.index_cast %add3A_1627 : i32 to index
      %swap3A_1642 = arith.constant 16 : index
      %swap3A_1643 = tpu.vector_load %arg12[%swap3A_1640, %swap3A_1641, %swap3A_1642] {strides = array<i32>} : memref<2x128x128xf32, #tpu.memory_space<vmem>>, vector<16xf32>,
      tpu.vector_store %arg12[%swap3A_1640, %swap3A_1641, %swap3A_1642], %gather3A_1638 {strides = array<i32>} : memref<2x128x128xf32, #tpu.memory_space<vmem>>, vector<16xf32>,
      %add3A_1644 = arith.addi %gather3A_1629, %add3A_11 : vector<16xi32>
      %gather3A_1645 = tpu.vector_load_idx %arg7[%add3A_1644] : memref<4224xf32, #tpu.memory_space<vmem>>[vector<16xi32>], vector<16xf32>,
      %swap3A_1646 = arith.constant 1 : i32
      %swap3A_1647 = arith.index_cast %swap3A_1646 : i32 to index
      %swap3A_1648 = arith.index_cast %add3A_1627 : i32 to index
      %swap3A_1649 = arith.constant 32 : index
      %swap3A_1650 = tpu.vector_load %arg12[%swap3A_1647, %swap3A_1648, %swap3A_1649] {strides = array<i32>} : memref<2x128x128xf32, #tpu.memory_space<vmem>>, vector<16xf32>,
      tpu.vector_store %arg12[%swap3A_1647, %swap3A_1648, %swap3A_1649], %gather3A_1645 {strides = array<i32>} : memref<2x128x128xf32, #tpu.memory_space<vmem>>, vector<16xf32>,
      %add3A_1651 = arith.addi %gather3A_1629, %add3A_14 : vector<16xi32>
      %gather3A_1652 = tpu.vector_load_idx %arg7[%add3A_1651] : memref<4224xf32, #tpu.memory_space<vmem>>[vector<16xi32>], vector<16xf32>,
      %swap3A_1653 = arith.constant 1 : i32
      %swap3A_1654 = arith.index_cast %swap3A_1653 : i32 to index
      %swap3A_1655 = arith.index_cast %add3A_1627 : i32 to index
      %swap3A_1656 = arith.constant 48 : index
      %swap3A_1657 = tpu.vector_load %arg12[%swap3A_1654, %swap3A_1655, %swap3A_1656] {strides = array<i32>} : memref<2x128x128xf32, #tpu.memory_space<vmem>>, vector<16xf32>,
      tpu.vector_store %arg12[%swap3A_1654, %swap3A_1655, %swap3A_1656], %gather3A_1652 {strides = array<i32>} : memref<2x128x128xf32, #tpu.memory_space<vmem>>, vector<16xf32>,
      %add3A_1658 = arith.addi %gather3A_1629, %add3A_17 : vector<16xi32>
      %gather3A_1659 = tpu.vector_load_idx %arg7[%add3A_1658] : memref<4224xf32, #tpu.memory_space<vmem>>[vector<16xi32>], vector<16xf32>,
      %swap3A_1660 = arith.constant 1 : i32
      %swap3A_1661 = arith.index_cast %swap3A_1660 : i32 to index
      %swap3A_1662 = arith.index_cast %add3A_1627 : i32 to index
      %swap3A_1663 = arith.constant 64 : index
      %swap3A_1664 = tpu.vector_load %arg12[%swap3A_1661, %swap3A_1662, %swap3A_1663] {strides = array<i32>} : memref<2x128x128xf32, #tpu.memory_space<vmem>>, vector<16xf32>,
      tpu.vector_store %arg12[%swap3A_1661, %swap3A_1662, %swap3A_1663], %gather3A_1659 {strides = array<i32>} : memref<2x128x128xf32, #tpu.memory_space<vmem>>, vector<16xf32>,
      %add3A_1665 = arith.addi %gather3A_1629, %add3A_20 : vector<16xi32>
      %gather3A_1666 = tpu.vector_load_idx %arg7[%add3A_1665] : memref<4224xf32, #tpu.memory_space<vmem>>[vector<16xi32>], vector<16xf32>,
      %swap3A_1667 = arith.constant 1 : i32
      %swap3A_1668 = arith.index_cast %swap3A_1667 : i32 to index
      %swap3A_1669 = arith.index_cast %add3A_1627 : i32 to index
      %swap3A_1670 = arith.constant 80 : index
      %swap3A_1671 = tpu.vector_load %arg12[%swap3A_1668, %swap3A_1669, %swap3A_1670] {strides = array<i32>} : memref<2x128x128xf32, #tpu.memory_space<vmem>>, vector<16xf32>,
      tpu.vector_store %arg12[%swap3A_1668, %swap3A_1669, %swap3A_1670], %gather3A_1666 {strides = array<i32>} : memref<2x128x128xf32, #tpu.memory_space<vmem>>, vector<16xf32>,
      %add3A_1672 = arith.addi %gather3A_1629, %add3A_23 : vector<16xi32>
      %gather3A_1673 = tpu.vector_load_idx %arg7[%add3A_1672] : memref<4224xf32, #tpu.memory_space<vmem>>[vector<16xi32>], vector<16xf32>,
      %swap3A_1674 = arith.constant 1 : i32
      %swap3A_1675 = arith.index_cast %swap3A_1674 : i32 to index
      %swap3A_1676 = arith.index_cast %add3A_1627 : i32 to index
      %swap3A_1677 = arith.constant 96 : index
      %swap3A_1678 = tpu.vector_load %arg12[%swap3A_1675, %swap3A_1676, %swap3A_1677] {strides = array<i32>} : memref<2x128x128xf32, #tpu.memory_space<vmem>>, vector<16xf32>,
      tpu.vector_store %arg12[%swap3A_1675, %swap3A_1676, %swap3A_1677], %gather3A_1673 {strides = array<i32>} : memref<2x128x128xf32, #tpu.memory_space<vmem>>, vector<16xf32>,
      %add3A_1679 = arith.addi %gather3A_1629, %add3A_26 : vector<16xi32>
      %gather3A_1680 = tpu.vector_load_idx %arg7[%add3A_1679] : memref<4224xf32, #tpu.memory_space<vmem>>[vector<16xi32>], vector<16xf32>,
      %swap3A_1681 = arith.constant 1 : i32
      %swap3A_1682 = arith.index_cast %swap3A_1681 : i32 to index
      %swap3A_1683 = arith.index_cast %add3A_1627 : i32 to index
      %swap3A_1684 = arith.constant 112 : index
      %swap3A_1685 = tpu.vector_load %arg12[%swap3A_1682, %swap3A_1683, %swap3A_1684] {strides = array<i32>} : memref<2x128x128xf32, #tpu.memory_space<vmem>>, vector<16xf32>,
      tpu.vector_store %arg12[%swap3A_1682, %swap3A_1683, %swap3A_1684], %gather3A_1680 {strides = array<i32>} : memref<2x128x128xf32, #tpu.memory_space<vmem>>, vector<16xf32>,
    }
    %scan3A_667 = arith.constant 32 : i32
    %add3A_668 = arith.constant 128 : i32
    %add3A_669 = arith.addi %mul3A_2, %add3A_668 : i32
    %dma_start3A_670 = arith.constant 1 : i32
    %dma_start3A_671 = arith.constant 0 : i32
    %dma_start3A_672 = arith.constant 0 : i32
    %dma_start3A_673 = tpu.memref_slice %arg12[%dma_start3A_670, %dma_start3A_671, %dma_start3A_672] : memref<2x128x128xf32, #tpu.memory_space<vmem>> -> memref<1x128x128xf32, #tpu.memory_space<vmem>>
    %dma_start3A_674 = tpu.memref_squeeze %dma_start3A_673 : memref<1x128x128xf32, #tpu.memory_space<vmem>> -> memref<128x128xf32, #tpu.memory_space<vmem>>
    %dma_start3A_675 = arith.constant 0 : i32
    %dma_start3A_676 = tpu.memref_slice %arg5[%add3A_669, %dma_start3A_675] : memref<524288x128xf32, #tpu.memory_space<hbm>> -> memref<128x128xf32, #tpu.memory_space<hbm>>
    %dma_start3A_677 = arith.constant 0 : i32
    %dma_start3A_678 = tpu.memref_slice %arg5[%add3A_669, %dma_start3A_677] : memref<524288x128xf32, #tpu.memory_space<hbm>> -> memref<128x128xf32, #tpu.memory_space<hbm>>
    %dma_start3A_679 = arith.constant 0 : i32
    %dma_start3A_680 = arith.constant 0 : i32
    %dma_start3A_681 = tpu.memref_slice %arg12[%dma_start3A_670, %dma_start3A_679, %dma_start3A_680] : memref<2x128x128xf32, #tpu.memory_space<vmem>> -> memref<1x128x128xf32, #tpu.memory_space<vmem>>
    %dma_start3A_682 = tpu.memref_squeeze %dma_start3A_681 : memref<1x128x128xf32, #tpu.memory_space<vmem>> -> memref<128x128xf32, #tpu.memory_space<vmem>>
    tpu.enqueue_dma source(%dma_start3A_682 : memref<128x128xf32, #tpu.memory_space<vmem>>) target(%dma_start3A_678 : memref<128x128xf32, #tpu.memory_space<hbm>>) target_semaphore(%arg14 : memref<!tpu.dma_semaphore, #tpu.memory_space<semaphore_mem>>)
    %dma_start3A_683 = arith.constant 1 : i32
    %dma_start3A_684 = arith.constant 0 : i32
    %dma_start3A_685 = tpu.memref_slice %arg11[%dma_start3A_683, %dma_start3A_684] : memref<2x128xi32, #tpu.memory_space<vmem>> -> memref<1x128xi32, #tpu.memory_space<vmem>>
    %dma_start3A_686 = tpu.memref_squeeze %dma_start3A_685 : memref<1x128xi32, #tpu.memory_space<vmem>> -> memref<128xi32, #tpu.memory_space<vmem>>
    %dma_start3A_687 = tpu.memref_slice %arg6[%add3A_669] : memref<524288xi32, #tpu.memory_space<hbm>> -> memref<128xi32, #tpu.memory_space<hbm>>
    %dma_start3A_688 = tpu.memref_slice %arg6[%add3A_669] : memref<524288xi32, #tpu.memory_space<hbm>> -> memref<128xi32, #tpu.memory_space<hbm>>
    %dma_start3A_689 = arith.constant 0 : i32
    %dma_start3A_690 = tpu.memref_slice %arg11[%dma_start3A_683, %dma_start3A_689] : memref<2x128xi32, #tpu.memory_space<vmem>> -> memref<1x128xi32, #tpu.memory_space<vmem>>
    %dma_start3A_691 = tpu.memref_squeeze %dma_start3A_690 : memref<1x128xi32, #tpu.memory_space<vmem>> -> memref<128xi32, #tpu.memory_space<vmem>>
    tpu.enqueue_dma source(%dma_start3A_691 : memref<128xi32, #tpu.memory_space<vmem>>) target(%dma_start3A_688 : memref<128xi32, #tpu.memory_space<hbm>>) target_semaphore(%arg14 : memref<!tpu.dma_semaphore, #tpu.memory_space<semaphore_mem>>)
    %add3A_692 = arith.constant 384 : i32
    %add3A_693 = arith.addi %mul3A_2, %add3A_692 : i32
    %dma_start3A_694 = arith.constant 1 : i32
    %dma_start3A_695 = arith.constant 0 : i32
    %dma_start3A_696 = tpu.memref_slice %arg8[%dma_start3A_694, %dma_start3A_695] : memref<2x128xi32, #tpu.memory_space<vmem>> -> memref<1x128xi32, #tpu.memory_space<vmem>>
    %dma_start3A_697 = tpu.memref_squeeze %dma_start3A_696 : memref<1x128xi32, #tpu.memory_space<vmem>> -> memref<128xi32, #tpu.memory_space<vmem>>
    %dma_start3A_698 = tpu.memref_slice %arg2[%add3A_693] : memref<524288xi32, #tpu.memory_space<hbm>> -> memref<128xi32, #tpu.memory_space<hbm>>
    %dma_start3A_699 = arith.constant 0 : i32
    %dma_start3A_700 = tpu.memref_slice %arg8[%dma_start3A_694, %dma_start3A_699] : memref<2x128xi32, #tpu.memory_space<vmem>> -> memref<1x128xi32, #tpu.memory_space<vmem>>
    %dma_start3A_701 = tpu.memref_squeeze %dma_start3A_700 : memref<1x128xi32, #tpu.memory_space<vmem>> -> memref<128xi32, #tpu.memory_space<vmem>>
    %dma_start3A_702 = tpu.memref_slice %arg2[%add3A_693] : memref<524288xi32, #tpu.memory_space<hbm>> -> memref<128xi32, #tpu.memory_space<hbm>>
    tpu.enqueue_dma source(%dma_start3A_702 : memref<128xi32, #tpu.memory_space<hbm>>) target(%dma_start3A_701 : memref<128xi32, #tpu.memory_space<vmem>>) target_semaphore(%arg16 : memref<!tpu.dma_semaphore, #tpu.memory_space<semaphore_mem>>)
    %dma_start3A_703 = arith.constant 1 : i32
    %dma_start3A_704 = arith.constant 0 : i32
    %dma_start3A_705 = tpu.memref_slice %arg9[%dma_start3A_703, %dma_start3A_704] : memref<2x128xi32, #tpu.memory_space<vmem>> -> memref<1x128xi32, #tpu.memory_space<vmem>>
    %dma_start3A_706 = tpu.memref_squeeze %dma_start3A_705 : memref<1x128xi32, #tpu.memory_space<vmem>> -> memref<128xi32, #tpu.memory_space<vmem>>
    %dma_start3A_707 = tpu.memref_slice %arg3[%add3A_693] : memref<524288xi32, #tpu.memory_space<hbm>> -> memref<128xi32, #tpu.memory_space<hbm>>
    %dma_start3A_708 = arith.constant 0 : i32
    %dma_start3A_709 = tpu.memref_slice %arg9[%dma_start3A_703, %dma_start3A_708] : memref<2x128xi32, #tpu.memory_space<vmem>> -> memref<1x128xi32, #tpu.memory_space<vmem>>
    %dma_start3A_710 = tpu.memref_squeeze %dma_start3A_709 : memref<1x128xi32, #tpu.memory_space<vmem>> -> memref<128xi32, #tpu.memory_space<vmem>>
    %dma_start3A_711 = tpu.memref_slice %arg3[%add3A_693] : memref<524288xi32, #tpu.memory_space<hbm>> -> memref<128xi32, #tpu.memory_space<hbm>>
    tpu.enqueue_dma source(%dma_start3A_711 : memref<128xi32, #tpu.memory_space<hbm>>) target(%dma_start3A_710 : memref<128xi32, #tpu.memory_space<vmem>>) target_semaphore(%arg16 : memref<!tpu.dma_semaphore, #tpu.memory_space<semaphore_mem>>)
    %scan3A_712 = arith.constant 0 : i32
    %scan3A_713 = arith.constant 1 : i32
    %scan3A_714 = arith.constant 62 : i32
    %scan3A_715 = arith.addi %scan3A_713, %scan3A_714 : i32
    %scan3A_716 = arith.constant 1 : i32
    scf.for %scan3A_1438 = %scan3A_713 to %scan3A_715 step %scan3A_716  : i32 {
      %mul3A_1439 = arith.constant 2 : i32
      %mul3A_1440 = arith.muli %scan3A_1438, %mul3A_1439 : i32
      %add3A_1441 = arith.constant 0 : i32
      %add3A_1442 = arith.addi %mul3A_1440, %add3A_1441 : i32
      %dma_wait3A_1443 = arith.constant 0 : i32
      %dma_wait3A_1444 = arith.constant 0 : i32
      %dma_wait3A_1445 = tpu.memref_slice %arg8[%dma_wait3A_1443, %dma_wait3A_1444] : memref<2x128xi32, #tpu.memory_space<vmem>> -> memref<1x128xi32, #tpu.memory_space<vmem>>
      %dma_wait3A_1446 = tpu.memref_squeeze %dma_wait3A_1445 : memref<1x128xi32, #tpu.memory_space<vmem>> -> memref<128xi32, #tpu.memory_space<vmem>>
      %dma_wait3A_1447 = arith.constant 0 : i32
      %dma_wait3A_1448 = tpu.memref_slice %arg2[%dma_wait3A_1447] : memref<524288xi32, #tpu.memory_space<hbm>> -> memref<128xi32, #tpu.memory_space<hbm>>
      %dma_wait3A_1449 = arith.constant 0 : i32
      %dma_wait3A_1450 = tpu.memref_slice %arg8[%dma_wait3A_1443, %dma_wait3A_1449] : memref<2x128xi32, #tpu.memory_space<vmem>> -> memref<1x128xi32, #tpu.memory_space<vmem>>
      %dma_wait3A_1451 = tpu.memref_squeeze %dma_wait3A_1450 : memref<1x128xi32, #tpu.memory_space<vmem>> -> memref<128xi32, #tpu.memory_space<vmem>>
      %dma_wait3A_1452 = arith.constant 0 : i32
      %dma_wait3A_1453 = tpu.memref_slice %arg2[%dma_wait3A_1452] : memref<524288xi32, #tpu.memory_space<hbm>> -> memref<128xi32, #tpu.memory_space<hbm>>
      tpu.wait_dma2 semaphore(%arg15 : memref<!tpu.dma_semaphore, #tpu.memory_space<semaphore_mem>>) src(%dma_wait3A_1453 : memref<128xi32, #tpu.memory_space<hbm>>) dst(%dma_wait3A_1451 : memref<128xi32, #tpu.memory_space<vmem>>)
      %dma_wait3A_1454 = arith.constant 0 : i32
      %dma_wait3A_1455 = arith.constant 0 : i32
      %dma_wait3A_1456 = tpu.memref_slice %arg9[%dma_wait3A_1454, %dma_wait3A_1455] : memref<2x128xi32, #tpu.memory_space<vmem>> -> memref<1x128xi32, #tpu.memory_space<vmem>>
      %dma_wait3A_1457 = tpu.memref_squeeze %dma_wait3A_1456 : memref<1x128xi32, #tpu.memory_space<vmem>> -> memref<128xi32, #tpu.memory_space<vmem>>
      %dma_wait3A_1458 = arith.constant 0 : i32
      %dma_wait3A_1459 = tpu.memref_slice %arg3[%dma_wait3A_1458] : memref<524288xi32, #tpu.memory_space<hbm>> -> memref<128xi32, #tpu.memory_space<hbm>>
      %dma_wait3A_1460 = arith.constant 0 : i32
      %dma_wait3A_1461 = tpu.memref_slice %arg9[%dma_wait3A_1454, %dma_wait3A_1460] : memref<2x128xi32, #tpu.memory_space<vmem>> -> memref<1x128xi32, #tpu.memory_space<vmem>>
      %dma_wait3A_1462 = tpu.memref_squeeze %dma_wait3A_1461 : memref<1x128xi32, #tpu.memory_space<vmem>> -> memref<128xi32, #tpu.memory_space<vmem>>
      %dma_wait3A_1463 = arith.constant 0 : i32
      %dma_wait3A_1464 = tpu.memref_slice %arg3[%dma_wait3A_1463] : memref<524288xi32, #tpu.memory_space<hbm>> -> memref<128xi32, #tpu.memory_space<hbm>>
      tpu.wait_dma2 semaphore(%arg15 : memref<!tpu.dma_semaphore, #tpu.memory_space<semaphore_mem>>) src(%dma_wait3A_1464 : memref<128xi32, #tpu.memory_space<hbm>>) dst(%dma_wait3A_1462 : memref<128xi32, #tpu.memory_space<vmem>>)
      %dma_wait3A_1465 = arith.constant 0 : i32
      %dma_wait3A_1466 = arith.constant 0 : i32
      %dma_wait3A_1467 = arith.constant 0 : i32
      %dma_wait3A_1468 = tpu.memref_slice %arg12[%dma_wait3A_1465, %dma_wait3A_1466, %dma_wait3A_1467] : memref<2x128x128xf32, #tpu.memory_space<vmem>> -> memref<1x128x128xf32, #tpu.memory_space<vmem>>
      %dma_wait3A_1469 = tpu.memref_squeeze %dma_wait3A_1468 : memref<1x128x128xf32, #tpu.memory_space<vmem>> -> memref<128x128xf32, #tpu.memory_space<vmem>>
      %dma_wait3A_1470 = arith.constant 0 : i32
      %dma_wait3A_1471 = arith.constant 0 : i32
      %dma_wait3A_1472 = tpu.memref_slice %arg5[%dma_wait3A_1470, %dma_wait3A_1471] : memref<524288x128xf32, #tpu.memory_space<hbm>> -> memref<128x128xf32, #tpu.memory_space<hbm>>
      %dma_wait3A_1473 = arith.constant 0 : i32
      %dma_wait3A_1474 = arith.constant 0 : i32
      %dma_wait3A_1475 = tpu.memref_slice %arg5[%dma_wait3A_1473, %dma_wait3A_1474] : memref<524288x128xf32, #tpu.memory_space<hbm>> -> memref<128x128xf32, #tpu.memory_space<hbm>>
      %dma_wait3A_1476 = arith.constant 0 : i32
      %dma_wait3A_1477 = arith.constant 0 : i32
      %dma_wait3A_1478 = tpu.memref_slice %arg12[%dma_wait3A_1465, %dma_wait3A_1476, %dma_wait3A_1477] : memref<2x128x128xf32, #tpu.memory_space<vmem>> -> memref<1x128x128xf32, #tpu.memory_space<vmem>>
      %dma_wait3A_1479 = tpu.memref_squeeze %dma_wait3A_1478 : memref<1x128x128xf32, #tpu.memory_space<vmem>> -> memref<128x128xf32, #tpu.memory_space<vmem>>
      tpu.wait_dma2 semaphore(%arg13 : memref<!tpu.dma_semaphore, #tpu.memory_space<semaphore_mem>>) src(%dma_wait3A_1479 : memref<128x128xf32, #tpu.memory_space<vmem>>) dst(%dma_wait3A_1475 : memref<128x128xf32, #tpu.memory_space<hbm>>)
      %dma_wait3A_1480 = arith.constant 0 : i32
      %dma_wait3A_1481 = arith.constant 0 : i32
      %dma_wait3A_1482 = tpu.memref_slice %arg11[%dma_wait3A_1480, %dma_wait3A_1481] : memref<2x128xi32, #tpu.memory_space<vmem>> -> memref<1x128xi32, #tpu.memory_space<vmem>>
      %dma_wait3A_1483 = tpu.memref_squeeze %dma_wait3A_1482 : memref<1x128xi32, #tpu.memory_space<vmem>> -> memref<128xi32, #tpu.memory_space<vmem>>
      %dma_wait3A_1484 = arith.constant 0 : i32
      %dma_wait3A_1485 = tpu.memref_slice %arg6[%dma_wait3A_1484] : memref<524288xi32, #tpu.memory_space<hbm>> -> memref<128xi32, #tpu.memory_space<hbm>>
      %dma_wait3A_1486 = arith.constant 0 : i32
      %dma_wait3A_1487 = tpu.memref_slice %arg6[%dma_wait3A_1486] : memref<524288xi32, #tpu.memory_space<hbm>> -> memref<128xi32, #tpu.memory_space<hbm>>
      %dma_wait3A_1488 = arith.constant 0 : i32
      %dma_wait3A_1489 = tpu.memref_slice %arg11[%dma_wait3A_1480, %dma_wait3A_1488] : memref<2x128xi32, #tpu.memory_space<vmem>> -> memref<1x128xi32, #tpu.memory_space<vmem>>
      %dma_wait3A_1490 = tpu.memref_squeeze %dma_wait3A_1489 : memref<1x128xi32, #tpu.memory_space<vmem>> -> memref<128xi32, #tpu.memory_space<vmem>>
      tpu.wait_dma2 semaphore(%arg13 : memref<!tpu.dma_semaphore, #tpu.memory_space<semaphore_mem>>) src(%dma_wait3A_1490 : memref<128xi32, #tpu.memory_space<vmem>>) dst(%dma_wait3A_1487 : memref<128xi32, #tpu.memory_space<hbm>>)
      %get3A_1491 = arith.constant 0 : i32
      %get3A_1492 = arith.index_cast %get3A_1491 : i32 to index
      %get3A_1493 = arith.constant 0 : index
      %get3A_1494 = tpu.vector_load %arg8[%get3A_1492, %get3A_1493] {strides = array<i32>} : memref<2x128xi32, #tpu.memory_space<vmem>>, vector<16xi32>,
      %get3A_1495 = arith.constant 0 : i32
      %get3A_1496 = arith.index_cast %get3A_1495 : i32 to index
      %get3A_1497 = arith.constant 0 : index
      %get3A_1498 = tpu.vector_load %arg9[%get3A_1496, %get3A_1497] {strides = array<i32>} : memref<2x128xi32, #tpu.memory_space<vmem>>, vector<16xi32>,
      %ne3A_1499 = arith.constant 0 : i32
      %ne3A_1500 = vector.broadcast %ne3A_1499 : i32 to vector<16xi32>
      %ne3A_1501 = arith.cmpi ne, %get3A_1494, %ne3A_1500 : vector<16xi32>
      %ne3A_1502 = arith.constant -1 : i32
      %ne3A_1503 = vector.broadcast %ne3A_1502 : i32 to vector<16xi32>
      %ne3A_1504 = arith.cmpi ne, %get3A_1498, %ne3A_1503 : vector<16xi32>
      %and3A_1505 = arith.andi %ne3A_1501, %ne3A_1504 : vector<16xi1>
      %ge3A_1506 = arith.constant 0 : i32
      %ge3A_1507 = vector.broadcast %ge3A_1506 : i32 to vector<16xi32>
      %ge3A_1508 = arith.cmpi sge, %get3A_1498, %ge3A_1507 : vector<16xi32>
      %and3A_1509 = arith.andi %and3A_1505, %ge3A_1508 : vector<16xi1>
      %select_n3A_1510 = arith.select %and3A_1509, %get3A_1498, %get3A_1494 : vector<16xi1>, vector<16xi32>
      %mul3A_1511 = arith.constant 128 : i32
      %mul3A_1512 = vector.broadcast %mul3A_1511 : i32 to vector<16xi32>
      %mul3A_1513 = arith.muli %select_n3A_1510, %mul3A_1512 : vector<16xi32>
      %swap3A_1514 = arith.constant 0 : index
      %swap3A_1515 = tpu.vector_load %arg10[%swap3A_1514] {strides = array<i32>} : memref<128xi32, #tpu.memory_space<vmem>>, vector<16xi32>,
      tpu.vector_store %arg10[%swap3A_1514], %mul3A_1513 {strides = array<i32>} : memref<128xi32, #tpu.memory_space<vmem>>, vector<16xi32>,
      %jit3A_1516 = arith.constant -100 : i32
      %broadcast_in_dim3A_1517 = vector.broadcast %jit3A_1516 : i32 to vector<16xi32>
      %select_n3A_1518 = arith.select %and3A_1505, %get3A_1494, %broadcast_in_dim3A_1517 : vector<16xi1>, vector<16xi32>
      %swap3A_1519 = arith.constant 0 : i32
      %swap3A_1520 = arith.index_cast %swap3A_1519 : i32 to index
      %swap3A_1521 = arith.constant 0 : index
      %swap3A_1522 = tpu.vector_load %arg11[%swap3A_1520, %swap3A_1521] {strides = array<i32>} : memref<2x128xi32, #tpu.memory_space<vmem>>, vector<16xi32>,
      tpu.vector_store %arg11[%swap3A_1520, %swap3A_1521], %select_n3A_1518 {strides = array<i32>} : memref<2x128xi32, #tpu.memory_space<vmem>>, vector<16xi32>,
      %get3A_1523 = arith.constant 0 : i32
      %get3A_1524 = arith.index_cast %get3A_1523 : i32 to index
      %get3A_1525 = arith.constant 16 : index
      %get3A_1526 = tpu.vector_load %arg8[%get3A_1524, %get3A_1525] {strides = array<i32>} : memref<2x128xi32, #tpu.memory_space<vmem>>, vector<16xi32>,
      %get3A_1527 = arith.constant 0 : i32
      %get3A_1528 = arith.index_cast %get3A_1527 : i32 to index
      %get3A_1529 = arith.constant 16 : index
      %get3A_1530 = tpu.vector_load %arg9[%get3A_1528, %get3A_1529] {strides = array<i32>} : memref<2x128xi32, #tpu.memory_space<vmem>>, vector<16xi32>,
      %ne3A_1531 = arith.constant 0 : i32
      %ne3A_1532 = vector.broadcast %ne3A_1531 : i32 to vector<16xi32>
      %ne3A_1533 = arith.cmpi ne, %get3A_1526, %ne3A_1532 : vector<16xi32>
      %ne3A_1534 = arith.constant -1 : i32
      %ne3A_1535 = vector.broadcast %ne3A_1534 : i32 to vector<16xi32>
      %ne3A_1536 = arith.cmpi ne, %get3A_1530, %ne3A_1535 : vector<16xi32>
      %and3A_1537 = arith.andi %ne3A_1533, %ne3A_1536 : vector<16xi1>
      %ge3A_1538 = arith.constant 0 : i32
      %ge3A_1539 = vector.broadcast %ge3A_1538 : i32 to vector<16xi32>
      %ge3A_1540 = arith.cmpi sge, %get3A_1530, %ge3A_1539 : vector<16xi32>
      %and3A_1541 = arith.andi %and3A_1537, %ge3A_1540 : vector<16xi1>
      %select_n3A_1542 = arith.select %and3A_1541, %get3A_1530, %get3A_1526 : vector<16xi1>, vector<16xi32>
      %mul3A_1543 = arith.constant 128 : i32
      %mul3A_1544 = vector.broadcast %mul3A_1543 : i32 to vector<16xi32>
      %mul3A_1545 = arith.muli %select_n3A_1542, %mul3A_1544 : vector<16xi32>
      %swap3A_1546 = arith.constant 16 : index
      %swap3A_1547 = tpu.vector_load %arg10[%swap3A_1546] {strides = array<i32>} : memref<128xi32, #tpu.memory_space<vmem>>, vector<16xi32>,
      tpu.vector_store %arg10[%swap3A_1546], %mul3A_1545 {strides = array<i32>} : memref<128xi32, #tpu.memory_space<vmem>>, vector<16xi32>,
      %jit3A_1548 = arith.constant -100 : i32
      %broadcast_in_dim3A_1549 = vector.broadcast %jit3A_1548 : i32 to vector<16xi32>
      %select_n3A_1550 = arith.select %and3A_1537, %get3A_1526, %broadcast_in_dim3A_1549 : vector<16xi1>, vector<16xi32>
      %swap3A_1551 = arith.constant 0 : i32
      %swap3A_1552 = arith.index_cast %swap3A_1551 : i32 to index
      %swap3A_1553 = arith.constant 16 : index
      %swap3A_1554 = tpu.vector_load %arg11[%swap3A_1552, %swap3A_1553] {strides = array<i32>} : memref<2x128xi32, #tpu.memory_space<vmem>>, vector<16xi32>,
      tpu.vector_store %arg11[%swap3A_1552, %swap3A_1553], %select_n3A_1550 {strides = array<i32>} : memref<2x128xi32, #tpu.memory_space<vmem>>, vector<16xi32>,
      %get3A_1555 = arith.constant 0 : i32
      %get3A_1556 = arith.index_cast %get3A_1555 : i32 to index
      %get3A_1557 = arith.constant 32 : index
      %get3A_1558 = tpu.vector_load %arg8[%get3A_1556, %get3A_1557] {strides = array<i32>} : memref<2x128xi32, #tpu.memory_space<vmem>>, vector<16xi32>,
      %get3A_1559 = arith.constant 0 : i32
      %get3A_1560 = arith.index_cast %get3A_1559 : i32 to index
      %get3A_1561 = arith.constant 32 : index
      %get3A_1562 = tpu.vector_load %arg9[%get3A_1560, %get3A_1561] {strides = array<i32>} : memref<2x128xi32, #tpu.memory_space<vmem>>, vector<16xi32>,
      %ne3A_1563 = arith.constant 0 : i32
      %ne3A_1564 = vector.broadcast %ne3A_1563 : i32 to vector<16xi32>
      %ne3A_1565 = arith.cmpi ne, %get3A_1558, %ne3A_1564 : vector<16xi32>
      %ne3A_1566 = arith.constant -1 : i32
      %ne3A_1567 = vector.broadcast %ne3A_1566 : i32 to vector<16xi32>
      %ne3A_1568 = arith.cmpi ne, %get3A_1562, %ne3A_1567 : vector<16xi32>
      %and3A_1569 = arith.andi %ne3A_1565, %ne3A_1568 : vector<16xi1>
      %ge3A_1570 = arith.constant 0 : i32
      %ge3A_1571 = vector.broadcast %ge3A_1570 : i32 to vector<16xi32>
      %ge3A_1572 = arith.cmpi sge, %get3A_1562, %ge3A_1571 : vector<16xi32>
      %and3A_1573 = arith.andi %and3A_1569, %ge3A_1572 : vector<16xi1>
      %select_n3A_1574 = arith.select %and3A_1573, %get3A_1562, %get3A_1558 : vector<16xi1>, vector<16xi32>
      %mul3A_1575 = arith.constant 128 : i32
      %mul3A_1576 = vector.broadcast %mul3A_1575 : i32 to vector<16xi32>
      %mul3A_1577 = arith.muli %select_n3A_1574, %mul3A_1576 : vector<16xi32>
      %swap3A_1578 = arith.constant 32 : index
      %swap3A_1579 = tpu.vector_load %arg10[%swap3A_1578] {strides = array<i32>} : memref<128xi32, #tpu.memory_space<vmem>>, vector<16xi32>,
      tpu.vector_store %arg10[%swap3A_1578], %mul3A_1577 {strides = array<i32>} : memref<128xi32, #tpu.memory_space<vmem>>, vector<16xi32>,
      %jit3A_1580 = arith.constant -100 : i32
      %broadcast_in_dim3A_1581 = vector.broadcast %jit3A_1580 : i32 to vector<16xi32>
      %select_n3A_1582 = arith.select %and3A_1569, %get3A_1558, %broadcast_in_dim3A_1581 : vector<16xi1>, vector<16xi32>
      %swap3A_1583 = arith.constant 0 : i32
      %swap3A_1584 = arith.index_cast %swap3A_1583 : i32 to index
      %swap3A_1585 = arith.constant 32 : index
      %swap3A_1586 = tpu.vector_load %arg11[%swap3A_1584, %swap3A_1585] {strides = array<i32>} : memref<2x128xi32, #tpu.memory_space<vmem>>, vector<16xi32>,
      tpu.vector_store %arg11[%swap3A_1584, %swap3A_1585], %select_n3A_1582 {strides = array<i32>} : memref<2x128xi32, #tpu.memory_space<vmem>>, vector<16xi32>,
      %get3A_1587 = arith.constant 0 : i32
      %get3A_1588 = arith.index_cast %get3A_1587 : i32 to index
      %get3A_1589 = arith.constant 48 : index
      %get3A_1590 = tpu.vector_load %arg8[%get3A_1588, %get3A_1589] {strides = array<i32>} : memref<2x128xi32, #tpu.memory_space<vmem>>, vector<16xi32>,
      %get3A_1591 = arith.constant 0 : i32
      %get3A_1592 = arith.index_cast %get3A_1591 : i32 to index
      %get3A_1593 = arith.constant 48 : index
      %get3A_1594 = tpu.vector_load %arg9[%get3A_1592, %get3A_1593] {strides = array<i32>} : memref<2x128xi32, #tpu.memory_space<vmem>>, vector<16xi32>,
      %ne3A_1595 = arith.constant 0 : i32
      %ne3A_1596 = vector.broadcast %ne3A_1595 : i32 to vector<16xi32>
      %ne3A_1597 = arith.cmpi ne, %get3A_1590, %ne3A_1596 : vector<16xi32>
      %ne3A_1598 = arith.constant -1 : i32
      %ne3A_1599 = vector.broadcast %ne3A_1598 : i32 to vector<16xi32>
      %ne3A_1600 = arith.cmpi ne, %get3A_1594, %ne3A_1599 : vector<16xi32>
      %and3A_1601 = arith.andi %ne3A_1597, %ne3A_1600 : vector<16xi1>
      %ge3A_1602 = arith.constant 0 : i32
      %ge3A_1603 = vector.broadcast %ge3A_1602 : i32 to vector<16xi32>
      %ge3A_1604 = arith.cmpi sge, %get3A_1594, %ge3A_1603 : vector<16xi32>
      %and3A_1605 = arith.andi %and3A_1601, %ge3A_1604 : vector<16xi1>
      %select_n3A_1606 = arith.select %and3A_1605, %get3A_1594, %get3A_1590 : vector<16xi1>, vector<16xi32>
      %mul3A_1607 = arith.constant 128 : i32
      %mul3A_1608 = vector.broadcast %mul3A_1607 : i32 to vector<16xi32>
      %mul3A_1609 = arith.muli %select_n3A_1606, %mul3A_1608 : vector<16xi32>
      %swap3A_1610 = arith.constant 48 : index
      %swap3A_1611 = tpu.vector_load %arg10[%swap3A_1610] {strides = array<i32>} : memref<128xi32, #tpu.memory_space<vmem>>, vector<16xi32>,
      tpu.vector_store %arg10[%swap3A_1610], %mul3A_1609 {strides = array<i32>} : memref<128xi32, #tpu.memory_space<vmem>>, vector<16xi32>,
      %jit3A_1612 = arith.constant -100 : i32
      %broadcast_in_dim3A_1613 = vector.broadcast %jit3A_1612 : i32 to vector<16xi32>
      %select_n3A_1614 = arith.select %and3A_1601, %get3A_1590, %broadcast_in_dim3A_1613 : vector<16xi1>, vector<16xi32>
      %swap3A_1615 = arith.constant 0 : i32
      %swap3A_1616 = arith.index_cast %swap3A_1615 : i32 to index
      %swap3A_1617 = arith.constant 48 : index
      %swap3A_1618 = tpu.vector_load %arg11[%swap3A_1616, %swap3A_1617] {strides = array<i32>} : memref<2x128xi32, #tpu.memory_space<vmem>>, vector<16xi32>,
      tpu.vector_store %arg11[%swap3A_1616, %swap3A_1617], %select_n3A_1614 {strides = array<i32>} : memref<2x128xi32, #tpu.memory_space<vmem>>, vector<16xi32>,
      %get3A_1619 = arith.constant 0 : i32
      %get3A_1620 = arith.index_cast %get3A_1619 : i32 to index
      %get3A_1621 = arith.constant 64 : index
      %get3A_1622 = tpu.vector_load %arg8[%get3A_1620, %get3A_1621] {strides = array<i32>} : memref<2x128xi32, #tpu.memory_space<vmem>>, vector<16xi32>,
      %get3A_1623 = arith.constant 0 : i32
      %get3A_1624 = arith.index_cast %get3A_1623 : i32 to index
      %get3A_1625 = arith.constant 64 : index
      %get3A_1626 = tpu.vector_load %arg9[%get3A_1624, %get3A_1625] {strides = array<i32>} : memref<2x128xi32, #tpu.memory_space<vmem>>, vector<16xi32>,
      %ne3A_1627 = arith.constant 0 : i32
      %ne3A_1628 = vector.broadcast %ne3A_1627 : i32 to vector<16xi32>
      %ne3A_1629 = arith.cmpi ne, %get3A_1622, %ne3A_1628 : vector<16xi32>
      %ne3A_1630 = arith.constant -1 : i32
      %ne3A_1631 = vector.broadcast %ne3A_1630 : i32 to vector<16xi32>
      %ne3A_1632 = arith.cmpi ne, %get3A_1626, %ne3A_1631 : vector<16xi32>
      %and3A_1633 = arith.andi %ne3A_1629, %ne3A_1632 : vector<16xi1>
      %ge3A_1634 = arith.constant 0 : i32
      %ge3A_1635 = vector.broadcast %ge3A_1634 : i32 to vector<16xi32>
      %ge3A_1636 = arith.cmpi sge, %get3A_1626, %ge3A_1635 : vector<16xi32>
      %and3A_1637 = arith.andi %and3A_1633, %ge3A_1636 : vector<16xi1>
      %select_n3A_1638 = arith.select %and3A_1637, %get3A_1626, %get3A_1622 : vector<16xi1>, vector<16xi32>
      %mul3A_1639 = arith.constant 128 : i32
      %mul3A_1640 = vector.broadcast %mul3A_1639 : i32 to vector<16xi32>
      %mul3A_1641 = arith.muli %select_n3A_1638, %mul3A_1640 : vector<16xi32>
      %swap3A_1642 = arith.constant 64 : index
      %swap3A_1643 = tpu.vector_load %arg10[%swap3A_1642] {strides = array<i32>} : memref<128xi32, #tpu.memory_space<vmem>>, vector<16xi32>,
      tpu.vector_store %arg10[%swap3A_1642], %mul3A_1641 {strides = array<i32>} : memref<128xi32, #tpu.memory_space<vmem>>, vector<16xi32>,
      %jit3A_1644 = arith.constant -100 : i32
      %broadcast_in_dim3A_1645 = vector.broadcast %jit3A_1644 : i32 to vector<16xi32>
      %select_n3A_1646 = arith.select %and3A_1633, %get3A_1622, %broadcast_in_dim3A_1645 : vector<16xi1>, vector<16xi32>
      %swap3A_1647 = arith.constant 0 : i32
      %swap3A_1648 = arith.index_cast %swap3A_1647 : i32 to index
      %swap3A_1649 = arith.constant 64 : index
      %swap3A_1650 = tpu.vector_load %arg11[%swap3A_1648, %swap3A_1649] {strides = array<i32>} : memref<2x128xi32, #tpu.memory_space<vmem>>, vector<16xi32>,
      tpu.vector_store %arg11[%swap3A_1648, %swap3A_1649], %select_n3A_1646 {strides = array<i32>} : memref<2x128xi32, #tpu.memory_space<vmem>>, vector<16xi32>,
      %get3A_1651 = arith.constant 0 : i32
      %get3A_1652 = arith.index_cast %get3A_1651 : i32 to index
      %get3A_1653 = arith.constant 80 : index
      %get3A_1654 = tpu.vector_load %arg8[%get3A_1652, %get3A_1653] {strides = array<i32>} : memref<2x128xi32, #tpu.memory_space<vmem>>, vector<16xi32>,
      %get3A_1655 = arith.constant 0 : i32
      %get3A_1656 = arith.index_cast %get3A_1655 : i32 to index
      %get3A_1657 = arith.constant 80 : index
      %get3A_1658 = tpu.vector_load %arg9[%get3A_1656, %get3A_1657] {strides = array<i32>} : memref<2x128xi32, #tpu.memory_space<vmem>>, vector<16xi32>,
      %ne3A_1659 = arith.constant 0 : i32
      %ne3A_1660 = vector.broadcast %ne3A_1659 : i32 to vector<16xi32>
      %ne3A_1661 = arith.cmpi ne, %get3A_1654, %ne3A_1660 : vector<16xi32>
      %ne3A_1662 = arith.constant -1 : i32
      %ne3A_1663 = vector.broadcast %ne3A_1662 : i32 to vector<16xi32>
      %ne3A_1664 = arith.cmpi ne, %get3A_1658, %ne3A_1663 : vector<16xi32>
      %and3A_1665 = arith.andi %ne3A_1661, %ne3A_1664 : vector<16xi1>
      %ge3A_1666 = arith.constant 0 : i32
      %ge3A_1667 = vector.broadcast %ge3A_1666 : i32 to vector<16xi32>
      %ge3A_1668 = arith.cmpi sge, %get3A_1658, %ge3A_1667 : vector<16xi32>
      %and3A_1669 = arith.andi %and3A_1665, %ge3A_1668 : vector<16xi1>
      %select_n3A_1670 = arith.select %and3A_1669, %get3A_1658, %get3A_1654 : vector<16xi1>, vector<16xi32>
      %mul3A_1671 = arith.constant 128 : i32
      %mul3A_1672 = vector.broadcast %mul3A_1671 : i32 to vector<16xi32>
      %mul3A_1673 = arith.muli %select_n3A_1670, %mul3A_1672 : vector<16xi32>
      %swap3A_1674 = arith.constant 80 : index
      %swap3A_1675 = tpu.vector_load %arg10[%swap3A_1674] {strides = array<i32>} : memref<128xi32, #tpu.memory_space<vmem>>, vector<16xi32>,
      tpu.vector_store %arg10[%swap3A_1674], %mul3A_1673 {strides = array<i32>} : memref<128xi32, #tpu.memory_space<vmem>>, vector<16xi32>,
      %jit3A_1676 = arith.constant -100 : i32
      %broadcast_in_dim3A_1677 = vector.broadcast %jit3A_1676 : i32 to vector<16xi32>
      %select_n3A_1678 = arith.select %and3A_1665, %get3A_1654, %broadcast_in_dim3A_1677 : vector<16xi1>, vector<16xi32>
      %swap3A_1679 = arith.constant 0 : i32
      %swap3A_1680 = arith.index_cast %swap3A_1679 : i32 to index
      %swap3A_1681 = arith.constant 80 : index
      %swap3A_1682 = tpu.vector_load %arg11[%swap3A_1680, %swap3A_1681] {strides = array<i32>} : memref<2x128xi32, #tpu.memory_space<vmem>>, vector<16xi32>,
      tpu.vector_store %arg11[%swap3A_1680, %swap3A_1681], %select_n3A_1678 {strides = array<i32>} : memref<2x128xi32, #tpu.memory_space<vmem>>, vector<16xi32>,
      %get3A_1683 = arith.constant 0 : i32
      %get3A_1684 = arith.index_cast %get3A_1683 : i32 to index
      %get3A_1685 = arith.constant 96 : index
      %get3A_1686 = tpu.vector_load %arg8[%get3A_1684, %get3A_1685] {strides = array<i32>} : memref<2x128xi32, #tpu.memory_space<vmem>>, vector<16xi32>,
      %get3A_1687 = arith.constant 0 : i32
      %get3A_1688 = arith.index_cast %get3A_1687 : i32 to index
      %get3A_1689 = arith.constant 96 : index
      %get3A_1690 = tpu.vector_load %arg9[%get3A_1688, %get3A_1689] {strides = array<i32>} : memref<2x128xi32, #tpu.memory_space<vmem>>, vector<16xi32>,
      %ne3A_1691 = arith.constant 0 : i32
      %ne3A_1692 = vector.broadcast %ne3A_1691 : i32 to vector<16xi32>
      %ne3A_1693 = arith.cmpi ne, %get3A_1686, %ne3A_1692 : vector<16xi32>
      %ne3A_1694 = arith.constant -1 : i32
      %ne3A_1695 = vector.broadcast %ne3A_1694 : i32 to vector<16xi32>
      %ne3A_1696 = arith.cmpi ne, %get3A_1690, %ne3A_1695 : vector<16xi32>
      %and3A_1697 = arith.andi %ne3A_1693, %ne3A_1696 : vector<16xi1>
      %ge3A_1698 = arith.constant 0 : i32
      %ge3A_1699 = vector.broadcast %ge3A_1698 : i32 to vector<16xi32>
      %ge3A_1700 = arith.cmpi sge, %get3A_1690, %ge3A_1699 : vector<16xi32>
      %and3A_1701 = arith.andi %and3A_1697, %ge3A_1700 : vector<16xi1>
      %select_n3A_1702 = arith.select %and3A_1701, %get3A_1690, %get3A_1686 : vector<16xi1>, vector<16xi32>
      %mul3A_1703 = arith.constant 128 : i32
      %mul3A_1704 = vector.broadcast %mul3A_1703 : i32 to vector<16xi32>
      %mul3A_1705 = arith.muli %select_n3A_1702, %mul3A_1704 : vector<16xi32>
      %swap3A_1706 = arith.constant 96 : index
      %swap3A_1707 = tpu.vector_load %arg10[%swap3A_1706] {strides = array<i32>} : memref<128xi32, #tpu.memory_space<vmem>>, vector<16xi32>,
      tpu.vector_store %arg10[%swap3A_1706], %mul3A_1705 {strides = array<i32>} : memref<128xi32, #tpu.memory_space<vmem>>, vector<16xi32>,
      %jit3A_1708 = arith.constant -100 : i32
      %broadcast_in_dim3A_1709 = vector.broadcast %jit3A_1708 : i32 to vector<16xi32>
      %select_n3A_1710 = arith.select %and3A_1697, %get3A_1686, %broadcast_in_dim3A_1709 : vector<16xi1>, vector<16xi32>
      %swap3A_1711 = arith.constant 0 : i32
      %swap3A_1712 = arith.index_cast %swap3A_1711 : i32 to index
      %swap3A_1713 = arith.constant 96 : index
      %swap3A_1714 = tpu.vector_load %arg11[%swap3A_1712, %swap3A_1713] {strides = array<i32>} : memref<2x128xi32, #tpu.memory_space<vmem>>, vector<16xi32>,
      tpu.vector_store %arg11[%swap3A_1712, %swap3A_1713], %select_n3A_1710 {strides = array<i32>} : memref<2x128xi32, #tpu.memory_space<vmem>>, vector<16xi32>,
      %get3A_1715 = arith.constant 0 : i32
      %get3A_1716 = arith.index_cast %get3A_1715 : i32 to index
      %get3A_1717 = arith.constant 112 : index
      %get3A_1718 = tpu.vector_load %arg8[%get3A_1716, %get3A_1717] {strides = array<i32>} : memref<2x128xi32, #tpu.memory_space<vmem>>, vector<16xi32>,
      %get3A_1719 = arith.constant 0 : i32
      %get3A_1720 = arith.index_cast %get3A_1719 : i32 to index
      %get3A_1721 = arith.constant 112 : index
      %get3A_1722 = tpu.vector_load %arg9[%get3A_1720, %get3A_1721] {strides = array<i32>} : memref<2x128xi32, #tpu.memory_space<vmem>>, vector<16xi32>,
      %ne3A_1723 = arith.constant 0 : i32
      %ne3A_1724 = vector.broadcast %ne3A_1723 : i32 to vector<16xi32>
      %ne3A_1725 = arith.cmpi ne, %get3A_1718, %ne3A_1724 : vector<16xi32>
      %ne3A_1726 = arith.constant -1 : i32
      %ne3A_1727 = vector.broadcast %ne3A_1726 : i32 to vector<16xi32>
      %ne3A_1728 = arith.cmpi ne, %get3A_1722, %ne3A_1727 : vector<16xi32>
      %and3A_1729 = arith.andi %ne3A_1725, %ne3A_1728 : vector<16xi1>
      %ge3A_1730 = arith.constant 0 : i32
      %ge3A_1731 = vector.broadcast %ge3A_1730 : i32 to vector<16xi32>
      %ge3A_1732 = arith.cmpi sge, %get3A_1722, %ge3A_1731 : vector<16xi32>
      %and3A_1733 = arith.andi %and3A_1729, %ge3A_1732 : vector<16xi1>
      %select_n3A_1734 = arith.select %and3A_1733, %get3A_1722, %get3A_1718 : vector<16xi1>, vector<16xi32>
      %mul3A_1735 = arith.constant 128 : i32
      %mul3A_1736 = vector.broadcast %mul3A_1735 : i32 to vector<16xi32>
      %mul3A_1737 = arith.muli %select_n3A_1734, %mul3A_1736 : vector<16xi32>
      %swap3A_1738 = arith.constant 112 : index
      %swap3A_1739 = tpu.vector_load %arg10[%swap3A_1738] {strides = array<i32>} : memref<128xi32, #tpu.memory_space<vmem>>, vector<16xi32>,
      tpu.vector_store %arg10[%swap3A_1738], %mul3A_1737 {strides = array<i32>} : memref<128xi32, #tpu.memory_space<vmem>>, vector<16xi32>,
      %jit3A_1740 = arith.constant -100 : i32
      %broadcast_in_dim3A_1741 = vector.broadcast %jit3A_1740 : i32 to vector<16xi32>
      %select_n3A_1742 = arith.select %and3A_1729, %get3A_1718, %broadcast_in_dim3A_1741 : vector<16xi1>, vector<16xi32>
      %swap3A_1743 = arith.constant 0 : i32
      %swap3A_1744 = arith.index_cast %swap3A_1743 : i32 to index
      %swap3A_1745 = arith.constant 112 : index
      %swap3A_1746 = tpu.vector_load %arg11[%swap3A_1744, %swap3A_1745] {strides = array<i32>} : memref<2x128xi32, #tpu.memory_space<vmem>>, vector<16xi32>,
      tpu.vector_store %arg11[%swap3A_1744, %swap3A_1745], %select_n3A_1742 {strides = array<i32>} : memref<2x128xi32, #tpu.memory_space<vmem>>, vector<16xi32>,
      %scan3A_1747 = arith.constant 0 : i32
      %scan3A_1748 = arith.constant 0 : i32
      %scan3A_1749 = arith.constant 32 : i32
      %scan3A_1750 = arith.addi %scan3A_1748, %scan3A_1749 : i32
      %scan3A_1751 = arith.constant 1 : i32
      scf.for %scan3A_2163 = %scan3A_1748 to %scan3A_1750 step %scan3A_1751  : i32 {
        %mul3A_2164 = arith.constant 4 : i32
        %mul3A_2165 = arith.muli %scan3A_2163, %mul3A_2164 : i32
        %add3A_2166 = arith.constant 0 : i32
        %add3A_2167 = arith.addi %mul3A_2165, %add3A_2166 : i32
        %broadcast_in_dim3A_2168 = vector.broadcast %add3A_2167 : i32 to vector<16xi32>
        %gather3A = tpu.vector_load_idx %arg10[%broadcast_in_dim3A_2168] : memref<128xi32, #tpu.memory_space<vmem>>[vector<16xi32>], vector<16xi32>,
        %add3A_2169 = arith.addi %gather3A, %add3A_5 : vector<16xi32>
        %gather3A_2170 = tpu.vector_load_idx %arg7[%add3A_2169] : memref<4224xf32, #tpu.memory_space<vmem>>[vector<16xi32>], vector<16xf32>,
        %swap3A_2171 = arith.constant 0 : i32
        %swap3A_2172 = arith.index_cast %swap3A_2171 : i32 to index
        %swap3A_2173 = arith.index_cast %add3A_2167 : i32 to index
        %swap3A_2174 = arith.constant 0 : index
        %swap3A_2175 = tpu.vector_load %arg12[%swap3A_2172, %swap3A_2173, %swap3A_2174] {strides = array<i32>} : memref<2x128x128xf32, #tpu.memory_space<vmem>>, vector<16xf32>,
        tpu.vector_store %arg12[%swap3A_2172, %swap3A_2173, %swap3A_2174], %gather3A_2170 {strides = array<i32>} : memref<2x128x128xf32, #tpu.memory_space<vmem>>, vector<16xf32>,
        %add3A_2176 = arith.addi %gather3A, %add3A_8 : vector<16xi32>
        %gather3A_2177 = tpu.vector_load_idx %arg7[%add3A_2176] : memref<4224xf32, #tpu.memory_space<vmem>>[vector<16xi32>], vector<16xf32>,
        %swap3A_2178 = arith.constant 0 : i32
        %swap3A_2179 = arith.index_cast %swap3A_2178 : i32 to index
        %swap3A_2180 = arith.index_cast %add3A_2167 : i32 to index
        %swap3A_2181 = arith.constant 16 : index
        %swap3A_2182 = tpu.vector_load %arg12[%swap3A_2179, %swap3A_2180, %swap3A_2181] {strides = array<i32>} : memref<2x128x128xf32, #tpu.memory_space<vmem>>, vector<16xf32>,
        tpu.vector_store %arg12[%swap3A_2179, %swap3A_2180, %swap3A_2181], %gather3A_2177 {strides = array<i32>} : memref<2x128x128xf32, #tpu.memory_space<vmem>>, vector<16xf32>,
        %add3A_2183 = arith.addi %gather3A, %add3A_11 : vector<16xi32>
        %gather3A_2184 = tpu.vector_load_idx %arg7[%add3A_2183] : memref<4224xf32, #tpu.memory_space<vmem>>[vector<16xi32>], vector<16xf32>,
        %swap3A_2185 = arith.constant 0 : i32
        %swap3A_2186 = arith.index_cast %swap3A_2185 : i32 to index
        %swap3A_2187 = arith.index_cast %add3A_2167 : i32 to index
        %swap3A_2188 = arith.constant 32 : index
        %swap3A_2189 = tpu.vector_load %arg12[%swap3A_2186, %swap3A_2187, %swap3A_2188] {strides = array<i32>} : memref<2x128x128xf32, #tpu.memory_space<vmem>>, vector<16xf32>,
        tpu.vector_store %arg12[%swap3A_2186, %swap3A_2187, %swap3A_2188], %gather3A_2184 {strides = array<i32>} : memref<2x128x128xf32, #tpu.memory_space<vmem>>, vector<16xf32>,
        %add3A_2190 = arith.addi %gather3A, %add3A_14 : vector<16xi32>
        %gather3A_2191 = tpu.vector_load_idx %arg7[%add3A_2190] : memref<4224xf32, #tpu.memory_space<vmem>>[vector<16xi32>], vector<16xf32>,
        %swap3A_2192 = arith.constant 0 : i32
        %swap3A_2193 = arith.index_cast %swap3A_2192 : i32 to index
        %swap3A_2194 = arith.index_cast %add3A_2167 : i32 to index
        %swap3A_2195 = arith.constant 48 : index
        %swap3A_2196 = tpu.vector_load %arg12[%swap3A_2193, %swap3A_2194, %swap3A_2195] {strides = array<i32>} : memref<2x128x128xf32, #tpu.memory_space<vmem>>, vector<16xf32>,
        tpu.vector_store %arg12[%swap3A_2193, %swap3A_2194, %swap3A_2195], %gather3A_2191 {strides = array<i32>} : memref<2x128x128xf32, #tpu.memory_space<vmem>>, vector<16xf32>,
        %add3A_2197 = arith.addi %gather3A, %add3A_17 : vector<16xi32>
        %gather3A_2198 = tpu.vector_load_idx %arg7[%add3A_2197] : memref<4224xf32, #tpu.memory_space<vmem>>[vector<16xi32>], vector<16xf32>,
        %swap3A_2199 = arith.constant 0 : i32
        %swap3A_2200 = arith.index_cast %swap3A_2199 : i32 to index
        %swap3A_2201 = arith.index_cast %add3A_2167 : i32 to index
        %swap3A_2202 = arith.constant 64 : index
        %swap3A_2203 = tpu.vector_load %arg12[%swap3A_2200, %swap3A_2201, %swap3A_2202] {strides = array<i32>} : memref<2x128x128xf32, #tpu.memory_space<vmem>>, vector<16xf32>,
        tpu.vector_store %arg12[%swap3A_2200, %swap3A_2201, %swap3A_2202], %gather3A_2198 {strides = array<i32>} : memref<2x128x128xf32, #tpu.memory_space<vmem>>, vector<16xf32>,
        %add3A_2204 = arith.addi %gather3A, %add3A_20 : vector<16xi32>
        %gather3A_2205 = tpu.vector_load_idx %arg7[%add3A_2204] : memref<4224xf32, #tpu.memory_space<vmem>>[vector<16xi32>], vector<16xf32>,
        %swap3A_2206 = arith.constant 0 : i32
        %swap3A_2207 = arith.index_cast %swap3A_2206 : i32 to index
        %swap3A_2208 = arith.index_cast %add3A_2167 : i32 to index
        %swap3A_2209 = arith.constant 80 : index
        %swap3A_2210 = tpu.vector_load %arg12[%swap3A_2207, %swap3A_2208, %swap3A_2209] {strides = array<i32>} : memref<2x128x128xf32, #tpu.memory_space<vmem>>, vector<16xf32>,
        tpu.vector_store %arg12[%swap3A_2207, %swap3A_2208, %swap3A_2209], %gather3A_2205 {strides = array<i32>} : memref<2x128x128xf32, #tpu.memory_space<vmem>>, vector<16xf32>,
        %add3A_2211 = arith.addi %gather3A, %add3A_23 : vector<16xi32>
        %gather3A_2212 = tpu.vector_load_idx %arg7[%add3A_2211] : memref<4224xf32, #tpu.memory_space<vmem>>[vector<16xi32>], vector<16xf32>,
        %swap3A_2213 = arith.constant 0 : i32
        %swap3A_2214 = arith.index_cast %swap3A_2213 : i32 to index
        %swap3A_2215 = arith.index_cast %add3A_2167 : i32 to index
        %swap3A_2216 = arith.constant 96 : index
        %swap3A_2217 = tpu.vector_load %arg12[%swap3A_2214, %swap3A_2215, %swap3A_2216] {strides = array<i32>} : memref<2x128x128xf32, #tpu.memory_space<vmem>>, vector<16xf32>,
        tpu.vector_store %arg12[%swap3A_2214, %swap3A_2215, %swap3A_2216], %gather3A_2212 {strides = array<i32>} : memref<2x128x128xf32, #tpu.memory_space<vmem>>, vector<16xf32>,
        %add3A_2218 = arith.addi %gather3A, %add3A_26 : vector<16xi32>
        %gather3A_2219 = tpu.vector_load_idx %arg7[%add3A_2218] : memref<4224xf32, #tpu.memory_space<vmem>>[vector<16xi32>], vector<16xf32>,
        %swap3A_2220 = arith.constant 0 : i32
        %swap3A_2221 = arith.index_cast %swap3A_2220 : i32 to index
        %swap3A_2222 = arith.index_cast %add3A_2167 : i32 to index
        %swap3A_2223 = arith.constant 112 : index
        %swap3A_2224 = tpu.vector_load %arg12[%swap3A_2221, %swap3A_2222, %swap3A_2223] {strides = array<i32>} : memref<2x128x128xf32, #tpu.memory_space<vmem>>, vector<16xf32>,
        tpu.vector_store %arg12[%swap3A_2221, %swap3A_2222, %swap3A_2223], %gather3A_2219 {strides = array<i32>} : memref<2x128x128xf32, #tpu.memory_space<vmem>>, vector<16xf32>,
        %mul3A_2225 = arith.constant 4 : i32
        %mul3A_2226 = arith.muli %scan3A_2163, %mul3A_2225 : i32
        %add3A_2227 = arith.constant 1 : i32
        %add3A_2228 = arith.addi %mul3A_2226, %add3A_2227 : i32
        %broadcast_in_dim3A_2229 = vector.broadcast %add3A_2228 : i32 to vector<16xi32>
        %gather3A_2230 = tpu.vector_load_idx %arg10[%broadcast_in_dim3A_2229] : memref<128xi32, #tpu.memory_space<vmem>>[vector<16xi32>], vector<16xi32>,
        %add3A_2231 = arith.addi %gather3A_2230, %add3A_5 : vector<16xi32>
        %gather3A_2232 = tpu.vector_load_idx %arg7[%add3A_2231] : memref<4224xf32, #tpu.memory_space<vmem>>[vector<16xi32>], vector<16xf32>,
        %swap3A_2233 = arith.constant 0 : i32
        %swap3A_2234 = arith.index_cast %swap3A_2233 : i32 to index
        %swap3A_2235 = arith.index_cast %add3A_2228 : i32 to index
        %swap3A_2236 = arith.constant 0 : index
        %swap3A_2237 = tpu.vector_load %arg12[%swap3A_2234, %swap3A_2235, %swap3A_2236] {strides = array<i32>} : memref<2x128x128xf32, #tpu.memory_space<vmem>>, vector<16xf32>,
        tpu.vector_store %arg12[%swap3A_2234, %swap3A_2235, %swap3A_2236], %gather3A_2232 {strides = array<i32>} : memref<2x128x128xf32, #tpu.memory_space<vmem>>, vector<16xf32>,
        %add3A_2238 = arith.addi %gather3A_2230, %add3A_8 : vector<16xi32>
        %gather3A_2239 = tpu.vector_load_idx %arg7[%add3A_2238] : memref<4224xf32, #tpu.memory_space<vmem>>[vector<16xi32>], vector<16xf32>,
        %swap3A_2240 = arith.constant 0 : i32
        %swap3A_2241 = arith.index_cast %swap3A_2240 : i32 to index
        %swap3A_2242 = arith.index_cast %add3A_2228 : i32 to index
        %swap3A_2243 = arith.constant 16 : index
        %swap3A_2244 = tpu.vector_load %arg12[%swap3A_2241, %swap3A_2242, %swap3A_2243] {strides = array<i32>} : memref<2x128x128xf32, #tpu.memory_space<vmem>>, vector<16xf32>,
        tpu.vector_store %arg12[%swap3A_2241, %swap3A_2242, %swap3A_2243], %gather3A_2239 {strides = array<i32>} : memref<2x128x128xf32, #tpu.memory_space<vmem>>, vector<16xf32>,
        %add3A_2245 = arith.addi %gather3A_2230, %add3A_11 : vector<16xi32>
        %gather3A_2246 = tpu.vector_load_idx %arg7[%add3A_2245] : memref<4224xf32, #tpu.memory_space<vmem>>[vector<16xi32>], vector<16xf32>,
        %swap3A_2247 = arith.constant 0 : i32
        %swap3A_2248 = arith.index_cast %swap3A_2247 : i32 to index
        %swap3A_2249 = arith.index_cast %add3A_2228 : i32 to index
        %swap3A_2250 = arith.constant 32 : index
        %swap3A_2251 = tpu.vector_load %arg12[%swap3A_2248, %swap3A_2249, %swap3A_2250] {strides = array<i32>} : memref<2x128x128xf32, #tpu.memory_space<vmem>>, vector<16xf32>,
        tpu.vector_store %arg12[%swap3A_2248, %swap3A_2249, %swap3A_2250], %gather3A_2246 {strides = array<i32>} : memref<2x128x128xf32, #tpu.memory_space<vmem>>, vector<16xf32>,
        %add3A_2252 = arith.addi %gather3A_2230, %add3A_14 : vector<16xi32>
        %gather3A_2253 = tpu.vector_load_idx %arg7[%add3A_2252] : memref<4224xf32, #tpu.memory_space<vmem>>[vector<16xi32>], vector<16xf32>,
        %swap3A_2254 = arith.constant 0 : i32
        %swap3A_2255 = arith.index_cast %swap3A_2254 : i32 to index
        %swap3A_2256 = arith.index_cast %add3A_2228 : i32 to index
        %swap3A_2257 = arith.constant 48 : index
        %swap3A_2258 = tpu.vector_load %arg12[%swap3A_2255, %swap3A_2256, %swap3A_2257] {strides = array<i32>} : memref<2x128x128xf32, #tpu.memory_space<vmem>>, vector<16xf32>,
        tpu.vector_store %arg12[%swap3A_2255, %swap3A_2256, %swap3A_2257], %gather3A_2253 {strides = array<i32>} : memref<2x128x128xf32, #tpu.memory_space<vmem>>, vector<16xf32>,
        %add3A_2259 = arith.addi %gather3A_2230, %add3A_17 : vector<16xi32>
        %gather3A_2260 = tpu.vector_load_idx %arg7[%add3A_2259] : memref<4224xf32, #tpu.memory_space<vmem>>[vector<16xi32>], vector<16xf32>,
        %swap3A_2261 = arith.constant 0 : i32
        %swap3A_2262 = arith.index_cast %swap3A_2261 : i32 to index
        %swap3A_2263 = arith.index_cast %add3A_2228 : i32 to index
        %swap3A_2264 = arith.constant 64 : index
        %swap3A_2265 = tpu.vector_load %arg12[%swap3A_2262, %swap3A_2263, %swap3A_2264] {strides = array<i32>} : memref<2x128x128xf32, #tpu.memory_space<vmem>>, vector<16xf32>,
        tpu.vector_store %arg12[%swap3A_2262, %swap3A_2263, %swap3A_2264], %gather3A_2260 {strides = array<i32>} : memref<2x128x128xf32, #tpu.memory_space<vmem>>, vector<16xf32>,
        %add3A_2266 = arith.addi %gather3A_2230, %add3A_20 : vector<16xi32>
        %gather3A_2267 = tpu.vector_load_idx %arg7[%add3A_2266] : memref<4224xf32, #tpu.memory_space<vmem>>[vector<16xi32>], vector<16xf32>,
        %swap3A_2268 = arith.constant 0 : i32
        %swap3A_2269 = arith.index_cast %swap3A_2268 : i32 to index
        %swap3A_2270 = arith.index_cast %add3A_2228 : i32 to index
        %swap3A_2271 = arith.constant 80 : index
        %swap3A_2272 = tpu.vector_load %arg12[%swap3A_2269, %swap3A_2270, %swap3A_2271] {strides = array<i32>} : memref<2x128x128xf32, #tpu.memory_space<vmem>>, vector<16xf32>,
        tpu.vector_store %arg12[%swap3A_2269, %swap3A_2270, %swap3A_2271], %gather3A_2267 {strides = array<i32>} : memref<2x128x128xf32, #tpu.memory_space<vmem>>, vector<16xf32>,
        %add3A_2273 = arith.addi %gather3A_2230, %add3A_23 : vector<16xi32>
        %gather3A_2274 = tpu.vector_load_idx %arg7[%add3A_2273] : memref<4224xf32, #tpu.memory_space<vmem>>[vector<16xi32>], vector<16xf32>,
        %swap3A_2275 = arith.constant 0 : i32
        %swap3A_2276 = arith.index_cast %swap3A_2275 : i32 to index
        %swap3A_2277 = arith.index_cast %add3A_2228 : i32 to index
        %swap3A_2278 = arith.constant 96 : index
        %swap3A_2279 = tpu.vector_load %arg12[%swap3A_2276, %swap3A_2277, %swap3A_2278] {strides = array<i32>} : memref<2x128x128xf32, #tpu.memory_space<vmem>>, vector<16xf32>,
        tpu.vector_store %arg12[%swap3A_2276, %swap3A_2277, %swap3A_2278], %gather3A_2274 {strides = array<i32>} : memref<2x128x128xf32, #tpu.memory_space<vmem>>, vector<16xf32>,
        %add3A_2280 = arith.addi %gather3A_2230, %add3A_26 : vector<16xi32>
        %gather3A_2281 = tpu.vector_load_idx %arg7[%add3A_2280] : memref<4224xf32, #tpu.memory_space<vmem>>[vector<16xi32>], vector<16xf32>,
        %swap3A_2282 = arith.constant 0 : i32
        %swap3A_2283 = arith.index_cast %swap3A_2282 : i32 to index
        %swap3A_2284 = arith.index_cast %add3A_2228 : i32 to index
        %swap3A_2285 = arith.constant 112 : index
        %swap3A_2286 = tpu.vector_load %arg12[%swap3A_2283, %swap3A_2284, %swap3A_2285] {strides = array<i32>} : memref<2x128x128xf32, #tpu.memory_space<vmem>>, vector<16xf32>,
        tpu.vector_store %arg12[%swap3A_2283, %swap3A_2284, %swap3A_2285], %gather3A_2281 {strides = array<i32>} : memref<2x128x128xf32, #tpu.memory_space<vmem>>, vector<16xf32>,
        %mul3A_2287 = arith.constant 4 : i32
        %mul3A_2288 = arith.muli %scan3A_2163, %mul3A_2287 : i32
        %add3A_2289 = arith.constant 2 : i32
        %add3A_2290 = arith.addi %mul3A_2288, %add3A_2289 : i32
        %broadcast_in_dim3A_2291 = vector.broadcast %add3A_2290 : i32 to vector<16xi32>
        %gather3A_2292 = tpu.vector_load_idx %arg10[%broadcast_in_dim3A_2291] : memref<128xi32, #tpu.memory_space<vmem>>[vector<16xi32>], vector<16xi32>,
        %add3A_2293 = arith.addi %gather3A_2292, %add3A_5 : vector<16xi32>
        %gather3A_2294 = tpu.vector_load_idx %arg7[%add3A_2293] : memref<4224xf32, #tpu.memory_space<vmem>>[vector<16xi32>], vector<16xf32>,
        %swap3A_2295 = arith.constant 0 : i32
        %swap3A_2296 = arith.index_cast %swap3A_2295 : i32 to index
        %swap3A_2297 = arith.index_cast %add3A_2290 : i32 to index
        %swap3A_2298 = arith.constant 0 : index
        %swap3A_2299 = tpu.vector_load %arg12[%swap3A_2296, %swap3A_2297, %swap3A_2298] {strides = array<i32>} : memref<2x128x128xf32, #tpu.memory_space<vmem>>, vector<16xf32>,
        tpu.vector_store %arg12[%swap3A_2296, %swap3A_2297, %swap3A_2298], %gather3A_2294 {strides = array<i32>} : memref<2x128x128xf32, #tpu.memory_space<vmem>>, vector<16xf32>,
        %add3A_2300 = arith.addi %gather3A_2292, %add3A_8 : vector<16xi32>
        %gather3A_2301 = tpu.vector_load_idx %arg7[%add3A_2300] : memref<4224xf32, #tpu.memory_space<vmem>>[vector<16xi32>], vector<16xf32>,
        %swap3A_2302 = arith.constant 0 : i32
        %swap3A_2303 = arith.index_cast %swap3A_2302 : i32 to index
        %swap3A_2304 = arith.index_cast %add3A_2290 : i32 to index
        %swap3A_2305 = arith.constant 16 : index
        %swap3A_2306 = tpu.vector_load %arg12[%swap3A_2303, %swap3A_2304, %swap3A_2305] {strides = array<i32>} : memref<2x128x128xf32, #tpu.memory_space<vmem>>, vector<16xf32>,
        tpu.vector_store %arg12[%swap3A_2303, %swap3A_2304, %swap3A_2305], %gather3A_2301 {strides = array<i32>} : memref<2x128x128xf32, #tpu.memory_space<vmem>>, vector<16xf32>,
        %add3A_2307 = arith.addi %gather3A_2292, %add3A_11 : vector<16xi32>
        %gather3A_2308 = tpu.vector_load_idx %arg7[%add3A_2307] : memref<4224xf32, #tpu.memory_space<vmem>>[vector<16xi32>], vector<16xf32>,
        %swap3A_2309 = arith.constant 0 : i32
        %swap3A_2310 = arith.index_cast %swap3A_2309 : i32 to index
        %swap3A_2311 = arith.index_cast %add3A_2290 : i32 to index
        %swap3A_2312 = arith.constant 32 : index
        %swap3A_2313 = tpu.vector_load %arg12[%swap3A_2310, %swap3A_2311, %swap3A_2312] {strides = array<i32>} : memref<2x128x128xf32, #tpu.memory_space<vmem>>, vector<16xf32>,
        tpu.vector_store %arg12[%swap3A_2310, %swap3A_2311, %swap3A_2312], %gather3A_2308 {strides = array<i32>} : memref<2x128x128xf32, #tpu.memory_space<vmem>>, vector<16xf32>,
        %add3A_2314 = arith.addi %gather3A_2292, %add3A_14 : vector<16xi32>
        %gather3A_2315 = tpu.vector_load_idx %arg7[%add3A_2314] : memref<4224xf32, #tpu.memory_space<vmem>>[vector<16xi32>], vector<16xf32>,
        %swap3A_2316 = arith.constant 0 : i32
        %swap3A_2317 = arith.index_cast %swap3A_2316 : i32 to index
        %swap3A_2318 = arith.index_cast %add3A_2290 : i32 to index
        %swap3A_2319 = arith.constant 48 : index
        %swap3A_2320 = tpu.vector_load %arg12[%swap3A_2317, %swap3A_2318, %swap3A_2319] {strides = array<i32>} : memref<2x128x128xf32, #tpu.memory_space<vmem>>, vector<16xf32>,
        tpu.vector_store %arg12[%swap3A_2317, %swap3A_2318, %swap3A_2319], %gather3A_2315 {strides = array<i32>} : memref<2x128x128xf32, #tpu.memory_space<vmem>>, vector<16xf32>,
        %add3A_2321 = arith.addi %gather3A_2292, %add3A_17 : vector<16xi32>
        %gather3A_2322 = tpu.vector_load_idx %arg7[%add3A_2321] : memref<4224xf32, #tpu.memory_space<vmem>>[vector<16xi32>], vector<16xf32>,
        %swap3A_2323 = arith.constant 0 : i32
        %swap3A_2324 = arith.index_cast %swap3A_2323 : i32 to index
        %swap3A_2325 = arith.index_cast %add3A_2290 : i32 to index
        %swap3A_2326 = arith.constant 64 : index
        %swap3A_2327 = tpu.vector_load %arg12[%swap3A_2324, %swap3A_2325, %swap3A_2326] {strides = array<i32>} : memref<2x128x128xf32, #tpu.memory_space<vmem>>, vector<16xf32>,
        tpu.vector_store %arg12[%swap3A_2324, %swap3A_2325, %swap3A_2326], %gather3A_2322 {strides = array<i32>} : memref<2x128x128xf32, #tpu.memory_space<vmem>>, vector<16xf32>,
        %add3A_2328 = arith.addi %gather3A_2292, %add3A_20 : vector<16xi32>
        %gather3A_2329 = tpu.vector_load_idx %arg7[%add3A_2328] : memref<4224xf32, #tpu.memory_space<vmem>>[vector<16xi32>], vector<16xf32>,
        %swap3A_2330 = arith.constant 0 : i32
        %swap3A_2331 = arith.index_cast %swap3A_2330 : i32 to index
        %swap3A_2332 = arith.index_cast %add3A_2290 : i32 to index
        %swap3A_2333 = arith.constant 80 : index
        %swap3A_2334 = tpu.vector_load %arg12[%swap3A_2331, %swap3A_2332, %swap3A_2333] {strides = array<i32>} : memref<2x128x128xf32, #tpu.memory_space<vmem>>, vector<16xf32>,
        tpu.vector_store %arg12[%swap3A_2331, %swap3A_2332, %swap3A_2333], %gather3A_2329 {strides = array<i32>} : memref<2x128x128xf32, #tpu.memory_space<vmem>>, vector<16xf32>,
        %add3A_2335 = arith.addi %gather3A_2292, %add3A_23 : vector<16xi32>
        %gather3A_2336 = tpu.vector_load_idx %arg7[%add3A_2335] : memref<4224xf32, #tpu.memory_space<vmem>>[vector<16xi32>], vector<16xf32>,
        %swap3A_2337 = arith.constant 0 : i32
        %swap3A_2338 = arith.index_cast %swap3A_2337 : i32 to index
        %swap3A_2339 = arith.index_cast %add3A_2290 : i32 to index
        %swap3A_2340 = arith.constant 96 : index
        %swap3A_2341 = tpu.vector_load %arg12[%swap3A_2338, %swap3A_2339, %swap3A_2340] {strides = array<i32>} : memref<2x128x128xf32, #tpu.memory_space<vmem>>, vector<16xf32>,
        tpu.vector_store %arg12[%swap3A_2338, %swap3A_2339, %swap3A_2340], %gather3A_2336 {strides = array<i32>} : memref<2x128x128xf32, #tpu.memory_space<vmem>>, vector<16xf32>,
        %add3A_2342 = arith.addi %gather3A_2292, %add3A_26 : vector<16xi32>
        %gather3A_2343 = tpu.vector_load_idx %arg7[%add3A_2342] : memref<4224xf32, #tpu.memory_space<vmem>>[vector<16xi32>], vector<16xf32>,
        %swap3A_2344 = arith.constant 0 : i32
        %swap3A_2345 = arith.index_cast %swap3A_2344 : i32 to index
        %swap3A_2346 = arith.index_cast %add3A_2290 : i32 to index
        %swap3A_2347 = arith.constant 112 : index
        %swap3A_2348 = tpu.vector_load %arg12[%swap3A_2345, %swap3A_2346, %swap3A_2347] {strides = array<i32>} : memref<2x128x128xf32, #tpu.memory_space<vmem>>, vector<16xf32>,
        tpu.vector_store %arg12[%swap3A_2345, %swap3A_2346, %swap3A_2347], %gather3A_2343 {strides = array<i32>} : memref<2x128x128xf32, #tpu.memory_space<vmem>>, vector<16xf32>,
        %mul3A_2349 = arith.constant 4 : i32
        %mul3A_2350 = arith.muli %scan3A_2163, %mul3A_2349 : i32
        %add3A_2351 = arith.constant 3 : i32
        %add3A_2352 = arith.addi %mul3A_2350, %add3A_2351 : i32
        %broadcast_in_dim3A_2353 = vector.broadcast %add3A_2352 : i32 to vector<16xi32>
        %gather3A_2354 = tpu.vector_load_idx %arg10[%broadcast_in_dim3A_2353] : memref<128xi32, #tpu.memory_space<vmem>>[vector<16xi32>], vector<16xi32>,
        %add3A_2355 = arith.addi %gather3A_2354, %add3A_5 : vector<16xi32>
        %gather3A_2356 = tpu.vector_load_idx %arg7[%add3A_2355] : memref<4224xf32, #tpu.memory_space<vmem>>[vector<16xi32>], vector<16xf32>,
        %swap3A_2357 = arith.constant 0 : i32
        %swap3A_2358 = arith.index_cast %swap3A_2357 : i32 to index
        %swap3A_2359 = arith.index_cast %add3A_2352 : i32 to index
        %swap3A_2360 = arith.constant 0 : index
        %swap3A_2361 = tpu.vector_load %arg12[%swap3A_2358, %swap3A_2359, %swap3A_2360] {strides = array<i32>} : memref<2x128x128xf32, #tpu.memory_space<vmem>>, vector<16xf32>,
        tpu.vector_store %arg12[%swap3A_2358, %swap3A_2359, %swap3A_2360], %gather3A_2356 {strides = array<i32>} : memref<2x128x128xf32, #tpu.memory_space<vmem>>, vector<16xf32>,
        %add3A_2362 = arith.addi %gather3A_2354, %add3A_8 : vector<16xi32>
        %gather3A_2363 = tpu.vector_load_idx %arg7[%add3A_2362] : memref<4224xf32, #tpu.memory_space<vmem>>[vector<16xi32>], vector<16xf32>,
        %swap3A_2364 = arith.constant 0 : i32
        %swap3A_2365 = arith.index_cast %swap3A_2364 : i32 to index
        %swap3A_2366 = arith.index_cast %add3A_2352 : i32 to index
        %swap3A_2367 = arith.constant 16 : index
        %swap3A_2368 = tpu.vector_load %arg12[%swap3A_2365, %swap3A_2366, %swap3A_2367] {strides = array<i32>} : memref<2x128x128xf32, #tpu.memory_space<vmem>>, vector<16xf32>,
        tpu.vector_store %arg12[%swap3A_2365, %swap3A_2366, %swap3A_2367], %gather3A_2363 {strides = array<i32>} : memref<2x128x128xf32, #tpu.memory_space<vmem>>, vector<16xf32>,
        %add3A_2369 = arith.addi %gather3A_2354, %add3A_11 : vector<16xi32>
        %gather3A_2370 = tpu.vector_load_idx %arg7[%add3A_2369] : memref<4224xf32, #tpu.memory_space<vmem>>[vector<16xi32>], vector<16xf32>,
        %swap3A_2371 = arith.constant 0 : i32
        %swap3A_2372 = arith.index_cast %swap3A_2371 : i32 to index
        %swap3A_2373 = arith.index_cast %add3A_2352 : i32 to index
        %swap3A_2374 = arith.constant 32 : index
        %swap3A_2375 = tpu.vector_load %arg12[%swap3A_2372, %swap3A_2373, %swap3A_2374] {strides = array<i32>} : memref<2x128x128xf32, #tpu.memory_space<vmem>>, vector<16xf32>,
        tpu.vector_store %arg12[%swap3A_2372, %swap3A_2373, %swap3A_2374], %gather3A_2370 {strides = array<i32>} : memref<2x128x128xf32, #tpu.memory_space<vmem>>, vector<16xf32>,
        %add3A_2376 = arith.addi %gather3A_2354, %add3A_14 : vector<16xi32>
        %gather3A_2377 = tpu.vector_load_idx %arg7[%add3A_2376] : memref<4224xf32, #tpu.memory_space<vmem>>[vector<16xi32>], vector<16xf32>,
        %swap3A_2378 = arith.constant 0 : i32
        %swap3A_2379 = arith.index_cast %swap3A_2378 : i32 to index
        %swap3A_2380 = arith.index_cast %add3A_2352 : i32 to index
        %swap3A_2381 = arith.constant 48 : index
        %swap3A_2382 = tpu.vector_load %arg12[%swap3A_2379, %swap3A_2380, %swap3A_2381] {strides = array<i32>} : memref<2x128x128xf32, #tpu.memory_space<vmem>>, vector<16xf32>,
        tpu.vector_store %arg12[%swap3A_2379, %swap3A_2380, %swap3A_2381], %gather3A_2377 {strides = array<i32>} : memref<2x128x128xf32, #tpu.memory_space<vmem>>, vector<16xf32>,
        %add3A_2383 = arith.addi %gather3A_2354, %add3A_17 : vector<16xi32>
        %gather3A_2384 = tpu.vector_load_idx %arg7[%add3A_2383] : memref<4224xf32, #tpu.memory_space<vmem>>[vector<16xi32>], vector<16xf32>,
        %swap3A_2385 = arith.constant 0 : i32
        %swap3A_2386 = arith.index_cast %swap3A_2385 : i32 to index
        %swap3A_2387 = arith.index_cast %add3A_2352 : i32 to index
        %swap3A_2388 = arith.constant 64 : index
        %swap3A_2389 = tpu.vector_load %arg12[%swap3A_2386, %swap3A_2387, %swap3A_2388] {strides = array<i32>} : memref<2x128x128xf32, #tpu.memory_space<vmem>>, vector<16xf32>,
        tpu.vector_store %arg12[%swap3A_2386, %swap3A_2387, %swap3A_2388], %gather3A_2384 {strides = array<i32>} : memref<2x128x128xf32, #tpu.memory_space<vmem>>, vector<16xf32>,
        %add3A_2390 = arith.addi %gather3A_2354, %add3A_20 : vector<16xi32>
        %gather3A_2391 = tpu.vector_load_idx %arg7[%add3A_2390] : memref<4224xf32, #tpu.memory_space<vmem>>[vector<16xi32>], vector<16xf32>,
        %swap3A_2392 = arith.constant 0 : i32
        %swap3A_2393 = arith.index_cast %swap3A_2392 : i32 to index
        %swap3A_2394 = arith.index_cast %add3A_2352 : i32 to index
        %swap3A_2395 = arith.constant 80 : index
        %swap3A_2396 = tpu.vector_load %arg12[%swap3A_2393, %swap3A_2394, %swap3A_2395] {strides = array<i32>} : memref<2x128x128xf32, #tpu.memory_space<vmem>>, vector<16xf32>,
        tpu.vector_store %arg12[%swap3A_2393, %swap3A_2394, %swap3A_2395], %gather3A_2391 {strides = array<i32>} : memref<2x128x128xf32, #tpu.memory_space<vmem>>, vector<16xf32>,
        %add3A_2397 = arith.addi %gather3A_2354, %add3A_23 : vector<16xi32>
        %gather3A_2398 = tpu.vector_load_idx %arg7[%add3A_2397] : memref<4224xf32, #tpu.memory_space<vmem>>[vector<16xi32>], vector<16xf32>,
        %swap3A_2399 = arith.constant 0 : i32
        %swap3A_2400 = arith.index_cast %swap3A_2399 : i32 to index
        %swap3A_2401 = arith.index_cast %add3A_2352 : i32 to index
        %swap3A_2402 = arith.constant 96 : index
        %swap3A_2403 = tpu.vector_load %arg12[%swap3A_2400, %swap3A_2401, %swap3A_2402] {strides = array<i32>} : memref<2x128x128xf32, #tpu.memory_space<vmem>>, vector<16xf32>,
        tpu.vector_store %arg12[%swap3A_2400, %swap3A_2401, %swap3A_2402], %gather3A_2398 {strides = array<i32>} : memref<2x128x128xf32, #tpu.memory_space<vmem>>, vector<16xf32>,
        %add3A_2404 = arith.addi %gather3A_2354, %add3A_26 : vector<16xi32>
        %gather3A_2405 = tpu.vector_load_idx %arg7[%add3A_2404] : memref<4224xf32, #tpu.memory_space<vmem>>[vector<16xi32>], vector<16xf32>,
        %swap3A_2406 = arith.constant 0 : i32
        %swap3A_2407 = arith.index_cast %swap3A_2406 : i32 to index
        %swap3A_2408 = arith.index_cast %add3A_2352 : i32 to index
        %swap3A_2409 = arith.constant 112 : index
        %swap3A_2410 = tpu.vector_load %arg12[%swap3A_2407, %swap3A_2408, %swap3A_2409] {strides = array<i32>} : memref<2x128x128xf32, #tpu.memory_space<vmem>>, vector<16xf32>,
        tpu.vector_store %arg12[%swap3A_2407, %swap3A_2408, %swap3A_2409], %gather3A_2405 {strides = array<i32>} : memref<2x128x128xf32, #tpu.memory_space<vmem>>, vector<16xf32>,
      }
      %scan3A_1752 = arith.constant 32 : i32
      %mul3A_1753 = arith.constant 128 : i32
      %mul3A_1754 = arith.muli %add3A_1442, %mul3A_1753 : i32
      %add3A_1755 = arith.addi %mul3A_2, %mul3A_1754 : i32
      %dma_start3A_1756 = arith.constant 0 : i32
      %dma_start3A_1757 = arith.constant 0 : i32
      %dma_start3A_1758 = arith.constant 0 : i32
      %dma_start3A_1759 = tpu.memref_slice %arg12[%dma_start3A_1756, %dma_start3A_1757, %dma_start3A_1758] : memref<2x128x128xf32, #tpu.memory_space<vmem>> -> memref<1x128x128xf32, #tpu.memory_space<vmem>>
      %dma_start3A_1760 = tpu.memref_squeeze %dma_start3A_1759 : memref<1x128x128xf32, #tpu.memory_space<vmem>> -> memref<128x128xf32, #tpu.memory_space<vmem>>
      %dma_start3A_1761 = arith.constant 0 : i32
      %dma_start3A_1762 = tpu.memref_slice %arg5[%add3A_1755, %dma_start3A_1761] : memref<524288x128xf32, #tpu.memory_space<hbm>> -> memref<128x128xf32, #tpu.memory_space<hbm>>
      %dma_start3A_1763 = arith.constant 0 : i32
      %dma_start3A_1764 = tpu.memref_slice %arg5[%add3A_1755, %dma_start3A_1763] : memref<524288x128xf32, #tpu.memory_space<hbm>> -> memref<128x128xf32, #tpu.memory_space<hbm>>
      %dma_start3A_1765 = arith.constant 0 : i32
      %dma_start3A_1766 = arith.constant 0 : i32
      %dma_start3A_1767 = tpu.memref_slice %arg12[%dma_start3A_1756, %dma_start3A_1765, %dma_start3A_1766] : memref<2x128x128xf32, #tpu.memory_space<vmem>> -> memref<1x128x128xf32, #tpu.memory_space<vmem>>
      %dma_start3A_1768 = tpu.memref_squeeze %dma_start3A_1767 : memref<1x128x128xf32, #tpu.memory_space<vmem>> -> memref<128x128xf32, #tpu.memory_space<vmem>>
      tpu.enqueue_dma source(%dma_start3A_1768 : memref<128x128xf32, #tpu.memory_space<vmem>>) target(%dma_start3A_1764 : memref<128x128xf32, #tpu.memory_space<hbm>>) target_semaphore(%arg13 : memref<!tpu.dma_semaphore, #tpu.memory_space<semaphore_mem>>)
      %dma_start3A_1769 = arith.constant 0 : i32
      %dma_start3A_1770 = arith.constant 0 : i32
      %dma_start3A_1771 = tpu.memref_slice %arg11[%dma_start3A_1769, %dma_start3A_1770] : memref<2x128xi32, #tpu.memory_space<vmem>> -> memref<1x128xi32, #tpu.memory_space<vmem>>
      %dma_start3A_1772 = tpu.memref_squeeze %dma_start3A_1771 : memref<1x128xi32, #tpu.memory_space<vmem>> -> memref<128xi32, #tpu.memory_space<vmem>>
      %dma_start3A_1773 = tpu.memref_slice %arg6[%add3A_1755] : memref<524288xi32, #tpu.memory_space<hbm>> -> memref<128xi32, #tpu.memory_space<hbm>>
      %dma_start3A_1774 = tpu.memref_slice %arg6[%add3A_1755] : memref<524288xi32, #tpu.memory_space<hbm>> -> memref<128xi32, #tpu.memory_space<hbm>>
      %dma_start3A_1775 = arith.constant 0 : i32
      %dma_start3A_1776 = tpu.memref_slice %arg11[%dma_start3A_1769, %dma_start3A_1775] : memref<2x128xi32, #tpu.memory_space<vmem>> -> memref<1x128xi32, #tpu.memory_space<vmem>>
      %dma_start3A_1777 = tpu.memref_squeeze %dma_start3A_1776 : memref<1x128xi32, #tpu.memory_space<vmem>> -> memref<128xi32, #tpu.memory_space<vmem>>
      tpu.enqueue_dma source(%dma_start3A_1777 : memref<128xi32, #tpu.memory_space<vmem>>) target(%dma_start3A_1774 : memref<128xi32, #tpu.memory_space<hbm>>) target_semaphore(%arg13 : memref<!tpu.dma_semaphore, #tpu.memory_space<semaphore_mem>>)
      %add3A_1778 = arith.constant 2 : i32
      %add3A_1779 = arith.addi %add3A_1442, %add3A_1778 : i32
      %mul3A_1780 = arith.constant 128 : i32
      %mul3A_1781 = arith.muli %add3A_1779, %mul3A_1780 : i32
      %add3A_1782 = arith.addi %mul3A_2, %mul3A_1781 : i32
      %dma_start3A_1783 = arith.constant 0 : i32
      %dma_start3A_1784 = arith.constant 0 : i32
      %dma_start3A_1785 = tpu.memref_slice %arg8[%dma_start3A_1783, %dma_start3A_1784] : memref<2x128xi32, #tpu.memory_space<vmem>> -> memref<1x128xi32, #tpu.memory_space<vmem>>
      %dma_start3A_1786 = tpu.memref_squeeze %dma_start3A_1785 : memref<1x128xi32, #tpu.memory_space<vmem>> -> memref<128xi32, #tpu.memory_space<vmem>>
      %dma_start3A_1787 = tpu.memref_slice %arg2[%add3A_1782] : memref<524288xi32, #tpu.memory_space<hbm>> -> memref<128xi32, #tpu.memory_space<hbm>>
      %dma_start3A_1788 = arith.constant 0 : i32
      %dma_start3A_1789 = tpu.memref_slice %arg8[%dma_start3A_1783, %dma_start3A_1788] : memref<2x128xi32, #tpu.memory_space<vmem>> -> memref<1x128xi32, #tpu.memory_space<vmem>>
      %dma_start3A_1790 = tpu.memref_squeeze %dma_start3A_1789 : memref<1x128xi32, #tpu.memory_space<vmem>> -> memref<128xi32, #tpu.memory_space<vmem>>
      %dma_start3A_1791 = tpu.memref_slice %arg2[%add3A_1782] : memref<524288xi32, #tpu.memory_space<hbm>> -> memref<128xi32, #tpu.memory_space<hbm>>
      tpu.enqueue_dma source(%dma_start3A_1791 : memref<128xi32, #tpu.memory_space<hbm>>) target(%dma_start3A_1790 : memref<128xi32, #tpu.memory_space<vmem>>) target_semaphore(%arg15 : memref<!tpu.dma_semaphore, #tpu.memory_space<semaphore_mem>>)
      %dma_start3A_1792 = arith.constant 0 : i32
      %dma_start3A_1793 = arith.constant 0 : i32
      %dma_start3A_1794 = tpu.memref_slice %arg9[%dma_start3A_1792, %dma_start3A_1793] : memref<2x128xi32, #tpu.memory_space<vmem>> -> memref<1x128xi32, #tpu.memory_space<vmem>>
      %dma_start3A_1795 = tpu.memref_squeeze %dma_start3A_1794 : memref<1x128xi32, #tpu.memory_space<vmem>> -> memref<128xi32, #tpu.memory_space<vmem>>
      %dma_start3A_1796 = tpu.memref_slice %arg3[%add3A_1782] : memref<524288xi32, #tpu.memory_space<hbm>> -> memref<128xi32, #tpu.memory_space<hbm>>
      %dma_start3A_1797 = arith.constant 0 : i32
      %dma_start3A_1798 = tpu.memref_slice %arg9[%dma_start3A_1792, %dma_start3A_1797] : memref<2x128xi32, #tpu.memory_space<vmem>> -> memref<1x128xi32, #tpu.memory_space<vmem>>
      %dma_start3A_1799 = tpu.memref_squeeze %dma_start3A_1798 : memref<1x128xi32, #tpu.memory_space<vmem>> -> memref<128xi32, #tpu.memory_space<vmem>>
      %dma_start3A_1800 = tpu.memref_slice %arg3[%add3A_1782] : memref<524288xi32, #tpu.memory_space<hbm>> -> memref<128xi32, #tpu.memory_space<hbm>>
      tpu.enqueue_dma source(%dma_start3A_1800 : memref<128xi32, #tpu.memory_space<hbm>>) target(%dma_start3A_1799 : memref<128xi32, #tpu.memory_space<vmem>>) target_semaphore(%arg15 : memref<!tpu.dma_semaphore, #tpu.memory_space<semaphore_mem>>)
      %mul3A_1801 = arith.constant 2 : i32
      %mul3A_1802 = arith.muli %scan3A_1438, %mul3A_1801 : i32
      %add3A_1803 = arith.constant 1 : i32
      %add3A_1804 = arith.addi %mul3A_1802, %add3A_1803 : i32
      %dma_wait3A_1805 = arith.constant 1 : i32
      %dma_wait3A_1806 = arith.constant 0 : i32
      %dma_wait3A_1807 = tpu.memref_slice %arg8[%dma_wait3A_1805, %dma_wait3A_1806] : memref<2x128xi32, #tpu.memory_space<vmem>> -> memref<1x128xi32, #tpu.memory_space<vmem>>
      %dma_wait3A_1808 = tpu.memref_squeeze %dma_wait3A_1807 : memref<1x128xi32, #tpu.memory_space<vmem>> -> memref<128xi32, #tpu.memory_space<vmem>>
      %dma_wait3A_1809 = arith.constant 0 : i32
      %dma_wait3A_1810 = tpu.memref_slice %arg2[%dma_wait3A_1809] : memref<524288xi32, #tpu.memory_space<hbm>> -> memref<128xi32, #tpu.memory_space<hbm>>
      %dma_wait3A_1811 = arith.constant 0 : i32
      %dma_wait3A_1812 = tpu.memref_slice %arg8[%dma_wait3A_1805, %dma_wait3A_1811] : memref<2x128xi32, #tpu.memory_space<vmem>> -> memref<1x128xi32, #tpu.memory_space<vmem>>
      %dma_wait3A_1813 = tpu.memref_squeeze %dma_wait3A_1812 : memref<1x128xi32, #tpu.memory_space<vmem>> -> memref<128xi32, #tpu.memory_space<vmem>>
      %dma_wait3A_1814 = arith.constant 0 : i32
      %dma_wait3A_1815 = tpu.memref_slice %arg2[%dma_wait3A_1814] : memref<524288xi32, #tpu.memory_space<hbm>> -> memref<128xi32, #tpu.memory_space<hbm>>
      tpu.wait_dma2 semaphore(%arg16 : memref<!tpu.dma_semaphore, #tpu.memory_space<semaphore_mem>>) src(%dma_wait3A_1815 : memref<128xi32, #tpu.memory_space<hbm>>) dst(%dma_wait3A_1813 : memref<128xi32, #tpu.memory_space<vmem>>)
      %dma_wait3A_1816 = arith.constant 1 : i32
      %dma_wait3A_1817 = arith.constant 0 : i32
      %dma_wait3A_1818 = tpu.memref_slice %arg9[%dma_wait3A_1816, %dma_wait3A_1817] : memref<2x128xi32, #tpu.memory_space<vmem>> -> memref<1x128xi32, #tpu.memory_space<vmem>>
      %dma_wait3A_1819 = tpu.memref_squeeze %dma_wait3A_1818 : memref<1x128xi32, #tpu.memory_space<vmem>> -> memref<128xi32, #tpu.memory_space<vmem>>
      %dma_wait3A_1820 = arith.constant 0 : i32
      %dma_wait3A_1821 = tpu.memref_slice %arg3[%dma_wait3A_1820] : memref<524288xi32, #tpu.memory_space<hbm>> -> memref<128xi32, #tpu.memory_space<hbm>>
      %dma_wait3A_1822 = arith.constant 0 : i32
      %dma_wait3A_1823 = tpu.memref_slice %arg9[%dma_wait3A_1816, %dma_wait3A_1822] : memref<2x128xi32, #tpu.memory_space<vmem>> -> memref<1x128xi32, #tpu.memory_space<vmem>>
      %dma_wait3A_1824 = tpu.memref_squeeze %dma_wait3A_1823 : memref<1x128xi32, #tpu.memory_space<vmem>> -> memref<128xi32, #tpu.memory_space<vmem>>
      %dma_wait3A_1825 = arith.constant 0 : i32
      %dma_wait3A_1826 = tpu.memref_slice %arg3[%dma_wait3A_1825] : memref<524288xi32, #tpu.memory_space<hbm>> -> memref<128xi32, #tpu.memory_space<hbm>>
      tpu.wait_dma2 semaphore(%arg16 : memref<!tpu.dma_semaphore, #tpu.memory_space<semaphore_mem>>) src(%dma_wait3A_1826 : memref<128xi32, #tpu.memory_space<hbm>>) dst(%dma_wait3A_1824 : memref<128xi32, #tpu.memory_space<vmem>>)
      %dma_wait3A_1827 = arith.constant 1 : i32
      %dma_wait3A_1828 = arith.constant 0 : i32
      %dma_wait3A_1829 = arith.constant 0 : i32
      %dma_wait3A_1830 = tpu.memref_slice %arg12[%dma_wait3A_1827, %dma_wait3A_1828, %dma_wait3A_1829] : memref<2x128x128xf32, #tpu.memory_space<vmem>> -> memref<1x128x128xf32, #tpu.memory_space<vmem>>
      %dma_wait3A_1831 = tpu.memref_squeeze %dma_wait3A_1830 : memref<1x128x128xf32, #tpu.memory_space<vmem>> -> memref<128x128xf32, #tpu.memory_space<vmem>>
      %dma_wait3A_1832 = arith.constant 0 : i32
      %dma_wait3A_1833 = arith.constant 0 : i32
      %dma_wait3A_1834 = tpu.memref_slice %arg5[%dma_wait3A_1832, %dma_wait3A_1833] : memref<524288x128xf32, #tpu.memory_space<hbm>> -> memref<128x128xf32, #tpu.memory_space<hbm>>
      %dma_wait3A_1835 = arith.constant 0 : i32
      %dma_wait3A_1836 = arith.constant 0 : i32
      %dma_wait3A_1837 = tpu.memref_slice %arg5[%dma_wait3A_1835, %dma_wait3A_1836] : memref<524288x128xf32, #tpu.memory_space<hbm>> -> memref<128x128xf32, #tpu.memory_space<hbm>>
      %dma_wait3A_1838 = arith.constant 0 : i32
      %dma_wait3A_1839 = arith.constant 0 : i32
      %dma_wait3A_1840 = tpu.memref_slice %arg12[%dma_wait3A_1827, %dma_wait3A_1838, %dma_wait3A_1839] : memref<2x128x128xf32, #tpu.memory_space<vmem>> -> memref<1x128x128xf32, #tpu.memory_space<vmem>>
      %dma_wait3A_1841 = tpu.memref_squeeze %dma_wait3A_1840 : memref<1x128x128xf32, #tpu.memory_space<vmem>> -> memref<128x128xf32, #tpu.memory_space<vmem>>
      tpu.wait_dma2 semaphore(%arg14 : memref<!tpu.dma_semaphore, #tpu.memory_space<semaphore_mem>>) src(%dma_wait3A_1841 : memref<128x128xf32, #tpu.memory_space<vmem>>) dst(%dma_wait3A_1837 : memref<128x128xf32, #tpu.memory_space<hbm>>)
      %dma_wait3A_1842 = arith.constant 1 : i32
      %dma_wait3A_1843 = arith.constant 0 : i32
      %dma_wait3A_1844 = tpu.memref_slice %arg11[%dma_wait3A_1842, %dma_wait3A_1843] : memref<2x128xi32, #tpu.memory_space<vmem>> -> memref<1x128xi32, #tpu.memory_space<vmem>>
      %dma_wait3A_1845 = tpu.memref_squeeze %dma_wait3A_1844 : memref<1x128xi32, #tpu.memory_space<vmem>> -> memref<128xi32, #tpu.memory_space<vmem>>
      %dma_wait3A_1846 = arith.constant 0 : i32
      %dma_wait3A_1847 = tpu.memref_slice %arg6[%dma_wait3A_1846] : memref<524288xi32, #tpu.memory_space<hbm>> -> memref<128xi32, #tpu.memory_space<hbm>>
      %dma_wait3A_1848 = arith.constant 0 : i32
      %dma_wait3A_1849 = tpu.memref_slice %arg6[%dma_wait3A_1848] : memref<524288xi32, #tpu.memory_space<hbm>> -> memref<128xi32, #tpu.memory_space<hbm>>
      %dma_wait3A_1850 = arith.constant 0 : i32
      %dma_wait3A_1851 = tpu.memref_slice %arg11[%dma_wait3A_1842, %dma_wait3A_1850] : memref<2x128xi32, #tpu.memory_space<vmem>> -> memref<1x128xi32, #tpu.memory_space<vmem>>
      %dma_wait3A_1852 = tpu.memref_squeeze %dma_wait3A_1851 : memref<1x128xi32, #tpu.memory_space<vmem>> -> memref<128xi32, #tpu.memory_space<vmem>>
      tpu.wait_dma2 semaphore(%arg14 : memref<!tpu.dma_semaphore, #tpu.memory_space<semaphore_mem>>) src(%dma_wait3A_1852 : memref<128xi32, #tpu.memory_space<vmem>>) dst(%dma_wait3A_1849 : memref<128xi32, #tpu.memory_space<hbm>>)
      %get3A_1853 = arith.constant 1 : i32
      %get3A_1854 = arith.index_cast %get3A_1853 : i32 to index
      %get3A_1855 = arith.constant 0 : index
      %get3A_1856 = tpu.vector_load %arg8[%get3A_1854, %get3A_1855] {strides = array<i32>} : memref<2x128xi32, #tpu.memory_space<vmem>>, vector<16xi32>,
      %get3A_1857 = arith.constant 1 : i32
      %get3A_1858 = arith.index_cast %get3A_1857 : i32 to index
      %get3A_1859 = arith.constant 0 : index
      %get3A_1860 = tpu.vector_load %arg9[%get3A_1858, %get3A_1859] {strides = array<i32>} : memref<2x128xi32, #tpu.memory_space<vmem>>, vector<16xi32>,
      %ne3A_1861 = arith.constant 0 : i32
      %ne3A_1862 = vector.broadcast %ne3A_1861 : i32 to vector<16xi32>
      %ne3A_1863 = arith.cmpi ne, %get3A_1856, %ne3A_1862 : vector<16xi32>
      %ne3A_1864 = arith.constant -1 : i32
      %ne3A_1865 = vector.broadcast %ne3A_1864 : i32 to vector<16xi32>
      %ne3A_1866 = arith.cmpi ne, %get3A_1860, %ne3A_1865 : vector<16xi32>
      %and3A_1867 = arith.andi %ne3A_1863, %ne3A_1866 : vector<16xi1>
      %ge3A_1868 = arith.constant 0 : i32
      %ge3A_1869 = vector.broadcast %ge3A_1868 : i32 to vector<16xi32>
      %ge3A_1870 = arith.cmpi sge, %get3A_1860, %ge3A_1869 : vector<16xi32>
      %and3A_1871 = arith.andi %and3A_1867, %ge3A_1870 : vector<16xi1>
      %select_n3A_1872 = arith.select %and3A_1871, %get3A_1860, %get3A_1856 : vector<16xi1>, vector<16xi32>
      %mul3A_1873 = arith.constant 128 : i32
      %mul3A_1874 = vector.broadcast %mul3A_1873 : i32 to vector<16xi32>
      %mul3A_1875 = arith.muli %select_n3A_1872, %mul3A_1874 : vector<16xi32>
      %swap3A_1876 = arith.constant 0 : index
      %swap3A_1877 = tpu.vector_load %arg10[%swap3A_1876] {strides = array<i32>} : memref<128xi32, #tpu.memory_space<vmem>>, vector<16xi32>,
      tpu.vector_store %arg10[%swap3A_1876], %mul3A_1875 {strides = array<i32>} : memref<128xi32, #tpu.memory_space<vmem>>, vector<16xi32>,
      %jit3A_1878 = arith.constant -100 : i32
      %broadcast_in_dim3A_1879 = vector.broadcast %jit3A_1878 : i32 to vector<16xi32>
      %select_n3A_1880 = arith.select %and3A_1867, %get3A_1856, %broadcast_in_dim3A_1879 : vector<16xi1>, vector<16xi32>
      %swap3A_1881 = arith.constant 1 : i32
      %swap3A_1882 = arith.index_cast %swap3A_1881 : i32 to index
      %swap3A_1883 = arith.constant 0 : index
      %swap3A_1884 = tpu.vector_load %arg11[%swap3A_1882, %swap3A_1883] {strides = array<i32>} : memref<2x128xi32, #tpu.memory_space<vmem>>, vector<16xi32>,
      tpu.vector_store %arg11[%swap3A_1882, %swap3A_1883], %select_n3A_1880 {strides = array<i32>} : memref<2x128xi32, #tpu.memory_space<vmem>>, vector<16xi32>,
      %get3A_1885 = arith.constant 1 : i32
      %get3A_1886 = arith.index_cast %get3A_1885 : i32 to index
      %get3A_1887 = arith.constant 16 : index
      %get3A_1888 = tpu.vector_load %arg8[%get3A_1886, %get3A_1887] {strides = array<i32>} : memref<2x128xi32, #tpu.memory_space<vmem>>, vector<16xi32>,
      %get3A_1889 = arith.constant 1 : i32
      %get3A_1890 = arith.index_cast %get3A_1889 : i32 to index
      %get3A_1891 = arith.constant 16 : index
      %get3A_1892 = tpu.vector_load %arg9[%get3A_1890, %get3A_1891] {strides = array<i32>} : memref<2x128xi32, #tpu.memory_space<vmem>>, vector<16xi32>,
      %ne3A_1893 = arith.constant 0 : i32
      %ne3A_1894 = vector.broadcast %ne3A_1893 : i32 to vector<16xi32>
      %ne3A_1895 = arith.cmpi ne, %get3A_1888, %ne3A_1894 : vector<16xi32>
      %ne3A_1896 = arith.constant -1 : i32
      %ne3A_1897 = vector.broadcast %ne3A_1896 : i32 to vector<16xi32>
      %ne3A_1898 = arith.cmpi ne, %get3A_1892, %ne3A_1897 : vector<16xi32>
      %and3A_1899 = arith.andi %ne3A_1895, %ne3A_1898 : vector<16xi1>
      %ge3A_1900 = arith.constant 0 : i32
      %ge3A_1901 = vector.broadcast %ge3A_1900 : i32 to vector<16xi32>
      %ge3A_1902 = arith.cmpi sge, %get3A_1892, %ge3A_1901 : vector<16xi32>
      %and3A_1903 = arith.andi %and3A_1899, %ge3A_1902 : vector<16xi1>
      %select_n3A_1904 = arith.select %and3A_1903, %get3A_1892, %get3A_1888 : vector<16xi1>, vector<16xi32>
      %mul3A_1905 = arith.constant 128 : i32
      %mul3A_1906 = vector.broadcast %mul3A_1905 : i32 to vector<16xi32>
      %mul3A_1907 = arith.muli %select_n3A_1904, %mul3A_1906 : vector<16xi32>
      %swap3A_1908 = arith.constant 16 : index
      %swap3A_1909 = tpu.vector_load %arg10[%swap3A_1908] {strides = array<i32>} : memref<128xi32, #tpu.memory_space<vmem>>, vector<16xi32>,
      tpu.vector_store %arg10[%swap3A_1908], %mul3A_1907 {strides = array<i32>} : memref<128xi32, #tpu.memory_space<vmem>>, vector<16xi32>,
      %jit3A_1910 = arith.constant -100 : i32
      %broadcast_in_dim3A_1911 = vector.broadcast %jit3A_1910 : i32 to vector<16xi32>
      %select_n3A_1912 = arith.select %and3A_1899, %get3A_1888, %broadcast_in_dim3A_1911 : vector<16xi1>, vector<16xi32>
      %swap3A_1913 = arith.constant 1 : i32
      %swap3A_1914 = arith.index_cast %swap3A_1913 : i32 to index
      %swap3A_1915 = arith.constant 16 : index
      %swap3A_1916 = tpu.vector_load %arg11[%swap3A_1914, %swap3A_1915] {strides = array<i32>} : memref<2x128xi32, #tpu.memory_space<vmem>>, vector<16xi32>,
      tpu.vector_store %arg11[%swap3A_1914, %swap3A_1915], %select_n3A_1912 {strides = array<i32>} : memref<2x128xi32, #tpu.memory_space<vmem>>, vector<16xi32>,
      %get3A_1917 = arith.constant 1 : i32
      %get3A_1918 = arith.index_cast %get3A_1917 : i32 to index
      %get3A_1919 = arith.constant 32 : index
      %get3A_1920 = tpu.vector_load %arg8[%get3A_1918, %get3A_1919] {strides = array<i32>} : memref<2x128xi32, #tpu.memory_space<vmem>>, vector<16xi32>,
      %get3A_1921 = arith.constant 1 : i32
      %get3A_1922 = arith.index_cast %get3A_1921 : i32 to index
      %get3A_1923 = arith.constant 32 : index
      %get3A_1924 = tpu.vector_load %arg9[%get3A_1922, %get3A_1923] {strides = array<i32>} : memref<2x128xi32, #tpu.memory_space<vmem>>, vector<16xi32>,
      %ne3A_1925 = arith.constant 0 : i32
      %ne3A_1926 = vector.broadcast %ne3A_1925 : i32 to vector<16xi32>
      %ne3A_1927 = arith.cmpi ne, %get3A_1920, %ne3A_1926 : vector<16xi32>
      %ne3A_1928 = arith.constant -1 : i32
      %ne3A_1929 = vector.broadcast %ne3A_1928 : i32 to vector<16xi32>
      %ne3A_1930 = arith.cmpi ne, %get3A_1924, %ne3A_1929 : vector<16xi32>
      %and3A_1931 = arith.andi %ne3A_1927, %ne3A_1930 : vector<16xi1>
      %ge3A_1932 = arith.constant 0 : i32
      %ge3A_1933 = vector.broadcast %ge3A_1932 : i32 to vector<16xi32>
      %ge3A_1934 = arith.cmpi sge, %get3A_1924, %ge3A_1933 : vector<16xi32>
      %and3A_1935 = arith.andi %and3A_1931, %ge3A_1934 : vector<16xi1>
      %select_n3A_1936 = arith.select %and3A_1935, %get3A_1924, %get3A_1920 : vector<16xi1>, vector<16xi32>
      %mul3A_1937 = arith.constant 128 : i32
      %mul3A_1938 = vector.broadcast %mul3A_1937 : i32 to vector<16xi32>
      %mul3A_1939 = arith.muli %select_n3A_1936, %mul3A_1938 : vector<16xi32>
      %swap3A_1940 = arith.constant 32 : index
      %swap3A_1941 = tpu.vector_load %arg10[%swap3A_1940] {strides = array<i32>} : memref<128xi32, #tpu.memory_space<vmem>>, vector<16xi32>,
      tpu.vector_store %arg10[%swap3A_1940], %mul3A_1939 {strides = array<i32>} : memref<128xi32, #tpu.memory_space<vmem>>, vector<16xi32>,
      %jit3A_1942 = arith.constant -100 : i32
      %broadcast_in_dim3A_1943 = vector.broadcast %jit3A_1942 : i32 to vector<16xi32>
      %select_n3A_1944 = arith.select %and3A_1931, %get3A_1920, %broadcast_in_dim3A_1943 : vector<16xi1>, vector<16xi32>
      %swap3A_1945 = arith.constant 1 : i32
      %swap3A_1946 = arith.index_cast %swap3A_1945 : i32 to index
      %swap3A_1947 = arith.constant 32 : index
      %swap3A_1948 = tpu.vector_load %arg11[%swap3A_1946, %swap3A_1947] {strides = array<i32>} : memref<2x128xi32, #tpu.memory_space<vmem>>, vector<16xi32>,
      tpu.vector_store %arg11[%swap3A_1946, %swap3A_1947], %select_n3A_1944 {strides = array<i32>} : memref<2x128xi32, #tpu.memory_space<vmem>>, vector<16xi32>,
      %get3A_1949 = arith.constant 1 : i32
      %get3A_1950 = arith.index_cast %get3A_1949 : i32 to index
      %get3A_1951 = arith.constant 48 : index
      %get3A_1952 = tpu.vector_load %arg8[%get3A_1950, %get3A_1951] {strides = array<i32>} : memref<2x128xi32, #tpu.memory_space<vmem>>, vector<16xi32>,
      %get3A_1953 = arith.constant 1 : i32
      %get3A_1954 = arith.index_cast %get3A_1953 : i32 to index
      %get3A_1955 = arith.constant 48 : index
      %get3A_1956 = tpu.vector_load %arg9[%get3A_1954, %get3A_1955] {strides = array<i32>} : memref<2x128xi32, #tpu.memory_space<vmem>>, vector<16xi32>,
      %ne3A_1957 = arith.constant 0 : i32
      %ne3A_1958 = vector.broadcast %ne3A_1957 : i32 to vector<16xi32>
      %ne3A_1959 = arith.cmpi ne, %get3A_1952, %ne3A_1958 : vector<16xi32>
      %ne3A_1960 = arith.constant -1 : i32
      %ne3A_1961 = vector.broadcast %ne3A_1960 : i32 to vector<16xi32>
      %ne3A_1962 = arith.cmpi ne, %get3A_1956, %ne3A_1961 : vector<16xi32>
      %and3A_1963 = arith.andi %ne3A_1959, %ne3A_1962 : vector<16xi1>
      %ge3A_1964 = arith.constant 0 : i32
      %ge3A_1965 = vector.broadcast %ge3A_1964 : i32 to vector<16xi32>
      %ge3A_1966 = arith.cmpi sge, %get3A_1956, %ge3A_1965 : vector<16xi32>
      %and3A_1967 = arith.andi %and3A_1963, %ge3A_1966 : vector<16xi1>
      %select_n3A_1968 = arith.select %and3A_1967, %get3A_1956, %get3A_1952 : vector<16xi1>, vector<16xi32>
      %mul3A_1969 = arith.constant 128 : i32
      %mul3A_1970 = vector.broadcast %mul3A_1969 : i32 to vector<16xi32>
      %mul3A_1971 = arith.muli %select_n3A_1968, %mul3A_1970 : vector<16xi32>
      %swap3A_1972 = arith.constant 48 : index
      %swap3A_1973 = tpu.vector_load %arg10[%swap3A_1972] {strides = array<i32>} : memref<128xi32, #tpu.memory_space<vmem>>, vector<16xi32>,
      tpu.vector_store %arg10[%swap3A_1972], %mul3A_1971 {strides = array<i32>} : memref<128xi32, #tpu.memory_space<vmem>>, vector<16xi32>,
      %jit3A_1974 = arith.constant -100 : i32
      %broadcast_in_dim3A_1975 = vector.broadcast %jit3A_1974 : i32 to vector<16xi32>
      %select_n3A_1976 = arith.select %and3A_1963, %get3A_1952, %broadcast_in_dim3A_1975 : vector<16xi1>, vector<16xi32>
      %swap3A_1977 = arith.constant 1 : i32
      %swap3A_1978 = arith.index_cast %swap3A_1977 : i32 to index
      %swap3A_1979 = arith.constant 48 : index
      %swap3A_1980 = tpu.vector_load %arg11[%swap3A_1978, %swap3A_1979] {strides = array<i32>} : memref<2x128xi32, #tpu.memory_space<vmem>>, vector<16xi32>,
      tpu.vector_store %arg11[%swap3A_1978, %swap3A_1979], %select_n3A_1976 {strides = array<i32>} : memref<2x128xi32, #tpu.memory_space<vmem>>, vector<16xi32>,
      %get3A_1981 = arith.constant 1 : i32
      %get3A_1982 = arith.index_cast %get3A_1981 : i32 to index
      %get3A_1983 = arith.constant 64 : index
      %get3A_1984 = tpu.vector_load %arg8[%get3A_1982, %get3A_1983] {strides = array<i32>} : memref<2x128xi32, #tpu.memory_space<vmem>>, vector<16xi32>,
      %get3A_1985 = arith.constant 1 : i32
      %get3A_1986 = arith.index_cast %get3A_1985 : i32 to index
      %get3A_1987 = arith.constant 64 : index
      %get3A_1988 = tpu.vector_load %arg9[%get3A_1986, %get3A_1987] {strides = array<i32>} : memref<2x128xi32, #tpu.memory_space<vmem>>, vector<16xi32>,
      %ne3A_1989 = arith.constant 0 : i32
      %ne3A_1990 = vector.broadcast %ne3A_1989 : i32 to vector<16xi32>
      %ne3A_1991 = arith.cmpi ne, %get3A_1984, %ne3A_1990 : vector<16xi32>
      %ne3A_1992 = arith.constant -1 : i32
      %ne3A_1993 = vector.broadcast %ne3A_1992 : i32 to vector<16xi32>
      %ne3A_1994 = arith.cmpi ne, %get3A_1988, %ne3A_1993 : vector<16xi32>
      %and3A_1995 = arith.andi %ne3A_1991, %ne3A_1994 : vector<16xi1>
      %ge3A_1996 = arith.constant 0 : i32
      %ge3A_1997 = vector.broadcast %ge3A_1996 : i32 to vector<16xi32>
      %ge3A_1998 = arith.cmpi sge, %get3A_1988, %ge3A_1997 : vector<16xi32>
      %and3A_1999 = arith.andi %and3A_1995, %ge3A_1998 : vector<16xi1>
      %select_n3A_2000 = arith.select %and3A_1999, %get3A_1988, %get3A_1984 : vector<16xi1>, vector<16xi32>
      %mul3A_2001 = arith.constant 128 : i32
      %mul3A_2002 = vector.broadcast %mul3A_2001 : i32 to vector<16xi32>
      %mul3A_2003 = arith.muli %select_n3A_2000, %mul3A_2002 : vector<16xi32>
      %swap3A_2004 = arith.constant 64 : index
      %swap3A_2005 = tpu.vector_load %arg10[%swap3A_2004] {strides = array<i32>} : memref<128xi32, #tpu.memory_space<vmem>>, vector<16xi32>,
      tpu.vector_store %arg10[%swap3A_2004], %mul3A_2003 {strides = array<i32>} : memref<128xi32, #tpu.memory_space<vmem>>, vector<16xi32>,
      %jit3A_2006 = arith.constant -100 : i32
      %broadcast_in_dim3A_2007 = vector.broadcast %jit3A_2006 : i32 to vector<16xi32>
      %select_n3A_2008 = arith.select %and3A_1995, %get3A_1984, %broadcast_in_dim3A_2007 : vector<16xi1>, vector<16xi32>
      %swap3A_2009 = arith.constant 1 : i32
      %swap3A_2010 = arith.index_cast %swap3A_2009 : i32 to index
      %swap3A_2011 = arith.constant 64 : index
      %swap3A_2012 = tpu.vector_load %arg11[%swap3A_2010, %swap3A_2011] {strides = array<i32>} : memref<2x128xi32, #tpu.memory_space<vmem>>, vector<16xi32>,
      tpu.vector_store %arg11[%swap3A_2010, %swap3A_2011], %select_n3A_2008 {strides = array<i32>} : memref<2x128xi32, #tpu.memory_space<vmem>>, vector<16xi32>,
      %get3A_2013 = arith.constant 1 : i32
      %get3A_2014 = arith.index_cast %get3A_2013 : i32 to index
      %get3A_2015 = arith.constant 80 : index
      %get3A_2016 = tpu.vector_load %arg8[%get3A_2014, %get3A_2015] {strides = array<i32>} : memref<2x128xi32, #tpu.memory_space<vmem>>, vector<16xi32>,
      %get3A_2017 = arith.constant 1 : i32
      %get3A_2018 = arith.index_cast %get3A_2017 : i32 to index
      %get3A_2019 = arith.constant 80 : index
      %get3A_2020 = tpu.vector_load %arg9[%get3A_2018, %get3A_2019] {strides = array<i32>} : memref<2x128xi32, #tpu.memory_space<vmem>>, vector<16xi32>,
      %ne3A_2021 = arith.constant 0 : i32
      %ne3A_2022 = vector.broadcast %ne3A_2021 : i32 to vector<16xi32>
      %ne3A_2023 = arith.cmpi ne, %get3A_2016, %ne3A_2022 : vector<16xi32>
      %ne3A_2024 = arith.constant -1 : i32
      %ne3A_2025 = vector.broadcast %ne3A_2024 : i32 to vector<16xi32>
      %ne3A_2026 = arith.cmpi ne, %get3A_2020, %ne3A_2025 : vector<16xi32>
      %and3A_2027 = arith.andi %ne3A_2023, %ne3A_2026 : vector<16xi1>
      %ge3A_2028 = arith.constant 0 : i32
      %ge3A_2029 = vector.broadcast %ge3A_2028 : i32 to vector<16xi32>
      %ge3A_2030 = arith.cmpi sge, %get3A_2020, %ge3A_2029 : vector<16xi32>
      %and3A_2031 = arith.andi %and3A_2027, %ge3A_2030 : vector<16xi1>
      %select_n3A_2032 = arith.select %and3A_2031, %get3A_2020, %get3A_2016 : vector<16xi1>, vector<16xi32>
      %mul3A_2033 = arith.constant 128 : i32
      %mul3A_2034 = vector.broadcast %mul3A_2033 : i32 to vector<16xi32>
      %mul3A_2035 = arith.muli %select_n3A_2032, %mul3A_2034 : vector<16xi32>
      %swap3A_2036 = arith.constant 80 : index
      %swap3A_2037 = tpu.vector_load %arg10[%swap3A_2036] {strides = array<i32>} : memref<128xi32, #tpu.memory_space<vmem>>, vector<16xi32>,
      tpu.vector_store %arg10[%swap3A_2036], %mul3A_2035 {strides = array<i32>} : memref<128xi32, #tpu.memory_space<vmem>>, vector<16xi32>,
      %jit3A_2038 = arith.constant -100 : i32
      %broadcast_in_dim3A_2039 = vector.broadcast %jit3A_2038 : i32 to vector<16xi32>
      %select_n3A_2040 = arith.select %and3A_2027, %get3A_2016, %broadcast_in_dim3A_2039 : vector<16xi1>, vector<16xi32>
      %swap3A_2041 = arith.constant 1 : i32
      %swap3A_2042 = arith.index_cast %swap3A_2041 : i32 to index
      %swap3A_2043 = arith.constant 80 : index
      %swap3A_2044 = tpu.vector_load %arg11[%swap3A_2042, %swap3A_2043] {strides = array<i32>} : memref<2x128xi32, #tpu.memory_space<vmem>>, vector<16xi32>,
      tpu.vector_store %arg11[%swap3A_2042, %swap3A_2043], %select_n3A_2040 {strides = array<i32>} : memref<2x128xi32, #tpu.memory_space<vmem>>, vector<16xi32>,
      %get3A_2045 = arith.constant 1 : i32
      %get3A_2046 = arith.index_cast %get3A_2045 : i32 to index
      %get3A_2047 = arith.constant 96 : index
      %get3A_2048 = tpu.vector_load %arg8[%get3A_2046, %get3A_2047] {strides = array<i32>} : memref<2x128xi32, #tpu.memory_space<vmem>>, vector<16xi32>,
      %get3A_2049 = arith.constant 1 : i32
      %get3A_2050 = arith.index_cast %get3A_2049 : i32 to index
      %get3A_2051 = arith.constant 96 : index
      %get3A_2052 = tpu.vector_load %arg9[%get3A_2050, %get3A_2051] {strides = array<i32>} : memref<2x128xi32, #tpu.memory_space<vmem>>, vector<16xi32>,
      %ne3A_2053 = arith.constant 0 : i32
      %ne3A_2054 = vector.broadcast %ne3A_2053 : i32 to vector<16xi32>
      %ne3A_2055 = arith.cmpi ne, %get3A_2048, %ne3A_2054 : vector<16xi32>
      %ne3A_2056 = arith.constant -1 : i32
      %ne3A_2057 = vector.broadcast %ne3A_2056 : i32 to vector<16xi32>
      %ne3A_2058 = arith.cmpi ne, %get3A_2052, %ne3A_2057 : vector<16xi32>
      %and3A_2059 = arith.andi %ne3A_2055, %ne3A_2058 : vector<16xi1>
      %ge3A_2060 = arith.constant 0 : i32
      %ge3A_2061 = vector.broadcast %ge3A_2060 : i32 to vector<16xi32>
      %ge3A_2062 = arith.cmpi sge, %get3A_2052, %ge3A_2061 : vector<16xi32>
      %and3A_2063 = arith.andi %and3A_2059, %ge3A_2062 : vector<16xi1>
      %select_n3A_2064 = arith.select %and3A_2063, %get3A_2052, %get3A_2048 : vector<16xi1>, vector<16xi32>
      %mul3A_2065 = arith.constant 128 : i32
      %mul3A_2066 = vector.broadcast %mul3A_2065 : i32 to vector<16xi32>
      %mul3A_2067 = arith.muli %select_n3A_2064, %mul3A_2066 : vector<16xi32>
      %swap3A_2068 = arith.constant 96 : index
      %swap3A_2069 = tpu.vector_load %arg10[%swap3A_2068] {strides = array<i32>} : memref<128xi32, #tpu.memory_space<vmem>>, vector<16xi32>,
      tpu.vector_store %arg10[%swap3A_2068], %mul3A_2067 {strides = array<i32>} : memref<128xi32, #tpu.memory_space<vmem>>, vector<16xi32>,
      %jit3A_2070 = arith.constant -100 : i32
      %broadcast_in_dim3A_2071 = vector.broadcast %jit3A_2070 : i32 to vector<16xi32>
      %select_n3A_2072 = arith.select %and3A_2059, %get3A_2048, %broadcast_in_dim3A_2071 : vector<16xi1>, vector<16xi32>
      %swap3A_2073 = arith.constant 1 : i32
      %swap3A_2074 = arith.index_cast %swap3A_2073 : i32 to index
      %swap3A_2075 = arith.constant 96 : index
      %swap3A_2076 = tpu.vector_load %arg11[%swap3A_2074, %swap3A_2075] {strides = array<i32>} : memref<2x128xi32, #tpu.memory_space<vmem>>, vector<16xi32>,
      tpu.vector_store %arg11[%swap3A_2074, %swap3A_2075], %select_n3A_2072 {strides = array<i32>} : memref<2x128xi32, #tpu.memory_space<vmem>>, vector<16xi32>,
      %get3A_2077 = arith.constant 1 : i32
      %get3A_2078 = arith.index_cast %get3A_2077 : i32 to index
      %get3A_2079 = arith.constant 112 : index
      %get3A_2080 = tpu.vector_load %arg8[%get3A_2078, %get3A_2079] {strides = array<i32>} : memref<2x128xi32, #tpu.memory_space<vmem>>, vector<16xi32>,
      %get3A_2081 = arith.constant 1 : i32
      %get3A_2082 = arith.index_cast %get3A_2081 : i32 to index
      %get3A_2083 = arith.constant 112 : index
      %get3A_2084 = tpu.vector_load %arg9[%get3A_2082, %get3A_2083] {strides = array<i32>} : memref<2x128xi32, #tpu.memory_space<vmem>>, vector<16xi32>,
      %ne3A_2085 = arith.constant 0 : i32
      %ne3A_2086 = vector.broadcast %ne3A_2085 : i32 to vector<16xi32>
      %ne3A_2087 = arith.cmpi ne, %get3A_2080, %ne3A_2086 : vector<16xi32>
      %ne3A_2088 = arith.constant -1 : i32
      %ne3A_2089 = vector.broadcast %ne3A_2088 : i32 to vector<16xi32>
      %ne3A_2090 = arith.cmpi ne, %get3A_2084, %ne3A_2089 : vector<16xi32>
      %and3A_2091 = arith.andi %ne3A_2087, %ne3A_2090 : vector<16xi1>
      %ge3A_2092 = arith.constant 0 : i32
      %ge3A_2093 = vector.broadcast %ge3A_2092 : i32 to vector<16xi32>
      %ge3A_2094 = arith.cmpi sge, %get3A_2084, %ge3A_2093 : vector<16xi32>
      %and3A_2095 = arith.andi %and3A_2091, %ge3A_2094 : vector<16xi1>
      %select_n3A_2096 = arith.select %and3A_2095, %get3A_2084, %get3A_2080 : vector<16xi1>, vector<16xi32>
      %mul3A_2097 = arith.constant 128 : i32
      %mul3A_2098 = vector.broadcast %mul3A_2097 : i32 to vector<16xi32>
      %mul3A_2099 = arith.muli %select_n3A_2096, %mul3A_2098 : vector<16xi32>
      %swap3A_2100 = arith.constant 112 : index
      %swap3A_2101 = tpu.vector_load %arg10[%swap3A_2100] {strides = array<i32>} : memref<128xi32, #tpu.memory_space<vmem>>, vector<16xi32>,
      tpu.vector_store %arg10[%swap3A_2100], %mul3A_2099 {strides = array<i32>} : memref<128xi32, #tpu.memory_space<vmem>>, vector<16xi32>,
      %jit3A_2102 = arith.constant -100 : i32
      %broadcast_in_dim3A_2103 = vector.broadcast %jit3A_2102 : i32 to vector<16xi32>
      %select_n3A_2104 = arith.select %and3A_2091, %get3A_2080, %broadcast_in_dim3A_2103 : vector<16xi1>, vector<16xi32>
      %swap3A_2105 = arith.constant 1 : i32
      %swap3A_2106 = arith.index_cast %swap3A_2105 : i32 to index
      %swap3A_2107 = arith.constant 112 : index
      %swap3A_2108 = tpu.vector_load %arg11[%swap3A_2106, %swap3A_2107] {strides = array<i32>} : memref<2x128xi32, #tpu.memory_space<vmem>>, vector<16xi32>,
      tpu.vector_store %arg11[%swap3A_2106, %swap3A_2107], %select_n3A_2104 {strides = array<i32>} : memref<2x128xi32, #tpu.memory_space<vmem>>, vector<16xi32>,
      %scan3A_2109 = arith.constant 0 : i32
      %scan3A_2110 = arith.constant 0 : i32
      %scan3A_2111 = arith.constant 32 : i32
      %scan3A_2112 = arith.addi %scan3A_2110, %scan3A_2111 : i32
      %scan3A_2113 = arith.constant 1 : i32
      scf.for %scan3A_2163 = %scan3A_2110 to %scan3A_2112 step %scan3A_2113  : i32 {
        %mul3A_2164 = arith.constant 4 : i32
        %mul3A_2165 = arith.muli %scan3A_2163, %mul3A_2164 : i32
        %add3A_2166 = arith.constant 0 : i32
        %add3A_2167 = arith.addi %mul3A_2165, %add3A_2166 : i32
        %broadcast_in_dim3A_2168 = vector.broadcast %add3A_2167 : i32 to vector<16xi32>
        %gather3A = tpu.vector_load_idx %arg10[%broadcast_in_dim3A_2168] : memref<128xi32, #tpu.memory_space<vmem>>[vector<16xi32>], vector<16xi32>,
        %add3A_2169 = arith.addi %gather3A, %add3A_5 : vector<16xi32>
        %gather3A_2170 = tpu.vector_load_idx %arg7[%add3A_2169] : memref<4224xf32, #tpu.memory_space<vmem>>[vector<16xi32>], vector<16xf32>,
        %swap3A_2171 = arith.constant 1 : i32
        %swap3A_2172 = arith.index_cast %swap3A_2171 : i32 to index
        %swap3A_2173 = arith.index_cast %add3A_2167 : i32 to index
        %swap3A_2174 = arith.constant 0 : index
        %swap3A_2175 = tpu.vector_load %arg12[%swap3A_2172, %swap3A_2173, %swap3A_2174] {strides = array<i32>} : memref<2x128x128xf32, #tpu.memory_space<vmem>>, vector<16xf32>,
        tpu.vector_store %arg12[%swap3A_2172, %swap3A_2173, %swap3A_2174], %gather3A_2170 {strides = array<i32>} : memref<2x128x128xf32, #tpu.memory_space<vmem>>, vector<16xf32>,
        %add3A_2176 = arith.addi %gather3A, %add3A_8 : vector<16xi32>
        %gather3A_2177 = tpu.vector_load_idx %arg7[%add3A_2176] : memref<4224xf32, #tpu.memory_space<vmem>>[vector<16xi32>], vector<16xf32>,
        %swap3A_2178 = arith.constant 1 : i32
        %swap3A_2179 = arith.index_cast %swap3A_2178 : i32 to index
        %swap3A_2180 = arith.index_cast %add3A_2167 : i32 to index
        %swap3A_2181 = arith.constant 16 : index
        %swap3A_2182 = tpu.vector_load %arg12[%swap3A_2179, %swap3A_2180, %swap3A_2181] {strides = array<i32>} : memref<2x128x128xf32, #tpu.memory_space<vmem>>, vector<16xf32>,
        tpu.vector_store %arg12[%swap3A_2179, %swap3A_2180, %swap3A_2181], %gather3A_2177 {strides = array<i32>} : memref<2x128x128xf32, #tpu.memory_space<vmem>>, vector<16xf32>,
        %add3A_2183 = arith.addi %gather3A, %add3A_11 : vector<16xi32>
        %gather3A_2184 = tpu.vector_load_idx %arg7[%add3A_2183] : memref<4224xf32, #tpu.memory_space<vmem>>[vector<16xi32>], vector<16xf32>,
        %swap3A_2185 = arith.constant 1 : i32
        %swap3A_2186 = arith.index_cast %swap3A_2185 : i32 to index
        %swap3A_2187 = arith.index_cast %add3A_2167 : i32 to index
        %swap3A_2188 = arith.constant 32 : index
        %swap3A_2189 = tpu.vector_load %arg12[%swap3A_2186, %swap3A_2187, %swap3A_2188] {strides = array<i32>} : memref<2x128x128xf32, #tpu.memory_space<vmem>>, vector<16xf32>,
        tpu.vector_store %arg12[%swap3A_2186, %swap3A_2187, %swap3A_2188], %gather3A_2184 {strides = array<i32>} : memref<2x128x128xf32, #tpu.memory_space<vmem>>, vector<16xf32>,
        %add3A_2190 = arith.addi %gather3A, %add3A_14 : vector<16xi32>
        %gather3A_2191 = tpu.vector_load_idx %arg7[%add3A_2190] : memref<4224xf32, #tpu.memory_space<vmem>>[vector<16xi32>], vector<16xf32>,
        %swap3A_2192 = arith.constant 1 : i32
        %swap3A_2193 = arith.index_cast %swap3A_2192 : i32 to index
        %swap3A_2194 = arith.index_cast %add3A_2167 : i32 to index
        %swap3A_2195 = arith.constant 48 : index
        %swap3A_2196 = tpu.vector_load %arg12[%swap3A_2193, %swap3A_2194, %swap3A_2195] {strides = array<i32>} : memref<2x128x128xf32, #tpu.memory_space<vmem>>, vector<16xf32>,
        tpu.vector_store %arg12[%swap3A_2193, %swap3A_2194, %swap3A_2195], %gather3A_2191 {strides = array<i32>} : memref<2x128x128xf32, #tpu.memory_space<vmem>>, vector<16xf32>,
        %add3A_2197 = arith.addi %gather3A, %add3A_17 : vector<16xi32>
        %gather3A_2198 = tpu.vector_load_idx %arg7[%add3A_2197] : memref<4224xf32, #tpu.memory_space<vmem>>[vector<16xi32>], vector<16xf32>,
        %swap3A_2199 = arith.constant 1 : i32
        %swap3A_2200 = arith.index_cast %swap3A_2199 : i32 to index
        %swap3A_2201 = arith.index_cast %add3A_2167 : i32 to index
        %swap3A_2202 = arith.constant 64 : index
        %swap3A_2203 = tpu.vector_load %arg12[%swap3A_2200, %swap3A_2201, %swap3A_2202] {strides = array<i32>} : memref<2x128x128xf32, #tpu.memory_space<vmem>>, vector<16xf32>,
        tpu.vector_store %arg12[%swap3A_2200, %swap3A_2201, %swap3A_2202], %gather3A_2198 {strides = array<i32>} : memref<2x128x128xf32, #tpu.memory_space<vmem>>, vector<16xf32>,
        %add3A_2204 = arith.addi %gather3A, %add3A_20 : vector<16xi32>
        %gather3A_2205 = tpu.vector_load_idx %arg7[%add3A_2204] : memref<4224xf32, #tpu.memory_space<vmem>>[vector<16xi32>], vector<16xf32>,
        %swap3A_2206 = arith.constant 1 : i32
        %swap3A_2207 = arith.index_cast %swap3A_2206 : i32 to index
        %swap3A_2208 = arith.index_cast %add3A_2167 : i32 to index
        %swap3A_2209 = arith.constant 80 : index
        %swap3A_2210 = tpu.vector_load %arg12[%swap3A_2207, %swap3A_2208, %swap3A_2209] {strides = array<i32>} : memref<2x128x128xf32, #tpu.memory_space<vmem>>, vector<16xf32>,
        tpu.vector_store %arg12[%swap3A_2207, %swap3A_2208, %swap3A_2209], %gather3A_2205 {strides = array<i32>} : memref<2x128x128xf32, #tpu.memory_space<vmem>>, vector<16xf32>,
        %add3A_2211 = arith.addi %gather3A, %add3A_23 : vector<16xi32>
        %gather3A_2212 = tpu.vector_load_idx %arg7[%add3A_2211] : memref<4224xf32, #tpu.memory_space<vmem>>[vector<16xi32>], vector<16xf32>,
        %swap3A_2213 = arith.constant 1 : i32
        %swap3A_2214 = arith.index_cast %swap3A_2213 : i32 to index
        %swap3A_2215 = arith.index_cast %add3A_2167 : i32 to index
        %swap3A_2216 = arith.constant 96 : index
        %swap3A_2217 = tpu.vector_load %arg12[%swap3A_2214, %swap3A_2215, %swap3A_2216] {strides = array<i32>} : memref<2x128x128xf32, #tpu.memory_space<vmem>>, vector<16xf32>,
        tpu.vector_store %arg12[%swap3A_2214, %swap3A_2215, %swap3A_2216], %gather3A_2212 {strides = array<i32>} : memref<2x128x128xf32, #tpu.memory_space<vmem>>, vector<16xf32>,
        %add3A_2218 = arith.addi %gather3A, %add3A_26 : vector<16xi32>
        %gather3A_2219 = tpu.vector_load_idx %arg7[%add3A_2218] : memref<4224xf32, #tpu.memory_space<vmem>>[vector<16xi32>], vector<16xf32>,
        %swap3A_2220 = arith.constant 1 : i32
        %swap3A_2221 = arith.index_cast %swap3A_2220 : i32 to index
        %swap3A_2222 = arith.index_cast %add3A_2167 : i32 to index
        %swap3A_2223 = arith.constant 112 : index
        %swap3A_2224 = tpu.vector_load %arg12[%swap3A_2221, %swap3A_2222, %swap3A_2223] {strides = array<i32>} : memref<2x128x128xf32, #tpu.memory_space<vmem>>, vector<16xf32>,
        tpu.vector_store %arg12[%swap3A_2221, %swap3A_2222, %swap3A_2223], %gather3A_2219 {strides = array<i32>} : memref<2x128x128xf32, #tpu.memory_space<vmem>>, vector<16xf32>,
        %mul3A_2225 = arith.constant 4 : i32
        %mul3A_2226 = arith.muli %scan3A_2163, %mul3A_2225 : i32
        %add3A_2227 = arith.constant 1 : i32
        %add3A_2228 = arith.addi %mul3A_2226, %add3A_2227 : i32
        %broadcast_in_dim3A_2229 = vector.broadcast %add3A_2228 : i32 to vector<16xi32>
        %gather3A_2230 = tpu.vector_load_idx %arg10[%broadcast_in_dim3A_2229] : memref<128xi32, #tpu.memory_space<vmem>>[vector<16xi32>], vector<16xi32>,
        %add3A_2231 = arith.addi %gather3A_2230, %add3A_5 : vector<16xi32>
        %gather3A_2232 = tpu.vector_load_idx %arg7[%add3A_2231] : memref<4224xf32, #tpu.memory_space<vmem>>[vector<16xi32>], vector<16xf32>,
        %swap3A_2233 = arith.constant 1 : i32
        %swap3A_2234 = arith.index_cast %swap3A_2233 : i32 to index
        %swap3A_2235 = arith.index_cast %add3A_2228 : i32 to index
        %swap3A_2236 = arith.constant 0 : index
        %swap3A_2237 = tpu.vector_load %arg12[%swap3A_2234, %swap3A_2235, %swap3A_2236] {strides = array<i32>} : memref<2x128x128xf32, #tpu.memory_space<vmem>>, vector<16xf32>,
        tpu.vector_store %arg12[%swap3A_2234, %swap3A_2235, %swap3A_2236], %gather3A_2232 {strides = array<i32>} : memref<2x128x128xf32, #tpu.memory_space<vmem>>, vector<16xf32>,
        %add3A_2238 = arith.addi %gather3A_2230, %add3A_8 : vector<16xi32>
        %gather3A_2239 = tpu.vector_load_idx %arg7[%add3A_2238] : memref<4224xf32, #tpu.memory_space<vmem>>[vector<16xi32>], vector<16xf32>,
        %swap3A_2240 = arith.constant 1 : i32
        %swap3A_2241 = arith.index_cast %swap3A_2240 : i32 to index
        %swap3A_2242 = arith.index_cast %add3A_2228 : i32 to index
        %swap3A_2243 = arith.constant 16 : index
        %swap3A_2244 = tpu.vector_load %arg12[%swap3A_2241, %swap3A_2242, %swap3A_2243] {strides = array<i32>} : memref<2x128x128xf32, #tpu.memory_space<vmem>>, vector<16xf32>,
        tpu.vector_store %arg12[%swap3A_2241, %swap3A_2242, %swap3A_2243], %gather3A_2239 {strides = array<i32>} : memref<2x128x128xf32, #tpu.memory_space<vmem>>, vector<16xf32>,
        %add3A_2245 = arith.addi %gather3A_2230, %add3A_11 : vector<16xi32>
        %gather3A_2246 = tpu.vector_load_idx %arg7[%add3A_2245] : memref<4224xf32, #tpu.memory_space<vmem>>[vector<16xi32>], vector<16xf32>,
        %swap3A_2247 = arith.constant 1 : i32
        %swap3A_2248 = arith.index_cast %swap3A_2247 : i32 to index
        %swap3A_2249 = arith.index_cast %add3A_2228 : i32 to index
        %swap3A_2250 = arith.constant 32 : index
        %swap3A_2251 = tpu.vector_load %arg12[%swap3A_2248, %swap3A_2249, %swap3A_2250] {strides = array<i32>} : memref<2x128x128xf32, #tpu.memory_space<vmem>>, vector<16xf32>,
        tpu.vector_store %arg12[%swap3A_2248, %swap3A_2249, %swap3A_2250], %gather3A_2246 {strides = array<i32>} : memref<2x128x128xf32, #tpu.memory_space<vmem>>, vector<16xf32>,
        %add3A_2252 = arith.addi %gather3A_2230, %add3A_14 : vector<16xi32>
        %gather3A_2253 = tpu.vector_load_idx %arg7[%add3A_2252] : memref<4224xf32, #tpu.memory_space<vmem>>[vector<16xi32>], vector<16xf32>,
        %swap3A_2254 = arith.constant 1 : i32
        %swap3A_2255 = arith.index_cast %swap3A_2254 : i32 to index
        %swap3A_2256 = arith.index_cast %add3A_2228 : i32 to index
        %swap3A_2257 = arith.constant 48 : index
        %swap3A_2258 = tpu.vector_load %arg12[%swap3A_2255, %swap3A_2256, %swap3A_2257] {strides = array<i32>} : memref<2x128x128xf32, #tpu.memory_space<vmem>>, vector<16xf32>,
        tpu.vector_store %arg12[%swap3A_2255, %swap3A_2256, %swap3A_2257], %gather3A_2253 {strides = array<i32>} : memref<2x128x128xf32, #tpu.memory_space<vmem>>, vector<16xf32>,
        %add3A_2259 = arith.addi %gather3A_2230, %add3A_17 : vector<16xi32>
        %gather3A_2260 = tpu.vector_load_idx %arg7[%add3A_2259] : memref<4224xf32, #tpu.memory_space<vmem>>[vector<16xi32>], vector<16xf32>,
        %swap3A_2261 = arith.constant 1 : i32
        %swap3A_2262 = arith.index_cast %swap3A_2261 : i32 to index
        %swap3A_2263 = arith.index_cast %add3A_2228 : i32 to index
        %swap3A_2264 = arith.constant 64 : index
        %swap3A_2265 = tpu.vector_load %arg12[%swap3A_2262, %swap3A_2263, %swap3A_2264] {strides = array<i32>} : memref<2x128x128xf32, #tpu.memory_space<vmem>>, vector<16xf32>,
        tpu.vector_store %arg12[%swap3A_2262, %swap3A_2263, %swap3A_2264], %gather3A_2260 {strides = array<i32>} : memref<2x128x128xf32, #tpu.memory_space<vmem>>, vector<16xf32>,
        %add3A_2266 = arith.addi %gather3A_2230, %add3A_20 : vector<16xi32>
        %gather3A_2267 = tpu.vector_load_idx %arg7[%add3A_2266] : memref<4224xf32, #tpu.memory_space<vmem>>[vector<16xi32>], vector<16xf32>,
        %swap3A_2268 = arith.constant 1 : i32
        %swap3A_2269 = arith.index_cast %swap3A_2268 : i32 to index
        %swap3A_2270 = arith.index_cast %add3A_2228 : i32 to index
        %swap3A_2271 = arith.constant 80 : index
        %swap3A_2272 = tpu.vector_load %arg12[%swap3A_2269, %swap3A_2270, %swap3A_2271] {strides = array<i32>} : memref<2x128x128xf32, #tpu.memory_space<vmem>>, vector<16xf32>,
        tpu.vector_store %arg12[%swap3A_2269, %swap3A_2270, %swap3A_2271], %gather3A_2267 {strides = array<i32>} : memref<2x128x128xf32, #tpu.memory_space<vmem>>, vector<16xf32>,
        %add3A_2273 = arith.addi %gather3A_2230, %add3A_23 : vector<16xi32>
        %gather3A_2274 = tpu.vector_load_idx %arg7[%add3A_2273] : memref<4224xf32, #tpu.memory_space<vmem>>[vector<16xi32>], vector<16xf32>,
        %swap3A_2275 = arith.constant 1 : i32
        %swap3A_2276 = arith.index_cast %swap3A_2275 : i32 to index
        %swap3A_2277 = arith.index_cast %add3A_2228 : i32 to index
        %swap3A_2278 = arith.constant 96 : index
        %swap3A_2279 = tpu.vector_load %arg12[%swap3A_2276, %swap3A_2277, %swap3A_2278] {strides = array<i32>} : memref<2x128x128xf32, #tpu.memory_space<vmem>>, vector<16xf32>,
        tpu.vector_store %arg12[%swap3A_2276, %swap3A_2277, %swap3A_2278], %gather3A_2274 {strides = array<i32>} : memref<2x128x128xf32, #tpu.memory_space<vmem>>, vector<16xf32>,
        %add3A_2280 = arith.addi %gather3A_2230, %add3A_26 : vector<16xi32>
        %gather3A_2281 = tpu.vector_load_idx %arg7[%add3A_2280] : memref<4224xf32, #tpu.memory_space<vmem>>[vector<16xi32>], vector<16xf32>,
        %swap3A_2282 = arith.constant 1 : i32
        %swap3A_2283 = arith.index_cast %swap3A_2282 : i32 to index
        %swap3A_2284 = arith.index_cast %add3A_2228 : i32 to index
        %swap3A_2285 = arith.constant 112 : index
        %swap3A_2286 = tpu.vector_load %arg12[%swap3A_2283, %swap3A_2284, %swap3A_2285] {strides = array<i32>} : memref<2x128x128xf32, #tpu.memory_space<vmem>>, vector<16xf32>,
        tpu.vector_store %arg12[%swap3A_2283, %swap3A_2284, %swap3A_2285], %gather3A_2281 {strides = array<i32>} : memref<2x128x128xf32, #tpu.memory_space<vmem>>, vector<16xf32>,
        %mul3A_2287 = arith.constant 4 : i32
        %mul3A_2288 = arith.muli %scan3A_2163, %mul3A_2287 : i32
        %add3A_2289 = arith.constant 2 : i32
        %add3A_2290 = arith.addi %mul3A_2288, %add3A_2289 : i32
        %broadcast_in_dim3A_2291 = vector.broadcast %add3A_2290 : i32 to vector<16xi32>
        %gather3A_2292 = tpu.vector_load_idx %arg10[%broadcast_in_dim3A_2291] : memref<128xi32, #tpu.memory_space<vmem>>[vector<16xi32>], vector<16xi32>,
        %add3A_2293 = arith.addi %gather3A_2292, %add3A_5 : vector<16xi32>
        %gather3A_2294 = tpu.vector_load_idx %arg7[%add3A_2293] : memref<4224xf32, #tpu.memory_space<vmem>>[vector<16xi32>], vector<16xf32>,
        %swap3A_2295 = arith.constant 1 : i32
        %swap3A_2296 = arith.index_cast %swap3A_2295 : i32 to index
        %swap3A_2297 = arith.index_cast %add3A_2290 : i32 to index
        %swap3A_2298 = arith.constant 0 : index
        %swap3A_2299 = tpu.vector_load %arg12[%swap3A_2296, %swap3A_2297, %swap3A_2298] {strides = array<i32>} : memref<2x128x128xf32, #tpu.memory_space<vmem>>, vector<16xf32>,
        tpu.vector_store %arg12[%swap3A_2296, %swap3A_2297, %swap3A_2298], %gather3A_2294 {strides = array<i32>} : memref<2x128x128xf32, #tpu.memory_space<vmem>>, vector<16xf32>,
        %add3A_2300 = arith.addi %gather3A_2292, %add3A_8 : vector<16xi32>
        %gather3A_2301 = tpu.vector_load_idx %arg7[%add3A_2300] : memref<4224xf32, #tpu.memory_space<vmem>>[vector<16xi32>], vector<16xf32>,
        %swap3A_2302 = arith.constant 1 : i32
        %swap3A_2303 = arith.index_cast %swap3A_2302 : i32 to index
        %swap3A_2304 = arith.index_cast %add3A_2290 : i32 to index
        %swap3A_2305 = arith.constant 16 : index
        %swap3A_2306 = tpu.vector_load %arg12[%swap3A_2303, %swap3A_2304, %swap3A_2305] {strides = array<i32>} : memref<2x128x128xf32, #tpu.memory_space<vmem>>, vector<16xf32>,
        tpu.vector_store %arg12[%swap3A_2303, %swap3A_2304, %swap3A_2305], %gather3A_2301 {strides = array<i32>} : memref<2x128x128xf32, #tpu.memory_space<vmem>>, vector<16xf32>,
        %add3A_2307 = arith.addi %gather3A_2292, %add3A_11 : vector<16xi32>
        %gather3A_2308 = tpu.vector_load_idx %arg7[%add3A_2307] : memref<4224xf32, #tpu.memory_space<vmem>>[vector<16xi32>], vector<16xf32>,
        %swap3A_2309 = arith.constant 1 : i32
        %swap3A_2310 = arith.index_cast %swap3A_2309 : i32 to index
        %swap3A_2311 = arith.index_cast %add3A_2290 : i32 to index
        %swap3A_2312 = arith.constant 32 : index
        %swap3A_2313 = tpu.vector_load %arg12[%swap3A_2310, %swap3A_2311, %swap3A_2312] {strides = array<i32>} : memref<2x128x128xf32, #tpu.memory_space<vmem>>, vector<16xf32>,
        tpu.vector_store %arg12[%swap3A_2310, %swap3A_2311, %swap3A_2312], %gather3A_2308 {strides = array<i32>} : memref<2x128x128xf32, #tpu.memory_space<vmem>>, vector<16xf32>,
        %add3A_2314 = arith.addi %gather3A_2292, %add3A_14 : vector<16xi32>
        %gather3A_2315 = tpu.vector_load_idx %arg7[%add3A_2314] : memref<4224xf32, #tpu.memory_space<vmem>>[vector<16xi32>], vector<16xf32>,
        %swap3A_2316 = arith.constant 1 : i32
        %swap3A_2317 = arith.index_cast %swap3A_2316 : i32 to index
        %swap3A_2318 = arith.index_cast %add3A_2290 : i32 to index
        %swap3A_2319 = arith.constant 48 : index
        %swap3A_2320 = tpu.vector_load %arg12[%swap3A_2317, %swap3A_2318, %swap3A_2319] {strides = array<i32>} : memref<2x128x128xf32, #tpu.memory_space<vmem>>, vector<16xf32>,
        tpu.vector_store %arg12[%swap3A_2317, %swap3A_2318, %swap3A_2319], %gather3A_2315 {strides = array<i32>} : memref<2x128x128xf32, #tpu.memory_space<vmem>>, vector<16xf32>,
        %add3A_2321 = arith.addi %gather3A_2292, %add3A_17 : vector<16xi32>
        %gather3A_2322 = tpu.vector_load_idx %arg7[%add3A_2321] : memref<4224xf32, #tpu.memory_space<vmem>>[vector<16xi32>], vector<16xf32>,
        %swap3A_2323 = arith.constant 1 : i32
        %swap3A_2324 = arith.index_cast %swap3A_2323 : i32 to index
        %swap3A_2325 = arith.index_cast %add3A_2290 : i32 to index
        %swap3A_2326 = arith.constant 64 : index
        %swap3A_2327 = tpu.vector_load %arg12[%swap3A_2324, %swap3A_2325, %swap3A_2326] {strides = array<i32>} : memref<2x128x128xf32, #tpu.memory_space<vmem>>, vector<16xf32>,
        tpu.vector_store %arg12[%swap3A_2324, %swap3A_2325, %swap3A_2326], %gather3A_2322 {strides = array<i32>} : memref<2x128x128xf32, #tpu.memory_space<vmem>>, vector<16xf32>,
        %add3A_2328 = arith.addi %gather3A_2292, %add3A_20 : vector<16xi32>
        %gather3A_2329 = tpu.vector_load_idx %arg7[%add3A_2328] : memref<4224xf32, #tpu.memory_space<vmem>>[vector<16xi32>], vector<16xf32>,
        %swap3A_2330 = arith.constant 1 : i32
        %swap3A_2331 = arith.index_cast %swap3A_2330 : i32 to index
        %swap3A_2332 = arith.index_cast %add3A_2290 : i32 to index
        %swap3A_2333 = arith.constant 80 : index
        %swap3A_2334 = tpu.vector_load %arg12[%swap3A_2331, %swap3A_2332, %swap3A_2333] {strides = array<i32>} : memref<2x128x128xf32, #tpu.memory_space<vmem>>, vector<16xf32>,
        tpu.vector_store %arg12[%swap3A_2331, %swap3A_2332, %swap3A_2333], %gather3A_2329 {strides = array<i32>} : memref<2x128x128xf32, #tpu.memory_space<vmem>>, vector<16xf32>,
        %add3A_2335 = arith.addi %gather3A_2292, %add3A_23 : vector<16xi32>
        %gather3A_2336 = tpu.vector_load_idx %arg7[%add3A_2335] : memref<4224xf32, #tpu.memory_space<vmem>>[vector<16xi32>], vector<16xf32>,
        %swap3A_2337 = arith.constant 1 : i32
        %swap3A_2338 = arith.index_cast %swap3A_2337 : i32 to index
        %swap3A_2339 = arith.index_cast %add3A_2290 : i32 to index
        %swap3A_2340 = arith.constant 96 : index
        %swap3A_2341 = tpu.vector_load %arg12[%swap3A_2338, %swap3A_2339, %swap3A_2340] {strides = array<i32>} : memref<2x128x128xf32, #tpu.memory_space<vmem>>, vector<16xf32>,
        tpu.vector_store %arg12[%swap3A_2338, %swap3A_2339, %swap3A_2340], %gather3A_2336 {strides = array<i32>} : memref<2x128x128xf32, #tpu.memory_space<vmem>>, vector<16xf32>,
        %add3A_2342 = arith.addi %gather3A_2292, %add3A_26 : vector<16xi32>
        %gather3A_2343 = tpu.vector_load_idx %arg7[%add3A_2342] : memref<4224xf32, #tpu.memory_space<vmem>>[vector<16xi32>], vector<16xf32>,
        %swap3A_2344 = arith.constant 1 : i32
        %swap3A_2345 = arith.index_cast %swap3A_2344 : i32 to index
        %swap3A_2346 = arith.index_cast %add3A_2290 : i32 to index
        %swap3A_2347 = arith.constant 112 : index
        %swap3A_2348 = tpu.vector_load %arg12[%swap3A_2345, %swap3A_2346, %swap3A_2347] {strides = array<i32>} : memref<2x128x128xf32, #tpu.memory_space<vmem>>, vector<16xf32>,
        tpu.vector_store %arg12[%swap3A_2345, %swap3A_2346, %swap3A_2347], %gather3A_2343 {strides = array<i32>} : memref<2x128x128xf32, #tpu.memory_space<vmem>>, vector<16xf32>,
        %mul3A_2349 = arith.constant 4 : i32
        %mul3A_2350 = arith.muli %scan3A_2163, %mul3A_2349 : i32
        %add3A_2351 = arith.constant 3 : i32
        %add3A_2352 = arith.addi %mul3A_2350, %add3A_2351 : i32
        %broadcast_in_dim3A_2353 = vector.broadcast %add3A_2352 : i32 to vector<16xi32>
        %gather3A_2354 = tpu.vector_load_idx %arg10[%broadcast_in_dim3A_2353] : memref<128xi32, #tpu.memory_space<vmem>>[vector<16xi32>], vector<16xi32>,
        %add3A_2355 = arith.addi %gather3A_2354, %add3A_5 : vector<16xi32>
        %gather3A_2356 = tpu.vector_load_idx %arg7[%add3A_2355] : memref<4224xf32, #tpu.memory_space<vmem>>[vector<16xi32>], vector<16xf32>,
        %swap3A_2357 = arith.constant 1 : i32
        %swap3A_2358 = arith.index_cast %swap3A_2357 : i32 to index
        %swap3A_2359 = arith.index_cast %add3A_2352 : i32 to index
        %swap3A_2360 = arith.constant 0 : index
        %swap3A_2361 = tpu.vector_load %arg12[%swap3A_2358, %swap3A_2359, %swap3A_2360] {strides = array<i32>} : memref<2x128x128xf32, #tpu.memory_space<vmem>>, vector<16xf32>,
        tpu.vector_store %arg12[%swap3A_2358, %swap3A_2359, %swap3A_2360], %gather3A_2356 {strides = array<i32>} : memref<2x128x128xf32, #tpu.memory_space<vmem>>, vector<16xf32>,
        %add3A_2362 = arith.addi %gather3A_2354, %add3A_8 : vector<16xi32>
        %gather3A_2363 = tpu.vector_load_idx %arg7[%add3A_2362] : memref<4224xf32, #tpu.memory_space<vmem>>[vector<16xi32>], vector<16xf32>,
        %swap3A_2364 = arith.constant 1 : i32
        %swap3A_2365 = arith.index_cast %swap3A_2364 : i32 to index
        %swap3A_2366 = arith.index_cast %add3A_2352 : i32 to index
        %swap3A_2367 = arith.constant 16 : index
        %swap3A_2368 = tpu.vector_load %arg12[%swap3A_2365, %swap3A_2366, %swap3A_2367] {strides = array<i32>} : memref<2x128x128xf32, #tpu.memory_space<vmem>>, vector<16xf32>,
        tpu.vector_store %arg12[%swap3A_2365, %swap3A_2366, %swap3A_2367], %gather3A_2363 {strides = array<i32>} : memref<2x128x128xf32, #tpu.memory_space<vmem>>, vector<16xf32>,
        %add3A_2369 = arith.addi %gather3A_2354, %add3A_11 : vector<16xi32>
        %gather3A_2370 = tpu.vector_load_idx %arg7[%add3A_2369] : memref<4224xf32, #tpu.memory_space<vmem>>[vector<16xi32>], vector<16xf32>,
        %swap3A_2371 = arith.constant 1 : i32
        %swap3A_2372 = arith.index_cast %swap3A_2371 : i32 to index
        %swap3A_2373 = arith.index_cast %add3A_2352 : i32 to index
        %swap3A_2374 = arith.constant 32 : index
        %swap3A_2375 = tpu.vector_load %arg12[%swap3A_2372, %swap3A_2373, %swap3A_2374] {strides = array<i32>} : memref<2x128x128xf32, #tpu.memory_space<vmem>>, vector<16xf32>,
        tpu.vector_store %arg12[%swap3A_2372, %swap3A_2373, %swap3A_2374], %gather3A_2370 {strides = array<i32>} : memref<2x128x128xf32, #tpu.memory_space<vmem>>, vector<16xf32>,
        %add3A_2376 = arith.addi %gather3A_2354, %add3A_14 : vector<16xi32>
        %gather3A_2377 = tpu.vector_load_idx %arg7[%add3A_2376] : memref<4224xf32, #tpu.memory_space<vmem>>[vector<16xi32>], vector<16xf32>,
        %swap3A_2378 = arith.constant 1 : i32
        %swap3A_2379 = arith.index_cast %swap3A_2378 : i32 to index
        %swap3A_2380 = arith.index_cast %add3A_2352 : i32 to index
        %swap3A_2381 = arith.constant 48 : index
        %swap3A_2382 = tpu.vector_load %arg12[%swap3A_2379, %swap3A_2380, %swap3A_2381] {strides = array<i32>} : memref<2x128x128xf32, #tpu.memory_space<vmem>>, vector<16xf32>,
        tpu.vector_store %arg12[%swap3A_2379, %swap3A_2380, %swap3A_2381], %gather3A_2377 {strides = array<i32>} : memref<2x128x128xf32, #tpu.memory_space<vmem>>, vector<16xf32>,
        %add3A_2383 = arith.addi %gather3A_2354, %add3A_17 : vector<16xi32>
        %gather3A_2384 = tpu.vector_load_idx %arg7[%add3A_2383] : memref<4224xf32, #tpu.memory_space<vmem>>[vector<16xi32>], vector<16xf32>,
        %swap3A_2385 = arith.constant 1 : i32
        %swap3A_2386 = arith.index_cast %swap3A_2385 : i32 to index
        %swap3A_2387 = arith.index_cast %add3A_2352 : i32 to index
        %swap3A_2388 = arith.constant 64 : index
        %swap3A_2389 = tpu.vector_load %arg12[%swap3A_2386, %swap3A_2387, %swap3A_2388] {strides = array<i32>} : memref<2x128x128xf32, #tpu.memory_space<vmem>>, vector<16xf32>,
        tpu.vector_store %arg12[%swap3A_2386, %swap3A_2387, %swap3A_2388], %gather3A_2384 {strides = array<i32>} : memref<2x128x128xf32, #tpu.memory_space<vmem>>, vector<16xf32>,
        %add3A_2390 = arith.addi %gather3A_2354, %add3A_20 : vector<16xi32>
        %gather3A_2391 = tpu.vector_load_idx %arg7[%add3A_2390] : memref<4224xf32, #tpu.memory_space<vmem>>[vector<16xi32>], vector<16xf32>,
        %swap3A_2392 = arith.constant 1 : i32
        %swap3A_2393 = arith.index_cast %swap3A_2392 : i32 to index
        %swap3A_2394 = arith.index_cast %add3A_2352 : i32 to index
        %swap3A_2395 = arith.constant 80 : index
        %swap3A_2396 = tpu.vector_load %arg12[%swap3A_2393, %swap3A_2394, %swap3A_2395] {strides = array<i32>} : memref<2x128x128xf32, #tpu.memory_space<vmem>>, vector<16xf32>,
        tpu.vector_store %arg12[%swap3A_2393, %swap3A_2394, %swap3A_2395], %gather3A_2391 {strides = array<i32>} : memref<2x128x128xf32, #tpu.memory_space<vmem>>, vector<16xf32>,
        %add3A_2397 = arith.addi %gather3A_2354, %add3A_23 : vector<16xi32>
        %gather3A_2398 = tpu.vector_load_idx %arg7[%add3A_2397] : memref<4224xf32, #tpu.memory_space<vmem>>[vector<16xi32>], vector<16xf32>,
        %swap3A_2399 = arith.constant 1 : i32
        %swap3A_2400 = arith.index_cast %swap3A_2399 : i32 to index
        %swap3A_2401 = arith.index_cast %add3A_2352 : i32 to index
        %swap3A_2402 = arith.constant 96 : index
        %swap3A_2403 = tpu.vector_load %arg12[%swap3A_2400, %swap3A_2401, %swap3A_2402] {strides = array<i32>} : memref<2x128x128xf32, #tpu.memory_space<vmem>>, vector<16xf32>,
        tpu.vector_store %arg12[%swap3A_2400, %swap3A_2401, %swap3A_2402], %gather3A_2398 {strides = array<i32>} : memref<2x128x128xf32, #tpu.memory_space<vmem>>, vector<16xf32>,
        %add3A_2404 = arith.addi %gather3A_2354, %add3A_26 : vector<16xi32>
        %gather3A_2405 = tpu.vector_load_idx %arg7[%add3A_2404] : memref<4224xf32, #tpu.memory_space<vmem>>[vector<16xi32>], vector<16xf32>,
        %swap3A_2406 = arith.constant 1 : i32
        %swap3A_2407 = arith.index_cast %swap3A_2406 : i32 to index
        %swap3A_2408 = arith.index_cast %add3A_2352 : i32 to index
        %swap3A_2409 = arith.constant 112 : index
        %swap3A_2410 = tpu.vector_load %arg12[%swap3A_2407, %swap3A_2408, %swap3A_2409] {strides = array<i32>} : memref<2x128x128xf32, #tpu.memory_space<vmem>>, vector<16xf32>,
        tpu.vector_store %arg12[%swap3A_2407, %swap3A_2408, %swap3A_2409], %gather3A_2405 {strides = array<i32>} : memref<2x128x128xf32, #tpu.memory_space<vmem>>, vector<16xf32>,
      }
      %scan3A_2114 = arith.constant 32 : i32
      %mul3A_2115 = arith.constant 128 : i32
      %mul3A_2116 = arith.muli %add3A_1804, %mul3A_2115 : i32
      %add3A_2117 = arith.addi %mul3A_2, %mul3A_2116 : i32
      %dma_start3A_2118 = arith.constant 1 : i32
      %dma_start3A_2119 = arith.constant 0 : i32
      %dma_start3A_2120 = arith.constant 0 : i32
      %dma_start3A_2121 = tpu.memref_slice %arg12[%dma_start3A_2118, %dma_start3A_2119, %dma_start3A_2120] : memref<2x128x128xf32, #tpu.memory_space<vmem>> -> memref<1x128x128xf32, #tpu.memory_space<vmem>>
      %dma_start3A_2122 = tpu.memref_squeeze %dma_start3A_2121 : memref<1x128x128xf32, #tpu.memory_space<vmem>> -> memref<128x128xf32, #tpu.memory_space<vmem>>
      %dma_start3A_2123 = arith.constant 0 : i32
      %dma_start3A_2124 = tpu.memref_slice %arg5[%add3A_2117, %dma_start3A_2123] : memref<524288x128xf32, #tpu.memory_space<hbm>> -> memref<128x128xf32, #tpu.memory_space<hbm>>
      %dma_start3A_2125 = arith.constant 0 : i32
      %dma_start3A_2126 = tpu.memref_slice %arg5[%add3A_2117, %dma_start3A_2125] : memref<524288x128xf32, #tpu.memory_space<hbm>> -> memref<128x128xf32, #tpu.memory_space<hbm>>
      %dma_start3A_2127 = arith.constant 0 : i32
      %dma_start3A_2128 = arith.constant 0 : i32
      %dma_start3A_2129 = tpu.memref_slice %arg12[%dma_start3A_2118, %dma_start3A_2127, %dma_start3A_2128] : memref<2x128x128xf32, #tpu.memory_space<vmem>> -> memref<1x128x128xf32, #tpu.memory_space<vmem>>
      %dma_start3A_2130 = tpu.memref_squeeze %dma_start3A_2129 : memref<1x128x128xf32, #tpu.memory_space<vmem>> -> memref<128x128xf32, #tpu.memory_space<vmem>>
      tpu.enqueue_dma source(%dma_start3A_2130 : memref<128x128xf32, #tpu.memory_space<vmem>>) target(%dma_start3A_2126 : memref<128x128xf32, #tpu.memory_space<hbm>>) target_semaphore(%arg14 : memref<!tpu.dma_semaphore, #tpu.memory_space<semaphore_mem>>)
      %dma_start3A_2131 = arith.constant 1 : i32
      %dma_start3A_2132 = arith.constant 0 : i32
      %dma_start3A_2133 = tpu.memref_slice %arg11[%dma_start3A_2131, %dma_start3A_2132] : memref<2x128xi32, #tpu.memory_space<vmem>> -> memref<1x128xi32, #tpu.memory_space<vmem>>
      %dma_start3A_2134 = tpu.memref_squeeze %dma_start3A_2133 : memref<1x128xi32, #tpu.memory_space<vmem>> -> memref<128xi32, #tpu.memory_space<vmem>>
      %dma_start3A_2135 = tpu.memref_slice %arg6[%add3A_2117] : memref<524288xi32, #tpu.memory_space<hbm>> -> memref<128xi32, #tpu.memory_space<hbm>>
      %dma_start3A_2136 = tpu.memref_slice %arg6[%add3A_2117] : memref<524288xi32, #tpu.memory_space<hbm>> -> memref<128xi32, #tpu.memory_space<hbm>>
      %dma_start3A_2137 = arith.constant 0 : i32
      %dma_start3A_2138 = tpu.memref_slice %arg11[%dma_start3A_2131, %dma_start3A_2137] : memref<2x128xi32, #tpu.memory_space<vmem>> -> memref<1x128xi32, #tpu.memory_space<vmem>>
      %dma_start3A_2139 = tpu.memref_squeeze %dma_start3A_2138 : memref<1x128xi32, #tpu.memory_space<vmem>> -> memref<128xi32, #tpu.memory_space<vmem>>
      tpu.enqueue_dma source(%dma_start3A_2139 : memref<128xi32, #tpu.memory_space<vmem>>) target(%dma_start3A_2136 : memref<128xi32, #tpu.memory_space<hbm>>) target_semaphore(%arg14 : memref<!tpu.dma_semaphore, #tpu.memory_space<semaphore_mem>>)
      %add3A_2140 = arith.constant 2 : i32
      %add3A_2141 = arith.addi %add3A_1804, %add3A_2140 : i32
      %mul3A_2142 = arith.constant 128 : i32
      %mul3A_2143 = arith.muli %add3A_2141, %mul3A_2142 : i32
      %add3A_2144 = arith.addi %mul3A_2, %mul3A_2143 : i32
      %dma_start3A_2145 = arith.constant 1 : i32
      %dma_start3A_2146 = arith.constant 0 : i32
      %dma_start3A_2147 = tpu.memref_slice %arg8[%dma_start3A_2145, %dma_start3A_2146] : memref<2x128xi32, #tpu.memory_space<vmem>> -> memref<1x128xi32, #tpu.memory_space<vmem>>
      %dma_start3A_2148 = tpu.memref_squeeze %dma_start3A_2147 : memref<1x128xi32, #tpu.memory_space<vmem>> -> memref<128xi32, #tpu.memory_space<vmem>>
      %dma_start3A_2149 = tpu.memref_slice %arg2[%add3A_2144] : memref<524288xi32, #tpu.memory_space<hbm>> -> memref<128xi32, #tpu.memory_space<hbm>>
      %dma_start3A_2150 = arith.constant 0 : i32
      %dma_start3A_2151 = tpu.memref_slice %arg8[%dma_start3A_2145, %dma_start3A_2150] : memref<2x128xi32, #tpu.memory_space<vmem>> -> memref<1x128xi32, #tpu.memory_space<vmem>>
      %dma_start3A_2152 = tpu.memref_squeeze %dma_start3A_2151 : memref<1x128xi32, #tpu.memory_space<vmem>> -> memref<128xi32, #tpu.memory_space<vmem>>
      %dma_start3A_2153 = tpu.memref_slice %arg2[%add3A_2144] : memref<524288xi32, #tpu.memory_space<hbm>> -> memref<128xi32, #tpu.memory_space<hbm>>
      tpu.enqueue_dma source(%dma_start3A_2153 : memref<128xi32, #tpu.memory_space<hbm>>) target(%dma_start3A_2152 : memref<128xi32, #tpu.memory_space<vmem>>) target_semaphore(%arg16 : memref<!tpu.dma_semaphore, #tpu.memory_space<semaphore_mem>>)
      %dma_start3A_2154 = arith.constant 1 : i32
      %dma_start3A_2155 = arith.constant 0 : i32
      %dma_start3A_2156 = tpu.memref_slice %arg9[%dma_start3A_2154, %dma_start3A_2155] : memref<2x128xi32, #tpu.memory_space<vmem>> -> memref<1x128xi32, #tpu.memory_space<vmem>>
      %dma_start3A_2157 = tpu.memref_squeeze %dma_start3A_2156 : memref<1x128xi32, #tpu.memory_space<vmem>> -> memref<128xi32, #tpu.memory_space<vmem>>
      %dma_start3A_2158 = tpu.memref_slice %arg3[%add3A_2144] : memref<524288xi32, #tpu.memory_space<hbm>> -> memref<128xi32, #tpu.memory_space<hbm>>
      %dma_start3A_2159 = arith.constant 0 : i32
      %dma_start3A_2160 = tpu.memref_slice %arg9[%dma_start3A_2154, %dma_start3A_2159] : memref<2x128xi32, #tpu.memory_space<vmem>> -> memref<1x128xi32, #tpu.memory_space<vmem>>
      %dma_start3A_2161 = tpu.memref_squeeze %dma_start3A_2160 : memref<1x128xi32, #tpu.memory_space<vmem>> -> memref<128xi32, #tpu.memory_space<vmem>>
      %dma_start3A_2162 = tpu.memref_slice %arg3[%add3A_2144] : memref<524288xi32, #tpu.memory_space<hbm>> -> memref<128xi32, #tpu.memory_space<hbm>>
      tpu.enqueue_dma source(%dma_start3A_2162 : memref<128xi32, #tpu.memory_space<hbm>>) target(%dma_start3A_2161 : memref<128xi32, #tpu.memory_space<vmem>>) target_semaphore(%arg16 : memref<!tpu.dma_semaphore, #tpu.memory_space<semaphore_mem>>)
    }
    %scan3A_717 = arith.constant 62 : i32
    %dma_wait3A_718 = arith.constant 0 : i32
    %dma_wait3A_719 = arith.constant 0 : i32
    %dma_wait3A_720 = tpu.memref_slice %arg8[%dma_wait3A_718, %dma_wait3A_719] : memref<2x128xi32, #tpu.memory_space<vmem>> -> memref<1x128xi32, #tpu.memory_space<vmem>>
    %dma_wait3A_721 = tpu.memref_squeeze %dma_wait3A_720 : memref<1x128xi32, #tpu.memory_space<vmem>> -> memref<128xi32, #tpu.memory_space<vmem>>
    %dma_wait3A_722 = arith.constant 0 : i32
    %dma_wait3A_723 = tpu.memref_slice %arg2[%dma_wait3A_722] : memref<524288xi32, #tpu.memory_space<hbm>> -> memref<128xi32, #tpu.memory_space<hbm>>
    %dma_wait3A_724 = arith.constant 0 : i32
    %dma_wait3A_725 = tpu.memref_slice %arg8[%dma_wait3A_718, %dma_wait3A_724] : memref<2x128xi32, #tpu.memory_space<vmem>> -> memref<1x128xi32, #tpu.memory_space<vmem>>
    %dma_wait3A_726 = tpu.memref_squeeze %dma_wait3A_725 : memref<1x128xi32, #tpu.memory_space<vmem>> -> memref<128xi32, #tpu.memory_space<vmem>>
    %dma_wait3A_727 = arith.constant 0 : i32
    %dma_wait3A_728 = tpu.memref_slice %arg2[%dma_wait3A_727] : memref<524288xi32, #tpu.memory_space<hbm>> -> memref<128xi32, #tpu.memory_space<hbm>>
    tpu.wait_dma2 semaphore(%arg15 : memref<!tpu.dma_semaphore, #tpu.memory_space<semaphore_mem>>) src(%dma_wait3A_728 : memref<128xi32, #tpu.memory_space<hbm>>) dst(%dma_wait3A_726 : memref<128xi32, #tpu.memory_space<vmem>>)
    %dma_wait3A_729 = arith.constant 0 : i32
    %dma_wait3A_730 = arith.constant 0 : i32
    %dma_wait3A_731 = tpu.memref_slice %arg9[%dma_wait3A_729, %dma_wait3A_730] : memref<2x128xi32, #tpu.memory_space<vmem>> -> memref<1x128xi32, #tpu.memory_space<vmem>>
    %dma_wait3A_732 = tpu.memref_squeeze %dma_wait3A_731 : memref<1x128xi32, #tpu.memory_space<vmem>> -> memref<128xi32, #tpu.memory_space<vmem>>
    %dma_wait3A_733 = arith.constant 0 : i32
    %dma_wait3A_734 = tpu.memref_slice %arg3[%dma_wait3A_733] : memref<524288xi32, #tpu.memory_space<hbm>> -> memref<128xi32, #tpu.memory_space<hbm>>
    %dma_wait3A_735 = arith.constant 0 : i32
    %dma_wait3A_736 = tpu.memref_slice %arg9[%dma_wait3A_729, %dma_wait3A_735] : memref<2x128xi32, #tpu.memory_space<vmem>> -> memref<1x128xi32, #tpu.memory_space<vmem>>
    %dma_wait3A_737 = tpu.memref_squeeze %dma_wait3A_736 : memref<1x128xi32, #tpu.memory_space<vmem>> -> memref<128xi32, #tpu.memory_space<vmem>>
    %dma_wait3A_738 = arith.constant 0 : i32
    %dma_wait3A_739 = tpu.memref_slice %arg3[%dma_wait3A_738] : memref<524288xi32, #tpu.memory_space<hbm>> -> memref<128xi32, #tpu.memory_space<hbm>>
    tpu.wait_dma2 semaphore(%arg15 : memref<!tpu.dma_semaphore, #tpu.memory_space<semaphore_mem>>) src(%dma_wait3A_739 : memref<128xi32, #tpu.memory_space<hbm>>) dst(%dma_wait3A_737 : memref<128xi32, #tpu.memory_space<vmem>>)
    %dma_wait3A_740 = arith.constant 0 : i32
    %dma_wait3A_741 = arith.constant 0 : i32
    %dma_wait3A_742 = arith.constant 0 : i32
    %dma_wait3A_743 = tpu.memref_slice %arg12[%dma_wait3A_740, %dma_wait3A_741, %dma_wait3A_742] : memref<2x128x128xf32, #tpu.memory_space<vmem>> -> memref<1x128x128xf32, #tpu.memory_space<vmem>>
    %dma_wait3A_744 = tpu.memref_squeeze %dma_wait3A_743 : memref<1x128x128xf32, #tpu.memory_space<vmem>> -> memref<128x128xf32, #tpu.memory_space<vmem>>
    %dma_wait3A_745 = arith.constant 0 : i32
    %dma_wait3A_746 = arith.constant 0 : i32
    %dma_wait3A_747 = tpu.memref_slice %arg5[%dma_wait3A_745, %dma_wait3A_746] : memref<524288x128xf32, #tpu.memory_space<hbm>> -> memref<128x128xf32, #tpu.memory_space<hbm>>
    %dma_wait3A_748 = arith.constant 0 : i32
    %dma_wait3A_749 = arith.constant 0 : i32
    %dma_wait3A_750 = tpu.memref_slice %arg5[%dma_wait3A_748, %dma_wait3A_749] : memref<524288x128xf32, #tpu.memory_space<hbm>> -> memref<128x128xf32, #tpu.memory_space<hbm>>
    %dma_wait3A_751 = arith.constant 0 : i32
    %dma_wait3A_752 = arith.constant 0 : i32
    %dma_wait3A_753 = tpu.memref_slice %arg12[%dma_wait3A_740, %dma_wait3A_751, %dma_wait3A_752] : memref<2x128x128xf32, #tpu.memory_space<vmem>> -> memref<1x128x128xf32, #tpu.memory_space<vmem>>
    %dma_wait3A_754 = tpu.memref_squeeze %dma_wait3A_753 : memref<1x128x128xf32, #tpu.memory_space<vmem>> -> memref<128x128xf32, #tpu.memory_space<vmem>>
    tpu.wait_dma2 semaphore(%arg13 : memref<!tpu.dma_semaphore, #tpu.memory_space<semaphore_mem>>) src(%dma_wait3A_754 : memref<128x128xf32, #tpu.memory_space<vmem>>) dst(%dma_wait3A_750 : memref<128x128xf32, #tpu.memory_space<hbm>>)
    %dma_wait3A_755 = arith.constant 0 : i32
    %dma_wait3A_756 = arith.constant 0 : i32
    %dma_wait3A_757 = tpu.memref_slice %arg11[%dma_wait3A_755, %dma_wait3A_756] : memref<2x128xi32, #tpu.memory_space<vmem>> -> memref<1x128xi32, #tpu.memory_space<vmem>>
    %dma_wait3A_758 = tpu.memref_squeeze %dma_wait3A_757 : memref<1x128xi32, #tpu.memory_space<vmem>> -> memref<128xi32, #tpu.memory_space<vmem>>
    %dma_wait3A_759 = arith.constant 0 : i32
    %dma_wait3A_760 = tpu.memref_slice %arg6[%dma_wait3A_759] : memref<524288xi32, #tpu.memory_space<hbm>> -> memref<128xi32, #tpu.memory_space<hbm>>
    %dma_wait3A_761 = arith.constant 0 : i32
    %dma_wait3A_762 = tpu.memref_slice %arg6[%dma_wait3A_761] : memref<524288xi32, #tpu.memory_space<hbm>> -> memref<128xi32, #tpu.memory_space<hbm>>
    %dma_wait3A_763 = arith.constant 0 : i32
    %dma_wait3A_764 = tpu.memref_slice %arg11[%dma_wait3A_755, %dma_wait3A_763] : memref<2x128xi32, #tpu.memory_space<vmem>> -> memref<1x128xi32, #tpu.memory_space<vmem>>
    %dma_wait3A_765 = tpu.memref_squeeze %dma_wait3A_764 : memref<1x128xi32, #tpu.memory_space<vmem>> -> memref<128xi32, #tpu.memory_space<vmem>>
    tpu.wait_dma2 semaphore(%arg13 : memref<!tpu.dma_semaphore, #tpu.memory_space<semaphore_mem>>) src(%dma_wait3A_765 : memref<128xi32, #tpu.memory_space<vmem>>) dst(%dma_wait3A_762 : memref<128xi32, #tpu.memory_space<hbm>>)
    %get3A_766 = arith.constant 0 : i32
    %get3A_767 = arith.index_cast %get3A_766 : i32 to index
    %get3A_768 = arith.constant 0 : index
    %get3A_769 = tpu.vector_load %arg8[%get3A_767, %get3A_768] {strides = array<i32>} : memref<2x128xi32, #tpu.memory_space<vmem>>, vector<16xi32>,
    %get3A_770 = arith.constant 0 : i32
    %get3A_771 = arith.index_cast %get3A_770 : i32 to index
    %get3A_772 = arith.constant 0 : index
    %get3A_773 = tpu.vector_load %arg9[%get3A_771, %get3A_772] {strides = array<i32>} : memref<2x128xi32, #tpu.memory_space<vmem>>, vector<16xi32>,
    %ne3A_774 = arith.constant 0 : i32
    %ne3A_775 = vector.broadcast %ne3A_774 : i32 to vector<16xi32>
    %ne3A_776 = arith.cmpi ne, %get3A_769, %ne3A_775 : vector<16xi32>
    %ne3A_777 = arith.constant -1 : i32
    %ne3A_778 = vector.broadcast %ne3A_777 : i32 to vector<16xi32>
    %ne3A_779 = arith.cmpi ne, %get3A_773, %ne3A_778 : vector<16xi32>
    %and3A_780 = arith.andi %ne3A_776, %ne3A_779 : vector<16xi1>
    %ge3A_781 = arith.constant 0 : i32
    %ge3A_782 = vector.broadcast %ge3A_781 : i32 to vector<16xi32>
    %ge3A_783 = arith.cmpi sge, %get3A_773, %ge3A_782 : vector<16xi32>
    %and3A_784 = arith.andi %and3A_780, %ge3A_783 : vector<16xi1>
    %select_n3A_785 = arith.select %and3A_784, %get3A_773, %get3A_769 : vector<16xi1>, vector<16xi32>
    %mul3A_786 = arith.constant 128 : i32
    %mul3A_787 = vector.broadcast %mul3A_786 : i32 to vector<16xi32>
    %mul3A_788 = arith.muli %select_n3A_785, %mul3A_787 : vector<16xi32>
    %swap3A_789 = arith.constant 0 : index
    %swap3A_790 = tpu.vector_load %arg10[%swap3A_789] {strides = array<i32>} : memref<128xi32, #tpu.memory_space<vmem>>, vector<16xi32>,
    tpu.vector_store %arg10[%swap3A_789], %mul3A_788 {strides = array<i32>} : memref<128xi32, #tpu.memory_space<vmem>>, vector<16xi32>,
    %jit3A_791 = arith.constant -100 : i32
    %broadcast_in_dim3A_792 = vector.broadcast %jit3A_791 : i32 to vector<16xi32>
    %select_n3A_793 = arith.select %and3A_780, %get3A_769, %broadcast_in_dim3A_792 : vector<16xi1>, vector<16xi32>
    %swap3A_794 = arith.constant 0 : i32
    %swap3A_795 = arith.index_cast %swap3A_794 : i32 to index
    %swap3A_796 = arith.constant 0 : index
    %swap3A_797 = tpu.vector_load %arg11[%swap3A_795, %swap3A_796] {strides = array<i32>} : memref<2x128xi32, #tpu.memory_space<vmem>>, vector<16xi32>,
    tpu.vector_store %arg11[%swap3A_795, %swap3A_796], %select_n3A_793 {strides = array<i32>} : memref<2x128xi32, #tpu.memory_space<vmem>>, vector<16xi32>,
    %get3A_798 = arith.constant 0 : i32
    %get3A_799 = arith.index_cast %get3A_798 : i32 to index
    %get3A_800 = arith.constant 16 : index
    %get3A_801 = tpu.vector_load %arg8[%get3A_799, %get3A_800] {strides = array<i32>} : memref<2x128xi32, #tpu.memory_space<vmem>>, vector<16xi32>,
    %get3A_802 = arith.constant 0 : i32
    %get3A_803 = arith.index_cast %get3A_802 : i32 to index
    %get3A_804 = arith.constant 16 : index
    %get3A_805 = tpu.vector_load %arg9[%get3A_803, %get3A_804] {strides = array<i32>} : memref<2x128xi32, #tpu.memory_space<vmem>>, vector<16xi32>,
    %ne3A_806 = arith.constant 0 : i32
    %ne3A_807 = vector.broadcast %ne3A_806 : i32 to vector<16xi32>
    %ne3A_808 = arith.cmpi ne, %get3A_801, %ne3A_807 : vector<16xi32>
    %ne3A_809 = arith.constant -1 : i32
    %ne3A_810 = vector.broadcast %ne3A_809 : i32 to vector<16xi32>
    %ne3A_811 = arith.cmpi ne, %get3A_805, %ne3A_810 : vector<16xi32>
    %and3A_812 = arith.andi %ne3A_808, %ne3A_811 : vector<16xi1>
    %ge3A_813 = arith.constant 0 : i32
    %ge3A_814 = vector.broadcast %ge3A_813 : i32 to vector<16xi32>
    %ge3A_815 = arith.cmpi sge, %get3A_805, %ge3A_814 : vector<16xi32>
    %and3A_816 = arith.andi %and3A_812, %ge3A_815 : vector<16xi1>
    %select_n3A_817 = arith.select %and3A_816, %get3A_805, %get3A_801 : vector<16xi1>, vector<16xi32>
    %mul3A_818 = arith.constant 128 : i32
    %mul3A_819 = vector.broadcast %mul3A_818 : i32 to vector<16xi32>
    %mul3A_820 = arith.muli %select_n3A_817, %mul3A_819 : vector<16xi32>
    %swap3A_821 = arith.constant 16 : index
    %swap3A_822 = tpu.vector_load %arg10[%swap3A_821] {strides = array<i32>} : memref<128xi32, #tpu.memory_space<vmem>>, vector<16xi32>,
    tpu.vector_store %arg10[%swap3A_821], %mul3A_820 {strides = array<i32>} : memref<128xi32, #tpu.memory_space<vmem>>, vector<16xi32>,
    %jit3A_823 = arith.constant -100 : i32
    %broadcast_in_dim3A_824 = vector.broadcast %jit3A_823 : i32 to vector<16xi32>
    %select_n3A_825 = arith.select %and3A_812, %get3A_801, %broadcast_in_dim3A_824 : vector<16xi1>, vector<16xi32>
    %swap3A_826 = arith.constant 0 : i32
    %swap3A_827 = arith.index_cast %swap3A_826 : i32 to index
    %swap3A_828 = arith.constant 16 : index
    %swap3A_829 = tpu.vector_load %arg11[%swap3A_827, %swap3A_828] {strides = array<i32>} : memref<2x128xi32, #tpu.memory_space<vmem>>, vector<16xi32>,
    tpu.vector_store %arg11[%swap3A_827, %swap3A_828], %select_n3A_825 {strides = array<i32>} : memref<2x128xi32, #tpu.memory_space<vmem>>, vector<16xi32>,
    %get3A_830 = arith.constant 0 : i32
    %get3A_831 = arith.index_cast %get3A_830 : i32 to index
    %get3A_832 = arith.constant 32 : index
    %get3A_833 = tpu.vector_load %arg8[%get3A_831, %get3A_832] {strides = array<i32>} : memref<2x128xi32, #tpu.memory_space<vmem>>, vector<16xi32>,
    %get3A_834 = arith.constant 0 : i32
    %get3A_835 = arith.index_cast %get3A_834 : i32 to index
    %get3A_836 = arith.constant 32 : index
    %get3A_837 = tpu.vector_load %arg9[%get3A_835, %get3A_836] {strides = array<i32>} : memref<2x128xi32, #tpu.memory_space<vmem>>, vector<16xi32>,
    %ne3A_838 = arith.constant 0 : i32
    %ne3A_839 = vector.broadcast %ne3A_838 : i32 to vector<16xi32>
    %ne3A_840 = arith.cmpi ne, %get3A_833, %ne3A_839 : vector<16xi32>
    %ne3A_841 = arith.constant -1 : i32
    %ne3A_842 = vector.broadcast %ne3A_841 : i32 to vector<16xi32>
    %ne3A_843 = arith.cmpi ne, %get3A_837, %ne3A_842 : vector<16xi32>
    %and3A_844 = arith.andi %ne3A_840, %ne3A_843 : vector<16xi1>
    %ge3A_845 = arith.constant 0 : i32
    %ge3A_846 = vector.broadcast %ge3A_845 : i32 to vector<16xi32>
    %ge3A_847 = arith.cmpi sge, %get3A_837, %ge3A_846 : vector<16xi32>
    %and3A_848 = arith.andi %and3A_844, %ge3A_847 : vector<16xi1>
    %select_n3A_849 = arith.select %and3A_848, %get3A_837, %get3A_833 : vector<16xi1>, vector<16xi32>
    %mul3A_850 = arith.constant 128 : i32
    %mul3A_851 = vector.broadcast %mul3A_850 : i32 to vector<16xi32>
    %mul3A_852 = arith.muli %select_n3A_849, %mul3A_851 : vector<16xi32>
    %swap3A_853 = arith.constant 32 : index
    %swap3A_854 = tpu.vector_load %arg10[%swap3A_853] {strides = array<i32>} : memref<128xi32, #tpu.memory_space<vmem>>, vector<16xi32>,
    tpu.vector_store %arg10[%swap3A_853], %mul3A_852 {strides = array<i32>} : memref<128xi32, #tpu.memory_space<vmem>>, vector<16xi32>,
    %jit3A_855 = arith.constant -100 : i32
    %broadcast_in_dim3A_856 = vector.broadcast %jit3A_855 : i32 to vector<16xi32>
    %select_n3A_857 = arith.select %and3A_844, %get3A_833, %broadcast_in_dim3A_856 : vector<16xi1>, vector<16xi32>
    %swap3A_858 = arith.constant 0 : i32
    %swap3A_859 = arith.index_cast %swap3A_858 : i32 to index
    %swap3A_860 = arith.constant 32 : index
    %swap3A_861 = tpu.vector_load %arg11[%swap3A_859, %swap3A_860] {strides = array<i32>} : memref<2x128xi32, #tpu.memory_space<vmem>>, vector<16xi32>,
    tpu.vector_store %arg11[%swap3A_859, %swap3A_860], %select_n3A_857 {strides = array<i32>} : memref<2x128xi32, #tpu.memory_space<vmem>>, vector<16xi32>,
    %get3A_862 = arith.constant 0 : i32
    %get3A_863 = arith.index_cast %get3A_862 : i32 to index
    %get3A_864 = arith.constant 48 : index
    %get3A_865 = tpu.vector_load %arg8[%get3A_863, %get3A_864] {strides = array<i32>} : memref<2x128xi32, #tpu.memory_space<vmem>>, vector<16xi32>,
    %get3A_866 = arith.constant 0 : i32
    %get3A_867 = arith.index_cast %get3A_866 : i32 to index
    %get3A_868 = arith.constant 48 : index
    %get3A_869 = tpu.vector_load %arg9[%get3A_867, %get3A_868] {strides = array<i32>} : memref<2x128xi32, #tpu.memory_space<vmem>>, vector<16xi32>,
    %ne3A_870 = arith.constant 0 : i32
    %ne3A_871 = vector.broadcast %ne3A_870 : i32 to vector<16xi32>
    %ne3A_872 = arith.cmpi ne, %get3A_865, %ne3A_871 : vector<16xi32>
    %ne3A_873 = arith.constant -1 : i32
    %ne3A_874 = vector.broadcast %ne3A_873 : i32 to vector<16xi32>
    %ne3A_875 = arith.cmpi ne, %get3A_869, %ne3A_874 : vector<16xi32>
    %and3A_876 = arith.andi %ne3A_872, %ne3A_875 : vector<16xi1>
    %ge3A_877 = arith.constant 0 : i32
    %ge3A_878 = vector.broadcast %ge3A_877 : i32 to vector<16xi32>
    %ge3A_879 = arith.cmpi sge, %get3A_869, %ge3A_878 : vector<16xi32>
    %and3A_880 = arith.andi %and3A_876, %ge3A_879 : vector<16xi1>
    %select_n3A_881 = arith.select %and3A_880, %get3A_869, %get3A_865 : vector<16xi1>, vector<16xi32>
    %mul3A_882 = arith.constant 128 : i32
    %mul3A_883 = vector.broadcast %mul3A_882 : i32 to vector<16xi32>
    %mul3A_884 = arith.muli %select_n3A_881, %mul3A_883 : vector<16xi32>
    %swap3A_885 = arith.constant 48 : index
    %swap3A_886 = tpu.vector_load %arg10[%swap3A_885] {strides = array<i32>} : memref<128xi32, #tpu.memory_space<vmem>>, vector<16xi32>,
    tpu.vector_store %arg10[%swap3A_885], %mul3A_884 {strides = array<i32>} : memref<128xi32, #tpu.memory_space<vmem>>, vector<16xi32>,
    %jit3A_887 = arith.constant -100 : i32
    %broadcast_in_dim3A_888 = vector.broadcast %jit3A_887 : i32 to vector<16xi32>
    %select_n3A_889 = arith.select %and3A_876, %get3A_865, %broadcast_in_dim3A_888 : vector<16xi1>, vector<16xi32>
    %swap3A_890 = arith.constant 0 : i32
    %swap3A_891 = arith.index_cast %swap3A_890 : i32 to index
    %swap3A_892 = arith.constant 48 : index
    %swap3A_893 = tpu.vector_load %arg11[%swap3A_891, %swap3A_892] {strides = array<i32>} : memref<2x128xi32, #tpu.memory_space<vmem>>, vector<16xi32>,
    tpu.vector_store %arg11[%swap3A_891, %swap3A_892], %select_n3A_889 {strides = array<i32>} : memref<2x128xi32, #tpu.memory_space<vmem>>, vector<16xi32>,
    %get3A_894 = arith.constant 0 : i32
    %get3A_895 = arith.index_cast %get3A_894 : i32 to index
    %get3A_896 = arith.constant 64 : index
    %get3A_897 = tpu.vector_load %arg8[%get3A_895, %get3A_896] {strides = array<i32>} : memref<2x128xi32, #tpu.memory_space<vmem>>, vector<16xi32>,
    %get3A_898 = arith.constant 0 : i32
    %get3A_899 = arith.index_cast %get3A_898 : i32 to index
    %get3A_900 = arith.constant 64 : index
    %get3A_901 = tpu.vector_load %arg9[%get3A_899, %get3A_900] {strides = array<i32>} : memref<2x128xi32, #tpu.memory_space<vmem>>, vector<16xi32>,
    %ne3A_902 = arith.constant 0 : i32
    %ne3A_903 = vector.broadcast %ne3A_902 : i32 to vector<16xi32>
    %ne3A_904 = arith.cmpi ne, %get3A_897, %ne3A_903 : vector<16xi32>
    %ne3A_905 = arith.constant -1 : i32
    %ne3A_906 = vector.broadcast %ne3A_905 : i32 to vector<16xi32>
    %ne3A_907 = arith.cmpi ne, %get3A_901, %ne3A_906 : vector<16xi32>
    %and3A_908 = arith.andi %ne3A_904, %ne3A_907 : vector<16xi1>
    %ge3A_909 = arith.constant 0 : i32
    %ge3A_910 = vector.broadcast %ge3A_909 : i32 to vector<16xi32>
    %ge3A_911 = arith.cmpi sge, %get3A_901, %ge3A_910 : vector<16xi32>
    %and3A_912 = arith.andi %and3A_908, %ge3A_911 : vector<16xi1>
    %select_n3A_913 = arith.select %and3A_912, %get3A_901, %get3A_897 : vector<16xi1>, vector<16xi32>
    %mul3A_914 = arith.constant 128 : i32
    %mul3A_915 = vector.broadcast %mul3A_914 : i32 to vector<16xi32>
    %mul3A_916 = arith.muli %select_n3A_913, %mul3A_915 : vector<16xi32>
    %swap3A_917 = arith.constant 64 : index
    %swap3A_918 = tpu.vector_load %arg10[%swap3A_917] {strides = array<i32>} : memref<128xi32, #tpu.memory_space<vmem>>, vector<16xi32>,
    tpu.vector_store %arg10[%swap3A_917], %mul3A_916 {strides = array<i32>} : memref<128xi32, #tpu.memory_space<vmem>>, vector<16xi32>,
    %jit3A_919 = arith.constant -100 : i32
    %broadcast_in_dim3A_920 = vector.broadcast %jit3A_919 : i32 to vector<16xi32>
    %select_n3A_921 = arith.select %and3A_908, %get3A_897, %broadcast_in_dim3A_920 : vector<16xi1>, vector<16xi32>
    %swap3A_922 = arith.constant 0 : i32
    %swap3A_923 = arith.index_cast %swap3A_922 : i32 to index
    %swap3A_924 = arith.constant 64 : index
    %swap3A_925 = tpu.vector_load %arg11[%swap3A_923, %swap3A_924] {strides = array<i32>} : memref<2x128xi32, #tpu.memory_space<vmem>>, vector<16xi32>,
    tpu.vector_store %arg11[%swap3A_923, %swap3A_924], %select_n3A_921 {strides = array<i32>} : memref<2x128xi32, #tpu.memory_space<vmem>>, vector<16xi32>,
    %get3A_926 = arith.constant 0 : i32
    %get3A_927 = arith.index_cast %get3A_926 : i32 to index
    %get3A_928 = arith.constant 80 : index
    %get3A_929 = tpu.vector_load %arg8[%get3A_927, %get3A_928] {strides = array<i32>} : memref<2x128xi32, #tpu.memory_space<vmem>>, vector<16xi32>,
    %get3A_930 = arith.constant 0 : i32
    %get3A_931 = arith.index_cast %get3A_930 : i32 to index
    %get3A_932 = arith.constant 80 : index
    %get3A_933 = tpu.vector_load %arg9[%get3A_931, %get3A_932] {strides = array<i32>} : memref<2x128xi32, #tpu.memory_space<vmem>>, vector<16xi32>,
    %ne3A_934 = arith.constant 0 : i32
    %ne3A_935 = vector.broadcast %ne3A_934 : i32 to vector<16xi32>
    %ne3A_936 = arith.cmpi ne, %get3A_929, %ne3A_935 : vector<16xi32>
    %ne3A_937 = arith.constant -1 : i32
    %ne3A_938 = vector.broadcast %ne3A_937 : i32 to vector<16xi32>
    %ne3A_939 = arith.cmpi ne, %get3A_933, %ne3A_938 : vector<16xi32>
    %and3A_940 = arith.andi %ne3A_936, %ne3A_939 : vector<16xi1>
    %ge3A_941 = arith.constant 0 : i32
    %ge3A_942 = vector.broadcast %ge3A_941 : i32 to vector<16xi32>
    %ge3A_943 = arith.cmpi sge, %get3A_933, %ge3A_942 : vector<16xi32>
    %and3A_944 = arith.andi %and3A_940, %ge3A_943 : vector<16xi1>
    %select_n3A_945 = arith.select %and3A_944, %get3A_933, %get3A_929 : vector<16xi1>, vector<16xi32>
    %mul3A_946 = arith.constant 128 : i32
    %mul3A_947 = vector.broadcast %mul3A_946 : i32 to vector<16xi32>
    %mul3A_948 = arith.muli %select_n3A_945, %mul3A_947 : vector<16xi32>
    %swap3A_949 = arith.constant 80 : index
    %swap3A_950 = tpu.vector_load %arg10[%swap3A_949] {strides = array<i32>} : memref<128xi32, #tpu.memory_space<vmem>>, vector<16xi32>,
    tpu.vector_store %arg10[%swap3A_949], %mul3A_948 {strides = array<i32>} : memref<128xi32, #tpu.memory_space<vmem>>, vector<16xi32>,
    %jit3A_951 = arith.constant -100 : i32
    %broadcast_in_dim3A_952 = vector.broadcast %jit3A_951 : i32 to vector<16xi32>
    %select_n3A_953 = arith.select %and3A_940, %get3A_929, %broadcast_in_dim3A_952 : vector<16xi1>, vector<16xi32>
    %swap3A_954 = arith.constant 0 : i32
    %swap3A_955 = arith.index_cast %swap3A_954 : i32 to index
    %swap3A_956 = arith.constant 80 : index
    %swap3A_957 = tpu.vector_load %arg11[%swap3A_955, %swap3A_956] {strides = array<i32>} : memref<2x128xi32, #tpu.memory_space<vmem>>, vector<16xi32>,
    tpu.vector_store %arg11[%swap3A_955, %swap3A_956], %select_n3A_953 {strides = array<i32>} : memref<2x128xi32, #tpu.memory_space<vmem>>, vector<16xi32>,
    %get3A_958 = arith.constant 0 : i32
    %get3A_959 = arith.index_cast %get3A_958 : i32 to index
    %get3A_960 = arith.constant 96 : index
    %get3A_961 = tpu.vector_load %arg8[%get3A_959, %get3A_960] {strides = array<i32>} : memref<2x128xi32, #tpu.memory_space<vmem>>, vector<16xi32>,
    %get3A_962 = arith.constant 0 : i32
    %get3A_963 = arith.index_cast %get3A_962 : i32 to index
    %get3A_964 = arith.constant 96 : index
    %get3A_965 = tpu.vector_load %arg9[%get3A_963, %get3A_964] {strides = array<i32>} : memref<2x128xi32, #tpu.memory_space<vmem>>, vector<16xi32>,
    %ne3A_966 = arith.constant 0 : i32
    %ne3A_967 = vector.broadcast %ne3A_966 : i32 to vector<16xi32>
    %ne3A_968 = arith.cmpi ne, %get3A_961, %ne3A_967 : vector<16xi32>
    %ne3A_969 = arith.constant -1 : i32
    %ne3A_970 = vector.broadcast %ne3A_969 : i32 to vector<16xi32>
    %ne3A_971 = arith.cmpi ne, %get3A_965, %ne3A_970 : vector<16xi32>
    %and3A_972 = arith.andi %ne3A_968, %ne3A_971 : vector<16xi1>
    %ge3A_973 = arith.constant 0 : i32
    %ge3A_974 = vector.broadcast %ge3A_973 : i32 to vector<16xi32>
    %ge3A_975 = arith.cmpi sge, %get3A_965, %ge3A_974 : vector<16xi32>
    %and3A_976 = arith.andi %and3A_972, %ge3A_975 : vector<16xi1>
    %select_n3A_977 = arith.select %and3A_976, %get3A_965, %get3A_961 : vector<16xi1>, vector<16xi32>
    %mul3A_978 = arith.constant 128 : i32
    %mul3A_979 = vector.broadcast %mul3A_978 : i32 to vector<16xi32>
    %mul3A_980 = arith.muli %select_n3A_977, %mul3A_979 : vector<16xi32>
    %swap3A_981 = arith.constant 96 : index
    %swap3A_982 = tpu.vector_load %arg10[%swap3A_981] {strides = array<i32>} : memref<128xi32, #tpu.memory_space<vmem>>, vector<16xi32>,
    tpu.vector_store %arg10[%swap3A_981], %mul3A_980 {strides = array<i32>} : memref<128xi32, #tpu.memory_space<vmem>>, vector<16xi32>,
    %jit3A_983 = arith.constant -100 : i32
    %broadcast_in_dim3A_984 = vector.broadcast %jit3A_983 : i32 to vector<16xi32>
    %select_n3A_985 = arith.select %and3A_972, %get3A_961, %broadcast_in_dim3A_984 : vector<16xi1>, vector<16xi32>
    %swap3A_986 = arith.constant 0 : i32
    %swap3A_987 = arith.index_cast %swap3A_986 : i32 to index
    %swap3A_988 = arith.constant 96 : index
    %swap3A_989 = tpu.vector_load %arg11[%swap3A_987, %swap3A_988] {strides = array<i32>} : memref<2x128xi32, #tpu.memory_space<vmem>>, vector<16xi32>,
    tpu.vector_store %arg11[%swap3A_987, %swap3A_988], %select_n3A_985 {strides = array<i32>} : memref<2x128xi32, #tpu.memory_space<vmem>>, vector<16xi32>,
    %get3A_990 = arith.constant 0 : i32
    %get3A_991 = arith.index_cast %get3A_990 : i32 to index
    %get3A_992 = arith.constant 112 : index
    %get3A_993 = tpu.vector_load %arg8[%get3A_991, %get3A_992] {strides = array<i32>} : memref<2x128xi32, #tpu.memory_space<vmem>>, vector<16xi32>,
    %get3A_994 = arith.constant 0 : i32
    %get3A_995 = arith.index_cast %get3A_994 : i32 to index
    %get3A_996 = arith.constant 112 : index
    %get3A_997 = tpu.vector_load %arg9[%get3A_995, %get3A_996] {strides = array<i32>} : memref<2x128xi32, #tpu.memory_space<vmem>>, vector<16xi32>,
    %ne3A_998 = arith.constant 0 : i32
    %ne3A_999 = vector.broadcast %ne3A_998 : i32 to vector<16xi32>
    %ne3A_1000 = arith.cmpi ne, %get3A_993, %ne3A_999 : vector<16xi32>
    %ne3A_1001 = arith.constant -1 : i32
    %ne3A_1002 = vector.broadcast %ne3A_1001 : i32 to vector<16xi32>
    %ne3A_1003 = arith.cmpi ne, %get3A_997, %ne3A_1002 : vector<16xi32>
    %and3A_1004 = arith.andi %ne3A_1000, %ne3A_1003 : vector<16xi1>
    %ge3A_1005 = arith.constant 0 : i32
    %ge3A_1006 = vector.broadcast %ge3A_1005 : i32 to vector<16xi32>
    %ge3A_1007 = arith.cmpi sge, %get3A_997, %ge3A_1006 : vector<16xi32>
    %and3A_1008 = arith.andi %and3A_1004, %ge3A_1007 : vector<16xi1>
    %select_n3A_1009 = arith.select %and3A_1008, %get3A_997, %get3A_993 : vector<16xi1>, vector<16xi32>
    %mul3A_1010 = arith.constant 128 : i32
    %mul3A_1011 = vector.broadcast %mul3A_1010 : i32 to vector<16xi32>
    %mul3A_1012 = arith.muli %select_n3A_1009, %mul3A_1011 : vector<16xi32>
    %swap3A_1013 = arith.constant 112 : index
    %swap3A_1014 = tpu.vector_load %arg10[%swap3A_1013] {strides = array<i32>} : memref<128xi32, #tpu.memory_space<vmem>>, vector<16xi32>,
    tpu.vector_store %arg10[%swap3A_1013], %mul3A_1012 {strides = array<i32>} : memref<128xi32, #tpu.memory_space<vmem>>, vector<16xi32>,
    %jit3A_1015 = arith.constant -100 : i32
    %broadcast_in_dim3A_1016 = vector.broadcast %jit3A_1015 : i32 to vector<16xi32>
    %select_n3A_1017 = arith.select %and3A_1004, %get3A_993, %broadcast_in_dim3A_1016 : vector<16xi1>, vector<16xi32>
    %swap3A_1018 = arith.constant 0 : i32
    %swap3A_1019 = arith.index_cast %swap3A_1018 : i32 to index
    %swap3A_1020 = arith.constant 112 : index
    %swap3A_1021 = tpu.vector_load %arg11[%swap3A_1019, %swap3A_1020] {strides = array<i32>} : memref<2x128xi32, #tpu.memory_space<vmem>>, vector<16xi32>,
    tpu.vector_store %arg11[%swap3A_1019, %swap3A_1020], %select_n3A_1017 {strides = array<i32>} : memref<2x128xi32, #tpu.memory_space<vmem>>, vector<16xi32>,
    %scan3A_1022 = arith.constant 0 : i32
    %scan3A_1023 = arith.constant 0 : i32
    %scan3A_1024 = arith.constant 32 : i32
    %scan3A_1025 = arith.addi %scan3A_1023, %scan3A_1024 : i32
    %scan3A_1026 = arith.constant 1 : i32
    scf.for %scan3A_1438 = %scan3A_1023 to %scan3A_1025 step %scan3A_1026  : i32 {
      %mul3A_1439 = arith.constant 4 : i32
      %mul3A_1440 = arith.muli %scan3A_1438, %mul3A_1439 : i32
      %add3A_1441 = arith.constant 0 : i32
      %add3A_1442 = arith.addi %mul3A_1440, %add3A_1441 : i32
      %broadcast_in_dim3A_1443 = vector.broadcast %add3A_1442 : i32 to vector<16xi32>
      %gather3A = tpu.vector_load_idx %arg10[%broadcast_in_dim3A_1443] : memref<128xi32, #tpu.memory_space<vmem>>[vector<16xi32>], vector<16xi32>,
      %add3A_1444 = arith.addi %gather3A, %add3A_5 : vector<16xi32>
      %gather3A_1445 = tpu.vector_load_idx %arg7[%add3A_1444] : memref<4224xf32, #tpu.memory_space<vmem>>[vector<16xi32>], vector<16xf32>,
      %swap3A_1446 = arith.constant 0 : i32
      %swap3A_1447 = arith.index_cast %swap3A_1446 : i32 to index
      %swap3A_1448 = arith.index_cast %add3A_1442 : i32 to index
      %swap3A_1449 = arith.constant 0 : index
      %swap3A_1450 = tpu.vector_load %arg12[%swap3A_1447, %swap3A_1448, %swap3A_1449] {strides = array<i32>} : memref<2x128x128xf32, #tpu.memory_space<vmem>>, vector<16xf32>,
      tpu.vector_store %arg12[%swap3A_1447, %swap3A_1448, %swap3A_1449], %gather3A_1445 {strides = array<i32>} : memref<2x128x128xf32, #tpu.memory_space<vmem>>, vector<16xf32>,
      %add3A_1451 = arith.addi %gather3A, %add3A_8 : vector<16xi32>
      %gather3A_1452 = tpu.vector_load_idx %arg7[%add3A_1451] : memref<4224xf32, #tpu.memory_space<vmem>>[vector<16xi32>], vector<16xf32>,
      %swap3A_1453 = arith.constant 0 : i32
      %swap3A_1454 = arith.index_cast %swap3A_1453 : i32 to index
      %swap3A_1455 = arith.index_cast %add3A_1442 : i32 to index
      %swap3A_1456 = arith.constant 16 : index
      %swap3A_1457 = tpu.vector_load %arg12[%swap3A_1454, %swap3A_1455, %swap3A_1456] {strides = array<i32>} : memref<2x128x128xf32, #tpu.memory_space<vmem>>, vector<16xf32>,
      tpu.vector_store %arg12[%swap3A_1454, %swap3A_1455, %swap3A_1456], %gather3A_1452 {strides = array<i32>} : memref<2x128x128xf32, #tpu.memory_space<vmem>>, vector<16xf32>,
      %add3A_1458 = arith.addi %gather3A, %add3A_11 : vector<16xi32>
      %gather3A_1459 = tpu.vector_load_idx %arg7[%add3A_1458] : memref<4224xf32, #tpu.memory_space<vmem>>[vector<16xi32>], vector<16xf32>,
      %swap3A_1460 = arith.constant 0 : i32
      %swap3A_1461 = arith.index_cast %swap3A_1460 : i32 to index
      %swap3A_1462 = arith.index_cast %add3A_1442 : i32 to index
      %swap3A_1463 = arith.constant 32 : index
      %swap3A_1464 = tpu.vector_load %arg12[%swap3A_1461, %swap3A_1462, %swap3A_1463] {strides = array<i32>} : memref<2x128x128xf32, #tpu.memory_space<vmem>>, vector<16xf32>,
      tpu.vector_store %arg12[%swap3A_1461, %swap3A_1462, %swap3A_1463], %gather3A_1459 {strides = array<i32>} : memref<2x128x128xf32, #tpu.memory_space<vmem>>, vector<16xf32>,
      %add3A_1465 = arith.addi %gather3A, %add3A_14 : vector<16xi32>
      %gather3A_1466 = tpu.vector_load_idx %arg7[%add3A_1465] : memref<4224xf32, #tpu.memory_space<vmem>>[vector<16xi32>], vector<16xf32>,
      %swap3A_1467 = arith.constant 0 : i32
      %swap3A_1468 = arith.index_cast %swap3A_1467 : i32 to index
      %swap3A_1469 = arith.index_cast %add3A_1442 : i32 to index
      %swap3A_1470 = arith.constant 48 : index
      %swap3A_1471 = tpu.vector_load %arg12[%swap3A_1468, %swap3A_1469, %swap3A_1470] {strides = array<i32>} : memref<2x128x128xf32, #tpu.memory_space<vmem>>, vector<16xf32>,
      tpu.vector_store %arg12[%swap3A_1468, %swap3A_1469, %swap3A_1470], %gather3A_1466 {strides = array<i32>} : memref<2x128x128xf32, #tpu.memory_space<vmem>>, vector<16xf32>,
      %add3A_1472 = arith.addi %gather3A, %add3A_17 : vector<16xi32>
      %gather3A_1473 = tpu.vector_load_idx %arg7[%add3A_1472] : memref<4224xf32, #tpu.memory_space<vmem>>[vector<16xi32>], vector<16xf32>,
      %swap3A_1474 = arith.constant 0 : i32
      %swap3A_1475 = arith.index_cast %swap3A_1474 : i32 to index
      %swap3A_1476 = arith.index_cast %add3A_1442 : i32 to index
      %swap3A_1477 = arith.constant 64 : index
      %swap3A_1478 = tpu.vector_load %arg12[%swap3A_1475, %swap3A_1476, %swap3A_1477] {strides = array<i32>} : memref<2x128x128xf32, #tpu.memory_space<vmem>>, vector<16xf32>,
      tpu.vector_store %arg12[%swap3A_1475, %swap3A_1476, %swap3A_1477], %gather3A_1473 {strides = array<i32>} : memref<2x128x128xf32, #tpu.memory_space<vmem>>, vector<16xf32>,
      %add3A_1479 = arith.addi %gather3A, %add3A_20 : vector<16xi32>
      %gather3A_1480 = tpu.vector_load_idx %arg7[%add3A_1479] : memref<4224xf32, #tpu.memory_space<vmem>>[vector<16xi32>], vector<16xf32>,
      %swap3A_1481 = arith.constant 0 : i32
      %swap3A_1482 = arith.index_cast %swap3A_1481 : i32 to index
      %swap3A_1483 = arith.index_cast %add3A_1442 : i32 to index
      %swap3A_1484 = arith.constant 80 : index
      %swap3A_1485 = tpu.vector_load %arg12[%swap3A_1482, %swap3A_1483, %swap3A_1484] {strides = array<i32>} : memref<2x128x128xf32, #tpu.memory_space<vmem>>, vector<16xf32>,
      tpu.vector_store %arg12[%swap3A_1482, %swap3A_1483, %swap3A_1484], %gather3A_1480 {strides = array<i32>} : memref<2x128x128xf32, #tpu.memory_space<vmem>>, vector<16xf32>,
      %add3A_1486 = arith.addi %gather3A, %add3A_23 : vector<16xi32>
      %gather3A_1487 = tpu.vector_load_idx %arg7[%add3A_1486] : memref<4224xf32, #tpu.memory_space<vmem>>[vector<16xi32>], vector<16xf32>,
      %swap3A_1488 = arith.constant 0 : i32
      %swap3A_1489 = arith.index_cast %swap3A_1488 : i32 to index
      %swap3A_1490 = arith.index_cast %add3A_1442 : i32 to index
      %swap3A_1491 = arith.constant 96 : index
      %swap3A_1492 = tpu.vector_load %arg12[%swap3A_1489, %swap3A_1490, %swap3A_1491] {strides = array<i32>} : memref<2x128x128xf32, #tpu.memory_space<vmem>>, vector<16xf32>,
      tpu.vector_store %arg12[%swap3A_1489, %swap3A_1490, %swap3A_1491], %gather3A_1487 {strides = array<i32>} : memref<2x128x128xf32, #tpu.memory_space<vmem>>, vector<16xf32>,
      %add3A_1493 = arith.addi %gather3A, %add3A_26 : vector<16xi32>
      %gather3A_1494 = tpu.vector_load_idx %arg7[%add3A_1493] : memref<4224xf32, #tpu.memory_space<vmem>>[vector<16xi32>], vector<16xf32>,
      %swap3A_1495 = arith.constant 0 : i32
      %swap3A_1496 = arith.index_cast %swap3A_1495 : i32 to index
      %swap3A_1497 = arith.index_cast %add3A_1442 : i32 to index
      %swap3A_1498 = arith.constant 112 : index
      %swap3A_1499 = tpu.vector_load %arg12[%swap3A_1496, %swap3A_1497, %swap3A_1498] {strides = array<i32>} : memref<2x128x128xf32, #tpu.memory_space<vmem>>, vector<16xf32>,
      tpu.vector_store %arg12[%swap3A_1496, %swap3A_1497, %swap3A_1498], %gather3A_1494 {strides = array<i32>} : memref<2x128x128xf32, #tpu.memory_space<vmem>>, vector<16xf32>,
      %mul3A_1500 = arith.constant 4 : i32
      %mul3A_1501 = arith.muli %scan3A_1438, %mul3A_1500 : i32
      %add3A_1502 = arith.constant 1 : i32
      %add3A_1503 = arith.addi %mul3A_1501, %add3A_1502 : i32
      %broadcast_in_dim3A_1504 = vector.broadcast %add3A_1503 : i32 to vector<16xi32>
      %gather3A_1505 = tpu.vector_load_idx %arg10[%broadcast_in_dim3A_1504] : memref<128xi32, #tpu.memory_space<vmem>>[vector<16xi32>], vector<16xi32>,
      %add3A_1506 = arith.addi %gather3A_1505, %add3A_5 : vector<16xi32>
      %gather3A_1507 = tpu.vector_load_idx %arg7[%add3A_1506] : memref<4224xf32, #tpu.memory_space<vmem>>[vector<16xi32>], vector<16xf32>,
      %swap3A_1508 = arith.constant 0 : i32
      %swap3A_1509 = arith.index_cast %swap3A_1508 : i32 to index
      %swap3A_1510 = arith.index_cast %add3A_1503 : i32 to index
      %swap3A_1511 = arith.constant 0 : index
      %swap3A_1512 = tpu.vector_load %arg12[%swap3A_1509, %swap3A_1510, %swap3A_1511] {strides = array<i32>} : memref<2x128x128xf32, #tpu.memory_space<vmem>>, vector<16xf32>,
      tpu.vector_store %arg12[%swap3A_1509, %swap3A_1510, %swap3A_1511], %gather3A_1507 {strides = array<i32>} : memref<2x128x128xf32, #tpu.memory_space<vmem>>, vector<16xf32>,
      %add3A_1513 = arith.addi %gather3A_1505, %add3A_8 : vector<16xi32>
      %gather3A_1514 = tpu.vector_load_idx %arg7[%add3A_1513] : memref<4224xf32, #tpu.memory_space<vmem>>[vector<16xi32>], vector<16xf32>,
      %swap3A_1515 = arith.constant 0 : i32
      %swap3A_1516 = arith.index_cast %swap3A_1515 : i32 to index
      %swap3A_1517 = arith.index_cast %add3A_1503 : i32 to index
      %swap3A_1518 = arith.constant 16 : index
      %swap3A_1519 = tpu.vector_load %arg12[%swap3A_1516, %swap3A_1517, %swap3A_1518] {strides = array<i32>} : memref<2x128x128xf32, #tpu.memory_space<vmem>>, vector<16xf32>,
      tpu.vector_store %arg12[%swap3A_1516, %swap3A_1517, %swap3A_1518], %gather3A_1514 {strides = array<i32>} : memref<2x128x128xf32, #tpu.memory_space<vmem>>, vector<16xf32>,
      %add3A_1520 = arith.addi %gather3A_1505, %add3A_11 : vector<16xi32>
      %gather3A_1521 = tpu.vector_load_idx %arg7[%add3A_1520] : memref<4224xf32, #tpu.memory_space<vmem>>[vector<16xi32>], vector<16xf32>,
      %swap3A_1522 = arith.constant 0 : i32
      %swap3A_1523 = arith.index_cast %swap3A_1522 : i32 to index
      %swap3A_1524 = arith.index_cast %add3A_1503 : i32 to index
      %swap3A_1525 = arith.constant 32 : index
      %swap3A_1526 = tpu.vector_load %arg12[%swap3A_1523, %swap3A_1524, %swap3A_1525] {strides = array<i32>} : memref<2x128x128xf32, #tpu.memory_space<vmem>>, vector<16xf32>,
      tpu.vector_store %arg12[%swap3A_1523, %swap3A_1524, %swap3A_1525], %gather3A_1521 {strides = array<i32>} : memref<2x128x128xf32, #tpu.memory_space<vmem>>, vector<16xf32>,
      %add3A_1527 = arith.addi %gather3A_1505, %add3A_14 : vector<16xi32>
      %gather3A_1528 = tpu.vector_load_idx %arg7[%add3A_1527] : memref<4224xf32, #tpu.memory_space<vmem>>[vector<16xi32>], vector<16xf32>,
      %swap3A_1529 = arith.constant 0 : i32
      %swap3A_1530 = arith.index_cast %swap3A_1529 : i32 to index
      %swap3A_1531 = arith.index_cast %add3A_1503 : i32 to index
      %swap3A_1532 = arith.constant 48 : index
      %swap3A_1533 = tpu.vector_load %arg12[%swap3A_1530, %swap3A_1531, %swap3A_1532] {strides = array<i32>} : memref<2x128x128xf32, #tpu.memory_space<vmem>>, vector<16xf32>,
      tpu.vector_store %arg12[%swap3A_1530, %swap3A_1531, %swap3A_1532], %gather3A_1528 {strides = array<i32>} : memref<2x128x128xf32, #tpu.memory_space<vmem>>, vector<16xf32>,
      %add3A_1534 = arith.addi %gather3A_1505, %add3A_17 : vector<16xi32>
      %gather3A_1535 = tpu.vector_load_idx %arg7[%add3A_1534] : memref<4224xf32, #tpu.memory_space<vmem>>[vector<16xi32>], vector<16xf32>,
      %swap3A_1536 = arith.constant 0 : i32
      %swap3A_1537 = arith.index_cast %swap3A_1536 : i32 to index
      %swap3A_1538 = arith.index_cast %add3A_1503 : i32 to index
      %swap3A_1539 = arith.constant 64 : index
      %swap3A_1540 = tpu.vector_load %arg12[%swap3A_1537, %swap3A_1538, %swap3A_1539] {strides = array<i32>} : memref<2x128x128xf32, #tpu.memory_space<vmem>>, vector<16xf32>,
      tpu.vector_store %arg12[%swap3A_1537, %swap3A_1538, %swap3A_1539], %gather3A_1535 {strides = array<i32>} : memref<2x128x128xf32, #tpu.memory_space<vmem>>, vector<16xf32>,
      %add3A_1541 = arith.addi %gather3A_1505, %add3A_20 : vector<16xi32>
      %gather3A_1542 = tpu.vector_load_idx %arg7[%add3A_1541] : memref<4224xf32, #tpu.memory_space<vmem>>[vector<16xi32>], vector<16xf32>,
      %swap3A_1543 = arith.constant 0 : i32
      %swap3A_1544 = arith.index_cast %swap3A_1543 : i32 to index
      %swap3A_1545 = arith.index_cast %add3A_1503 : i32 to index
      %swap3A_1546 = arith.constant 80 : index
      %swap3A_1547 = tpu.vector_load %arg12[%swap3A_1544, %swap3A_1545, %swap3A_1546] {strides = array<i32>} : memref<2x128x128xf32, #tpu.memory_space<vmem>>, vector<16xf32>,
      tpu.vector_store %arg12[%swap3A_1544, %swap3A_1545, %swap3A_1546], %gather3A_1542 {strides = array<i32>} : memref<2x128x128xf32, #tpu.memory_space<vmem>>, vector<16xf32>,
      %add3A_1548 = arith.addi %gather3A_1505, %add3A_23 : vector<16xi32>
      %gather3A_1549 = tpu.vector_load_idx %arg7[%add3A_1548] : memref<4224xf32, #tpu.memory_space<vmem>>[vector<16xi32>], vector<16xf32>,
      %swap3A_1550 = arith.constant 0 : i32
      %swap3A_1551 = arith.index_cast %swap3A_1550 : i32 to index
      %swap3A_1552 = arith.index_cast %add3A_1503 : i32 to index
      %swap3A_1553 = arith.constant 96 : index
      %swap3A_1554 = tpu.vector_load %arg12[%swap3A_1551, %swap3A_1552, %swap3A_1553] {strides = array<i32>} : memref<2x128x128xf32, #tpu.memory_space<vmem>>, vector<16xf32>,
      tpu.vector_store %arg12[%swap3A_1551, %swap3A_1552, %swap3A_1553], %gather3A_1549 {strides = array<i32>} : memref<2x128x128xf32, #tpu.memory_space<vmem>>, vector<16xf32>,
      %add3A_1555 = arith.addi %gather3A_1505, %add3A_26 : vector<16xi32>
      %gather3A_1556 = tpu.vector_load_idx %arg7[%add3A_1555] : memref<4224xf32, #tpu.memory_space<vmem>>[vector<16xi32>], vector<16xf32>,
      %swap3A_1557 = arith.constant 0 : i32
      %swap3A_1558 = arith.index_cast %swap3A_1557 : i32 to index
      %swap3A_1559 = arith.index_cast %add3A_1503 : i32 to index
      %swap3A_1560 = arith.constant 112 : index
      %swap3A_1561 = tpu.vector_load %arg12[%swap3A_1558, %swap3A_1559, %swap3A_1560] {strides = array<i32>} : memref<2x128x128xf32, #tpu.memory_space<vmem>>, vector<16xf32>,
      tpu.vector_store %arg12[%swap3A_1558, %swap3A_1559, %swap3A_1560], %gather3A_1556 {strides = array<i32>} : memref<2x128x128xf32, #tpu.memory_space<vmem>>, vector<16xf32>,
      %mul3A_1562 = arith.constant 4 : i32
      %mul3A_1563 = arith.muli %scan3A_1438, %mul3A_1562 : i32
      %add3A_1564 = arith.constant 2 : i32
      %add3A_1565 = arith.addi %mul3A_1563, %add3A_1564 : i32
      %broadcast_in_dim3A_1566 = vector.broadcast %add3A_1565 : i32 to vector<16xi32>
      %gather3A_1567 = tpu.vector_load_idx %arg10[%broadcast_in_dim3A_1566] : memref<128xi32, #tpu.memory_space<vmem>>[vector<16xi32>], vector<16xi32>,
      %add3A_1568 = arith.addi %gather3A_1567, %add3A_5 : vector<16xi32>
      %gather3A_1569 = tpu.vector_load_idx %arg7[%add3A_1568] : memref<4224xf32, #tpu.memory_space<vmem>>[vector<16xi32>], vector<16xf32>,
      %swap3A_1570 = arith.constant 0 : i32
      %swap3A_1571 = arith.index_cast %swap3A_1570 : i32 to index
      %swap3A_1572 = arith.index_cast %add3A_1565 : i32 to index
      %swap3A_1573 = arith.constant 0 : index
      %swap3A_1574 = tpu.vector_load %arg12[%swap3A_1571, %swap3A_1572, %swap3A_1573] {strides = array<i32>} : memref<2x128x128xf32, #tpu.memory_space<vmem>>, vector<16xf32>,
      tpu.vector_store %arg12[%swap3A_1571, %swap3A_1572, %swap3A_1573], %gather3A_1569 {strides = array<i32>} : memref<2x128x128xf32, #tpu.memory_space<vmem>>, vector<16xf32>,
      %add3A_1575 = arith.addi %gather3A_1567, %add3A_8 : vector<16xi32>
      %gather3A_1576 = tpu.vector_load_idx %arg7[%add3A_1575] : memref<4224xf32, #tpu.memory_space<vmem>>[vector<16xi32>], vector<16xf32>,
      %swap3A_1577 = arith.constant 0 : i32
      %swap3A_1578 = arith.index_cast %swap3A_1577 : i32 to index
      %swap3A_1579 = arith.index_cast %add3A_1565 : i32 to index
      %swap3A_1580 = arith.constant 16 : index
      %swap3A_1581 = tpu.vector_load %arg12[%swap3A_1578, %swap3A_1579, %swap3A_1580] {strides = array<i32>} : memref<2x128x128xf32, #tpu.memory_space<vmem>>, vector<16xf32>,
      tpu.vector_store %arg12[%swap3A_1578, %swap3A_1579, %swap3A_1580], %gather3A_1576 {strides = array<i32>} : memref<2x128x128xf32, #tpu.memory_space<vmem>>, vector<16xf32>,
      %add3A_1582 = arith.addi %gather3A_1567, %add3A_11 : vector<16xi32>
      %gather3A_1583 = tpu.vector_load_idx %arg7[%add3A_1582] : memref<4224xf32, #tpu.memory_space<vmem>>[vector<16xi32>], vector<16xf32>,
      %swap3A_1584 = arith.constant 0 : i32
      %swap3A_1585 = arith.index_cast %swap3A_1584 : i32 to index
      %swap3A_1586 = arith.index_cast %add3A_1565 : i32 to index
      %swap3A_1587 = arith.constant 32 : index
      %swap3A_1588 = tpu.vector_load %arg12[%swap3A_1585, %swap3A_1586, %swap3A_1587] {strides = array<i32>} : memref<2x128x128xf32, #tpu.memory_space<vmem>>, vector<16xf32>,
      tpu.vector_store %arg12[%swap3A_1585, %swap3A_1586, %swap3A_1587], %gather3A_1583 {strides = array<i32>} : memref<2x128x128xf32, #tpu.memory_space<vmem>>, vector<16xf32>,
      %add3A_1589 = arith.addi %gather3A_1567, %add3A_14 : vector<16xi32>
      %gather3A_1590 = tpu.vector_load_idx %arg7[%add3A_1589] : memref<4224xf32, #tpu.memory_space<vmem>>[vector<16xi32>], vector<16xf32>,
      %swap3A_1591 = arith.constant 0 : i32
      %swap3A_1592 = arith.index_cast %swap3A_1591 : i32 to index
      %swap3A_1593 = arith.index_cast %add3A_1565 : i32 to index
      %swap3A_1594 = arith.constant 48 : index
      %swap3A_1595 = tpu.vector_load %arg12[%swap3A_1592, %swap3A_1593, %swap3A_1594] {strides = array<i32>} : memref<2x128x128xf32, #tpu.memory_space<vmem>>, vector<16xf32>,
      tpu.vector_store %arg12[%swap3A_1592, %swap3A_1593, %swap3A_1594], %gather3A_1590 {strides = array<i32>} : memref<2x128x128xf32, #tpu.memory_space<vmem>>, vector<16xf32>,
      %add3A_1596 = arith.addi %gather3A_1567, %add3A_17 : vector<16xi32>
      %gather3A_1597 = tpu.vector_load_idx %arg7[%add3A_1596] : memref<4224xf32, #tpu.memory_space<vmem>>[vector<16xi32>], vector<16xf32>,
      %swap3A_1598 = arith.constant 0 : i32
      %swap3A_1599 = arith.index_cast %swap3A_1598 : i32 to index
      %swap3A_1600 = arith.index_cast %add3A_1565 : i32 to index
      %swap3A_1601 = arith.constant 64 : index
      %swap3A_1602 = tpu.vector_load %arg12[%swap3A_1599, %swap3A_1600, %swap3A_1601] {strides = array<i32>} : memref<2x128x128xf32, #tpu.memory_space<vmem>>, vector<16xf32>,
      tpu.vector_store %arg12[%swap3A_1599, %swap3A_1600, %swap3A_1601], %gather3A_1597 {strides = array<i32>} : memref<2x128x128xf32, #tpu.memory_space<vmem>>, vector<16xf32>,
      %add3A_1603 = arith.addi %gather3A_1567, %add3A_20 : vector<16xi32>
      %gather3A_1604 = tpu.vector_load_idx %arg7[%add3A_1603] : memref<4224xf32, #tpu.memory_space<vmem>>[vector<16xi32>], vector<16xf32>,
      %swap3A_1605 = arith.constant 0 : i32
      %swap3A_1606 = arith.index_cast %swap3A_1605 : i32 to index
      %swap3A_1607 = arith.index_cast %add3A_1565 : i32 to index
      %swap3A_1608 = arith.constant 80 : index
      %swap3A_1609 = tpu.vector_load %arg12[%swap3A_1606, %swap3A_1607, %swap3A_1608] {strides = array<i32>} : memref<2x128x128xf32, #tpu.memory_space<vmem>>, vector<16xf32>,
      tpu.vector_store %arg12[%swap3A_1606, %swap3A_1607, %swap3A_1608], %gather3A_1604 {strides = array<i32>} : memref<2x128x128xf32, #tpu.memory_space<vmem>>, vector<16xf32>,
      %add3A_1610 = arith.addi %gather3A_1567, %add3A_23 : vector<16xi32>
      %gather3A_1611 = tpu.vector_load_idx %arg7[%add3A_1610] : memref<4224xf32, #tpu.memory_space<vmem>>[vector<16xi32>], vector<16xf32>,
      %swap3A_1612 = arith.constant 0 : i32
      %swap3A_1613 = arith.index_cast %swap3A_1612 : i32 to index
      %swap3A_1614 = arith.index_cast %add3A_1565 : i32 to index
      %swap3A_1615 = arith.constant 96 : index
      %swap3A_1616 = tpu.vector_load %arg12[%swap3A_1613, %swap3A_1614, %swap3A_1615] {strides = array<i32>} : memref<2x128x128xf32, #tpu.memory_space<vmem>>, vector<16xf32>,
      tpu.vector_store %arg12[%swap3A_1613, %swap3A_1614, %swap3A_1615], %gather3A_1611 {strides = array<i32>} : memref<2x128x128xf32, #tpu.memory_space<vmem>>, vector<16xf32>,
      %add3A_1617 = arith.addi %gather3A_1567, %add3A_26 : vector<16xi32>
      %gather3A_1618 = tpu.vector_load_idx %arg7[%add3A_1617] : memref<4224xf32, #tpu.memory_space<vmem>>[vector<16xi32>], vector<16xf32>,
      %swap3A_1619 = arith.constant 0 : i32
      %swap3A_1620 = arith.index_cast %swap3A_1619 : i32 to index
      %swap3A_1621 = arith.index_cast %add3A_1565 : i32 to index
      %swap3A_1622 = arith.constant 112 : index
      %swap3A_1623 = tpu.vector_load %arg12[%swap3A_1620, %swap3A_1621, %swap3A_1622] {strides = array<i32>} : memref<2x128x128xf32, #tpu.memory_space<vmem>>, vector<16xf32>,
      tpu.vector_store %arg12[%swap3A_1620, %swap3A_1621, %swap3A_1622], %gather3A_1618 {strides = array<i32>} : memref<2x128x128xf32, #tpu.memory_space<vmem>>, vector<16xf32>,
      %mul3A_1624 = arith.constant 4 : i32
      %mul3A_1625 = arith.muli %scan3A_1438, %mul3A_1624 : i32
      %add3A_1626 = arith.constant 3 : i32
      %add3A_1627 = arith.addi %mul3A_1625, %add3A_1626 : i32
      %broadcast_in_dim3A_1628 = vector.broadcast %add3A_1627 : i32 to vector<16xi32>
      %gather3A_1629 = tpu.vector_load_idx %arg10[%broadcast_in_dim3A_1628] : memref<128xi32, #tpu.memory_space<vmem>>[vector<16xi32>], vector<16xi32>,
      %add3A_1630 = arith.addi %gather3A_1629, %add3A_5 : vector<16xi32>
      %gather3A_1631 = tpu.vector_load_idx %arg7[%add3A_1630] : memref<4224xf32, #tpu.memory_space<vmem>>[vector<16xi32>], vector<16xf32>,
      %swap3A_1632 = arith.constant 0 : i32
      %swap3A_1633 = arith.index_cast %swap3A_1632 : i32 to index
      %swap3A_1634 = arith.index_cast %add3A_1627 : i32 to index
      %swap3A_1635 = arith.constant 0 : index
      %swap3A_1636 = tpu.vector_load %arg12[%swap3A_1633, %swap3A_1634, %swap3A_1635] {strides = array<i32>} : memref<2x128x128xf32, #tpu.memory_space<vmem>>, vector<16xf32>,
      tpu.vector_store %arg12[%swap3A_1633, %swap3A_1634, %swap3A_1635], %gather3A_1631 {strides = array<i32>} : memref<2x128x128xf32, #tpu.memory_space<vmem>>, vector<16xf32>,
      %add3A_1637 = arith.addi %gather3A_1629, %add3A_8 : vector<16xi32>
      %gather3A_1638 = tpu.vector_load_idx %arg7[%add3A_1637] : memref<4224xf32, #tpu.memory_space<vmem>>[vector<16xi32>], vector<16xf32>,
      %swap3A_1639 = arith.constant 0 : i32
      %swap3A_1640 = arith.index_cast %swap3A_1639 : i32 to index
      %swap3A_1641 = arith.index_cast %add3A_1627 : i32 to index
      %swap3A_1642 = arith.constant 16 : index
      %swap3A_1643 = tpu.vector_load %arg12[%swap3A_1640, %swap3A_1641, %swap3A_1642] {strides = array<i32>} : memref<2x128x128xf32, #tpu.memory_space<vmem>>, vector<16xf32>,
      tpu.vector_store %arg12[%swap3A_1640, %swap3A_1641, %swap3A_1642], %gather3A_1638 {strides = array<i32>} : memref<2x128x128xf32, #tpu.memory_space<vmem>>, vector<16xf32>,
      %add3A_1644 = arith.addi %gather3A_1629, %add3A_11 : vector<16xi32>
      %gather3A_1645 = tpu.vector_load_idx %arg7[%add3A_1644] : memref<4224xf32, #tpu.memory_space<vmem>>[vector<16xi32>], vector<16xf32>,
      %swap3A_1646 = arith.constant 0 : i32
      %swap3A_1647 = arith.index_cast %swap3A_1646 : i32 to index
      %swap3A_1648 = arith.index_cast %add3A_1627 : i32 to index
      %swap3A_1649 = arith.constant 32 : index
      %swap3A_1650 = tpu.vector_load %arg12[%swap3A_1647, %swap3A_1648, %swap3A_1649] {strides = array<i32>} : memref<2x128x128xf32, #tpu.memory_space<vmem>>, vector<16xf32>,
      tpu.vector_store %arg12[%swap3A_1647, %swap3A_1648, %swap3A_1649], %gather3A_1645 {strides = array<i32>} : memref<2x128x128xf32, #tpu.memory_space<vmem>>, vector<16xf32>,
      %add3A_1651 = arith.addi %gather3A_1629, %add3A_14 : vector<16xi32>
      %gather3A_1652 = tpu.vector_load_idx %arg7[%add3A_1651] : memref<4224xf32, #tpu.memory_space<vmem>>[vector<16xi32>], vector<16xf32>,
      %swap3A_1653 = arith.constant 0 : i32
      %swap3A_1654 = arith.index_cast %swap3A_1653 : i32 to index
      %swap3A_1655 = arith.index_cast %add3A_1627 : i32 to index
      %swap3A_1656 = arith.constant 48 : index
      %swap3A_1657 = tpu.vector_load %arg12[%swap3A_1654, %swap3A_1655, %swap3A_1656] {strides = array<i32>} : memref<2x128x128xf32, #tpu.memory_space<vmem>>, vector<16xf32>,
      tpu.vector_store %arg12[%swap3A_1654, %swap3A_1655, %swap3A_1656], %gather3A_1652 {strides = array<i32>} : memref<2x128x128xf32, #tpu.memory_space<vmem>>, vector<16xf32>,
      %add3A_1658 = arith.addi %gather3A_1629, %add3A_17 : vector<16xi32>
      %gather3A_1659 = tpu.vector_load_idx %arg7[%add3A_1658] : memref<4224xf32, #tpu.memory_space<vmem>>[vector<16xi32>], vector<16xf32>,
      %swap3A_1660 = arith.constant 0 : i32
      %swap3A_1661 = arith.index_cast %swap3A_1660 : i32 to index
      %swap3A_1662 = arith.index_cast %add3A_1627 : i32 to index
      %swap3A_1663 = arith.constant 64 : index
      %swap3A_1664 = tpu.vector_load %arg12[%swap3A_1661, %swap3A_1662, %swap3A_1663] {strides = array<i32>} : memref<2x128x128xf32, #tpu.memory_space<vmem>>, vector<16xf32>,
      tpu.vector_store %arg12[%swap3A_1661, %swap3A_1662, %swap3A_1663], %gather3A_1659 {strides = array<i32>} : memref<2x128x128xf32, #tpu.memory_space<vmem>>, vector<16xf32>,
      %add3A_1665 = arith.addi %gather3A_1629, %add3A_20 : vector<16xi32>
      %gather3A_1666 = tpu.vector_load_idx %arg7[%add3A_1665] : memref<4224xf32, #tpu.memory_space<vmem>>[vector<16xi32>], vector<16xf32>,
      %swap3A_1667 = arith.constant 0 : i32
      %swap3A_1668 = arith.index_cast %swap3A_1667 : i32 to index
      %swap3A_1669 = arith.index_cast %add3A_1627 : i32 to index
      %swap3A_1670 = arith.constant 80 : index
      %swap3A_1671 = tpu.vector_load %arg12[%swap3A_1668, %swap3A_1669, %swap3A_1670] {strides = array<i32>} : memref<2x128x128xf32, #tpu.memory_space<vmem>>, vector<16xf32>,
      tpu.vector_store %arg12[%swap3A_1668, %swap3A_1669, %swap3A_1670], %gather3A_1666 {strides = array<i32>} : memref<2x128x128xf32, #tpu.memory_space<vmem>>, vector<16xf32>,
      %add3A_1672 = arith.addi %gather3A_1629, %add3A_23 : vector<16xi32>
      %gather3A_1673 = tpu.vector_load_idx %arg7[%add3A_1672] : memref<4224xf32, #tpu.memory_space<vmem>>[vector<16xi32>], vector<16xf32>,
      %swap3A_1674 = arith.constant 0 : i32
      %swap3A_1675 = arith.index_cast %swap3A_1674 : i32 to index
      %swap3A_1676 = arith.index_cast %add3A_1627 : i32 to index
      %swap3A_1677 = arith.constant 96 : index
      %swap3A_1678 = tpu.vector_load %arg12[%swap3A_1675, %swap3A_1676, %swap3A_1677] {strides = array<i32>} : memref<2x128x128xf32, #tpu.memory_space<vmem>>, vector<16xf32>,
      tpu.vector_store %arg12[%swap3A_1675, %swap3A_1676, %swap3A_1677], %gather3A_1673 {strides = array<i32>} : memref<2x128x128xf32, #tpu.memory_space<vmem>>, vector<16xf32>,
      %add3A_1679 = arith.addi %gather3A_1629, %add3A_26 : vector<16xi32>
      %gather3A_1680 = tpu.vector_load_idx %arg7[%add3A_1679] : memref<4224xf32, #tpu.memory_space<vmem>>[vector<16xi32>], vector<16xf32>,
      %swap3A_1681 = arith.constant 0 : i32
      %swap3A_1682 = arith.index_cast %swap3A_1681 : i32 to index
      %swap3A_1683 = arith.index_cast %add3A_1627 : i32 to index
      %swap3A_1684 = arith.constant 112 : index
      %swap3A_1685 = tpu.vector_load %arg12[%swap3A_1682, %swap3A_1683, %swap3A_1684] {strides = array<i32>} : memref<2x128x128xf32, #tpu.memory_space<vmem>>, vector<16xf32>,
      tpu.vector_store %arg12[%swap3A_1682, %swap3A_1683, %swap3A_1684], %gather3A_1680 {strides = array<i32>} : memref<2x128x128xf32, #tpu.memory_space<vmem>>, vector<16xf32>,
    }
    %scan3A_1027 = arith.constant 32 : i32
    %add3A_1028 = arith.constant 16128 : i32
    %add3A_1029 = arith.addi %mul3A_2, %add3A_1028 : i32
    %dma_start3A_1030 = arith.constant 0 : i32
    %dma_start3A_1031 = arith.constant 0 : i32
    %dma_start3A_1032 = arith.constant 0 : i32
    %dma_start3A_1033 = tpu.memref_slice %arg12[%dma_start3A_1030, %dma_start3A_1031, %dma_start3A_1032] : memref<2x128x128xf32, #tpu.memory_space<vmem>> -> memref<1x128x128xf32, #tpu.memory_space<vmem>>
    %dma_start3A_1034 = tpu.memref_squeeze %dma_start3A_1033 : memref<1x128x128xf32, #tpu.memory_space<vmem>> -> memref<128x128xf32, #tpu.memory_space<vmem>>
    %dma_start3A_1035 = arith.constant 0 : i32
    %dma_start3A_1036 = tpu.memref_slice %arg5[%add3A_1029, %dma_start3A_1035] : memref<524288x128xf32, #tpu.memory_space<hbm>> -> memref<128x128xf32, #tpu.memory_space<hbm>>
    %dma_start3A_1037 = arith.constant 0 : i32
    %dma_start3A_1038 = tpu.memref_slice %arg5[%add3A_1029, %dma_start3A_1037] : memref<524288x128xf32, #tpu.memory_space<hbm>> -> memref<128x128xf32, #tpu.memory_space<hbm>>
    %dma_start3A_1039 = arith.constant 0 : i32
    %dma_start3A_1040 = arith.constant 0 : i32
    %dma_start3A_1041 = tpu.memref_slice %arg12[%dma_start3A_1030, %dma_start3A_1039, %dma_start3A_1040] : memref<2x128x128xf32, #tpu.memory_space<vmem>> -> memref<1x128x128xf32, #tpu.memory_space<vmem>>
    %dma_start3A_1042 = tpu.memref_squeeze %dma_start3A_1041 : memref<1x128x128xf32, #tpu.memory_space<vmem>> -> memref<128x128xf32, #tpu.memory_space<vmem>>
    tpu.enqueue_dma source(%dma_start3A_1042 : memref<128x128xf32, #tpu.memory_space<vmem>>) target(%dma_start3A_1038 : memref<128x128xf32, #tpu.memory_space<hbm>>) target_semaphore(%arg13 : memref<!tpu.dma_semaphore, #tpu.memory_space<semaphore_mem>>)
    %dma_start3A_1043 = arith.constant 0 : i32
    %dma_start3A_1044 = arith.constant 0 : i32
    %dma_start3A_1045 = tpu.memref_slice %arg11[%dma_start3A_1043, %dma_start3A_1044] : memref<2x128xi32, #tpu.memory_space<vmem>> -> memref<1x128xi32, #tpu.memory_space<vmem>>
    %dma_start3A_1046 = tpu.memref_squeeze %dma_start3A_1045 : memref<1x128xi32, #tpu.memory_space<vmem>> -> memref<128xi32, #tpu.memory_space<vmem>>
    %dma_start3A_1047 = tpu.memref_slice %arg6[%add3A_1029] : memref<524288xi32, #tpu.memory_space<hbm>> -> memref<128xi32, #tpu.memory_space<hbm>>
    %dma_start3A_1048 = tpu.memref_slice %arg6[%add3A_1029] : memref<524288xi32, #tpu.memory_space<hbm>> -> memref<128xi32, #tpu.memory_space<hbm>>
    %dma_start3A_1049 = arith.constant 0 : i32
    %dma_start3A_1050 = tpu.memref_slice %arg11[%dma_start3A_1043, %dma_start3A_1049] : memref<2x128xi32, #tpu.memory_space<vmem>> -> memref<1x128xi32, #tpu.memory_space<vmem>>
    %dma_start3A_1051 = tpu.memref_squeeze %dma_start3A_1050 : memref<1x128xi32, #tpu.memory_space<vmem>> -> memref<128xi32, #tpu.memory_space<vmem>>
    tpu.enqueue_dma source(%dma_start3A_1051 : memref<128xi32, #tpu.memory_space<vmem>>) target(%dma_start3A_1048 : memref<128xi32, #tpu.memory_space<hbm>>) target_semaphore(%arg13 : memref<!tpu.dma_semaphore, #tpu.memory_space<semaphore_mem>>)
    %dma_wait3A_1052 = arith.constant 1 : i32
    %dma_wait3A_1053 = arith.constant 0 : i32
    %dma_wait3A_1054 = tpu.memref_slice %arg8[%dma_wait3A_1052, %dma_wait3A_1053] : memref<2x128xi32, #tpu.memory_space<vmem>> -> memref<1x128xi32, #tpu.memory_space<vmem>>
    %dma_wait3A_1055 = tpu.memref_squeeze %dma_wait3A_1054 : memref<1x128xi32, #tpu.memory_space<vmem>> -> memref<128xi32, #tpu.memory_space<vmem>>
    %dma_wait3A_1056 = arith.constant 0 : i32
    %dma_wait3A_1057 = tpu.memref_slice %arg2[%dma_wait3A_1056] : memref<524288xi32, #tpu.memory_space<hbm>> -> memref<128xi32, #tpu.memory_space<hbm>>
    %dma_wait3A_1058 = arith.constant 0 : i32
    %dma_wait3A_1059 = tpu.memref_slice %arg8[%dma_wait3A_1052, %dma_wait3A_1058] : memref<2x128xi32, #tpu.memory_space<vmem>> -> memref<1x128xi32, #tpu.memory_space<vmem>>
    %dma_wait3A_1060 = tpu.memref_squeeze %dma_wait3A_1059 : memref<1x128xi32, #tpu.memory_space<vmem>> -> memref<128xi32, #tpu.memory_space<vmem>>
    %dma_wait3A_1061 = arith.constant 0 : i32
    %dma_wait3A_1062 = tpu.memref_slice %arg2[%dma_wait3A_1061] : memref<524288xi32, #tpu.memory_space<hbm>> -> memref<128xi32, #tpu.memory_space<hbm>>
    tpu.wait_dma2 semaphore(%arg16 : memref<!tpu.dma_semaphore, #tpu.memory_space<semaphore_mem>>) src(%dma_wait3A_1062 : memref<128xi32, #tpu.memory_space<hbm>>) dst(%dma_wait3A_1060 : memref<128xi32, #tpu.memory_space<vmem>>)
    %dma_wait3A_1063 = arith.constant 1 : i32
    %dma_wait3A_1064 = arith.constant 0 : i32
    %dma_wait3A_1065 = tpu.memref_slice %arg9[%dma_wait3A_1063, %dma_wait3A_1064] : memref<2x128xi32, #tpu.memory_space<vmem>> -> memref<1x128xi32, #tpu.memory_space<vmem>>
    %dma_wait3A_1066 = tpu.memref_squeeze %dma_wait3A_1065 : memref<1x128xi32, #tpu.memory_space<vmem>> -> memref<128xi32, #tpu.memory_space<vmem>>
    %dma_wait3A_1067 = arith.constant 0 : i32
    %dma_wait3A_1068 = tpu.memref_slice %arg3[%dma_wait3A_1067] : memref<524288xi32, #tpu.memory_space<hbm>> -> memref<128xi32, #tpu.memory_space<hbm>>
    %dma_wait3A_1069 = arith.constant 0 : i32
    %dma_wait3A_1070 = tpu.memref_slice %arg9[%dma_wait3A_1063, %dma_wait3A_1069] : memref<2x128xi32, #tpu.memory_space<vmem>> -> memref<1x128xi32, #tpu.memory_space<vmem>>
    %dma_wait3A_1071 = tpu.memref_squeeze %dma_wait3A_1070 : memref<1x128xi32, #tpu.memory_space<vmem>> -> memref<128xi32, #tpu.memory_space<vmem>>
    %dma_wait3A_1072 = arith.constant 0 : i32
    %dma_wait3A_1073 = tpu.memref_slice %arg3[%dma_wait3A_1072] : memref<524288xi32, #tpu.memory_space<hbm>> -> memref<128xi32, #tpu.memory_space<hbm>>
    tpu.wait_dma2 semaphore(%arg16 : memref<!tpu.dma_semaphore, #tpu.memory_space<semaphore_mem>>) src(%dma_wait3A_1073 : memref<128xi32, #tpu.memory_space<hbm>>) dst(%dma_wait3A_1071 : memref<128xi32, #tpu.memory_space<vmem>>)
    %dma_wait3A_1074 = arith.constant 1 : i32
    %dma_wait3A_1075 = arith.constant 0 : i32
    %dma_wait3A_1076 = arith.constant 0 : i32
    %dma_wait3A_1077 = tpu.memref_slice %arg12[%dma_wait3A_1074, %dma_wait3A_1075, %dma_wait3A_1076] : memref<2x128x128xf32, #tpu.memory_space<vmem>> -> memref<1x128x128xf32, #tpu.memory_space<vmem>>
    %dma_wait3A_1078 = tpu.memref_squeeze %dma_wait3A_1077 : memref<1x128x128xf32, #tpu.memory_space<vmem>> -> memref<128x128xf32, #tpu.memory_space<vmem>>
    %dma_wait3A_1079 = arith.constant 0 : i32
    %dma_wait3A_1080 = arith.constant 0 : i32
    %dma_wait3A_1081 = tpu.memref_slice %arg5[%dma_wait3A_1079, %dma_wait3A_1080] : memref<524288x128xf32, #tpu.memory_space<hbm>> -> memref<128x128xf32, #tpu.memory_space<hbm>>
    %dma_wait3A_1082 = arith.constant 0 : i32
    %dma_wait3A_1083 = arith.constant 0 : i32
    %dma_wait3A_1084 = tpu.memref_slice %arg5[%dma_wait3A_1082, %dma_wait3A_1083] : memref<524288x128xf32, #tpu.memory_space<hbm>> -> memref<128x128xf32, #tpu.memory_space<hbm>>
    %dma_wait3A_1085 = arith.constant 0 : i32
    %dma_wait3A_1086 = arith.constant 0 : i32
    %dma_wait3A_1087 = tpu.memref_slice %arg12[%dma_wait3A_1074, %dma_wait3A_1085, %dma_wait3A_1086] : memref<2x128x128xf32, #tpu.memory_space<vmem>> -> memref<1x128x128xf32, #tpu.memory_space<vmem>>
    %dma_wait3A_1088 = tpu.memref_squeeze %dma_wait3A_1087 : memref<1x128x128xf32, #tpu.memory_space<vmem>> -> memref<128x128xf32, #tpu.memory_space<vmem>>
    tpu.wait_dma2 semaphore(%arg14 : memref<!tpu.dma_semaphore, #tpu.memory_space<semaphore_mem>>) src(%dma_wait3A_1088 : memref<128x128xf32, #tpu.memory_space<vmem>>) dst(%dma_wait3A_1084 : memref<128x128xf32, #tpu.memory_space<hbm>>)
    %dma_wait3A_1089 = arith.constant 1 : i32
    %dma_wait3A_1090 = arith.constant 0 : i32
    %dma_wait3A_1091 = tpu.memref_slice %arg11[%dma_wait3A_1089, %dma_wait3A_1090] : memref<2x128xi32, #tpu.memory_space<vmem>> -> memref<1x128xi32, #tpu.memory_space<vmem>>
    %dma_wait3A_1092 = tpu.memref_squeeze %dma_wait3A_1091 : memref<1x128xi32, #tpu.memory_space<vmem>> -> memref<128xi32, #tpu.memory_space<vmem>>
    %dma_wait3A_1093 = arith.constant 0 : i32
    %dma_wait3A_1094 = tpu.memref_slice %arg6[%dma_wait3A_1093] : memref<524288xi32, #tpu.memory_space<hbm>> -> memref<128xi32, #tpu.memory_space<hbm>>
    %dma_wait3A_1095 = arith.constant 0 : i32
    %dma_wait3A_1096 = tpu.memref_slice %arg6[%dma_wait3A_1095] : memref<524288xi32, #tpu.memory_space<hbm>> -> memref<128xi32, #tpu.memory_space<hbm>>
    %dma_wait3A_1097 = arith.constant 0 : i32
    %dma_wait3A_1098 = tpu.memref_slice %arg11[%dma_wait3A_1089, %dma_wait3A_1097] : memref<2x128xi32, #tpu.memory_space<vmem>> -> memref<1x128xi32, #tpu.memory_space<vmem>>
    %dma_wait3A_1099 = tpu.memref_squeeze %dma_wait3A_1098 : memref<1x128xi32, #tpu.memory_space<vmem>> -> memref<128xi32, #tpu.memory_space<vmem>>
    tpu.wait_dma2 semaphore(%arg14 : memref<!tpu.dma_semaphore, #tpu.memory_space<semaphore_mem>>) src(%dma_wait3A_1099 : memref<128xi32, #tpu.memory_space<vmem>>) dst(%dma_wait3A_1096 : memref<128xi32, #tpu.memory_space<hbm>>)
    %get3A_1100 = arith.constant 1 : i32
    %get3A_1101 = arith.index_cast %get3A_1100 : i32 to index
    %get3A_1102 = arith.constant 0 : index
    %get3A_1103 = tpu.vector_load %arg8[%get3A_1101, %get3A_1102] {strides = array<i32>} : memref<2x128xi32, #tpu.memory_space<vmem>>, vector<16xi32>,
    %get3A_1104 = arith.constant 1 : i32
    %get3A_1105 = arith.index_cast %get3A_1104 : i32 to index
    %get3A_1106 = arith.constant 0 : index
    %get3A_1107 = tpu.vector_load %arg9[%get3A_1105, %get3A_1106] {strides = array<i32>} : memref<2x128xi32, #tpu.memory_space<vmem>>, vector<16xi32>,
    %ne3A_1108 = arith.constant 0 : i32
    %ne3A_1109 = vector.broadcast %ne3A_1108 : i32 to vector<16xi32>
    %ne3A_1110 = arith.cmpi ne, %get3A_1103, %ne3A_1109 : vector<16xi32>
    %ne3A_1111 = arith.constant -1 : i32
    %ne3A_1112 = vector.broadcast %ne3A_1111 : i32 to vector<16xi32>
    %ne3A_1113 = arith.cmpi ne, %get3A_1107, %ne3A_1112 : vector<16xi32>
    %and3A_1114 = arith.andi %ne3A_1110, %ne3A_1113 : vector<16xi1>
    %ge3A_1115 = arith.constant 0 : i32
    %ge3A_1116 = vector.broadcast %ge3A_1115 : i32 to vector<16xi32>
    %ge3A_1117 = arith.cmpi sge, %get3A_1107, %ge3A_1116 : vector<16xi32>
    %and3A_1118 = arith.andi %and3A_1114, %ge3A_1117 : vector<16xi1>
    %select_n3A_1119 = arith.select %and3A_1118, %get3A_1107, %get3A_1103 : vector<16xi1>, vector<16xi32>
    %mul3A_1120 = arith.constant 128 : i32
    %mul3A_1121 = vector.broadcast %mul3A_1120 : i32 to vector<16xi32>
    %mul3A_1122 = arith.muli %select_n3A_1119, %mul3A_1121 : vector<16xi32>
    %swap3A_1123 = arith.constant 0 : index
    %swap3A_1124 = tpu.vector_load %arg10[%swap3A_1123] {strides = array<i32>} : memref<128xi32, #tpu.memory_space<vmem>>, vector<16xi32>,
    tpu.vector_store %arg10[%swap3A_1123], %mul3A_1122 {strides = array<i32>} : memref<128xi32, #tpu.memory_space<vmem>>, vector<16xi32>,
    %jit3A_1125 = arith.constant -100 : i32
    %broadcast_in_dim3A_1126 = vector.broadcast %jit3A_1125 : i32 to vector<16xi32>
    %select_n3A_1127 = arith.select %and3A_1114, %get3A_1103, %broadcast_in_dim3A_1126 : vector<16xi1>, vector<16xi32>
    %swap3A_1128 = arith.constant 1 : i32
    %swap3A_1129 = arith.index_cast %swap3A_1128 : i32 to index
    %swap3A_1130 = arith.constant 0 : index
    %swap3A_1131 = tpu.vector_load %arg11[%swap3A_1129, %swap3A_1130] {strides = array<i32>} : memref<2x128xi32, #tpu.memory_space<vmem>>, vector<16xi32>,
    tpu.vector_store %arg11[%swap3A_1129, %swap3A_1130], %select_n3A_1127 {strides = array<i32>} : memref<2x128xi32, #tpu.memory_space<vmem>>, vector<16xi32>,
    %get3A_1132 = arith.constant 1 : i32
    %get3A_1133 = arith.index_cast %get3A_1132 : i32 to index
    %get3A_1134 = arith.constant 16 : index
    %get3A_1135 = tpu.vector_load %arg8[%get3A_1133, %get3A_1134] {strides = array<i32>} : memref<2x128xi32, #tpu.memory_space<vmem>>, vector<16xi32>,
    %get3A_1136 = arith.constant 1 : i32
    %get3A_1137 = arith.index_cast %get3A_1136 : i32 to index
    %get3A_1138 = arith.constant 16 : index
    %get3A_1139 = tpu.vector_load %arg9[%get3A_1137, %get3A_1138] {strides = array<i32>} : memref<2x128xi32, #tpu.memory_space<vmem>>, vector<16xi32>,
    %ne3A_1140 = arith.constant 0 : i32
    %ne3A_1141 = vector.broadcast %ne3A_1140 : i32 to vector<16xi32>
    %ne3A_1142 = arith.cmpi ne, %get3A_1135, %ne3A_1141 : vector<16xi32>
    %ne3A_1143 = arith.constant -1 : i32
    %ne3A_1144 = vector.broadcast %ne3A_1143 : i32 to vector<16xi32>
    %ne3A_1145 = arith.cmpi ne, %get3A_1139, %ne3A_1144 : vector<16xi32>
    %and3A_1146 = arith.andi %ne3A_1142, %ne3A_1145 : vector<16xi1>
    %ge3A_1147 = arith.constant 0 : i32
    %ge3A_1148 = vector.broadcast %ge3A_1147 : i32 to vector<16xi32>
    %ge3A_1149 = arith.cmpi sge, %get3A_1139, %ge3A_1148 : vector<16xi32>
    %and3A_1150 = arith.andi %and3A_1146, %ge3A_1149 : vector<16xi1>
    %select_n3A_1151 = arith.select %and3A_1150, %get3A_1139, %get3A_1135 : vector<16xi1>, vector<16xi32>
    %mul3A_1152 = arith.constant 128 : i32
    %mul3A_1153 = vector.broadcast %mul3A_1152 : i32 to vector<16xi32>
    %mul3A_1154 = arith.muli %select_n3A_1151, %mul3A_1153 : vector<16xi32>
    %swap3A_1155 = arith.constant 16 : index
    %swap3A_1156 = tpu.vector_load %arg10[%swap3A_1155] {strides = array<i32>} : memref<128xi32, #tpu.memory_space<vmem>>, vector<16xi32>,
    tpu.vector_store %arg10[%swap3A_1155], %mul3A_1154 {strides = array<i32>} : memref<128xi32, #tpu.memory_space<vmem>>, vector<16xi32>,
    %jit3A_1157 = arith.constant -100 : i32
    %broadcast_in_dim3A_1158 = vector.broadcast %jit3A_1157 : i32 to vector<16xi32>
    %select_n3A_1159 = arith.select %and3A_1146, %get3A_1135, %broadcast_in_dim3A_1158 : vector<16xi1>, vector<16xi32>
    %swap3A_1160 = arith.constant 1 : i32
    %swap3A_1161 = arith.index_cast %swap3A_1160 : i32 to index
    %swap3A_1162 = arith.constant 16 : index
    %swap3A_1163 = tpu.vector_load %arg11[%swap3A_1161, %swap3A_1162] {strides = array<i32>} : memref<2x128xi32, #tpu.memory_space<vmem>>, vector<16xi32>,
    tpu.vector_store %arg11[%swap3A_1161, %swap3A_1162], %select_n3A_1159 {strides = array<i32>} : memref<2x128xi32, #tpu.memory_space<vmem>>, vector<16xi32>,
    %get3A_1164 = arith.constant 1 : i32
    %get3A_1165 = arith.index_cast %get3A_1164 : i32 to index
    %get3A_1166 = arith.constant 32 : index
    %get3A_1167 = tpu.vector_load %arg8[%get3A_1165, %get3A_1166] {strides = array<i32>} : memref<2x128xi32, #tpu.memory_space<vmem>>, vector<16xi32>,
    %get3A_1168 = arith.constant 1 : i32
    %get3A_1169 = arith.index_cast %get3A_1168 : i32 to index
    %get3A_1170 = arith.constant 32 : index
    %get3A_1171 = tpu.vector_load %arg9[%get3A_1169, %get3A_1170] {strides = array<i32>} : memref<2x128xi32, #tpu.memory_space<vmem>>, vector<16xi32>,
    %ne3A_1172 = arith.constant 0 : i32
    %ne3A_1173 = vector.broadcast %ne3A_1172 : i32 to vector<16xi32>
    %ne3A_1174 = arith.cmpi ne, %get3A_1167, %ne3A_1173 : vector<16xi32>
    %ne3A_1175 = arith.constant -1 : i32
    %ne3A_1176 = vector.broadcast %ne3A_1175 : i32 to vector<16xi32>
    %ne3A_1177 = arith.cmpi ne, %get3A_1171, %ne3A_1176 : vector<16xi32>
    %and3A_1178 = arith.andi %ne3A_1174, %ne3A_1177 : vector<16xi1>
    %ge3A_1179 = arith.constant 0 : i32
    %ge3A_1180 = vector.broadcast %ge3A_1179 : i32 to vector<16xi32>
    %ge3A_1181 = arith.cmpi sge, %get3A_1171, %ge3A_1180 : vector<16xi32>
    %and3A_1182 = arith.andi %and3A_1178, %ge3A_1181 : vector<16xi1>
    %select_n3A_1183 = arith.select %and3A_1182, %get3A_1171, %get3A_1167 : vector<16xi1>, vector<16xi32>
    %mul3A_1184 = arith.constant 128 : i32
    %mul3A_1185 = vector.broadcast %mul3A_1184 : i32 to vector<16xi32>
    %mul3A_1186 = arith.muli %select_n3A_1183, %mul3A_1185 : vector<16xi32>
    %swap3A_1187 = arith.constant 32 : index
    %swap3A_1188 = tpu.vector_load %arg10[%swap3A_1187] {strides = array<i32>} : memref<128xi32, #tpu.memory_space<vmem>>, vector<16xi32>,
    tpu.vector_store %arg10[%swap3A_1187], %mul3A_1186 {strides = array<i32>} : memref<128xi32, #tpu.memory_space<vmem>>, vector<16xi32>,
    %jit3A_1189 = arith.constant -100 : i32
    %broadcast_in_dim3A_1190 = vector.broadcast %jit3A_1189 : i32 to vector<16xi32>
    %select_n3A_1191 = arith.select %and3A_1178, %get3A_1167, %broadcast_in_dim3A_1190 : vector<16xi1>, vector<16xi32>
    %swap3A_1192 = arith.constant 1 : i32
    %swap3A_1193 = arith.index_cast %swap3A_1192 : i32 to index
    %swap3A_1194 = arith.constant 32 : index
    %swap3A_1195 = tpu.vector_load %arg11[%swap3A_1193, %swap3A_1194] {strides = array<i32>} : memref<2x128xi32, #tpu.memory_space<vmem>>, vector<16xi32>,
    tpu.vector_store %arg11[%swap3A_1193, %swap3A_1194], %select_n3A_1191 {strides = array<i32>} : memref<2x128xi32, #tpu.memory_space<vmem>>, vector<16xi32>,
    %get3A_1196 = arith.constant 1 : i32
    %get3A_1197 = arith.index_cast %get3A_1196 : i32 to index
    %get3A_1198 = arith.constant 48 : index
    %get3A_1199 = tpu.vector_load %arg8[%get3A_1197, %get3A_1198] {strides = array<i32>} : memref<2x128xi32, #tpu.memory_space<vmem>>, vector<16xi32>,
    %get3A_1200 = arith.constant 1 : i32
    %get3A_1201 = arith.index_cast %get3A_1200 : i32 to index
    %get3A_1202 = arith.constant 48 : index
    %get3A_1203 = tpu.vector_load %arg9[%get3A_1201, %get3A_1202] {strides = array<i32>} : memref<2x128xi32, #tpu.memory_space<vmem>>, vector<16xi32>,
    %ne3A_1204 = arith.constant 0 : i32
    %ne3A_1205 = vector.broadcast %ne3A_1204 : i32 to vector<16xi32>
    %ne3A_1206 = arith.cmpi ne, %get3A_1199, %ne3A_1205 : vector<16xi32>
    %ne3A_1207 = arith.constant -1 : i32
    %ne3A_1208 = vector.broadcast %ne3A_1207 : i32 to vector<16xi32>
    %ne3A_1209 = arith.cmpi ne, %get3A_1203, %ne3A_1208 : vector<16xi32>
    %and3A_1210 = arith.andi %ne3A_1206, %ne3A_1209 : vector<16xi1>
    %ge3A_1211 = arith.constant 0 : i32
    %ge3A_1212 = vector.broadcast %ge3A_1211 : i32 to vector<16xi32>
    %ge3A_1213 = arith.cmpi sge, %get3A_1203, %ge3A_1212 : vector<16xi32>
    %and3A_1214 = arith.andi %and3A_1210, %ge3A_1213 : vector<16xi1>
    %select_n3A_1215 = arith.select %and3A_1214, %get3A_1203, %get3A_1199 : vector<16xi1>, vector<16xi32>
    %mul3A_1216 = arith.constant 128 : i32
    %mul3A_1217 = vector.broadcast %mul3A_1216 : i32 to vector<16xi32>
    %mul3A_1218 = arith.muli %select_n3A_1215, %mul3A_1217 : vector<16xi32>
    %swap3A_1219 = arith.constant 48 : index
    %swap3A_1220 = tpu.vector_load %arg10[%swap3A_1219] {strides = array<i32>} : memref<128xi32, #tpu.memory_space<vmem>>, vector<16xi32>,
    tpu.vector_store %arg10[%swap3A_1219], %mul3A_1218 {strides = array<i32>} : memref<128xi32, #tpu.memory_space<vmem>>, vector<16xi32>,
    %jit3A_1221 = arith.constant -100 : i32
    %broadcast_in_dim3A_1222 = vector.broadcast %jit3A_1221 : i32 to vector<16xi32>
    %select_n3A_1223 = arith.select %and3A_1210, %get3A_1199, %broadcast_in_dim3A_1222 : vector<16xi1>, vector<16xi32>
    %swap3A_1224 = arith.constant 1 : i32
    %swap3A_1225 = arith.index_cast %swap3A_1224 : i32 to index
    %swap3A_1226 = arith.constant 48 : index
    %swap3A_1227 = tpu.vector_load %arg11[%swap3A_1225, %swap3A_1226] {strides = array<i32>} : memref<2x128xi32, #tpu.memory_space<vmem>>, vector<16xi32>,
    tpu.vector_store %arg11[%swap3A_1225, %swap3A_1226], %select_n3A_1223 {strides = array<i32>} : memref<2x128xi32, #tpu.memory_space<vmem>>, vector<16xi32>,
    %get3A_1228 = arith.constant 1 : i32
    %get3A_1229 = arith.index_cast %get3A_1228 : i32 to index
    %get3A_1230 = arith.constant 64 : index
    %get3A_1231 = tpu.vector_load %arg8[%get3A_1229, %get3A_1230] {strides = array<i32>} : memref<2x128xi32, #tpu.memory_space<vmem>>, vector<16xi32>,
    %get3A_1232 = arith.constant 1 : i32
    %get3A_1233 = arith.index_cast %get3A_1232 : i32 to index
    %get3A_1234 = arith.constant 64 : index
    %get3A_1235 = tpu.vector_load %arg9[%get3A_1233, %get3A_1234] {strides = array<i32>} : memref<2x128xi32, #tpu.memory_space<vmem>>, vector<16xi32>,
    %ne3A_1236 = arith.constant 0 : i32
    %ne3A_1237 = vector.broadcast %ne3A_1236 : i32 to vector<16xi32>
    %ne3A_1238 = arith.cmpi ne, %get3A_1231, %ne3A_1237 : vector<16xi32>
    %ne3A_1239 = arith.constant -1 : i32
    %ne3A_1240 = vector.broadcast %ne3A_1239 : i32 to vector<16xi32>
    %ne3A_1241 = arith.cmpi ne, %get3A_1235, %ne3A_1240 : vector<16xi32>
    %and3A_1242 = arith.andi %ne3A_1238, %ne3A_1241 : vector<16xi1>
    %ge3A_1243 = arith.constant 0 : i32
    %ge3A_1244 = vector.broadcast %ge3A_1243 : i32 to vector<16xi32>
    %ge3A_1245 = arith.cmpi sge, %get3A_1235, %ge3A_1244 : vector<16xi32>
    %and3A_1246 = arith.andi %and3A_1242, %ge3A_1245 : vector<16xi1>
    %select_n3A_1247 = arith.select %and3A_1246, %get3A_1235, %get3A_1231 : vector<16xi1>, vector<16xi32>
    %mul3A_1248 = arith.constant 128 : i32
    %mul3A_1249 = vector.broadcast %mul3A_1248 : i32 to vector<16xi32>
    %mul3A_1250 = arith.muli %select_n3A_1247, %mul3A_1249 : vector<16xi32>
    %swap3A_1251 = arith.constant 64 : index
    %swap3A_1252 = tpu.vector_load %arg10[%swap3A_1251] {strides = array<i32>} : memref<128xi32, #tpu.memory_space<vmem>>, vector<16xi32>,
    tpu.vector_store %arg10[%swap3A_1251], %mul3A_1250 {strides = array<i32>} : memref<128xi32, #tpu.memory_space<vmem>>, vector<16xi32>,
    %jit3A_1253 = arith.constant -100 : i32
    %broadcast_in_dim3A_1254 = vector.broadcast %jit3A_1253 : i32 to vector<16xi32>
    %select_n3A_1255 = arith.select %and3A_1242, %get3A_1231, %broadcast_in_dim3A_1254 : vector<16xi1>, vector<16xi32>
    %swap3A_1256 = arith.constant 1 : i32
    %swap3A_1257 = arith.index_cast %swap3A_1256 : i32 to index
    %swap3A_1258 = arith.constant 64 : index
    %swap3A_1259 = tpu.vector_load %arg11[%swap3A_1257, %swap3A_1258] {strides = array<i32>} : memref<2x128xi32, #tpu.memory_space<vmem>>, vector<16xi32>,
    tpu.vector_store %arg11[%swap3A_1257, %swap3A_1258], %select_n3A_1255 {strides = array<i32>} : memref<2x128xi32, #tpu.memory_space<vmem>>, vector<16xi32>,
    %get3A_1260 = arith.constant 1 : i32
    %get3A_1261 = arith.index_cast %get3A_1260 : i32 to index
    %get3A_1262 = arith.constant 80 : index
    %get3A_1263 = tpu.vector_load %arg8[%get3A_1261, %get3A_1262] {strides = array<i32>} : memref<2x128xi32, #tpu.memory_space<vmem>>, vector<16xi32>,
    %get3A_1264 = arith.constant 1 : i32
    %get3A_1265 = arith.index_cast %get3A_1264 : i32 to index
    %get3A_1266 = arith.constant 80 : index
    %get3A_1267 = tpu.vector_load %arg9[%get3A_1265, %get3A_1266] {strides = array<i32>} : memref<2x128xi32, #tpu.memory_space<vmem>>, vector<16xi32>,
    %ne3A_1268 = arith.constant 0 : i32
    %ne3A_1269 = vector.broadcast %ne3A_1268 : i32 to vector<16xi32>
    %ne3A_1270 = arith.cmpi ne, %get3A_1263, %ne3A_1269 : vector<16xi32>
    %ne3A_1271 = arith.constant -1 : i32
    %ne3A_1272 = vector.broadcast %ne3A_1271 : i32 to vector<16xi32>
    %ne3A_1273 = arith.cmpi ne, %get3A_1267, %ne3A_1272 : vector<16xi32>
    %and3A_1274 = arith.andi %ne3A_1270, %ne3A_1273 : vector<16xi1>
    %ge3A_1275 = arith.constant 0 : i32
    %ge3A_1276 = vector.broadcast %ge3A_1275 : i32 to vector<16xi32>
    %ge3A_1277 = arith.cmpi sge, %get3A_1267, %ge3A_1276 : vector<16xi32>
    %and3A_1278 = arith.andi %and3A_1274, %ge3A_1277 : vector<16xi1>
    %select_n3A_1279 = arith.select %and3A_1278, %get3A_1267, %get3A_1263 : vector<16xi1>, vector<16xi32>
    %mul3A_1280 = arith.constant 128 : i32
    %mul3A_1281 = vector.broadcast %mul3A_1280 : i32 to vector<16xi32>
    %mul3A_1282 = arith.muli %select_n3A_1279, %mul3A_1281 : vector<16xi32>
    %swap3A_1283 = arith.constant 80 : index
    %swap3A_1284 = tpu.vector_load %arg10[%swap3A_1283] {strides = array<i32>} : memref<128xi32, #tpu.memory_space<vmem>>, vector<16xi32>,
    tpu.vector_store %arg10[%swap3A_1283], %mul3A_1282 {strides = array<i32>} : memref<128xi32, #tpu.memory_space<vmem>>, vector<16xi32>,
    %jit3A_1285 = arith.constant -100 : i32
    %broadcast_in_dim3A_1286 = vector.broadcast %jit3A_1285 : i32 to vector<16xi32>
    %select_n3A_1287 = arith.select %and3A_1274, %get3A_1263, %broadcast_in_dim3A_1286 : vector<16xi1>, vector<16xi32>
    %swap3A_1288 = arith.constant 1 : i32
    %swap3A_1289 = arith.index_cast %swap3A_1288 : i32 to index
    %swap3A_1290 = arith.constant 80 : index
    %swap3A_1291 = tpu.vector_load %arg11[%swap3A_1289, %swap3A_1290] {strides = array<i32>} : memref<2x128xi32, #tpu.memory_space<vmem>>, vector<16xi32>,
    tpu.vector_store %arg11[%swap3A_1289, %swap3A_1290], %select_n3A_1287 {strides = array<i32>} : memref<2x128xi32, #tpu.memory_space<vmem>>, vector<16xi32>,
    %get3A_1292 = arith.constant 1 : i32
    %get3A_1293 = arith.index_cast %get3A_1292 : i32 to index
    %get3A_1294 = arith.constant 96 : index
    %get3A_1295 = tpu.vector_load %arg8[%get3A_1293, %get3A_1294] {strides = array<i32>} : memref<2x128xi32, #tpu.memory_space<vmem>>, vector<16xi32>,
    %get3A_1296 = arith.constant 1 : i32
    %get3A_1297 = arith.index_cast %get3A_1296 : i32 to index
    %get3A_1298 = arith.constant 96 : index
    %get3A_1299 = tpu.vector_load %arg9[%get3A_1297, %get3A_1298] {strides = array<i32>} : memref<2x128xi32, #tpu.memory_space<vmem>>, vector<16xi32>,
    %ne3A_1300 = arith.constant 0 : i32
    %ne3A_1301 = vector.broadcast %ne3A_1300 : i32 to vector<16xi32>
    %ne3A_1302 = arith.cmpi ne, %get3A_1295, %ne3A_1301 : vector<16xi32>
    %ne3A_1303 = arith.constant -1 : i32
    %ne3A_1304 = vector.broadcast %ne3A_1303 : i32 to vector<16xi32>
    %ne3A_1305 = arith.cmpi ne, %get3A_1299, %ne3A_1304 : vector<16xi32>
    %and3A_1306 = arith.andi %ne3A_1302, %ne3A_1305 : vector<16xi1>
    %ge3A_1307 = arith.constant 0 : i32
    %ge3A_1308 = vector.broadcast %ge3A_1307 : i32 to vector<16xi32>
    %ge3A_1309 = arith.cmpi sge, %get3A_1299, %ge3A_1308 : vector<16xi32>
    %and3A_1310 = arith.andi %and3A_1306, %ge3A_1309 : vector<16xi1>
    %select_n3A_1311 = arith.select %and3A_1310, %get3A_1299, %get3A_1295 : vector<16xi1>, vector<16xi32>
    %mul3A_1312 = arith.constant 128 : i32
    %mul3A_1313 = vector.broadcast %mul3A_1312 : i32 to vector<16xi32>
    %mul3A_1314 = arith.muli %select_n3A_1311, %mul3A_1313 : vector<16xi32>
    %swap3A_1315 = arith.constant 96 : index
    %swap3A_1316 = tpu.vector_load %arg10[%swap3A_1315] {strides = array<i32>} : memref<128xi32, #tpu.memory_space<vmem>>, vector<16xi32>,
    tpu.vector_store %arg10[%swap3A_1315], %mul3A_1314 {strides = array<i32>} : memref<128xi32, #tpu.memory_space<vmem>>, vector<16xi32>,
    %jit3A_1317 = arith.constant -100 : i32
    %broadcast_in_dim3A_1318 = vector.broadcast %jit3A_1317 : i32 to vector<16xi32>
    %select_n3A_1319 = arith.select %and3A_1306, %get3A_1295, %broadcast_in_dim3A_1318 : vector<16xi1>, vector<16xi32>
    %swap3A_1320 = arith.constant 1 : i32
    %swap3A_1321 = arith.index_cast %swap3A_1320 : i32 to index
    %swap3A_1322 = arith.constant 96 : index
    %swap3A_1323 = tpu.vector_load %arg11[%swap3A_1321, %swap3A_1322] {strides = array<i32>} : memref<2x128xi32, #tpu.memory_space<vmem>>, vector<16xi32>,
    tpu.vector_store %arg11[%swap3A_1321, %swap3A_1322], %select_n3A_1319 {strides = array<i32>} : memref<2x128xi32, #tpu.memory_space<vmem>>, vector<16xi32>,
    %get3A_1324 = arith.constant 1 : i32
    %get3A_1325 = arith.index_cast %get3A_1324 : i32 to index
    %get3A_1326 = arith.constant 112 : index
    %get3A_1327 = tpu.vector_load %arg8[%get3A_1325, %get3A_1326] {strides = array<i32>} : memref<2x128xi32, #tpu.memory_space<vmem>>, vector<16xi32>,
    %get3A_1328 = arith.constant 1 : i32
    %get3A_1329 = arith.index_cast %get3A_1328 : i32 to index
    %get3A_1330 = arith.constant 112 : index
    %get3A_1331 = tpu.vector_load %arg9[%get3A_1329, %get3A_1330] {strides = array<i32>} : memref<2x128xi32, #tpu.memory_space<vmem>>, vector<16xi32>,
    %ne3A_1332 = arith.constant 0 : i32
    %ne3A_1333 = vector.broadcast %ne3A_1332 : i32 to vector<16xi32>
    %ne3A_1334 = arith.cmpi ne, %get3A_1327, %ne3A_1333 : vector<16xi32>
    %ne3A_1335 = arith.constant -1 : i32
    %ne3A_1336 = vector.broadcast %ne3A_1335 : i32 to vector<16xi32>
    %ne3A_1337 = arith.cmpi ne, %get3A_1331, %ne3A_1336 : vector<16xi32>
    %and3A_1338 = arith.andi %ne3A_1334, %ne3A_1337 : vector<16xi1>
    %ge3A_1339 = arith.constant 0 : i32
    %ge3A_1340 = vector.broadcast %ge3A_1339 : i32 to vector<16xi32>
    %ge3A_1341 = arith.cmpi sge, %get3A_1331, %ge3A_1340 : vector<16xi32>
    %and3A_1342 = arith.andi %and3A_1338, %ge3A_1341 : vector<16xi1>
    %select_n3A_1343 = arith.select %and3A_1342, %get3A_1331, %get3A_1327 : vector<16xi1>, vector<16xi32>
    %mul3A_1344 = arith.constant 128 : i32
    %mul3A_1345 = vector.broadcast %mul3A_1344 : i32 to vector<16xi32>
    %mul3A_1346 = arith.muli %select_n3A_1343, %mul3A_1345 : vector<16xi32>
    %swap3A_1347 = arith.constant 112 : index
    %swap3A_1348 = tpu.vector_load %arg10[%swap3A_1347] {strides = array<i32>} : memref<128xi32, #tpu.memory_space<vmem>>, vector<16xi32>,
    tpu.vector_store %arg10[%swap3A_1347], %mul3A_1346 {strides = array<i32>} : memref<128xi32, #tpu.memory_space<vmem>>, vector<16xi32>,
    %jit3A_1349 = arith.constant -100 : i32
    %broadcast_in_dim3A_1350 = vector.broadcast %jit3A_1349 : i32 to vector<16xi32>
    %select_n3A_1351 = arith.select %and3A_1338, %get3A_1327, %broadcast_in_dim3A_1350 : vector<16xi1>, vector<16xi32>
    %swap3A_1352 = arith.constant 1 : i32
    %swap3A_1353 = arith.index_cast %swap3A_1352 : i32 to index
    %swap3A_1354 = arith.constant 112 : index
    %swap3A_1355 = tpu.vector_load %arg11[%swap3A_1353, %swap3A_1354] {strides = array<i32>} : memref<2x128xi32, #tpu.memory_space<vmem>>, vector<16xi32>,
    tpu.vector_store %arg11[%swap3A_1353, %swap3A_1354], %select_n3A_1351 {strides = array<i32>} : memref<2x128xi32, #tpu.memory_space<vmem>>, vector<16xi32>,
    %scan3A_1356 = arith.constant 0 : i32
    %scan3A_1357 = arith.constant 0 : i32
    %scan3A_1358 = arith.constant 32 : i32
    %scan3A_1359 = arith.addi %scan3A_1357, %scan3A_1358 : i32
    %scan3A_1360 = arith.constant 1 : i32
    scf.for %scan3A_1438 = %scan3A_1357 to %scan3A_1359 step %scan3A_1360  : i32 {
      %mul3A_1439 = arith.constant 4 : i32
      %mul3A_1440 = arith.muli %scan3A_1438, %mul3A_1439 : i32
      %add3A_1441 = arith.constant 0 : i32
      %add3A_1442 = arith.addi %mul3A_1440, %add3A_1441 : i32
      %broadcast_in_dim3A_1443 = vector.broadcast %add3A_1442 : i32 to vector<16xi32>
      %gather3A = tpu.vector_load_idx %arg10[%broadcast_in_dim3A_1443] : memref<128xi32, #tpu.memory_space<vmem>>[vector<16xi32>], vector<16xi32>,
      %add3A_1444 = arith.addi %gather3A, %add3A_5 : vector<16xi32>
      %gather3A_1445 = tpu.vector_load_idx %arg7[%add3A_1444] : memref<4224xf32, #tpu.memory_space<vmem>>[vector<16xi32>], vector<16xf32>,
      %swap3A_1446 = arith.constant 1 : i32
      %swap3A_1447 = arith.index_cast %swap3A_1446 : i32 to index
      %swap3A_1448 = arith.index_cast %add3A_1442 : i32 to index
      %swap3A_1449 = arith.constant 0 : index
      %swap3A_1450 = tpu.vector_load %arg12[%swap3A_1447, %swap3A_1448, %swap3A_1449] {strides = array<i32>} : memref<2x128x128xf32, #tpu.memory_space<vmem>>, vector<16xf32>,
      tpu.vector_store %arg12[%swap3A_1447, %swap3A_1448, %swap3A_1449], %gather3A_1445 {strides = array<i32>} : memref<2x128x128xf32, #tpu.memory_space<vmem>>, vector<16xf32>,
      %add3A_1451 = arith.addi %gather3A, %add3A_8 : vector<16xi32>
      %gather3A_1452 = tpu.vector_load_idx %arg7[%add3A_1451] : memref<4224xf32, #tpu.memory_space<vmem>>[vector<16xi32>], vector<16xf32>,
      %swap3A_1453 = arith.constant 1 : i32
      %swap3A_1454 = arith.index_cast %swap3A_1453 : i32 to index
      %swap3A_1455 = arith.index_cast %add3A_1442 : i32 to index
      %swap3A_1456 = arith.constant 16 : index
      %swap3A_1457 = tpu.vector_load %arg12[%swap3A_1454, %swap3A_1455, %swap3A_1456] {strides = array<i32>} : memref<2x128x128xf32, #tpu.memory_space<vmem>>, vector<16xf32>,
      tpu.vector_store %arg12[%swap3A_1454, %swap3A_1455, %swap3A_1456], %gather3A_1452 {strides = array<i32>} : memref<2x128x128xf32, #tpu.memory_space<vmem>>, vector<16xf32>,
      %add3A_1458 = arith.addi %gather3A, %add3A_11 : vector<16xi32>
      %gather3A_1459 = tpu.vector_load_idx %arg7[%add3A_1458] : memref<4224xf32, #tpu.memory_space<vmem>>[vector<16xi32>], vector<16xf32>,
      %swap3A_1460 = arith.constant 1 : i32
      %swap3A_1461 = arith.index_cast %swap3A_1460 : i32 to index
      %swap3A_1462 = arith.index_cast %add3A_1442 : i32 to index
      %swap3A_1463 = arith.constant 32 : index
      %swap3A_1464 = tpu.vector_load %arg12[%swap3A_1461, %swap3A_1462, %swap3A_1463] {strides = array<i32>} : memref<2x128x128xf32, #tpu.memory_space<vmem>>, vector<16xf32>,
      tpu.vector_store %arg12[%swap3A_1461, %swap3A_1462, %swap3A_1463], %gather3A_1459 {strides = array<i32>} : memref<2x128x128xf32, #tpu.memory_space<vmem>>, vector<16xf32>,
      %add3A_1465 = arith.addi %gather3A, %add3A_14 : vector<16xi32>
      %gather3A_1466 = tpu.vector_load_idx %arg7[%add3A_1465] : memref<4224xf32, #tpu.memory_space<vmem>>[vector<16xi32>], vector<16xf32>,
      %swap3A_1467 = arith.constant 1 : i32
      %swap3A_1468 = arith.index_cast %swap3A_1467 : i32 to index
      %swap3A_1469 = arith.index_cast %add3A_1442 : i32 to index
      %swap3A_1470 = arith.constant 48 : index
      %swap3A_1471 = tpu.vector_load %arg12[%swap3A_1468, %swap3A_1469, %swap3A_1470] {strides = array<i32>} : memref<2x128x128xf32, #tpu.memory_space<vmem>>, vector<16xf32>,
      tpu.vector_store %arg12[%swap3A_1468, %swap3A_1469, %swap3A_1470], %gather3A_1466 {strides = array<i32>} : memref<2x128x128xf32, #tpu.memory_space<vmem>>, vector<16xf32>,
      %add3A_1472 = arith.addi %gather3A, %add3A_17 : vector<16xi32>
      %gather3A_1473 = tpu.vector_load_idx %arg7[%add3A_1472] : memref<4224xf32, #tpu.memory_space<vmem>>[vector<16xi32>], vector<16xf32>,
      %swap3A_1474 = arith.constant 1 : i32
      %swap3A_1475 = arith.index_cast %swap3A_1474 : i32 to index
      %swap3A_1476 = arith.index_cast %add3A_1442 : i32 to index
      %swap3A_1477 = arith.constant 64 : index
      %swap3A_1478 = tpu.vector_load %arg12[%swap3A_1475, %swap3A_1476, %swap3A_1477] {strides = array<i32>} : memref<2x128x128xf32, #tpu.memory_space<vmem>>, vector<16xf32>,
      tpu.vector_store %arg12[%swap3A_1475, %swap3A_1476, %swap3A_1477], %gather3A_1473 {strides = array<i32>} : memref<2x128x128xf32, #tpu.memory_space<vmem>>, vector<16xf32>,
      %add3A_1479 = arith.addi %gather3A, %add3A_20 : vector<16xi32>
      %gather3A_1480 = tpu.vector_load_idx %arg7[%add3A_1479] : memref<4224xf32, #tpu.memory_space<vmem>>[vector<16xi32>], vector<16xf32>,
      %swap3A_1481 = arith.constant 1 : i32
      %swap3A_1482 = arith.index_cast %swap3A_1481 : i32 to index
      %swap3A_1483 = arith.index_cast %add3A_1442 : i32 to index
      %swap3A_1484 = arith.constant 80 : index
      %swap3A_1485 = tpu.vector_load %arg12[%swap3A_1482, %swap3A_1483, %swap3A_1484] {strides = array<i32>} : memref<2x128x128xf32, #tpu.memory_space<vmem>>, vector<16xf32>,
      tpu.vector_store %arg12[%swap3A_1482, %swap3A_1483, %swap3A_1484], %gather3A_1480 {strides = array<i32>} : memref<2x128x128xf32, #tpu.memory_space<vmem>>, vector<16xf32>,
      %add3A_1486 = arith.addi %gather3A, %add3A_23 : vector<16xi32>
      %gather3A_1487 = tpu.vector_load_idx %arg7[%add3A_1486] : memref<4224xf32, #tpu.memory_space<vmem>>[vector<16xi32>], vector<16xf32>,
      %swap3A_1488 = arith.constant 1 : i32
      %swap3A_1489 = arith.index_cast %swap3A_1488 : i32 to index
      %swap3A_1490 = arith.index_cast %add3A_1442 : i32 to index
      %swap3A_1491 = arith.constant 96 : index
      %swap3A_1492 = tpu.vector_load %arg12[%swap3A_1489, %swap3A_1490, %swap3A_1491] {strides = array<i32>} : memref<2x128x128xf32, #tpu.memory_space<vmem>>, vector<16xf32>,
      tpu.vector_store %arg12[%swap3A_1489, %swap3A_1490, %swap3A_1491], %gather3A_1487 {strides = array<i32>} : memref<2x128x128xf32, #tpu.memory_space<vmem>>, vector<16xf32>,
      %add3A_1493 = arith.addi %gather3A, %add3A_26 : vector<16xi32>
      %gather3A_1494 = tpu.vector_load_idx %arg7[%add3A_1493] : memref<4224xf32, #tpu.memory_space<vmem>>[vector<16xi32>], vector<16xf32>,
      %swap3A_1495 = arith.constant 1 : i32
      %swap3A_1496 = arith.index_cast %swap3A_1495 : i32 to index
      %swap3A_1497 = arith.index_cast %add3A_1442 : i32 to index
      %swap3A_1498 = arith.constant 112 : index
      %swap3A_1499 = tpu.vector_load %arg12[%swap3A_1496, %swap3A_1497, %swap3A_1498] {strides = array<i32>} : memref<2x128x128xf32, #tpu.memory_space<vmem>>, vector<16xf32>,
      tpu.vector_store %arg12[%swap3A_1496, %swap3A_1497, %swap3A_1498], %gather3A_1494 {strides = array<i32>} : memref<2x128x128xf32, #tpu.memory_space<vmem>>, vector<16xf32>,
      %mul3A_1500 = arith.constant 4 : i32
      %mul3A_1501 = arith.muli %scan3A_1438, %mul3A_1500 : i32
      %add3A_1502 = arith.constant 1 : i32
      %add3A_1503 = arith.addi %mul3A_1501, %add3A_1502 : i32
      %broadcast_in_dim3A_1504 = vector.broadcast %add3A_1503 : i32 to vector<16xi32>
      %gather3A_1505 = tpu.vector_load_idx %arg10[%broadcast_in_dim3A_1504] : memref<128xi32, #tpu.memory_space<vmem>>[vector<16xi32>], vector<16xi32>,
      %add3A_1506 = arith.addi %gather3A_1505, %add3A_5 : vector<16xi32>
      %gather3A_1507 = tpu.vector_load_idx %arg7[%add3A_1506] : memref<4224xf32, #tpu.memory_space<vmem>>[vector<16xi32>], vector<16xf32>,
      %swap3A_1508 = arith.constant 1 : i32
      %swap3A_1509 = arith.index_cast %swap3A_1508 : i32 to index
      %swap3A_1510 = arith.index_cast %add3A_1503 : i32 to index
      %swap3A_1511 = arith.constant 0 : index
      %swap3A_1512 = tpu.vector_load %arg12[%swap3A_1509, %swap3A_1510, %swap3A_1511] {strides = array<i32>} : memref<2x128x128xf32, #tpu.memory_space<vmem>>, vector<16xf32>,
      tpu.vector_store %arg12[%swap3A_1509, %swap3A_1510, %swap3A_1511], %gather3A_1507 {strides = array<i32>} : memref<2x128x128xf32, #tpu.memory_space<vmem>>, vector<16xf32>,
      %add3A_1513 = arith.addi %gather3A_1505, %add3A_8 : vector<16xi32>
      %gather3A_1514 = tpu.vector_load_idx %arg7[%add3A_1513] : memref<4224xf32, #tpu.memory_space<vmem>>[vector<16xi32>], vector<16xf32>,
      %swap3A_1515 = arith.constant 1 : i32
      %swap3A_1516 = arith.index_cast %swap3A_1515 : i32 to index
      %swap3A_1517 = arith.index_cast %add3A_1503 : i32 to index
      %swap3A_1518 = arith.constant 16 : index
      %swap3A_1519 = tpu.vector_load %arg12[%swap3A_1516, %swap3A_1517, %swap3A_1518] {strides = array<i32>} : memref<2x128x128xf32, #tpu.memory_space<vmem>>, vector<16xf32>,
      tpu.vector_store %arg12[%swap3A_1516, %swap3A_1517, %swap3A_1518], %gather3A_1514 {strides = array<i32>} : memref<2x128x128xf32, #tpu.memory_space<vmem>>, vector<16xf32>,
      %add3A_1520 = arith.addi %gather3A_1505, %add3A_11 : vector<16xi32>
      %gather3A_1521 = tpu.vector_load_idx %arg7[%add3A_1520] : memref<4224xf32, #tpu.memory_space<vmem>>[vector<16xi32>], vector<16xf32>,
      %swap3A_1522 = arith.constant 1 : i32
      %swap3A_1523 = arith.index_cast %swap3A_1522 : i32 to index
      %swap3A_1524 = arith.index_cast %add3A_1503 : i32 to index
      %swap3A_1525 = arith.constant 32 : index
      %swap3A_1526 = tpu.vector_load %arg12[%swap3A_1523, %swap3A_1524, %swap3A_1525] {strides = array<i32>} : memref<2x128x128xf32, #tpu.memory_space<vmem>>, vector<16xf32>,
      tpu.vector_store %arg12[%swap3A_1523, %swap3A_1524, %swap3A_1525], %gather3A_1521 {strides = array<i32>} : memref<2x128x128xf32, #tpu.memory_space<vmem>>, vector<16xf32>,
      %add3A_1527 = arith.addi %gather3A_1505, %add3A_14 : vector<16xi32>
      %gather3A_1528 = tpu.vector_load_idx %arg7[%add3A_1527] : memref<4224xf32, #tpu.memory_space<vmem>>[vector<16xi32>], vector<16xf32>,
      %swap3A_1529 = arith.constant 1 : i32
      %swap3A_1530 = arith.index_cast %swap3A_1529 : i32 to index
      %swap3A_1531 = arith.index_cast %add3A_1503 : i32 to index
      %swap3A_1532 = arith.constant 48 : index
      %swap3A_1533 = tpu.vector_load %arg12[%swap3A_1530, %swap3A_1531, %swap3A_1532] {strides = array<i32>} : memref<2x128x128xf32, #tpu.memory_space<vmem>>, vector<16xf32>,
      tpu.vector_store %arg12[%swap3A_1530, %swap3A_1531, %swap3A_1532], %gather3A_1528 {strides = array<i32>} : memref<2x128x128xf32, #tpu.memory_space<vmem>>, vector<16xf32>,
      %add3A_1534 = arith.addi %gather3A_1505, %add3A_17 : vector<16xi32>
      %gather3A_1535 = tpu.vector_load_idx %arg7[%add3A_1534] : memref<4224xf32, #tpu.memory_space<vmem>>[vector<16xi32>], vector<16xf32>,
      %swap3A_1536 = arith.constant 1 : i32
      %swap3A_1537 = arith.index_cast %swap3A_1536 : i32 to index
      %swap3A_1538 = arith.index_cast %add3A_1503 : i32 to index
      %swap3A_1539 = arith.constant 64 : index
      %swap3A_1540 = tpu.vector_load %arg12[%swap3A_1537, %swap3A_1538, %swap3A_1539] {strides = array<i32>} : memref<2x128x128xf32, #tpu.memory_space<vmem>>, vector<16xf32>,
      tpu.vector_store %arg12[%swap3A_1537, %swap3A_1538, %swap3A_1539], %gather3A_1535 {strides = array<i32>} : memref<2x128x128xf32, #tpu.memory_space<vmem>>, vector<16xf32>,
      %add3A_1541 = arith.addi %gather3A_1505, %add3A_20 : vector<16xi32>
      %gather3A_1542 = tpu.vector_load_idx %arg7[%add3A_1541] : memref<4224xf32, #tpu.memory_space<vmem>>[vector<16xi32>], vector<16xf32>,
      %swap3A_1543 = arith.constant 1 : i32
      %swap3A_1544 = arith.index_cast %swap3A_1543 : i32 to index
      %swap3A_1545 = arith.index_cast %add3A_1503 : i32 to index
      %swap3A_1546 = arith.constant 80 : index
      %swap3A_1547 = tpu.vector_load %arg12[%swap3A_1544, %swap3A_1545, %swap3A_1546] {strides = array<i32>} : memref<2x128x128xf32, #tpu.memory_space<vmem>>, vector<16xf32>,
      tpu.vector_store %arg12[%swap3A_1544, %swap3A_1545, %swap3A_1546], %gather3A_1542 {strides = array<i32>} : memref<2x128x128xf32, #tpu.memory_space<vmem>>, vector<16xf32>,
      %add3A_1548 = arith.addi %gather3A_1505, %add3A_23 : vector<16xi32>
      %gather3A_1549 = tpu.vector_load_idx %arg7[%add3A_1548] : memref<4224xf32, #tpu.memory_space<vmem>>[vector<16xi32>], vector<16xf32>,
      %swap3A_1550 = arith.constant 1 : i32
      %swap3A_1551 = arith.index_cast %swap3A_1550 : i32 to index
      %swap3A_1552 = arith.index_cast %add3A_1503 : i32 to index
      %swap3A_1553 = arith.constant 96 : index
      %swap3A_1554 = tpu.vector_load %arg12[%swap3A_1551, %swap3A_1552, %swap3A_1553] {strides = array<i32>} : memref<2x128x128xf32, #tpu.memory_space<vmem>>, vector<16xf32>,
      tpu.vector_store %arg12[%swap3A_1551, %swap3A_1552, %swap3A_1553], %gather3A_1549 {strides = array<i32>} : memref<2x128x128xf32, #tpu.memory_space<vmem>>, vector<16xf32>,
      %add3A_1555 = arith.addi %gather3A_1505, %add3A_26 : vector<16xi32>
      %gather3A_1556 = tpu.vector_load_idx %arg7[%add3A_1555] : memref<4224xf32, #tpu.memory_space<vmem>>[vector<16xi32>], vector<16xf32>,
      %swap3A_1557 = arith.constant 1 : i32
      %swap3A_1558 = arith.index_cast %swap3A_1557 : i32 to index
      %swap3A_1559 = arith.index_cast %add3A_1503 : i32 to index
      %swap3A_1560 = arith.constant 112 : index
      %swap3A_1561 = tpu.vector_load %arg12[%swap3A_1558, %swap3A_1559, %swap3A_1560] {strides = array<i32>} : memref<2x128x128xf32, #tpu.memory_space<vmem>>, vector<16xf32>,
      tpu.vector_store %arg12[%swap3A_1558, %swap3A_1559, %swap3A_1560], %gather3A_1556 {strides = array<i32>} : memref<2x128x128xf32, #tpu.memory_space<vmem>>, vector<16xf32>,
      %mul3A_1562 = arith.constant 4 : i32
      %mul3A_1563 = arith.muli %scan3A_1438, %mul3A_1562 : i32
      %add3A_1564 = arith.constant 2 : i32
      %add3A_1565 = arith.addi %mul3A_1563, %add3A_1564 : i32
      %broadcast_in_dim3A_1566 = vector.broadcast %add3A_1565 : i32 to vector<16xi32>
      %gather3A_1567 = tpu.vector_load_idx %arg10[%broadcast_in_dim3A_1566] : memref<128xi32, #tpu.memory_space<vmem>>[vector<16xi32>], vector<16xi32>,
      %add3A_1568 = arith.addi %gather3A_1567, %add3A_5 : vector<16xi32>
      %gather3A_1569 = tpu.vector_load_idx %arg7[%add3A_1568] : memref<4224xf32, #tpu.memory_space<vmem>>[vector<16xi32>], vector<16xf32>,
      %swap3A_1570 = arith.constant 1 : i32
      %swap3A_1571 = arith.index_cast %swap3A_1570 : i32 to index
      %swap3A_1572 = arith.index_cast %add3A_1565 : i32 to index
      %swap3A_1573 = arith.constant 0 : index
      %swap3A_1574 = tpu.vector_load %arg12[%swap3A_1571, %swap3A_1572, %swap3A_1573] {strides = array<i32>} : memref<2x128x128xf32, #tpu.memory_space<vmem>>, vector<16xf32>,
      tpu.vector_store %arg12[%swap3A_1571, %swap3A_1572, %swap3A_1573], %gather3A_1569 {strides = array<i32>} : memref<2x128x128xf32, #tpu.memory_space<vmem>>, vector<16xf32>,
      %add3A_1575 = arith.addi %gather3A_1567, %add3A_8 : vector<16xi32>
      %gather3A_1576 = tpu.vector_load_idx %arg7[%add3A_1575] : memref<4224xf32, #tpu.memory_space<vmem>>[vector<16xi32>], vector<16xf32>,
      %swap3A_1577 = arith.constant 1 : i32
      %swap3A_1578 = arith.index_cast %swap3A_1577 : i32 to index
      %swap3A_1579 = arith.index_cast %add3A_1565 : i32 to index
      %swap3A_1580 = arith.constant 16 : index
      %swap3A_1581 = tpu.vector_load %arg12[%swap3A_1578, %swap3A_1579, %swap3A_1580] {strides = array<i32>} : memref<2x128x128xf32, #tpu.memory_space<vmem>>, vector<16xf32>,
      tpu.vector_store %arg12[%swap3A_1578, %swap3A_1579, %swap3A_1580], %gather3A_1576 {strides = array<i32>} : memref<2x128x128xf32, #tpu.memory_space<vmem>>, vector<16xf32>,
      %add3A_1582 = arith.addi %gather3A_1567, %add3A_11 : vector<16xi32>
      %gather3A_1583 = tpu.vector_load_idx %arg7[%add3A_1582] : memref<4224xf32, #tpu.memory_space<vmem>>[vector<16xi32>], vector<16xf32>,
      %swap3A_1584 = arith.constant 1 : i32
      %swap3A_1585 = arith.index_cast %swap3A_1584 : i32 to index
      %swap3A_1586 = arith.index_cast %add3A_1565 : i32 to index
      %swap3A_1587 = arith.constant 32 : index
      %swap3A_1588 = tpu.vector_load %arg12[%swap3A_1585, %swap3A_1586, %swap3A_1587] {strides = array<i32>} : memref<2x128x128xf32, #tpu.memory_space<vmem>>, vector<16xf32>,
      tpu.vector_store %arg12[%swap3A_1585, %swap3A_1586, %swap3A_1587], %gather3A_1583 {strides = array<i32>} : memref<2x128x128xf32, #tpu.memory_space<vmem>>, vector<16xf32>,
      %add3A_1589 = arith.addi %gather3A_1567, %add3A_14 : vector<16xi32>
      %gather3A_1590 = tpu.vector_load_idx %arg7[%add3A_1589] : memref<4224xf32, #tpu.memory_space<vmem>>[vector<16xi32>], vector<16xf32>,
      %swap3A_1591 = arith.constant 1 : i32
      %swap3A_1592 = arith.index_cast %swap3A_1591 : i32 to index
      %swap3A_1593 = arith.index_cast %add3A_1565 : i32 to index
      %swap3A_1594 = arith.constant 48 : index
      %swap3A_1595 = tpu.vector_load %arg12[%swap3A_1592, %swap3A_1593, %swap3A_1594] {strides = array<i32>} : memref<2x128x128xf32, #tpu.memory_space<vmem>>, vector<16xf32>,
      tpu.vector_store %arg12[%swap3A_1592, %swap3A_1593, %swap3A_1594], %gather3A_1590 {strides = array<i32>} : memref<2x128x128xf32, #tpu.memory_space<vmem>>, vector<16xf32>,
      %add3A_1596 = arith.addi %gather3A_1567, %add3A_17 : vector<16xi32>
      %gather3A_1597 = tpu.vector_load_idx %arg7[%add3A_1596] : memref<4224xf32, #tpu.memory_space<vmem>>[vector<16xi32>], vector<16xf32>,
      %swap3A_1598 = arith.constant 1 : i32
      %swap3A_1599 = arith.index_cast %swap3A_1598 : i32 to index
      %swap3A_1600 = arith.index_cast %add3A_1565 : i32 to index
      %swap3A_1601 = arith.constant 64 : index
      %swap3A_1602 = tpu.vector_load %arg12[%swap3A_1599, %swap3A_1600, %swap3A_1601] {strides = array<i32>} : memref<2x128x128xf32, #tpu.memory_space<vmem>>, vector<16xf32>,
      tpu.vector_store %arg12[%swap3A_1599, %swap3A_1600, %swap3A_1601], %gather3A_1597 {strides = array<i32>} : memref<2x128x128xf32, #tpu.memory_space<vmem>>, vector<16xf32>,
      %add3A_1603 = arith.addi %gather3A_1567, %add3A_20 : vector<16xi32>
      %gather3A_1604 = tpu.vector_load_idx %arg7[%add3A_1603] : memref<4224xf32, #tpu.memory_space<vmem>>[vector<16xi32>], vector<16xf32>,
      %swap3A_1605 = arith.constant 1 : i32
      %swap3A_1606 = arith.index_cast %swap3A_1605 : i32 to index
      %swap3A_1607 = arith.index_cast %add3A_1565 : i32 to index
      %swap3A_1608 = arith.constant 80 : index
      %swap3A_1609 = tpu.vector_load %arg12[%swap3A_1606, %swap3A_1607, %swap3A_1608] {strides = array<i32>} : memref<2x128x128xf32, #tpu.memory_space<vmem>>, vector<16xf32>,
      tpu.vector_store %arg12[%swap3A_1606, %swap3A_1607, %swap3A_1608], %gather3A_1604 {strides = array<i32>} : memref<2x128x128xf32, #tpu.memory_space<vmem>>, vector<16xf32>,
      %add3A_1610 = arith.addi %gather3A_1567, %add3A_23 : vector<16xi32>
      %gather3A_1611 = tpu.vector_load_idx %arg7[%add3A_1610] : memref<4224xf32, #tpu.memory_space<vmem>>[vector<16xi32>], vector<16xf32>,
      %swap3A_1612 = arith.constant 1 : i32
      %swap3A_1613 = arith.index_cast %swap3A_1612 : i32 to index
      %swap3A_1614 = arith.index_cast %add3A_1565 : i32 to index
      %swap3A_1615 = arith.constant 96 : index
      %swap3A_1616 = tpu.vector_load %arg12[%swap3A_1613, %swap3A_1614, %swap3A_1615] {strides = array<i32>} : memref<2x128x128xf32, #tpu.memory_space<vmem>>, vector<16xf32>,
      tpu.vector_store %arg12[%swap3A_1613, %swap3A_1614, %swap3A_1615], %gather3A_1611 {strides = array<i32>} : memref<2x128x128xf32, #tpu.memory_space<vmem>>, vector<16xf32>,
      %add3A_1617 = arith.addi %gather3A_1567, %add3A_26 : vector<16xi32>
      %gather3A_1618 = tpu.vector_load_idx %arg7[%add3A_1617] : memref<4224xf32, #tpu.memory_space<vmem>>[vector<16xi32>], vector<16xf32>,
      %swap3A_1619 = arith.constant 1 : i32
      %swap3A_1620 = arith.index_cast %swap3A_1619 : i32 to index
      %swap3A_1621 = arith.index_cast %add3A_1565 : i32 to index
      %swap3A_1622 = arith.constant 112 : index
      %swap3A_1623 = tpu.vector_load %arg12[%swap3A_1620, %swap3A_1621, %swap3A_1622] {strides = array<i32>} : memref<2x128x128xf32, #tpu.memory_space<vmem>>, vector<16xf32>,
      tpu.vector_store %arg12[%swap3A_1620, %swap3A_1621, %swap3A_1622], %gather3A_1618 {strides = array<i32>} : memref<2x128x128xf32, #tpu.memory_space<vmem>>, vector<16xf32>,
      %mul3A_1624 = arith.constant 4 : i32
      %mul3A_1625 = arith.muli %scan3A_1438, %mul3A_1624 : i32
      %add3A_1626 = arith.constant 3 : i32
      %add3A_1627 = arith.addi %mul3A_1625, %add3A_1626 : i32
      %broadcast_in_dim3A_1628 = vector.broadcast %add3A_1627 : i32 to vector<16xi32>
      %gather3A_1629 = tpu.vector_load_idx %arg10[%broadcast_in_dim3A_1628] : memref<128xi32, #tpu.memory_space<vmem>>[vector<16xi32>], vector<16xi32>,
      %add3A_1630 = arith.addi %gather3A_1629, %add3A_5 : vector<16xi32>
      %gather3A_1631 = tpu.vector_load_idx %arg7[%add3A_1630] : memref<4224xf32, #tpu.memory_space<vmem>>[vector<16xi32>], vector<16xf32>,
      %swap3A_1632 = arith.constant 1 : i32
      %swap3A_1633 = arith.index_cast %swap3A_1632 : i32 to index
      %swap3A_1634 = arith.index_cast %add3A_1627 : i32 to index
      %swap3A_1635 = arith.constant 0 : index
      %swap3A_1636 = tpu.vector_load %arg12[%swap3A_1633, %swap3A_1634, %swap3A_1635] {strides = array<i32>} : memref<2x128x128xf32, #tpu.memory_space<vmem>>, vector<16xf32>,
      tpu.vector_store %arg12[%swap3A_1633, %swap3A_1634, %swap3A_1635], %gather3A_1631 {strides = array<i32>} : memref<2x128x128xf32, #tpu.memory_space<vmem>>, vector<16xf32>,
      %add3A_1637 = arith.addi %gather3A_1629, %add3A_8 : vector<16xi32>
      %gather3A_1638 = tpu.vector_load_idx %arg7[%add3A_1637] : memref<4224xf32, #tpu.memory_space<vmem>>[vector<16xi32>], vector<16xf32>,
      %swap3A_1639 = arith.constant 1 : i32
      %swap3A_1640 = arith.index_cast %swap3A_1639 : i32 to index
      %swap3A_1641 = arith.index_cast %add3A_1627 : i32 to index
      %swap3A_1642 = arith.constant 16 : index
      %swap3A_1643 = tpu.vector_load %arg12[%swap3A_1640, %swap3A_1641, %swap3A_1642] {strides = array<i32>} : memref<2x128x128xf32, #tpu.memory_space<vmem>>, vector<16xf32>,
      tpu.vector_store %arg12[%swap3A_1640, %swap3A_1641, %swap3A_1642], %gather3A_1638 {strides = array<i32>} : memref<2x128x128xf32, #tpu.memory_space<vmem>>, vector<16xf32>,
      %add3A_1644 = arith.addi %gather3A_1629, %add3A_11 : vector<16xi32>
      %gather3A_1645 = tpu.vector_load_idx %arg7[%add3A_1644] : memref<4224xf32, #tpu.memory_space<vmem>>[vector<16xi32>], vector<16xf32>,
      %swap3A_1646 = arith.constant 1 : i32
      %swap3A_1647 = arith.index_cast %swap3A_1646 : i32 to index
      %swap3A_1648 = arith.index_cast %add3A_1627 : i32 to index
      %swap3A_1649 = arith.constant 32 : index
      %swap3A_1650 = tpu.vector_load %arg12[%swap3A_1647, %swap3A_1648, %swap3A_1649] {strides = array<i32>} : memref<2x128x128xf32, #tpu.memory_space<vmem>>, vector<16xf32>,
      tpu.vector_store %arg12[%swap3A_1647, %swap3A_1648, %swap3A_1649], %gather3A_1645 {strides = array<i32>} : memref<2x128x128xf32, #tpu.memory_space<vmem>>, vector<16xf32>,
      %add3A_1651 = arith.addi %gather3A_1629, %add3A_14 : vector<16xi32>
      %gather3A_1652 = tpu.vector_load_idx %arg7[%add3A_1651] : memref<4224xf32, #tpu.memory_space<vmem>>[vector<16xi32>], vector<16xf32>,
      %swap3A_1653 = arith.constant 1 : i32
      %swap3A_1654 = arith.index_cast %swap3A_1653 : i32 to index
      %swap3A_1655 = arith.index_cast %add3A_1627 : i32 to index
      %swap3A_1656 = arith.constant 48 : index
      %swap3A_1657 = tpu.vector_load %arg12[%swap3A_1654, %swap3A_1655, %swap3A_1656] {strides = array<i32>} : memref<2x128x128xf32, #tpu.memory_space<vmem>>, vector<16xf32>,
      tpu.vector_store %arg12[%swap3A_1654, %swap3A_1655, %swap3A_1656], %gather3A_1652 {strides = array<i32>} : memref<2x128x128xf32, #tpu.memory_space<vmem>>, vector<16xf32>,
      %add3A_1658 = arith.addi %gather3A_1629, %add3A_17 : vector<16xi32>
      %gather3A_1659 = tpu.vector_load_idx %arg7[%add3A_1658] : memref<4224xf32, #tpu.memory_space<vmem>>[vector<16xi32>], vector<16xf32>,
      %swap3A_1660 = arith.constant 1 : i32
      %swap3A_1661 = arith.index_cast %swap3A_1660 : i32 to index
      %swap3A_1662 = arith.index_cast %add3A_1627 : i32 to index
      %swap3A_1663 = arith.constant 64 : index
      %swap3A_1664 = tpu.vector_load %arg12[%swap3A_1661, %swap3A_1662, %swap3A_1663] {strides = array<i32>} : memref<2x128x128xf32, #tpu.memory_space<vmem>>, vector<16xf32>,
      tpu.vector_store %arg12[%swap3A_1661, %swap3A_1662, %swap3A_1663], %gather3A_1659 {strides = array<i32>} : memref<2x128x128xf32, #tpu.memory_space<vmem>>, vector<16xf32>,
      %add3A_1665 = arith.addi %gather3A_1629, %add3A_20 : vector<16xi32>
      %gather3A_1666 = tpu.vector_load_idx %arg7[%add3A_1665] : memref<4224xf32, #tpu.memory_space<vmem>>[vector<16xi32>], vector<16xf32>,
      %swap3A_1667 = arith.constant 1 : i32
      %swap3A_1668 = arith.index_cast %swap3A_1667 : i32 to index
      %swap3A_1669 = arith.index_cast %add3A_1627 : i32 to index
      %swap3A_1670 = arith.constant 80 : index
      %swap3A_1671 = tpu.vector_load %arg12[%swap3A_1668, %swap3A_1669, %swap3A_1670] {strides = array<i32>} : memref<2x128x128xf32, #tpu.memory_space<vmem>>, vector<16xf32>,
      tpu.vector_store %arg12[%swap3A_1668, %swap3A_1669, %swap3A_1670], %gather3A_1666 {strides = array<i32>} : memref<2x128x128xf32, #tpu.memory_space<vmem>>, vector<16xf32>,
      %add3A_1672 = arith.addi %gather3A_1629, %add3A_23 : vector<16xi32>
      %gather3A_1673 = tpu.vector_load_idx %arg7[%add3A_1672] : memref<4224xf32, #tpu.memory_space<vmem>>[vector<16xi32>], vector<16xf32>,
      %swap3A_1674 = arith.constant 1 : i32
      %swap3A_1675 = arith.index_cast %swap3A_1674 : i32 to index
      %swap3A_1676 = arith.index_cast %add3A_1627 : i32 to index
      %swap3A_1677 = arith.constant 96 : index
      %swap3A_1678 = tpu.vector_load %arg12[%swap3A_1675, %swap3A_1676, %swap3A_1677] {strides = array<i32>} : memref<2x128x128xf32, #tpu.memory_space<vmem>>, vector<16xf32>,
      tpu.vector_store %arg12[%swap3A_1675, %swap3A_1676, %swap3A_1677], %gather3A_1673 {strides = array<i32>} : memref<2x128x128xf32, #tpu.memory_space<vmem>>, vector<16xf32>,
      %add3A_1679 = arith.addi %gather3A_1629, %add3A_26 : vector<16xi32>
      %gather3A_1680 = tpu.vector_load_idx %arg7[%add3A_1679] : memref<4224xf32, #tpu.memory_space<vmem>>[vector<16xi32>], vector<16xf32>,
      %swap3A_1681 = arith.constant 1 : i32
      %swap3A_1682 = arith.index_cast %swap3A_1681 : i32 to index
      %swap3A_1683 = arith.index_cast %add3A_1627 : i32 to index
      %swap3A_1684 = arith.constant 112 : index
      %swap3A_1685 = tpu.vector_load %arg12[%swap3A_1682, %swap3A_1683, %swap3A_1684] {strides = array<i32>} : memref<2x128x128xf32, #tpu.memory_space<vmem>>, vector<16xf32>,
      tpu.vector_store %arg12[%swap3A_1682, %swap3A_1683, %swap3A_1684], %gather3A_1680 {strides = array<i32>} : memref<2x128x128xf32, #tpu.memory_space<vmem>>, vector<16xf32>,
    }
    %scan3A_1361 = arith.constant 32 : i32
    %add3A_1362 = arith.constant 16256 : i32
    %add3A_1363 = arith.addi %mul3A_2, %add3A_1362 : i32
    %dma_start3A_1364 = arith.constant 1 : i32
    %dma_start3A_1365 = arith.constant 0 : i32
    %dma_start3A_1366 = arith.constant 0 : i32
    %dma_start3A_1367 = tpu.memref_slice %arg12[%dma_start3A_1364, %dma_start3A_1365, %dma_start3A_1366] : memref<2x128x128xf32, #tpu.memory_space<vmem>> -> memref<1x128x128xf32, #tpu.memory_space<vmem>>
    %dma_start3A_1368 = tpu.memref_squeeze %dma_start3A_1367 : memref<1x128x128xf32, #tpu.memory_space<vmem>> -> memref<128x128xf32, #tpu.memory_space<vmem>>
    %dma_start3A_1369 = arith.constant 0 : i32
    %dma_start3A_1370 = tpu.memref_slice %arg5[%add3A_1363, %dma_start3A_1369] : memref<524288x128xf32, #tpu.memory_space<hbm>> -> memref<128x128xf32, #tpu.memory_space<hbm>>
    %dma_start3A_1371 = arith.constant 0 : i32
    %dma_start3A_1372 = tpu.memref_slice %arg5[%add3A_1363, %dma_start3A_1371] : memref<524288x128xf32, #tpu.memory_space<hbm>> -> memref<128x128xf32, #tpu.memory_space<hbm>>
    %dma_start3A_1373 = arith.constant 0 : i32
    %dma_start3A_1374 = arith.constant 0 : i32
    %dma_start3A_1375 = tpu.memref_slice %arg12[%dma_start3A_1364, %dma_start3A_1373, %dma_start3A_1374] : memref<2x128x128xf32, #tpu.memory_space<vmem>> -> memref<1x128x128xf32, #tpu.memory_space<vmem>>
    %dma_start3A_1376 = tpu.memref_squeeze %dma_start3A_1375 : memref<1x128x128xf32, #tpu.memory_space<vmem>> -> memref<128x128xf32, #tpu.memory_space<vmem>>
    tpu.enqueue_dma source(%dma_start3A_1376 : memref<128x128xf32, #tpu.memory_space<vmem>>) target(%dma_start3A_1372 : memref<128x128xf32, #tpu.memory_space<hbm>>) target_semaphore(%arg14 : memref<!tpu.dma_semaphore, #tpu.memory_space<semaphore_mem>>)
    %dma_start3A_1377 = arith.constant 1 : i32
    %dma_start3A_1378 = arith.constant 0 : i32
    %dma_start3A_1379 = tpu.memref_slice %arg11[%dma_start3A_1377, %dma_start3A_1378] : memref<2x128xi32, #tpu.memory_space<vmem>> -> memref<1x128xi32, #tpu.memory_space<vmem>>
    %dma_start3A_1380 = tpu.memref_squeeze %dma_start3A_1379 : memref<1x128xi32, #tpu.memory_space<vmem>> -> memref<128xi32, #tpu.memory_space<vmem>>
    %dma_start3A_1381 = tpu.memref_slice %arg6[%add3A_1363] : memref<524288xi32, #tpu.memory_space<hbm>> -> memref<128xi32, #tpu.memory_space<hbm>>
    %dma_start3A_1382 = tpu.memref_slice %arg6[%add3A_1363] : memref<524288xi32, #tpu.memory_space<hbm>> -> memref<128xi32, #tpu.memory_space<hbm>>
    %dma_start3A_1383 = arith.constant 0 : i32
    %dma_start3A_1384 = tpu.memref_slice %arg11[%dma_start3A_1377, %dma_start3A_1383] : memref<2x128xi32, #tpu.memory_space<vmem>> -> memref<1x128xi32, #tpu.memory_space<vmem>>
    %dma_start3A_1385 = tpu.memref_squeeze %dma_start3A_1384 : memref<1x128xi32, #tpu.memory_space<vmem>> -> memref<128xi32, #tpu.memory_space<vmem>>
    tpu.enqueue_dma source(%dma_start3A_1385 : memref<128xi32, #tpu.memory_space<vmem>>) target(%dma_start3A_1382 : memref<128xi32, #tpu.memory_space<hbm>>) target_semaphore(%arg14 : memref<!tpu.dma_semaphore, #tpu.memory_space<semaphore_mem>>)
    %dma_wait3A_1386 = arith.constant 0 : i32
    %dma_wait3A_1387 = arith.constant 0 : i32
    %dma_wait3A_1388 = arith.constant 0 : i32
    %dma_wait3A_1389 = tpu.memref_slice %arg12[%dma_wait3A_1386, %dma_wait3A_1387, %dma_wait3A_1388] : memref<2x128x128xf32, #tpu.memory_space<vmem>> -> memref<1x128x128xf32, #tpu.memory_space<vmem>>
    %dma_wait3A_1390 = tpu.memref_squeeze %dma_wait3A_1389 : memref<1x128x128xf32, #tpu.memory_space<vmem>> -> memref<128x128xf32, #tpu.memory_space<vmem>>
    %dma_wait3A_1391 = arith.constant 0 : i32
    %dma_wait3A_1392 = arith.constant 0 : i32
    %dma_wait3A_1393 = tpu.memref_slice %arg5[%dma_wait3A_1391, %dma_wait3A_1392] : memref<524288x128xf32, #tpu.memory_space<hbm>> -> memref<128x128xf32, #tpu.memory_space<hbm>>
    %dma_wait3A_1394 = arith.constant 0 : i32
    %dma_wait3A_1395 = arith.constant 0 : i32
    %dma_wait3A_1396 = tpu.memref_slice %arg5[%dma_wait3A_1394, %dma_wait3A_1395] : memref<524288x128xf32, #tpu.memory_space<hbm>> -> memref<128x128xf32, #tpu.memory_space<hbm>>
    %dma_wait3A_1397 = arith.constant 0 : i32
    %dma_wait3A_1398 = arith.constant 0 : i32
    %dma_wait3A_1399 = tpu.memref_slice %arg12[%dma_wait3A_1386, %dma_wait3A_1397, %dma_wait3A_1398] : memref<2x128x128xf32, #tpu.memory_space<vmem>> -> memref<1x128x128xf32, #tpu.memory_space<vmem>>
    %dma_wait3A_1400 = tpu.memref_squeeze %dma_wait3A_1399 : memref<1x128x128xf32, #tpu.memory_space<vmem>> -> memref<128x128xf32, #tpu.memory_space<vmem>>
    tpu.wait_dma2 semaphore(%arg13 : memref<!tpu.dma_semaphore, #tpu.memory_space<semaphore_mem>>) src(%dma_wait3A_1400 : memref<128x128xf32, #tpu.memory_space<vmem>>) dst(%dma_wait3A_1396 : memref<128x128xf32, #tpu.memory_space<hbm>>)
    %dma_wait3A_1401 = arith.constant 0 : i32
    %dma_wait3A_1402 = arith.constant 0 : i32
    %dma_wait3A_1403 = tpu.memref_slice %arg11[%dma_wait3A_1401, %dma_wait3A_1402] : memref<2x128xi32, #tpu.memory_space<vmem>> -> memref<1x128xi32, #tpu.memory_space<vmem>>
    %dma_wait3A_1404 = tpu.memref_squeeze %dma_wait3A_1403 : memref<1x128xi32, #tpu.memory_space<vmem>> -> memref<128xi32, #tpu.memory_space<vmem>>
    %dma_wait3A_1405 = arith.constant 0 : i32
    %dma_wait3A_1406 = tpu.memref_slice %arg6[%dma_wait3A_1405] : memref<524288xi32, #tpu.memory_space<hbm>> -> memref<128xi32, #tpu.memory_space<hbm>>
    %dma_wait3A_1407 = arith.constant 0 : i32
    %dma_wait3A_1408 = tpu.memref_slice %arg6[%dma_wait3A_1407] : memref<524288xi32, #tpu.memory_space<hbm>> -> memref<128xi32, #tpu.memory_space<hbm>>
    %dma_wait3A_1409 = arith.constant 0 : i32
    %dma_wait3A_1410 = tpu.memref_slice %arg11[%dma_wait3A_1401, %dma_wait3A_1409] : memref<2x128xi32, #tpu.memory_space<vmem>> -> memref<1x128xi32, #tpu.memory_space<vmem>>
    %dma_wait3A_1411 = tpu.memref_squeeze %dma_wait3A_1410 : memref<1x128xi32, #tpu.memory_space<vmem>> -> memref<128xi32, #tpu.memory_space<vmem>>
    tpu.wait_dma2 semaphore(%arg13 : memref<!tpu.dma_semaphore, #tpu.memory_space<semaphore_mem>>) src(%dma_wait3A_1411 : memref<128xi32, #tpu.memory_space<vmem>>) dst(%dma_wait3A_1408 : memref<128xi32, #tpu.memory_space<hbm>>)
    %dma_wait3A_1412 = arith.constant 1 : i32
    %dma_wait3A_1413 = arith.constant 0 : i32
    %dma_wait3A_1414 = arith.constant 0 : i32
    %dma_wait3A_1415 = tpu.memref_slice %arg12[%dma_wait3A_1412, %dma_wait3A_1413, %dma_wait3A_1414] : memref<2x128x128xf32, #tpu.memory_space<vmem>> -> memref<1x128x128xf32, #tpu.memory_space<vmem>>
    %dma_wait3A_1416 = tpu.memref_squeeze %dma_wait3A_1415 : memref<1x128x128xf32, #tpu.memory_space<vmem>> -> memref<128x128xf32, #tpu.memory_space<vmem>>
    %dma_wait3A_1417 = arith.constant 0 : i32
    %dma_wait3A_1418 = arith.constant 0 : i32
    %dma_wait3A_1419 = tpu.memref_slice %arg5[%dma_wait3A_1417, %dma_wait3A_1418] : memref<524288x128xf32, #tpu.memory_space<hbm>> -> memref<128x128xf32, #tpu.memory_space<hbm>>
    %dma_wait3A_1420 = arith.constant 0 : i32
    %dma_wait3A_1421 = arith.constant 0 : i32
    %dma_wait3A_1422 = tpu.memref_slice %arg5[%dma_wait3A_1420, %dma_wait3A_1421] : memref<524288x128xf32, #tpu.memory_space<hbm>> -> memref<128x128xf32, #tpu.memory_space<hbm>>
    %dma_wait3A_1423 = arith.constant 0 : i32
    %dma_wait3A_1424 = arith.constant 0 : i32
    %dma_wait3A_1425 = tpu.memref_slice %arg12[%dma_wait3A_1412, %dma_wait3A_1423, %dma_wait3A_1424] : memref<2x128x128xf32, #tpu.memory_space<vmem>> -> memref<1x128x128xf32, #tpu.memory_space<vmem>>
    %dma_wait3A_1426 = tpu.memref_squeeze %dma_wait3A_1425 : memref<1x128x128xf32, #tpu.memory_space<vmem>> -> memref<128x128xf32, #tpu.memory_space<vmem>>
    tpu.wait_dma2 semaphore(%arg14 : memref<!tpu.dma_semaphore, #tpu.memory_space<semaphore_mem>>) src(%dma_wait3A_1426 : memref<128x128xf32, #tpu.memory_space<vmem>>) dst(%dma_wait3A_1422 : memref<128x128xf32, #tpu.memory_space<hbm>>)
    %dma_wait3A_1427 = arith.constant 1 : i32
    %dma_wait3A_1428 = arith.constant 0 : i32
    %dma_wait3A_1429 = tpu.memref_slice %arg11[%dma_wait3A_1427, %dma_wait3A_1428] : memref<2x128xi32, #tpu.memory_space<vmem>> -> memref<1x128xi32, #tpu.memory_space<vmem>>
    %dma_wait3A_1430 = tpu.memref_squeeze %dma_wait3A_1429 : memref<1x128xi32, #tpu.memory_space<vmem>> -> memref<128xi32, #tpu.memory_space<vmem>>
    %dma_wait3A_1431 = arith.constant 0 : i32
    %dma_wait3A_1432 = tpu.memref_slice %arg6[%dma_wait3A_1431] : memref<524288xi32, #tpu.memory_space<hbm>> -> memref<128xi32, #tpu.memory_space<hbm>>
    %dma_wait3A_1433 = arith.constant 0 : i32
    %dma_wait3A_1434 = tpu.memref_slice %arg6[%dma_wait3A_1433] : memref<524288xi32, #tpu.memory_space<hbm>> -> memref<128xi32, #tpu.memory_space<hbm>>
    %dma_wait3A_1435 = arith.constant 0 : i32
    %dma_wait3A_1436 = tpu.memref_slice %arg11[%dma_wait3A_1427, %dma_wait3A_1435] : memref<2x128xi32, #tpu.memory_space<vmem>> -> memref<1x128xi32, #tpu.memory_space<vmem>>
    %dma_wait3A_1437 = tpu.memref_squeeze %dma_wait3A_1436 : memref<1x128xi32, #tpu.memory_space<vmem>> -> memref<128xi32, #tpu.memory_space<vmem>>
    tpu.wait_dma2 semaphore(%arg14 : memref<!tpu.dma_semaphore, #tpu.memory_space<semaphore_mem>>) src(%dma_wait3A_1437 : memref<128xi32, #tpu.memory_space<vmem>>) dst(%dma_wait3A_1434 : memref<128xi32, #tpu.memory_space<hbm>>)
    return
  }
}

</mosaic_0001>

<sc_bundles>
// kernel: kernel.3.cloned.1.call-start
scs
__scs_entry_jumppad:
0x0: {  	(pc) =	sbr.rel $0x88, $3  }
0x1: {  	(tag) =	ssettag $0x0;
	lr =	simm.s32 $0x1  }
0x2: {  	[smem:$0x3F9F] =	sst lr;
	_ =	strace $0xD0000000  }
0x3: {  	_ = 	snop  }
0x4: {  	_ = 	snop  }
0x5: {  	_ = 	snop  }
0x6: {  	_ = 	snop  }
0x7: {  	_ = 	snop  }
__scs_overlays_trampoline_lowered:
0x8: {  	[smem:$0x3FAE] =	sst s0  }
0x9: {  	[smem:$0x3FAF] =	sst s1  }
0xa: {  	[smem:$0x3FB0] =	sst s2  }
0xb: {  	[smem:$0x3FB1] =	sst s3  }
0xc: {  	[smem:$0x3FB2] =	sst s4  }
0xd: {  	[smem:$0x3FB3] =	sst s5  }
0xe: {  	[smem:$0x3FB4] =	sst s6  }
0xf: {  	[smem:$0x3FB5] =	sst s7  }
0x10: {  	[smem:$0x3FB6] =	sst s8  }
0x11: {  	[smem:$0x3FB7] =	sst s9;
	s0 =	simm.s32 @!p0 $0x0  }
0x12: {  	s1 =	sld [smem:$0x3F9D];
	s0 =	simm.s32 @p0 $0x1  }
0x13: {  	[smem:$0x3FB8] =	sst s0;
	s0 =	simm.s32 @!p1 $0x0  }
0x14: {  	s2 =	sld [smem:$0x3F9C];
	s0 =	simm.s32 @p1 $0x1  }
0x15: {  	[smem:$0x3FB9] =	sst s0;
	s0 =	simm.s32 @!p2 $0x0  }
0x16: {  	s3 =	sld [smem:$0x3FDB];
	s0 =	simm.s32 @p2 $0x1  }
0x17: {  	s4 =	simm.s32 $0x1BF5;
	[smem:$0x3FBB] =	sst s0  }
0x18: {  	s0 =	sld [smem:$0x3F9E];
	_ =	swait.ge [sflag:s4], $0x0  }
0x19: {  	s7 =	sld [smem:$0x3F9F]  }
0x1a: {  	s8 =	sadd.s32 $0xFFFFE003, lr  }
0x1b: {  	s9 =	sadd.s32 $0xFFFFFEF7, lr;
	s5 =	simm.s32 $0xFFFFFFFF;
	p2 =	slt.u32 s8, $0xFFFFF086  }
0x1c: {  	p1 =	slt.u32 s9, $0xF7A;
	s5 =	simm.s32 @!p2 $0x0  }
0x1d: {  	s5 =	simm.s32 @p1 $0x1;
	p0 =	seq.s32 s7, s2  }
0x1e: {  	s7 =	smul.u32 @!p0 $0xF7A, s2;
	p2 =	seq.s32 @!p0 s5, $0x0  }
0x1f: {  	s9 =	smul.u32 $0xF7A, s1;
	s8 =	simm.s32 @!p0 $0x1BF5;
	p2 =	por !p2, p0  }
0x20: {  	[sflag:s8] =	ssyncset.s32 @!p0 $0xFFFFF086;
	s6 =	sadd.s32 @!p0 s3, s7;
	s7 =	simm.s32 @!p0 $0x108  }
0x21: {  	s3 =	sadd.s32 s3, s9;
	s6 =	sadd.s32 @!p0 $0x88, s6;
	s7 =	simm.s32 @p2 $0x1082  }
0x22: {  	[simem:s7], [sflag:s8] =	dma.local @!p0 [hbm:s6], $0xF7A  }
0x23: {  	s9 =	sor.u32 $0xD0000000, s2;
	s6 =	simm.s32 $0x108;
	_ =	swait.ge @!p0 [sflag:s8], $0x0  }
0x24: {  	s3 =	sadd.s32 $0x88, s3;
	s6 =	simm.s32 @!p1 $0x1082;
	[sflag:s4] =	ssyncset.s32 $0xFFFFF086  }
0x25: {  	[simem:s6], [sflag:s4] =	dma.local [hbm:s3], $0xF7A  }
0x26: {  	[smem:$0x3F9F] =	sst s1;
	(tag) =	ssettag s2;
	_ =	strace s9  }
0x27: {  	s1 =	sld [smem:$0x3FAF]  }
0x28: {  	s2 =	sld [smem:$0x3FB0]  }
0x29: {  	s4 =	sld [smem:$0x3FB2]  }
0x2a: {  	p0 =	seq.s32 s5, $0x0;
	s5 =	sld [smem:$0x3FB3]  }
0x2b: {  	s6 =	sld [smem:$0x3FB4]  }
0x2c: {  	s7 =	sld [smem:$0x3FB5]  }
0x2d: {  	s3 =	simm.s32 $0x108;
	s8 =	sld [smem:$0x3FB6]  }
0x2e: {  	s3 =	simm.s32 @!p0 $0x1082;
	s9 =	sld [smem:$0x3FB7]  }
0x2f: {  	lr =	sadd.s32 s0, s3;
	s0 =	sld [smem:$0x3FAE]  }
0x30: {  	s3 =	sld [smem:$0x3FB1]  }
0x31: {  	[smem:$0x3FBA] =	sst s10  }
0x32: {  	s10 =	sld [smem:$0x3FB8];
	_ =	sdelay $0x3  }
0x33: {  	p0 =	seq.s32 s10, $0x1;
	s10 =	sld [smem:$0x3FBA];
	_ =	sdelay $0x3  }
0x34: {  	[smem:$0x3FBA] =	sst s10  }
0x35: {  	s10 =	sld [smem:$0x3FB9];
	_ =	sdelay $0x3  }
0x36: {  	p1 =	seq.s32 s10, $0x1;
	s10 =	sld [smem:$0x3FBA];
	_ =	sdelay $0x3  }
0x37: {  	[smem:$0x3FBA] =	sst s10  }
0x38: {  	s10 =	sld [smem:$0x3FBB]  }
0x39: {  	_ = 	snop;
	(pc) =	sbr.ind lr, $3  }
0x3a: {  	_ = 	snop  }
0x3b: {  	_ = 	snop  }
0x3c: {  	p2 =	seq.s32 s10, $0x1;
	s10 =	sld [smem:$0x3FBA]  }
0x3d: {  	_ =	shalt  }
0x3e: {  	_ =	shalt  }
0x3f: {  	_ =	shalt  }
0x40: {  	_ =	shalt  }
0x41: {  	_ =	shalt  }
0x42: {  	_ =	shalt  }
0x43: {  	_ =	shalt  }
0x44: {  	_ =	shalt  }
0x45: {  	_ =	shalt  }
0x46: {  	_ =	shalt  }
0x47: {  	_ =	shalt  }
0x48: {  	_ =	shalt  }
0x49: {  	_ =	shalt  }
0x4a: {  	_ =	shalt  }
0x4b: {  	_ =	shalt  }
0x4c: {  	_ =	shalt  }
0x4d: {  	_ =	shalt  }
0x4e: {  	_ =	shalt  }
0x4f: {  	_ =	shalt  }
0x50: {  	_ =	shalt  }
0x51: {  	_ =	shalt  }
0x52: {  	_ =	shalt  }
0x53: {  	_ =	shalt  }
0x54: {  	_ =	shalt  }
0x55: {  	_ =	shalt  }
0x56: {  	_ =	shalt  }
0x57: {  	_ =	shalt  }
0x58: {  	_ =	shalt  }
0x59: {  	_ =	shalt  }
0x5a: {  	_ =	shalt  }
0x5b: {  	_ =	shalt  }
0x5c: {  	_ =	shalt  }
0x5d: {  	_ =	shalt  }
0x5e: {  	_ =	shalt  }
0x5f: {  	_ =	shalt  }
0x60: {  	_ =	shalt  }
0x61: {  	_ =	shalt  }
0x62: {  	_ =	shalt  }
0x63: {  	_ =	shalt  }
0x64: {  	_ =	shalt  }
0x65: {  	_ =	shalt  }
0x66: {  	_ =	shalt  }
0x67: {  	_ =	shalt  }
0x68: {  	_ =	shalt  }
0x69: {  	_ =	shalt  }
0x6a: {  	_ =	shalt  }
0x6b: {  	_ =	shalt  }
0x6c: {  	_ =	shalt  }
0x6d: {  	_ =	shalt  }
0x6e: {  	_ =	shalt  }
0x6f: {  	_ =	shalt  }
0x70: {  	_ =	shalt  }
0x71: {  	_ =	shalt  }
0x72: {  	_ =	shalt  }
0x73: {  	_ =	shalt  }
0x74: {  	_ =	shalt  }
0x75: {  	_ =	shalt  }
0x76: {  	_ =	shalt  }
0x77: {  	_ =	shalt  }
0x78: {  	_ =	shalt  }
0x79: {  	_ =	shalt  }
0x7a: {  	_ =	shalt  }
0x7b: {  	_ =	shalt  }
0x7c: {  	_ =	shalt  }
0x7d: {  	_ =	shalt  }
0x7e: {  	_ =	shalt  }
0x7f: {  	_ =	shalt  }
0x80: {  	_ =	shalt  }
0x81: {  	_ =	shalt  }
0x82: {  	_ =	shalt  }
0x83: {  	_ =	shalt  }
0x84: {  	_ =	shalt  }
0x85: {  	_ =	shalt  }
0x86: {  	_ =	shalt  }
0x87: {  	_ =	shalt  }
.Lfunc_end0:
.L_simem_size_0:
called_computation_lowered:
.L_overlay_start_0:
0x88: {  	s2 =	sld [smem:$0x3FD9]  }
0x89: {  	s3 =	sld [smem:$0x3FFE];
	_ =	sdelay $0x1  }
0x8a: {  	s1 =	srdreg.scid  }
0x8b: {  	s0 =	sand.u32 $0x1, s1  }
0x8c: {  	s14 =	sshll.u32 s0, $0xA;
	s2 =	sadd.s32 s3, s2  }
0x8d: {  	s2 =	sadd.s32 s2, s14  }
0x8e: {  	[smem:$0x3FC6] =	sst s2  }
0x8f: {  	_ = 	snop  }
0x90: {  	s2 =	sld [smem:$0x3FD0];
	_ =	sdelay $0x2  }
0x91: {  	s4 =	simm.s32 $0xA;
	s5 =	simm.s32 $0x10;
	s15 =	sld [smem:$0x3FC8]  }
0x92: {  	[smem:s5], [sflag:s4] =	dma.local [hbm:s2], $0x1  }
0x93: {  	_ =	swait.eq [sflag:s4], $0x1  }
0x94: {  	[sflag:s4] =	ssyncset.done $0x0  }
0x95: {  	s16 =	sld [smem:$0x10];
	[sflag:s4] =	ssyncadd.s32 $0xFFFFFFFF  }
0x96: {  	s17 =	sld [smem:$0x11];
	(tm) =	ssettm $0x1  }
0x97: {  	s18 =	sld [smem:$0x3FFB];
	_ =	sdelay $0x3  }
0x98: {  	_ =	strace s18  }
0x99: {  	s5 =	sld [smem:$0x3FFC];
	_ =	sdelay $0x3  }
0x9a: {  	_ =	strace s5  }
0x9b: {  	s5 =	sld [smem:$0x3FFD];
	_ =	sdelay $0x3  }
0x9c: {  	_ =	strace s5  }
0x9d: {  	_ =	strace $0x8FFFFFFF  }
0x9e: {  	s19 =	sld [smem:$0x3FDB];
	_ =	sdelay $0x1  }
0x9f: {  	s6 =	simm.s32 $_scs_section_size  }
0xa0: {  	s7 =	simm.s32 $_size__tile_overlayer_lowered;
	s8 =	simm.s32 $_tile_overlayer_lowered  }
0xa1: {  	s22 =	simm.s32 $0x1BFF;
	s21 =	sshll.u32 s8, $0x1;
	s5 =	sadd.s32 s6, s19  }
0xa2: {  	s9 =	simm.s32 $0x0;
	s20 =	sshll.u32 s7, $0x1;
	s7 =	sadd.s32 s21, s5  }
0xa3: {  	[timem:s9], [sflag:s22] =	dma.local [hbm:s7], s20  }
0xa4: {  	_ =	swait.ge [sflag:s22], s20  }
0xa5: {  	s6 =	ssub.s32 $0x0, s20;
	[sflag:s22] =	ssyncset.done $0x0  }
0xa6: {  	[sflag:s22] =	ssyncadd.s32 s6;
	_ =	sdelay $0x1  }
0xa7: {  	s23 =	simm.s32 $0x1B8B  }
0xa8: {  	_ =	swait.ge [sflag:s23], $0x1  }
0xa9: {  	[sflag:s23] =	ssyncset.done $0x0  }
0xaa: {  	s25 =	simm.s32 $0x1B8E;
	s24 =	sld [smem:$0x3FFE];
	[sflag:s23] =	ssyncadd.s32 $0xFFFFFFFF  }
0xab: {  	s26 =	simm.s32 $execute0_lowered;
	[smem:$0x3FD2] =	sst s25  }
0xac: {  	s7 =	sshll.u32 s26, $0x1;
	_ =	strace $0x80000046;
	[dreg:$0x1] =	wrdreg $0xFFFFFFFF  }
0xad: {  	s28 =	simm.s32 $_size_execute0_lowered;
	s5 =	sadd.s32 s5, s7;
	[dreg:$0x0] =	wrdreg $0x0  }
0xae: {  	s7 =	sshll.u32 s28, $0x1;
	[dreg:$0x2] =	wrdreg s5  }
0xaf: {  	[dreg:$0x3] =	wrdreg s7  }
0xb0: {  	[dreg:$0x4] =	wrdreg $0xC0  }
0xb1: {  	_ =	task [dreg:s9], $0x5FFFF  }
0xb2: {  	[dreg:$0x1] =	wrdreg $0xFFFFFFFF  }
0xb3: {  	[dreg:$0x0] =	wrdreg $0x60  }
0xb4: {  	[dreg:$0x2] =	wrdreg s17  }
0xb5: {  	[dreg:$0x3] =	wrdreg s24  }
0xb6: {  	[dreg:$0x4] =	wrdreg s15  }
0xb7: {  	[dreg:$0x5] =	wrdreg s16  }
0xb8: {  	[dreg:$0x6] =	wrdreg $0x9  }
0xb9: {  	_ =	task.clear_ibuf [dreg:s9], $0x7FFFF;
	_ =	strace $0x90000046  }
0xba: {  	s29 =	simm.s32 $0x9;
	_ =	strace $0x80000048  }
0xbb: {  	_ =	swait.ge [sflag:s29], $0x1  }
0xbc: {  	[sflag:s29] =	ssyncadd.s32 $0xFFFFFFFF  }
0xbd: {  	_ =	strace $0x90000048  }
0xbe: {  	_ =	sfence  }
0xbf: {  	s30 =	sld [smem:$0x0];
	_ =	sdelay $0x2  }
0xc0: {  	s31 =	sshll.u32 s1, $0xD;
	s1 =	sshrl.u32 s1, $0x2  }
0xc1: {  	s3 =	sand.u32 $0x4000, s31;
	s1 =	sadd.s32 s1, s30  }
0xc2: {  	s0 =	sor.u32 s3, s0;
	s1 =	sshll.u32 s1, $0x11  }
0xc3: {  	s0 =	sor.u32 s1, s0  }
0xc4: {  	s0 =	sadd.s32 $0x8F2B, s0  }
0xc5: {  	[sflag:s0] =	ssyncadd.remote.s32 $0x1  }
0xc6: {  	_ =	sfence.sel $0xFFFF  }
0xc7: {  	[dreg:$0x0] =	wrdreg $0xFFFFFFFF;
	(pc) =	sbr.abs _section_cstart, $3  }
0xc8: {  	[dreg:$0x1] =	wrdreg $0xFFFFFFFF  }
0xc9: {  	_ =	task.clear_ibuf [dreg:s9], $0x2FFFF;
	_ =	strace $0x9FFFFFFF  }
0xca: {  	(tm) =	ssettm $0x7FFFFFFF  }
0xcb: {  	_ =	shalt  }
tec
execute0_lowered:
.L_overlay_start_1:
0x0: {  	(tag) =	ssettag $0x1  }
0x1: {  	s1 =	rddreg [dreg:$0x0]  }
0x2: {  	s0 =	rddreg [dreg:$0x1]  }
0x3: {  	s3 =	rddreg [dreg:$0x3];
	s4 =	simm.s32 $0x0;
	s2 =	srdreg.scid  }
0x4: {  	s7 =	stileid.u32;
	s29 =	simm.s32 $0x5;
	s30 =	simm.s32 $0x1080  }
0x5: {  	s31 =	simm.s32 $0x1180;
	[smem:$0x7FF] =	sst s4;
	s2 =	sand.u32 $0x1, s2  }
0x6: {  	s6 =	sadd.s32 $0x1600, s0;
	s8 =	sshll.u32 s7, $0xF;
	s5 =	ssub.s32 $0x2, s2  }
0x7: {  	s7 =	sadd.s32 $0x11600, s0;
	s2 =	sshll.u32 s2, $0xE;
	s12 =	sshrl.u32 s5, $0x1  }
0x8: {  	_ =	strace $0x80000047;
	s8 =	sor.u32 s2, s8;
	s0 =	ssub.s32 s5, s12  }
0x9: {  	s2 =	sshrl.u32 s8, $0x3;
	s13 =	sor.u32 $0x80, s8;
	s17 =	sshll.u32 s8, $0x4  }
0xa: {  	s20 =	sor.u32 $0x3F00, s8;
	s24 =	sor.u32 $0x3F80, s8;
	s28 =	sor.u32 $0x180, s8  }
0xb: {  	s12 =	simm.s32 $0x4;
	s9 =	sadd.s32 s1, s2;
	s14 =	sadd.s32 s6, s2  }
0xc: {  	s15 =	sshrl.u32 s13, $0x3;
	s18 =	sadd.s32 s7, s2;
	[dreg:$0x5] =	wrdreg s9  }
0xd: {  	s19 =	sor.u32 $0x20, s2;
	s5 =	sshll.u32 s13, $0x4;
	[dreg:$0x6] =	wrdreg s14  }
0xe: {  	s2 =	sor.u32 $0x30, s2;
	s10 =	sadd.s32 s1, s15;
	[dreg:$0xa] =	wrdreg s18  }
0xf: {  	s22 =	sshll.u32 s20, $0x4;
	s16 =	sadd.s32 s6, s15;
	[dreg:$0x7] =	wrdreg s10  }
0x10: {  	s25 =	sshll.u32 s24, $0x4;
	s11 =	sadd.s32 s1, s19;
	[dreg:$0x8] =	wrdreg s16  }
0x11: {  	s13 =	simm.s32 $0x5400;
	s5 =	sadd.s32 s3, s5;
	[dreg:$0xb] =	wrdreg s11  }
0x12: {  	s9 =	sadd.s32 s7, s15;
	s21 =	sadd.s32 s1, s2;
	[dreg:$0xd] =	wrdreg s5  }
0x13: {  	s2 =	sadd.s32 s6, s2;
	s23 =	sadd.s32 s3, s22;
	[dreg:$0xe] =	wrdreg s9  }
0x14: {  	s26 =	sadd.s32 s3, s25;
	s25 =	smax.u32 s0, $0x1;
	[dreg:$0xf] =	wrdreg s21  }
0x15: {  	s0 =	simm.s32 $0x1100;
	s14 =	simm.s32 $0x1380;
	[dreg:$0x10] =	wrdreg s2  }
0x16: {  	s15 =	simm.s32 $0x1;
	s10 =	sadd.s32 s3, s17;
	[dreg:$0x11] =	wrdreg s23  }
0x17: {  	s5 =	sshrl.u32 s20, $0x3;
	s2 =	sshrl.u32 s24, $0x3;
	[dreg:$0x13] =	wrdreg s26  }
0x18: {  	s26 =	sor.u32 $0x100, s8;
	[dreg:$0x9] =	wrdreg s10;
	s10 =	sadd.s32 s6, s19  }
0x19: {  	v0 =	vlaneseq.u32;
	s9 =	simm.s32 $0x1280;
	s5 =	sadd.s32 s7, s5;
	[dreg:$0xc] =	wrdreg s10  }
0x1a: {  	v1 =	vor.u32 $0x10, v0;
	s11 =	simm.s32 $0x1300;
	s2 =	sadd.s32 s7, s2;
	[dreg:$0x12] =	wrdreg s5  }
0x1b: {  	v2 =	vor.u32 $0x20, v0;
	v3 =	vor.u32 $0x30, v0;
	v4 =	vor.u32 $0x40, v0;
	s16 =	simm.s32 $0x2;
	s17 =	simm.s32 $0x0;
	[dreg:$0x14] =	wrdreg s2  }
0x1c: {  	v5 =	vor.u32 $0x50, v0;
	v6 =	vor.u32 $0x60, v0;
	v7 =	vor.u32 $0x70, v0;
	s5 =	simm.s32 $0x1200;
	s2 =	simm.s32 $0x3;
	s10 =	simm.s32 $0x1400  }
.LBB2_1:
0x1d: {  	s18 =	rddreg [dreg:$0x2]  }
0x1e: {  	[tilespmem:s4], [sflag:$0x5] =	stream.linear.gather [hbm4b:s18+s4], $0x1080, $0x38;
	[tilespmem:$0x9400] =	vst v63  }
0x1f: {  	_ =	swait.ge [sflag:s29], $0x1080  }
0x20: {  	[sflag:s29] =	ssyncset.done $0x0  }
0x21: {  	s21 =	rddreg [dreg:$0x5];
	[sflag:s29] =	ssyncadd.s32 $0xFFFFEF80  }
0x22: {  	[tilespmem:s30], [sflag:$0x3] =	stream.linear.gather [hbm4b:s21+s4], $0x80, $0x38;
	[tilespmem:$0x9400] =	vst v63  }
0x23: {  	s22 =	rddreg [dreg:$0x6]  }
0x24: {  	[tilespmem:s31], [sflag:$0x3] =	stream.linear.gather [hbm4b:s22+s4], $0x80, $0x38;
	[tilespmem:$0x9400] =	vst v63  }
0x25: {  	s23 =	rddreg [dreg:$0x7]  }
0x26: {  	[tilespmem:s0], [sflag:$0x4] =	stream.linear.gather [hbm4b:s23+s4], $0x80, $0x38;
	[tilespmem:$0x9400] =	vst v63  }
0x27: {  	s24 =	rddreg [dreg:$0x8]  }
0x28: {  	[tilespmem:s5], [sflag:$0x4] =	stream.linear.gather [hbm4b:s24+s4], $0x80, $0x38;
	[tilespmem:$0x9400] =	vst v63  }
0x29: {  	_ =	swait.ge [sflag:s2], $0x80  }
0x2a: {  	[sflag:s2] =	ssyncset.done $0x0  }
0x2b: {  	[sflag:s2] =	ssyncadd.s32 $0xFFFFFF80  }
0x2c: {  	_ =	swait.ge [sflag:s2], $0x80  }
0x2d: {  	[sflag:s2] =	ssyncset.done $0x0  }
0x2e: {  	[sflag:s2] =	ssyncadd.s32 $0xFFFFFF80  }
0x2f: {  	v8 =	vld [tilespmem:$0x1080]  }
0x30: {  	v9 =	vld [tilespmem:$0x1180]  }
0x31: {  	v10 =	vld [tilespmem:$0x1090]  }
0x32: {  	v11 =	vld [tilespmem:$0x1190]  }
0x33: {  	v12 =	vld [tilespmem:$0x10A0]  }
0x34: {  	v13 =	vld [tilespmem:$0x11A0]  }
0x35: {  	v14 =	vld [tilespmem:$0x10B0]  }
0x36: {  	v15 =	vld [tilespmem:$0x11B0]  }
0x37: {  	v17 =	vld [tilespmem:$0x11C0];
	vm0 =	vne.s32 v8, $0x0  }
0x38: {  	v52 =	vld [tilespmem:$0x11D0];
	vm1 =	vgt.s32 v9, $0xFFFFFFFF;
	vm2 =	vne.s32 v9, $0xFFFFFFFF;
	vm13 =	vne.s32 v10, $0x0  }
0x39: {  	v55 =	vld [tilespmem:$0x10E0];
	vm14 =	vne.s32 v11, $0xFFFFFFFF;
	vm3 =	vgt.s32 v11, $0xFFFFFFFF;
	vm4 =	vne.s32 v12, $0x0  }
0x3a: {  	v56 =	vld [tilespmem:$0x11E0];
	vm5 =	vne.s32 v13, $0xFFFFFFFF;
	vm7 =	vgt.s32 v13, $0xFFFFFFFF;
	vm8 =	vne.s32 v14, $0x0  }
0x3b: {  	vm9 =	vgt.s32 v15, $0xFFFFFFFF;
	vm11 =	vne.s32 v15, $0xFFFFFFFF;
	vm1 =	vmand vm0, vm1  }
0x3c: {  	v16 =	vld [tilespmem:$0x10C0];
	vm0 =	vmand vm0, vm2;
	vm15 =	vmand vm13, vm14;
	vm6 =	vmand vm4, vm5  }
0x3d: {  	v18 =	vld [tilespmem:$0x10D0];
	vm10 =	vmand vm8, vm9;
	vm12 =	vmand vm8, vm11;
	vm14 =	vne.s32 v17, $0xFFFFFFFF  }
0x3e: {  	vm8 =	vne.s32 v52, $0xFFFFFFFF;
	v9 =	vsel vm1, v9, v8;
	v8 =	vnsel vm0, $0xFFFFFF9C, v8  }
0x3f: {  	vm9 =	vne.s32 v55, $0x0;
	vm11 =	vne.s32 v56, $0xFFFFFFFF;
	v54 =	vnsel vm6, $0xFFFFFF9C, v12;
	[tilespmem:$0x1300] =	vst v8  }
0x40: {  	vm1 =	vmand vm13, vm3;
	v53 =	vsel vm10, v15, v14;
	v9 =	vshll.u32 v9, $0x7;
	[tilespmem:$0x1320] =	vst v54  }
0x41: {  	vm13 =	vne.s32 v16, $0x0;
	v11 =	vsel vm1, v11, v10;
	v10 =	vnsel vm15, $0xFFFFFF9C, v10;
	[tilespmem:$0x1280] =	vst v9  }
0x42: {  	vm6 =	vne.s32 v18, $0x0;
	vm10 =	vgt.s32 v56, $0xFFFFFFFF;
	v50 =	vshll.u32 v11, $0x7;
	[tilespmem:$0x1310] =	vst v10  }
0x43: {  	v57 =	vld [tilespmem:$0x10F0];
	vm1 =	vmand vm4, vm7;
	vm5 =	vmand vm13, vm14;
	v11 =	vshll.u32 v53, $0x7;
	[tilespmem:$0x1290] =	vst v50  }
0x44: {  	v59 =	vld [tilespmem:$0x11F0];
	vm15 =	vgt.s32 v17, $0xFFFFFFFF;
	v51 =	vsel vm1, v13, v12;
	v60 =	vnsel vm5, $0xFFFFFF9C, v16;
	[tilespmem:$0x12B0] =	vst v11  }
0x45: {  	vm7 =	vgt.s32 v52, $0xFFFFFFFF;
	vm1 =	vmand vm13, vm15;
	v8 =	vshll.u32 v51, $0x7;
	[tilespmem:$0x1340] =	vst v60  }
0x46: {  	vm2 =	vmand vm6, vm7;
	v58 =	vsel vm1, v17, v16;
	[tilespmem:$0x12A0] =	vst v8;
	v8 =	vnsel vm12, $0xFFFFFF9C, v14  }
0x47: {  	vm0 =	vmand vm6, vm8;
	v61 =	vsel vm2, v52, v18;
	[tilespmem:$0x1330] =	vst v8;
	v8 =	vshll.u32 v58, $0x7  }
0x48: {  	v62 =	vnsel vm0, $0xFFFFFF9C, v18;
	vm2 =	vmand vm9, vm10;
	[tilespmem:$0x12C0] =	vst v8;
	v8 =	vshll.u32 v61, $0x7  }
0x49: {  	vm13 =	vgt.s32 v59, $0xFFFFFFFF;
	vm12 =	vne.s32 v57, $0x0;
	[tilespmem:$0x12D0] =	vst v8;
	v8 =	vsel vm2, v56, v55  }
0x4a: {  	vm0 =	vmand vm9, vm11;
	[tilespmem:$0x1350] =	vst v62;
	vm14 =	vmand vm12, vm13;
	v8 =	vshll.u32 v8, $0x7  }
0x4b: {  	vm15 =	vne.s32 v59, $0xFFFFFFFF;
	v63 =	vsel vm14, v59, v57;
	[tilespmem:$0x12E0] =	vst v8;
	v8 =	vnsel vm0, $0xFFFFFF9C, v55  }
0x4c: {  	vm0 =	vmand vm12, vm15;
	[tilespmem:$0x1360] =	vst v8;
	v8 =	vshll.u32 v63, $0x7  }
0x4d: {  	[tilespmem:$0x12F0] =	vst v8;
	v8 =	vnsel vm0, $0xFFFFFF9C, v57  }
0x4e: {  	s19 =	simm.s32 $0x0;
	s18 =	simm.s32 $0x1500;
	[tilespmem:$0x1370] =	vst v8  }
.LBB2_2:
0x4f: {  	v8 =	vmov s19  }
0x50: {  	v8 =	vand.u32 $0xFFFFFFFC, v8  }
0x51: {  	v8 =	vbroadcast v8, $0x0;
	_ =	sdelay $0x5  }
0x52: {  	v8 =	vld.idx.msk [tilespmem:v8+s9+$0x0], $0xffff;
	_ =	sdelay $0x4  }
0x53: {  	v9 =	vadd.s32 v0, v8;
	_ =	sdelay $0x4  }
0x54: {  	v9 =	vld.idx.msk [tilespmem:v9+s4+$0x0], $0xffff  }
0x55: {  	v10 =	vadd.s32 v1, v8;
	_ =	sdelay $0x3  }
0x56: {  	[tilespmem:s18+$0xFFFFFF00] =	vst v9  }
0x57: {  	v9 =	vld.idx.msk [tilespmem:v10+s4+$0x0], $0xffff  }
0x58: {  	v36 =	vadd.s32 v2, v8;
	_ =	sdelay $0x3  }
0x59: {  	[tilespmem:s18+$0xFFFFFF10] =	vst v9  }
0x5a: {  	v9 =	vld.idx.msk [tilespmem:v36+s4+$0x0], $0xffff  }
0x5b: {  	v37 =	vadd.s32 v3, v8;
	_ =	sdelay $0x3  }
0x5c: {  	[tilespmem:s18+$0xFFFFFF20] =	vst v9  }
0x5d: {  	v9 =	vld.idx.msk [tilespmem:v37+s4+$0x0], $0xffff  }
0x5e: {  	v38 =	vadd.s32 v4, v8;
	_ =	sdelay $0x3  }
0x5f: {  	[tilespmem:s18+$0xFFFFFF30] =	vst v9  }
0x60: {  	v9 =	vld.idx.msk [tilespmem:v38+s4+$0x0], $0xffff  }
0x61: {  	v39 =	vadd.s32 v5, v8;
	_ =	sdelay $0x3  }
0x62: {  	[tilespmem:s18+$0xFFFFFF40] =	vst v9  }
0x63: {  	v9 =	vld.idx.msk [tilespmem:v39+s4+$0x0], $0xffff  }
0x64: {  	v40 =	vadd.s32 v6, v8;
	_ =	sdelay $0x3  }
0x65: {  	[tilespmem:s18+$0xFFFFFF50] =	vst v9  }
0x66: {  	v9 =	vld.idx.msk [tilespmem:v40+s4+$0x0], $0xffff  }
0x67: {  	v8 =	vadd.s32 v7, v8;
	_ =	sdelay $0x1  }
0x68: {  	s20 =	sadd.s32 $0x1, s19  }
0x69: {  	v41 =	vmov s20  }
0x6a: {  	v42 =	vand.u32 $0xFFFFFFFD, v41;
	[tilespmem:s18+$0xFFFFFF60] =	vst v9  }
0x6b: {  	v9 =	vbroadcast v42, $0x0;
	v8 =	vld.idx.msk [tilespmem:v8+s4+$0x0], $0xffff;
	_ =	sdelay $0x4  }
0x6c: {  	[tilespmem:s18+$0xFFFFFF70] =	vst v8  }
0x6d: {  	v8 =	vld.idx.msk [tilespmem:v9+s9+$0x0], $0xffff;
	_ =	sdelay $0x4  }
0x6e: {  	v9 =	vadd.s32 v0, v8;
	_ =	sdelay $0x4  }
0x6f: {  	v9 =	vld.idx.msk [tilespmem:v9+s4+$0x0], $0xffff  }
0x70: {  	v43 =	vadd.s32 v1, v8;
	_ =	sdelay $0x3  }
0x71: {  	[tilespmem:s18+$0xFFFFFF80] =	vst v9  }
0x72: {  	v9 =	vld.idx.msk [tilespmem:v43+s4+$0x0], $0xffff  }
0x73: {  	v44 =	vadd.s32 v2, v8;
	_ =	sdelay $0x3  }
0x74: {  	[tilespmem:s18+$0xFFFFFF90] =	vst v9  }
0x75: {  	v9 =	vld.idx.msk [tilespmem:v44+s4+$0x0], $0xffff  }
0x76: {  	v45 =	vadd.s32 v3, v8;
	_ =	sdelay $0x3  }
0x77: {  	[tilespmem:s18+$0xFFFFFFA0] =	vst v9  }
0x78: {  	v9 =	vld.idx.msk [tilespmem:v45+s4+$0x0], $0xffff  }
0x79: {  	v46 =	vadd.s32 v4, v8;
	_ =	sdelay $0x3  }
0x7a: {  	[tilespmem:s18+$0xFFFFFFB0] =	vst v9  }
0x7b: {  	v9 =	vld.idx.msk [tilespmem:v46+s4+$0x0], $0xffff  }
0x7c: {  	v47 =	vadd.s32 v5, v8;
	_ =	sdelay $0x3  }
0x7d: {  	[tilespmem:s18+$0xFFFFFFC0] =	vst v9  }
0x7e: {  	v9 =	vld.idx.msk [tilespmem:v47+s4+$0x0], $0xffff  }
0x7f: {  	v48 =	vadd.s32 v6, v8;
	_ =	sdelay $0x3  }
0x80: {  	[tilespmem:s18+$0xFFFFFFD0] =	vst v9  }
0x81: {  	v9 =	vld.idx.msk [tilespmem:v48+s4+$0x0], $0xffff  }
0x82: {  	v8 =	vadd.s32 v7, v8;
	_ =	sdelay $0x1  }
0x83: {  	s23 =	sadd.s32 $0x2, s19  }
0x84: {  	v49 =	vmov s23  }
0x85: {  	v50 =	vand.u32 $0xFFFFFFFE, v49;
	[tilespmem:s18+$0xFFFFFFE0] =	vst v9  }
0x86: {  	v9 =	vbroadcast v50, $0x0;
	v8 =	vld.idx.msk [tilespmem:v8+s4+$0x0], $0xffff;
	_ =	sdelay $0x4  }
0x87: {  	[tilespmem:s18+$0xFFFFFFF0] =	vst v8  }
0x88: {  	v8 =	vld.idx.msk [tilespmem:v9+s9+$0x0], $0xffff;
	_ =	sdelay $0x4  }
0x89: {  	v9 =	vadd.s32 v0, v8;
	_ =	sdelay $0x4  }
0x8a: {  	v9 =	vld.idx.msk [tilespmem:v9+s4+$0x0], $0xffff  }
0x8b: {  	v51 =	vadd.s32 v1, v8;
	_ =	sdelay $0x3  }
0x8c: {  	[tilespmem:s18+$0x0] =	vst v9  }
0x8d: {  	v9 =	vld.idx.msk [tilespmem:v51+s4+$0x0], $0xffff  }
0x8e: {  	v52 =	vadd.s32 v2, v8;
	_ =	sdelay $0x3  }
0x8f: {  	[tilespmem:s18+$0x10] =	vst v9  }
0x90: {  	v9 =	vld.idx.msk [tilespmem:v52+s4+$0x0], $0xffff  }
0x91: {  	v53 =	vadd.s32 v3, v8;
	_ =	sdelay $0x3  }
0x92: {  	[tilespmem:s18+$0x20] =	vst v9  }
0x93: {  	v9 =	vld.idx.msk [tilespmem:v53+s4+$0x0], $0xffff  }
0x94: {  	v54 =	vadd.s32 v4, v8;
	_ =	sdelay $0x3  }
0x95: {  	[tilespmem:s18+$0x30] =	vst v9  }
0x96: {  	v9 =	vld.idx.msk [tilespmem:v54+s4+$0x0], $0xffff  }
0x97: {  	v55 =	vadd.s32 v5, v8;
	_ =	sdelay $0x3  }
0x98: {  	[tilespmem:s18+$0x40] =	vst v9  }
0x99: {  	v9 =	vld.idx.msk [tilespmem:v55+s4+$0x0], $0xffff  }
0x9a: {  	v56 =	vadd.s32 v6, v8;
	_ =	sdelay $0x3  }
0x9b: {  	[tilespmem:s18+$0x50] =	vst v9  }
0x9c: {  	v9 =	vld.idx.msk [tilespmem:v56+s4+$0x0], $0xffff  }
0x9d: {  	v8 =	vadd.s32 v7, v8;
	_ =	sdelay $0x3  }
0x9e: {  	[tilespmem:s18+$0x60] =	vst v9  }
0x9f: {  	s24 =	sadd.s32 $0x3, s19;
	v8 =	vld.idx.msk [tilespmem:v8+s4+$0x0], $0xffff  }
0xa0: {  	v57 =	vmov s24;
	_ =	sdelay $0x3  }
0xa1: {  	[tilespmem:s18+$0x70] =	vst v8  }
0xa2: {  	v8 =	vld.idx.msk [tilespmem:v57+s9+$0x0], $0xffff;
	_ =	sdelay $0x4  }
0xa3: {  	v9 =	vadd.s32 v0, v8;
	_ =	sdelay $0x4  }
0xa4: {  	v9 =	vld.idx.msk [tilespmem:v9+s4+$0x0], $0xffff  }
0xa5: {  	v58 =	vadd.s32 v1, v8;
	_ =	sdelay $0x3  }
0xa6: {  	[tilespmem:s18+$0x80] =	vst v9  }
0xa7: {  	v9 =	vld.idx.msk [tilespmem:v58+s4+$0x0], $0xffff  }
0xa8: {  	v59 =	vadd.s32 v2, v8;
	_ =	sdelay $0x3  }
0xa9: {  	[tilespmem:s18+$0x90] =	vst v9  }
0xaa: {  	v9 =	vld.idx.msk [tilespmem:v59+s4+$0x0], $0xffff  }
0xab: {  	v60 =	vadd.s32 v3, v8;
	_ =	sdelay $0x3  }
0xac: {  	[tilespmem:s18+$0xA0] =	vst v9  }
0xad: {  	v9 =	vld.idx.msk [tilespmem:v60+s4+$0x0], $0xffff  }
0xae: {  	v61 =	vadd.s32 v4, v8;
	_ =	sdelay $0x3  }
0xaf: {  	[tilespmem:s18+$0xB0] =	vst v9  }
0xb0: {  	v9 =	vld.idx.msk [tilespmem:v61+s4+$0x0], $0xffff  }
0xb1: {  	v62 =	vadd.s32 v5, v8;
	_ =	sdelay $0x3  }
0xb2: {  	[tilespmem:s18+$0xC0] =	vst v9  }
0xb3: {  	v9 =	vld.idx.msk [tilespmem:v62+s4+$0x0], $0xffff  }
0xb4: {  	v63 =	vadd.s32 v6, v8;
	_ =	sdelay $0x3  }
0xb5: {  	[tilespmem:s18+$0xD0] =	vst v9  }
0xb6: {  	v9 =	vld.idx.msk [tilespmem:v63+s4+$0x0], $0xffff  }
0xb7: {  	v8 =	vadd.s32 v7, v8;
	_ =	sdelay $0x3  }
0xb8: {  	[tilespmem:s18+$0xE0] =	vst v9  }
0xb9: {  	p0 =	sne.s32 s19, $0x7C;
	v8 =	vld.idx.msk [tilespmem:v8+s4+$0x0], $0xffff  }
.Ltmp0:
0xba: {  	_ = 	snop;
	(pc) =	sbr.rel @p0 .LBB2_2-.Ltmp0, $2  }
0xbb: {  	_ =	sdelay $0x2  }
0xbc: {  	s19 =	sadd.s32 $0x4, s19;
	[tilespmem:s18+$0xF0] =	vst v8;
	s18 =	sadd.s32 $0x200, s18  }
0xbd: {  	s18 =	simm.s32 $0x0;
	s19 =	rddreg [dreg:$0x9]  }
0xbe: {  	[hbm4b:s19+s18] =	stream.linear.scatter [tilespmem:s10], [sflag:$0x1], $0x4000, $0x38;
	[tilespmem:$0x9400] =	vst v63  }
0xbf: {  	s22 =	rddreg [dreg:$0xa]  }
0xc0: {  	[hbm4b:s22+s18] =	stream.linear.scatter [tilespmem:s11], [sflag:$0x1], $0x80, $0x38;
	[tilespmem:$0x9400] =	vst v63  }
0xc1: {  	s23 =	rddreg [dreg:$0xb]  }
0xc2: {  	[tilespmem:s30], [sflag:$0x3] =	stream.linear.gather [hbm4b:s23+s18], $0x80, $0x38;
	[tilespmem:$0x9400] =	vst v63  }
0xc3: {  	s24 =	rddreg [dreg:$0xc]  }
0xc4: {  	[tilespmem:s31], [sflag:$0x3] =	stream.linear.gather [hbm4b:s24+s18], $0x80, $0x38;
	[tilespmem:$0x9400] =	vst v63  }
0xc5: {  	_ =	swait.ge [sflag:s12], $0x80  }
0xc6: {  	[sflag:s12] =	ssyncset.done $0x0  }
0xc7: {  	[sflag:s12] =	ssyncadd.s32 $0xFFFFFF80  }
0xc8: {  	_ =	swait.ge [sflag:s12], $0x80  }
0xc9: {  	[sflag:s12] =	ssyncset.done $0x0  }
0xca: {  	[sflag:s12] =	ssyncadd.s32 $0xFFFFFF80  }
0xcb: {  	v8 =	vld [tilespmem:$0x1100]  }
0xcc: {  	v9 =	vld [tilespmem:$0x1200]  }
0xcd: {  	v10 =	vld [tilespmem:$0x1110]  }
0xce: {  	v11 =	vld [tilespmem:$0x1210]  }
0xcf: {  	v12 =	vld [tilespmem:$0x1120]  }
0xd0: {  	v13 =	vld [tilespmem:$0x1220]  }
0xd1: {  	v14 =	vld [tilespmem:$0x1130]  }
0xd2: {  	v15 =	vld [tilespmem:$0x1230]  }
0xd3: {  	v17 =	vld [tilespmem:$0x1240];
	vm0 =	vne.s32 v8, $0x0  }
0xd4: {  	v52 =	vld [tilespmem:$0x1250];
	vm1 =	vgt.s32 v9, $0xFFFFFFFF;
	vm2 =	vne.s32 v9, $0xFFFFFFFF;
	vm13 =	vne.s32 v10, $0x0  }
0xd5: {  	v55 =	vld [tilespmem:$0x1160];
	vm14 =	vne.s32 v11, $0xFFFFFFFF;
	vm3 =	vgt.s32 v11, $0xFFFFFFFF;
	vm4 =	vne.s32 v12, $0x0  }
0xd6: {  	v56 =	vld [tilespmem:$0x1260];
	vm5 =	vne.s32 v13, $0xFFFFFFFF;
	vm7 =	vgt.s32 v13, $0xFFFFFFFF;
	vm8 =	vne.s32 v14, $0x0  }
0xd7: {  	vm9 =	vgt.s32 v15, $0xFFFFFFFF;
	vm11 =	vne.s32 v15, $0xFFFFFFFF;
	vm1 =	vmand vm0, vm1  }
0xd8: {  	v16 =	vld [tilespmem:$0x1140];
	vm0 =	vmand vm0, vm2;
	vm15 =	vmand vm13, vm14;
	vm6 =	vmand vm4, vm5  }
0xd9: {  	v18 =	vld [tilespmem:$0x1150];
	vm10 =	vmand vm8, vm9;
	vm12 =	vmand vm8, vm11;
	vm14 =	vne.s32 v17, $0xFFFFFFFF  }
0xda: {  	vm8 =	vne.s32 v52, $0xFFFFFFFF;
	v9 =	vsel vm1, v9, v8;
	v8 =	vnsel vm0, $0xFFFFFF9C, v8  }
0xdb: {  	vm9 =	vne.s32 v55, $0x0;
	vm11 =	vne.s32 v56, $0xFFFFFFFF;
	v54 =	vnsel vm6, $0xFFFFFF9C, v12;
	[tilespmem:$0x1380] =	vst v8  }
0xdc: {  	vm1 =	vmand vm13, vm3;
	v53 =	vsel vm10, v15, v14;
	v9 =	vshll.u32 v9, $0x7;
	[tilespmem:$0x13A0] =	vst v54  }
0xdd: {  	vm13 =	vne.s32 v16, $0x0;
	v11 =	vsel vm1, v11, v10;
	v10 =	vnsel vm15, $0xFFFFFF9C, v10;
	[tilespmem:$0x1280] =	vst v9  }
0xde: {  	vm6 =	vne.s32 v18, $0x0;
	vm10 =	vgt.s32 v56, $0xFFFFFFFF;
	v50 =	vshll.u32 v11, $0x7;
	[tilespmem:$0x1390] =	vst v10  }
0xdf: {  	v57 =	vld [tilespmem:$0x1170];
	vm1 =	vmand vm4, vm7;
	vm5 =	vmand vm13, vm14;
	v11 =	vshll.u32 v53, $0x7;
	[tilespmem:$0x1290] =	vst v50  }
0xe0: {  	v59 =	vld [tilespmem:$0x1270];
	vm15 =	vgt.s32 v17, $0xFFFFFFFF;
	v51 =	vsel vm1, v13, v12;
	v60 =	vnsel vm5, $0xFFFFFF9C, v16;
	[tilespmem:$0x12B0] =	vst v11  }
0xe1: {  	vm7 =	vgt.s32 v52, $0xFFFFFFFF;
	vm1 =	vmand vm13, vm15;
	v8 =	vshll.u32 v51, $0x7;
	[tilespmem:$0x13C0] =	vst v60  }
0xe2: {  	vm2 =	vmand vm6, vm7;
	v58 =	vsel vm1, v17, v16;
	[tilespmem:$0x12A0] =	vst v8;
	v8 =	vnsel vm12, $0xFFFFFF9C, v14  }
0xe3: {  	vm0 =	vmand vm6, vm8;
	v61 =	vsel vm2, v52, v18;
	[tilespmem:$0x13B0] =	vst v8;
	v8 =	vshll.u32 v58, $0x7  }
0xe4: {  	v62 =	vnsel vm0, $0xFFFFFF9C, v18;
	vm2 =	vmand vm9, vm10;
	[tilespmem:$0x12C0] =	vst v8;
	v8 =	vshll.u32 v61, $0x7  }
0xe5: {  	vm13 =	vgt.s32 v59, $0xFFFFFFFF;
	vm12 =	vne.s32 v57, $0x0;
	[tilespmem:$0x12D0] =	vst v8;
	v8 =	vsel vm2, v56, v55  }
0xe6: {  	vm0 =	vmand vm9, vm11;
	[tilespmem:$0x13D0] =	vst v62;
	vm14 =	vmand vm12, vm13;
	v8 =	vshll.u32 v8, $0x7  }
0xe7: {  	vm15 =	vne.s32 v59, $0xFFFFFFFF;
	v63 =	vsel vm14, v59, v57;
	[tilespmem:$0x12E0] =	vst v8;
	v8 =	vnsel vm0, $0xFFFFFF9C, v55  }
0xe8: {  	vm0 =	vmand vm12, vm15;
	[tilespmem:$0x13E0] =	vst v8;
	v8 =	vshll.u32 v63, $0x7  }
0xe9: {  	[tilespmem:$0x12F0] =	vst v8;
	v8 =	vnsel vm0, $0xFFFFFF9C, v57  }
0xea: {  	s19 =	simm.s32 $0x3;
	[tilespmem:$0x13F0] =	vst v8  }
.LBB2_4:
0xeb: {  	s20 =	sadd.s32 $0xFFFFFFFD, s19  }
0xec: {  	v8 =	vmov s20  }
0xed: {  	v8 =	vand.u32 $0xFFFFFFFC, v8  }
0xee: {  	v8 =	vbroadcast v8, $0x0;
	_ =	sdelay $0x5  }
0xef: {  	v8 =	vld.idx.msk [tilespmem:v8+s9+$0x0], $0xffff;
	_ =	sdelay $0x4  }
0xf0: {  	v9 =	vadd.s32 v0, v8;
	_ =	sdelay $0x4  }
0xf1: {  	v9 =	vld.idx.msk [tilespmem:v9+s4+$0x0], $0xffff  }
0xf2: {  	v10 =	vadd.s32 v1, v8;
	_ =	sdelay $0x2  }
0xf3: {  	s23 =	sshra.s32 s18, $0x2  }
0xf4: {  	[tilespmem:s23+$0x5400] =	vst v9  }
0xf5: {  	v9 =	vld.idx.msk [tilespmem:v10+s4+$0x0], $0xffff  }
0xf6: {  	v36 =	vadd.s32 v2, v8;
	_ =	sdelay $0x3  }
0xf7: {  	[tilespmem:s23+$0x5410] =	vst v9  }
0xf8: {  	v9 =	vld.idx.msk [tilespmem:v36+s4+$0x0], $0xffff  }
0xf9: {  	v37 =	vadd.s32 v3, v8;
	_ =	sdelay $0x3  }
0xfa: {  	[tilespmem:s23+$0x5420] =	vst v9  }
0xfb: {  	v9 =	vld.idx.msk [tilespmem:v37+s4+$0x0], $0xffff  }
0xfc: {  	v38 =	vadd.s32 v4, v8;
	_ =	sdelay $0x3  }
0xfd: {  	[tilespmem:s23+$0x5430] =	vst v9  }
0xfe: {  	v9 =	vld.idx.msk [tilespmem:v38+s4+$0x0], $0xffff  }
0xff: {  	v39 =	vadd.s32 v5, v8;
	_ =	sdelay $0x3  }
0x100: {  	[tilespmem:s23+$0x5440] =	vst v9  }
0x101: {  	v9 =	vld.idx.msk [tilespmem:v39+s4+$0x0], $0xffff  }
0x102: {  	v40 =	vadd.s32 v6, v8;
	_ =	sdelay $0x3  }
0x103: {  	[tilespmem:s23+$0x5450] =	vst v9  }
0x104: {  	v9 =	vld.idx.msk [tilespmem:v40+s4+$0x0], $0xffff  }
0x105: {  	v8 =	vadd.s32 v7, v8;
	_ =	sdelay $0x1  }
0x106: {  	s21 =	sadd.s32 $0xFFFFFFFE, s19  }
0x107: {  	v41 =	vmov s21  }
0x108: {  	v42 =	vand.u32 $0xFFFFFFFD, v41;
	[tilespmem:s23+$0x5460] =	vst v9  }
0x109: {  	v9 =	vbroadcast v42, $0x0;
	v8 =	vld.idx.msk [tilespmem:v8+s4+$0x0], $0xffff;
	_ =	sdelay $0x4  }
0x10a: {  	[tilespmem:s23+$0x5470] =	vst v8  }
0x10b: {  	v8 =	vld.idx.msk [tilespmem:v9+s9+$0x0], $0xffff;
	_ =	sdelay $0x4  }
0x10c: {  	v9 =	vadd.s32 v0, v8;
	_ =	sdelay $0x4  }
0x10d: {  	v9 =	vld.idx.msk [tilespmem:v9+s4+$0x0], $0xffff  }
0x10e: {  	v43 =	vadd.s32 v1, v8;
	_ =	sdelay $0x3  }
0x10f: {  	[tilespmem:s23+$0x5480] =	vst v9  }
0x110: {  	v9 =	vld.idx.msk [tilespmem:v43+s4+$0x0], $0xffff  }
0x111: {  	v44 =	vadd.s32 v2, v8;
	_ =	sdelay $0x3  }
0x112: {  	[tilespmem:s23+$0x5490] =	vst v9  }
0x113: {  	v9 =	vld.idx.msk [tilespmem:v44+s4+$0x0], $0xffff  }
0x114: {  	v45 =	vadd.s32 v3, v8;
	_ =	sdelay $0x3  }
0x115: {  	[tilespmem:s23+$0x54A0] =	vst v9  }
0x116: {  	v9 =	vld.idx.msk [tilespmem:v45+s4+$0x0], $0xffff  }
0x117: {  	v46 =	vadd.s32 v4, v8;
	_ =	sdelay $0x3  }
0x118: {  	[tilespmem:s23+$0x54B0] =	vst v9  }
0x119: {  	v9 =	vld.idx.msk [tilespmem:v46+s4+$0x0], $0xffff  }
0x11a: {  	v47 =	vadd.s32 v5, v8;
	_ =	sdelay $0x3  }
0x11b: {  	[tilespmem:s23+$0x54C0] =	vst v9  }
0x11c: {  	v9 =	vld.idx.msk [tilespmem:v47+s4+$0x0], $0xffff  }
0x11d: {  	v48 =	vadd.s32 v6, v8;
	_ =	sdelay $0x3  }
0x11e: {  	[tilespmem:s23+$0x54D0] =	vst v9  }
0x11f: {  	v9 =	vld.idx.msk [tilespmem:v48+s4+$0x0], $0xffff  }
0x120: {  	v8 =	vadd.s32 v7, v8;
	_ =	sdelay $0x1  }
0x121: {  	s24 =	sadd.s32 $0xFFFFFFFF, s19  }
0x122: {  	v49 =	vmov s24  }
0x123: {  	v50 =	vand.u32 $0xFFFFFFFE, v49;
	[tilespmem:s23+$0x54E0] =	vst v9  }
0x124: {  	v9 =	vbroadcast v50, $0x0;
	v8 =	vld.idx.msk [tilespmem:v8+s4+$0x0], $0xffff;
	_ =	sdelay $0x4  }
0x125: {  	[tilespmem:s23+$0x54F0] =	vst v8  }
0x126: {  	v8 =	vld.idx.msk [tilespmem:v9+s9+$0x0], $0xffff;
	_ =	sdelay $0x4  }
0x127: {  	v9 =	vadd.s32 v0, v8;
	_ =	sdelay $0x4  }
0x128: {  	v9 =	vld.idx.msk [tilespmem:v9+s4+$0x0], $0xffff  }
0x129: {  	v51 =	vadd.s32 v1, v8;
	_ =	sdelay $0x3  }
0x12a: {  	[tilespmem:s23+$0x5500] =	vst v9  }
0x12b: {  	v9 =	vld.idx.msk [tilespmem:v51+s4+$0x0], $0xffff  }
0x12c: {  	v52 =	vadd.s32 v2, v8;
	_ =	sdelay $0x3  }
0x12d: {  	[tilespmem:s23+$0x5510] =	vst v9  }
0x12e: {  	v9 =	vld.idx.msk [tilespmem:v52+s4+$0x0], $0xffff  }
0x12f: {  	v53 =	vadd.s32 v3, v8;
	_ =	sdelay $0x3  }
0x130: {  	[tilespmem:s23+$0x5520] =	vst v9  }
0x131: {  	v9 =	vld.idx.msk [tilespmem:v53+s4+$0x0], $0xffff  }
0x132: {  	v54 =	vadd.s32 v4, v8;
	_ =	sdelay $0x3  }
0x133: {  	[tilespmem:s23+$0x5530] =	vst v9  }
0x134: {  	v9 =	vld.idx.msk [tilespmem:v54+s4+$0x0], $0xffff  }
0x135: {  	v55 =	vadd.s32 v5, v8;
	_ =	sdelay $0x3  }
0x136: {  	[tilespmem:s23+$0x5540] =	vst v9  }
0x137: {  	v9 =	vld.idx.msk [tilespmem:v55+s4+$0x0], $0xffff  }
0x138: {  	v56 =	vadd.s32 v6, v8;
	_ =	sdelay $0x3  }
0x139: {  	[tilespmem:s23+$0x5550] =	vst v9  }
0x13a: {  	v9 =	vld.idx.msk [tilespmem:v56+s4+$0x0], $0xffff  }
0x13b: {  	v8 =	vadd.s32 v7, v8;
	_ =	sdelay $0x3  }
0x13c: {  	[tilespmem:s23+$0x5560] =	vst v9  }
0x13d: {  	v8 =	vld.idx.msk [tilespmem:v8+s4+$0x0], $0xffff  }
0x13e: {  	v57 =	vmov s19;
	_ =	sdelay $0x3  }
0x13f: {  	[tilespmem:s23+$0x5570] =	vst v8  }
0x140: {  	v8 =	vld.idx.msk [tilespmem:v57+s9+$0x0], $0xffff;
	_ =	sdelay $0x4  }
0x141: {  	v9 =	vadd.s32 v0, v8;
	_ =	sdelay $0x4  }
0x142: {  	v9 =	vld.idx.msk [tilespmem:v9+s4+$0x0], $0xffff  }
0x143: {  	v58 =	vadd.s32 v1, v8;
	_ =	sdelay $0x3  }
0x144: {  	[tilespmem:s23+$0x5580] =	vst v9  }
0x145: {  	v9 =	vld.idx.msk [tilespmem:v58+s4+$0x0], $0xffff  }
0x146: {  	v59 =	vadd.s32 v2, v8;
	_ =	sdelay $0x3  }
0x147: {  	[tilespmem:s23+$0x5590] =	vst v9  }
0x148: {  	v9 =	vld.idx.msk [tilespmem:v59+s4+$0x0], $0xffff  }
0x149: {  	v60 =	vadd.s32 v3, v8;
	_ =	sdelay $0x3  }
0x14a: {  	[tilespmem:s23+$0x55A0] =	vst v9  }
0x14b: {  	v9 =	vld.idx.msk [tilespmem:v60+s4+$0x0], $0xffff  }
0x14c: {  	v61 =	vadd.s32 v4, v8;
	_ =	sdelay $0x3  }
0x14d: {  	[tilespmem:s23+$0x55B0] =	vst v9  }
0x14e: {  	v9 =	vld.idx.msk [tilespmem:v61+s4+$0x0], $0xffff  }
0x14f: {  	v62 =	vadd.s32 v5, v8;
	_ =	sdelay $0x3  }
0x150: {  	[tilespmem:s23+$0x55C0] =	vst v9  }
0x151: {  	v9 =	vld.idx.msk [tilespmem:v62+s4+$0x0], $0xffff  }
0x152: {  	v63 =	vadd.s32 v6, v8;
	_ =	sdelay $0x3  }
0x153: {  	[tilespmem:s23+$0x55D0] =	vst v9  }
0x154: {  	v9 =	vld.idx.msk [tilespmem:v63+s4+$0x0], $0xffff  }
0x155: {  	v8 =	vadd.s32 v7, v8;
	_ =	sdelay $0x3  }
0x156: {  	[tilespmem:s23+$0x55E0] =	vst v9  }
0x157: {  	p0 =	sne.s32 s18, $0xF800;
	v8 =	vld.idx.msk [tilespmem:v8+s4+$0x0], $0xffff  }
.Ltmp1:
0x158: {  	_ = 	snop;
	(pc) =	sbr.rel @p0 .LBB2_4-.Ltmp1, $2  }
0x159: {  	_ =	sdelay $0x2  }
0x15a: {  	s19 =	sadd.s32 $0x4, s19;
	s18 =	sadd.s32 $0x800, s18;
	[tilespmem:s23+$0x55F0] =	vst v8  }
0x15b: {  	s18 =	rddreg [dreg:$0xd]  }
0x15c: {  	[hbm4b:s18+s4] =	stream.linear.scatter [tilespmem:s13], [sflag:$0x2], $0x4000, $0x38;
	[tilespmem:$0x9400] =	vst v63  }
0x15d: {  	s22 =	rddreg [dreg:$0xe]  }
0x15e: {  	[hbm4b:s22+s4] =	stream.linear.scatter [tilespmem:s14], [sflag:$0x2], $0x80, $0x38;
	[tilespmem:$0x9400] =	vst v63  }
0x15f: {  	s23 =	rddreg [dreg:$0xf]  }
0x160: {  	[tilespmem:s0], [sflag:$0x4] =	stream.linear.gather [hbm4b:s23+s4], $0x80, $0x38;
	[tilespmem:$0x9400] =	vst v63  }
0x161: {  	s24 =	rddreg [dreg:$0x10];
	s18 =	simm.s32 $0x1  }
0x162: {  	[tilespmem:s5], [sflag:$0x4] =	stream.linear.gather [hbm4b:s24+s4], $0x80, $0x38;
	[tilespmem:$0x9400] =	vst v63  }
.LBB2_6:
0x163: {  	_ =	swait.ge [sflag:s2], $0x80  }
0x164: {  	[sflag:s2] =	ssyncset.done $0x0  }
0x165: {  	[sflag:s2] =	ssyncadd.s32 $0xFFFFFF80  }
0x166: {  	_ =	swait.ge [sflag:s2], $0x80  }
0x167: {  	[sflag:s2] =	ssyncset.done $0x0  }
0x168: {  	[sflag:s2] =	ssyncadd.s32 $0xFFFFFF80  }
0x169: {  	_ =	swait.ge [sflag:s15], $0x4000  }
0x16a: {  	[sflag:s15] =	ssyncset.done $0x0  }
0x16b: {  	[sflag:s15] =	ssyncadd.s32 $0xFFFFC000  }
0x16c: {  	_ =	swait.ge [sflag:s15], $0x80  }
0x16d: {  	[sflag:s15] =	ssyncset.done $0x0  }
0x16e: {  	[sflag:s15] =	ssyncadd.s32 $0xFFFFFF80  }
0x16f: {  	v8 =	vld [tilespmem:$0x1080]  }
0x170: {  	v9 =	vld [tilespmem:$0x1180]  }
0x171: {  	v10 =	vld [tilespmem:$0x1090]  }
0x172: {  	v11 =	vld [tilespmem:$0x1190]  }
0x173: {  	v12 =	vld [tilespmem:$0x10A0]  }
0x174: {  	v13 =	vld [tilespmem:$0x11A0]  }
0x175: {  	v14 =	vld [tilespmem:$0x10B0]  }
0x176: {  	v15 =	vld [tilespmem:$0x11B0]  }
0x177: {  	v17 =	vld [tilespmem:$0x11C0];
	vm0 =	vne.s32 v8, $0x0  }
0x178: {  	v52 =	vld [tilespmem:$0x11D0];
	vm1 =	vgt.s32 v9, $0xFFFFFFFF;
	vm2 =	vne.s32 v9, $0xFFFFFFFF;
	vm13 =	vne.s32 v10, $0x0  }
0x179: {  	v55 =	vld [tilespmem:$0x10E0];
	vm14 =	vne.s32 v11, $0xFFFFFFFF;
	vm3 =	vgt.s32 v11, $0xFFFFFFFF;
	vm4 =	vne.s32 v12, $0x0  }
0x17a: {  	v56 =	vld [tilespmem:$0x11E0];
	vm5 =	vne.s32 v13, $0xFFFFFFFF;
	vm7 =	vgt.s32 v13, $0xFFFFFFFF;
	vm8 =	vne.s32 v14, $0x0  }
0x17b: {  	vm9 =	vgt.s32 v15, $0xFFFFFFFF;
	vm11 =	vne.s32 v15, $0xFFFFFFFF;
	vm1 =	vmand vm0, vm1  }
0x17c: {  	v16 =	vld [tilespmem:$0x10C0];
	vm0 =	vmand vm0, vm2;
	vm15 =	vmand vm13, vm14;
	vm6 =	vmand vm4, vm5  }
0x17d: {  	v18 =	vld [tilespmem:$0x10D0];
	vm10 =	vmand vm8, vm9;
	vm12 =	vmand vm8, vm11;
	vm14 =	vne.s32 v17, $0xFFFFFFFF  }
0x17e: {  	vm8 =	vne.s32 v52, $0xFFFFFFFF;
	v9 =	vsel vm1, v9, v8;
	v8 =	vnsel vm0, $0xFFFFFF9C, v8  }
0x17f: {  	vm9 =	vne.s32 v55, $0x0;
	vm11 =	vne.s32 v56, $0xFFFFFFFF;
	v54 =	vnsel vm6, $0xFFFFFF9C, v12;
	[tilespmem:$0x1300] =	vst v8  }
0x180: {  	vm1 =	vmand vm13, vm3;
	v53 =	vsel vm10, v15, v14;
	v9 =	vshll.u32 v9, $0x7;
	[tilespmem:$0x1320] =	vst v54  }
0x181: {  	vm13 =	vne.s32 v16, $0x0;
	v11 =	vsel vm1, v11, v10;
	v10 =	vnsel vm15, $0xFFFFFF9C, v10;
	[tilespmem:$0x1280] =	vst v9  }
0x182: {  	vm6 =	vne.s32 v18, $0x0;
	vm10 =	vgt.s32 v56, $0xFFFFFFFF;
	v50 =	vshll.u32 v11, $0x7;
	[tilespmem:$0x1310] =	vst v10  }
0x183: {  	v57 =	vld [tilespmem:$0x10F0];
	vm1 =	vmand vm4, vm7;
	vm5 =	vmand vm13, vm14;
	v11 =	vshll.u32 v53, $0x7;
	[tilespmem:$0x1290] =	vst v50  }
0x184: {  	v59 =	vld [tilespmem:$0x11F0];
	vm15 =	vgt.s32 v17, $0xFFFFFFFF;
	v51 =	vsel vm1, v13, v12;
	v60 =	vnsel vm5, $0xFFFFFF9C, v16;
	[tilespmem:$0x12B0] =	vst v11  }
0x185: {  	vm7 =	vgt.s32 v52, $0xFFFFFFFF;
	vm1 =	vmand vm13, vm15;
	v8 =	vshll.u32 v51, $0x7;
	[tilespmem:$0x1340] =	vst v60  }
0x186: {  	vm2 =	vmand vm6, vm7;
	v58 =	vsel vm1, v17, v16;
	[tilespmem:$0x12A0] =	vst v8;
	v8 =	vnsel vm12, $0xFFFFFF9C, v14  }
0x187: {  	vm0 =	vmand vm6, vm8;
	v61 =	vsel vm2, v52, v18;
	[tilespmem:$0x1330] =	vst v8;
	v8 =	vshll.u32 v58, $0x7  }
0x188: {  	v62 =	vnsel vm0, $0xFFFFFF9C, v18;
	vm2 =	vmand vm9, vm10;
	[tilespmem:$0x12C0] =	vst v8;
	v8 =	vshll.u32 v61, $0x7  }
0x189: {  	vm13 =	vgt.s32 v59, $0xFFFFFFFF;
	vm12 =	vne.s32 v57, $0x0;
	[tilespmem:$0x12D0] =	vst v8;
	v8 =	vsel vm2, v56, v55  }
0x18a: {  	vm0 =	vmand vm9, vm11;
	[tilespmem:$0x1350] =	vst v62;
	vm14 =	vmand vm12, vm13;
	v8 =	vshll.u32 v8, $0x7  }
0x18b: {  	vm15 =	vne.s32 v59, $0xFFFFFFFF;
	v63 =	vsel vm14, v59, v57;
	[tilespmem:$0x12E0] =	vst v8;
	v8 =	vnsel vm0, $0xFFFFFF9C, v55  }
0x18c: {  	vm0 =	vmand vm12, vm15;
	[tilespmem:$0x1360] =	vst v8;
	v8 =	vshll.u32 v63, $0x7  }
0x18d: {  	[tilespmem:$0x12F0] =	vst v8;
	v8 =	vnsel vm0, $0xFFFFFF9C, v57  }
0x18e: {  	s19 =	simm.s32 $0x0;
	s20 =	simm.s32 $0x1500;
	[tilespmem:$0x1370] =	vst v8  }
.LBB2_7:
0x18f: {  	v8 =	vmov s19  }
0x190: {  	v8 =	vand.u32 $0xFFFFFFFC, v8  }
0x191: {  	v8 =	vbroadcast v8, $0x0;
	_ =	sdelay $0x5  }
0x192: {  	v8 =	vld.idx.msk [tilespmem:v8+s9+$0x0], $0xffff;
	_ =	sdelay $0x4  }
0x193: {  	v9 =	vadd.s32 v0, v8;
	_ =	sdelay $0x4  }
0x194: {  	v9 =	vld.idx.msk [tilespmem:v9+s4+$0x0], $0xffff  }
0x195: {  	v10 =	vadd.s32 v1, v8;
	_ =	sdelay $0x3  }
0x196: {  	[tilespmem:s20+$0xFFFFFF00] =	vst v9  }
0x197: {  	v9 =	vld.idx.msk [tilespmem:v10+s4+$0x0], $0xffff  }
0x198: {  	v36 =	vadd.s32 v2, v8;
	_ =	sdelay $0x3  }
0x199: {  	[tilespmem:s20+$0xFFFFFF10] =	vst v9  }
0x19a: {  	v9 =	vld.idx.msk [tilespmem:v36+s4+$0x0], $0xffff  }
0x19b: {  	v37 =	vadd.s32 v3, v8;
	_ =	sdelay $0x3  }
0x19c: {  	[tilespmem:s20+$0xFFFFFF20] =	vst v9  }
0x19d: {  	v9 =	vld.idx.msk [tilespmem:v37+s4+$0x0], $0xffff  }
0x19e: {  	v38 =	vadd.s32 v4, v8;
	_ =	sdelay $0x3  }
0x19f: {  	[tilespmem:s20+$0xFFFFFF30] =	vst v9  }
0x1a0: {  	v9 =	vld.idx.msk [tilespmem:v38+s4+$0x0], $0xffff  }
0x1a1: {  	v39 =	vadd.s32 v5, v8;
	_ =	sdelay $0x3  }
0x1a2: {  	[tilespmem:s20+$0xFFFFFF40] =	vst v9  }
0x1a3: {  	v9 =	vld.idx.msk [tilespmem:v39+s4+$0x0], $0xffff  }
0x1a4: {  	v40 =	vadd.s32 v6, v8;
	_ =	sdelay $0x3  }
0x1a5: {  	[tilespmem:s20+$0xFFFFFF50] =	vst v9  }
0x1a6: {  	v9 =	vld.idx.msk [tilespmem:v40+s4+$0x0], $0xffff  }
0x1a7: {  	v8 =	vadd.s32 v7, v8;
	_ =	sdelay $0x1  }
0x1a8: {  	s21 =	sadd.s32 $0x1, s19  }
0x1a9: {  	v41 =	vmov s21  }
0x1aa: {  	v42 =	vand.u32 $0xFFFFFFFD, v41;
	[tilespmem:s20+$0xFFFFFF60] =	vst v9  }
0x1ab: {  	v9 =	vbroadcast v42, $0x0;
	v8 =	vld.idx.msk [tilespmem:v8+s4+$0x0], $0xffff;
	_ =	sdelay $0x4  }
0x1ac: {  	[tilespmem:s20+$0xFFFFFF70] =	vst v8  }
0x1ad: {  	v8 =	vld.idx.msk [tilespmem:v9+s9+$0x0], $0xffff;
	_ =	sdelay $0x4  }
0x1ae: {  	v9 =	vadd.s32 v0, v8;
	_ =	sdelay $0x4  }
0x1af: {  	v9 =	vld.idx.msk [tilespmem:v9+s4+$0x0], $0xffff  }
0x1b0: {  	v43 =	vadd.s32 v1, v8;
	_ =	sdelay $0x3  }
0x1b1: {  	[tilespmem:s20+$0xFFFFFF80] =	vst v9  }
0x1b2: {  	v9 =	vld.idx.msk [tilespmem:v43+s4+$0x0], $0xffff  }
0x1b3: {  	v44 =	vadd.s32 v2, v8;
	_ =	sdelay $0x3  }
0x1b4: {  	[tilespmem:s20+$0xFFFFFF90] =	vst v9  }
0x1b5: {  	v9 =	vld.idx.msk [tilespmem:v44+s4+$0x0], $0xffff  }
0x1b6: {  	v45 =	vadd.s32 v3, v8;
	_ =	sdelay $0x3  }
0x1b7: {  	[tilespmem:s20+$0xFFFFFFA0] =	vst v9  }
0x1b8: {  	v9 =	vld.idx.msk [tilespmem:v45+s4+$0x0], $0xffff  }
0x1b9: {  	v46 =	vadd.s32 v4, v8;
	_ =	sdelay $0x3  }
0x1ba: {  	[tilespmem:s20+$0xFFFFFFB0] =	vst v9  }
0x1bb: {  	v9 =	vld.idx.msk [tilespmem:v46+s4+$0x0], $0xffff  }
0x1bc: {  	v47 =	vadd.s32 v5, v8;
	_ =	sdelay $0x3  }
0x1bd: {  	[tilespmem:s20+$0xFFFFFFC0] =	vst v9  }
0x1be: {  	v9 =	vld.idx.msk [tilespmem:v47+s4+$0x0], $0xffff  }
0x1bf: {  	v48 =	vadd.s32 v6, v8;
	_ =	sdelay $0x3  }
0x1c0: {  	[tilespmem:s20+$0xFFFFFFD0] =	vst v9  }
0x1c1: {  	v9 =	vld.idx.msk [tilespmem:v48+s4+$0x0], $0xffff  }
0x1c2: {  	v8 =	vadd.s32 v7, v8;
	_ =	sdelay $0x1  }
0x1c3: {  	s23 =	sadd.s32 $0x2, s19  }
0x1c4: {  	v49 =	vmov s23  }
0x1c5: {  	v50 =	vand.u32 $0xFFFFFFFE, v49;
	[tilespmem:s20+$0xFFFFFFE0] =	vst v9  }
0x1c6: {  	v9 =	vbroadcast v50, $0x0;
	v8 =	vld.idx.msk [tilespmem:v8+s4+$0x0], $0xffff;
	_ =	sdelay $0x4  }
0x1c7: {  	[tilespmem:s20+$0xFFFFFFF0] =	vst v8  }
0x1c8: {  	v8 =	vld.idx.msk [tilespmem:v9+s9+$0x0], $0xffff;
	_ =	sdelay $0x4  }
0x1c9: {  	v9 =	vadd.s32 v0, v8;
	_ =	sdelay $0x4  }
0x1ca: {  	v9 =	vld.idx.msk [tilespmem:v9+s4+$0x0], $0xffff  }
0x1cb: {  	v51 =	vadd.s32 v1, v8;
	_ =	sdelay $0x3  }
0x1cc: {  	[tilespmem:s20+$0x0] =	vst v9  }
0x1cd: {  	v9 =	vld.idx.msk [tilespmem:v51+s4+$0x0], $0xffff  }
0x1ce: {  	v52 =	vadd.s32 v2, v8;
	_ =	sdelay $0x3  }
0x1cf: {  	[tilespmem:s20+$0x10] =	vst v9  }
0x1d0: {  	v9 =	vld.idx.msk [tilespmem:v52+s4+$0x0], $0xffff  }
0x1d1: {  	v53 =	vadd.s32 v3, v8;
	_ =	sdelay $0x3  }
0x1d2: {  	[tilespmem:s20+$0x20] =	vst v9  }
0x1d3: {  	v9 =	vld.idx.msk [tilespmem:v53+s4+$0x0], $0xffff  }
0x1d4: {  	v54 =	vadd.s32 v4, v8;
	_ =	sdelay $0x3  }
0x1d5: {  	[tilespmem:s20+$0x30] =	vst v9  }
0x1d6: {  	v9 =	vld.idx.msk [tilespmem:v54+s4+$0x0], $0xffff  }
0x1d7: {  	v55 =	vadd.s32 v5, v8;
	_ =	sdelay $0x3  }
0x1d8: {  	[tilespmem:s20+$0x40] =	vst v9  }
0x1d9: {  	v9 =	vld.idx.msk [tilespmem:v55+s4+$0x0], $0xffff  }
0x1da: {  	v56 =	vadd.s32 v6, v8;
	_ =	sdelay $0x3  }
0x1db: {  	[tilespmem:s20+$0x50] =	vst v9  }
0x1dc: {  	v9 =	vld.idx.msk [tilespmem:v56+s4+$0x0], $0xffff  }
0x1dd: {  	v8 =	vadd.s32 v7, v8;
	_ =	sdelay $0x3  }
0x1de: {  	[tilespmem:s20+$0x60] =	vst v9  }
0x1df: {  	s24 =	sadd.s32 $0x3, s19;
	v8 =	vld.idx.msk [tilespmem:v8+s4+$0x0], $0xffff  }
0x1e0: {  	v57 =	vmov s24;
	_ =	sdelay $0x3  }
0x1e1: {  	[tilespmem:s20+$0x70] =	vst v8  }
0x1e2: {  	v8 =	vld.idx.msk [tilespmem:v57+s9+$0x0], $0xffff;
	_ =	sdelay $0x4  }
0x1e3: {  	v9 =	vadd.s32 v0, v8;
	_ =	sdelay $0x4  }
0x1e4: {  	v9 =	vld.idx.msk [tilespmem:v9+s4+$0x0], $0xffff  }
0x1e5: {  	v58 =	vadd.s32 v1, v8;
	_ =	sdelay $0x3  }
0x1e6: {  	[tilespmem:s20+$0x80] =	vst v9  }
0x1e7: {  	v9 =	vld.idx.msk [tilespmem:v58+s4+$0x0], $0xffff  }
0x1e8: {  	v59 =	vadd.s32 v2, v8;
	_ =	sdelay $0x3  }
0x1e9: {  	[tilespmem:s20+$0x90] =	vst v9  }
0x1ea: {  	v9 =	vld.idx.msk [tilespmem:v59+s4+$0x0], $0xffff  }
0x1eb: {  	v60 =	vadd.s32 v3, v8;
	_ =	sdelay $0x3  }
0x1ec: {  	[tilespmem:s20+$0xA0] =	vst v9  }
0x1ed: {  	v9 =	vld.idx.msk [tilespmem:v60+s4+$0x0], $0xffff  }
0x1ee: {  	v61 =	vadd.s32 v4, v8;
	_ =	sdelay $0x3  }
0x1ef: {  	[tilespmem:s20+$0xB0] =	vst v9  }
0x1f0: {  	v9 =	vld.idx.msk [tilespmem:v61+s4+$0x0], $0xffff  }
0x1f1: {  	v62 =	vadd.s32 v5, v8;
	_ =	sdelay $0x3  }
0x1f2: {  	[tilespmem:s20+$0xC0] =	vst v9  }
0x1f3: {  	v9 =	vld.idx.msk [tilespmem:v62+s4+$0x0], $0xffff  }
0x1f4: {  	v63 =	vadd.s32 v6, v8;
	_ =	sdelay $0x3  }
0x1f5: {  	[tilespmem:s20+$0xD0] =	vst v9  }
0x1f6: {  	v9 =	vld.idx.msk [tilespmem:v63+s4+$0x0], $0xffff  }
0x1f7: {  	v8 =	vadd.s32 v7, v8;
	_ =	sdelay $0x3  }
0x1f8: {  	[tilespmem:s20+$0xE0] =	vst v9  }
0x1f9: {  	p0 =	sne.s32 s19, $0x7C;
	v8 =	vld.idx.msk [tilespmem:v8+s4+$0x0], $0xffff  }
.Ltmp2:
0x1fa: {  	_ = 	snop;
	(pc) =	sbr.rel @p0 .LBB2_7-.Ltmp2, $2  }
0x1fb: {  	_ =	sdelay $0x2  }
0x1fc: {  	s19 =	sadd.s32 $0x4, s19;
	[tilespmem:s20+$0xF0] =	vst v8;
	s20 =	sadd.s32 $0x200, s20  }
0x1fd: {  	s19 =	sshll.u32 s18, $0x8  }
0x1fe: {  	s20 =	sor.u32 s8, s19  }
0x1ff: {  	s21 =	sshll.u32 s20, $0x4  }
0x200: {  	s23 =	sshrl.u32 s20, $0x3;
	s22 =	sadd.s32 s3, s21;
	s21 =	simm.s32 $0x0  }
0x201: {  	[hbm4b:s22+s21] =	stream.linear.scatter [tilespmem:s10], [sflag:$0x1], $0x4000, $0x38;
	[tilespmem:$0x9400] =	vst v63  }
0x202: {  	s24 =	sadd.s32 s19, s26;
	s22 =	sadd.s32 s7, s23  }
0x203: {  	[hbm4b:s22+s21] =	stream.linear.scatter [tilespmem:s11], [sflag:$0x1], $0x80, $0x38;
	[tilespmem:$0x9400] =	vst v63  }
0x204: {  	s22 =	sshrl.u32 s24, $0x3  }
0x205: {  	s23 =	sadd.s32 s1, s22  }
0x206: {  	[tilespmem:s30], [sflag:$0x3] =	stream.linear.gather [hbm4b:s23+s21], $0x80, $0x38;
	[tilespmem:$0x9400] =	vst v63  }
0x207: {  	s22 =	sadd.s32 s6, s22  }
0x208: {  	[tilespmem:s31], [sflag:$0x3] =	stream.linear.gather [hbm4b:s22+s21], $0x80, $0x38;
	[tilespmem:$0x9400] =	vst v63  }
0x209: {  	_ =	swait.ge [sflag:s12], $0x80  }
0x20a: {  	[sflag:s12] =	ssyncset.done $0x0  }
0x20b: {  	[sflag:s12] =	ssyncadd.s32 $0xFFFFFF80  }
0x20c: {  	_ =	swait.ge [sflag:s12], $0x80  }
0x20d: {  	[sflag:s12] =	ssyncset.done $0x0  }
0x20e: {  	[sflag:s12] =	ssyncadd.s32 $0xFFFFFF80  }
0x20f: {  	_ =	swait.ge [sflag:s16], $0x4000  }
0x210: {  	[sflag:s16] =	ssyncset.done $0x0  }
0x211: {  	[sflag:s16] =	ssyncadd.s32 $0xFFFFC000  }
0x212: {  	_ =	swait.ge [sflag:s16], $0x80  }
0x213: {  	[sflag:s16] =	ssyncset.done $0x0  }
0x214: {  	[sflag:s16] =	ssyncadd.s32 $0xFFFFFF80  }
0x215: {  	v8 =	vld [tilespmem:$0x1100]  }
0x216: {  	v9 =	vld [tilespmem:$0x1200]  }
0x217: {  	v10 =	vld [tilespmem:$0x1110]  }
0x218: {  	v11 =	vld [tilespmem:$0x1210]  }
0x219: {  	v12 =	vld [tilespmem:$0x1120]  }
0x21a: {  	v13 =	vld [tilespmem:$0x1220]  }
0x21b: {  	v14 =	vld [tilespmem:$0x1130]  }
0x21c: {  	v15 =	vld [tilespmem:$0x1230]  }
0x21d: {  	v17 =	vld [tilespmem:$0x1240];
	vm0 =	vne.s32 v8, $0x0  }
0x21e: {  	v52 =	vld [tilespmem:$0x1250];
	vm1 =	vgt.s32 v9, $0xFFFFFFFF;
	vm2 =	vne.s32 v9, $0xFFFFFFFF;
	vm13 =	vne.s32 v10, $0x0  }
0x21f: {  	v55 =	vld [tilespmem:$0x1160];
	vm14 =	vne.s32 v11, $0xFFFFFFFF;
	vm3 =	vgt.s32 v11, $0xFFFFFFFF;
	vm4 =	vne.s32 v12, $0x0  }
0x220: {  	v56 =	vld [tilespmem:$0x1260];
	vm5 =	vne.s32 v13, $0xFFFFFFFF;
	vm7 =	vgt.s32 v13, $0xFFFFFFFF;
	vm8 =	vne.s32 v14, $0x0  }
0x221: {  	vm9 =	vgt.s32 v15, $0xFFFFFFFF;
	vm11 =	vne.s32 v15, $0xFFFFFFFF;
	vm1 =	vmand vm0, vm1  }
0x222: {  	v16 =	vld [tilespmem:$0x1140];
	vm0 =	vmand vm0, vm2;
	vm15 =	vmand vm13, vm14;
	vm6 =	vmand vm4, vm5  }
0x223: {  	v18 =	vld [tilespmem:$0x1150];
	vm10 =	vmand vm8, vm9;
	vm12 =	vmand vm8, vm11;
	vm14 =	vne.s32 v17, $0xFFFFFFFF  }
0x224: {  	vm8 =	vne.s32 v52, $0xFFFFFFFF;
	v9 =	vsel vm1, v9, v8;
	v8 =	vnsel vm0, $0xFFFFFF9C, v8  }
0x225: {  	vm9 =	vne.s32 v55, $0x0;
	vm11 =	vne.s32 v56, $0xFFFFFFFF;
	v54 =	vnsel vm6, $0xFFFFFF9C, v12;
	[tilespmem:$0x1380] =	vst v8  }
0x226: {  	vm1 =	vmand vm13, vm3;
	v53 =	vsel vm10, v15, v14;
	v9 =	vshll.u32 v9, $0x7;
	[tilespmem:$0x13A0] =	vst v54  }
0x227: {  	vm13 =	vne.s32 v16, $0x0;
	v11 =	vsel vm1, v11, v10;
	v10 =	vnsel vm15, $0xFFFFFF9C, v10;
	[tilespmem:$0x1280] =	vst v9  }
0x228: {  	vm6 =	vne.s32 v18, $0x0;
	vm10 =	vgt.s32 v56, $0xFFFFFFFF;
	v50 =	vshll.u32 v11, $0x7;
	[tilespmem:$0x1390] =	vst v10  }
0x229: {  	v57 =	vld [tilespmem:$0x1170];
	vm1 =	vmand vm4, vm7;
	vm5 =	vmand vm13, vm14;
	v11 =	vshll.u32 v53, $0x7;
	[tilespmem:$0x1290] =	vst v50  }
0x22a: {  	v59 =	vld [tilespmem:$0x1270];
	vm15 =	vgt.s32 v17, $0xFFFFFFFF;
	v51 =	vsel vm1, v13, v12;
	v60 =	vnsel vm5, $0xFFFFFF9C, v16;
	[tilespmem:$0x12B0] =	vst v11  }
0x22b: {  	vm7 =	vgt.s32 v52, $0xFFFFFFFF;
	vm1 =	vmand vm13, vm15;
	v8 =	vshll.u32 v51, $0x7;
	[tilespmem:$0x13C0] =	vst v60  }
0x22c: {  	vm2 =	vmand vm6, vm7;
	v58 =	vsel vm1, v17, v16;
	[tilespmem:$0x12A0] =	vst v8;
	v8 =	vnsel vm12, $0xFFFFFF9C, v14  }
0x22d: {  	vm0 =	vmand vm6, vm8;
	v61 =	vsel vm2, v52, v18;
	[tilespmem:$0x13B0] =	vst v8;
	v8 =	vshll.u32 v58, $0x7  }
0x22e: {  	v62 =	vnsel vm0, $0xFFFFFF9C, v18;
	vm2 =	vmand vm9, vm10;
	[tilespmem:$0x12C0] =	vst v8;
	v8 =	vshll.u32 v61, $0x7  }
0x22f: {  	vm13 =	vgt.s32 v59, $0xFFFFFFFF;
	vm12 =	vne.s32 v57, $0x0;
	[tilespmem:$0x12D0] =	vst v8;
	v8 =	vsel vm2, v56, v55  }
0x230: {  	vm0 =	vmand vm9, vm11;
	[tilespmem:$0x13D0] =	vst v62;
	vm14 =	vmand vm12, vm13;
	v8 =	vshll.u32 v8, $0x7  }
0x231: {  	vm15 =	vne.s32 v59, $0xFFFFFFFF;
	v63 =	vsel vm14, v59, v57;
	[tilespmem:$0x12E0] =	vst v8;
	v8 =	vnsel vm0, $0xFFFFFF9C, v55  }
0x232: {  	vm0 =	vmand vm12, vm15;
	[tilespmem:$0x13E0] =	vst v8;
	v8 =	vshll.u32 v63, $0x7  }
0x233: {  	[tilespmem:$0x12F0] =	vst v8;
	v8 =	vnsel vm0, $0xFFFFFF9C, v57  }
0x234: {  	s22 =	simm.s32 $0x3;
	[tilespmem:$0x13F0] =	vst v8  }
.LBB2_9:
0x235: {  	s23 =	sadd.s32 $0xFFFFFFFD, s22  }
0x236: {  	v8 =	vmov s23  }
0x237: {  	v8 =	vand.u32 $0xFFFFFFFC, v8  }
0x238: {  	v8 =	vbroadcast v8, $0x0;
	_ =	sdelay $0x5  }
0x239: {  	v8 =	vld.idx.msk [tilespmem:v8+s9+$0x0], $0xffff;
	_ =	sdelay $0x4  }
0x23a: {  	v9 =	vadd.s32 v0, v8;
	_ =	sdelay $0x4  }
0x23b: {  	v9 =	vld.idx.msk [tilespmem:v9+s4+$0x0], $0xffff  }
0x23c: {  	v10 =	vadd.s32 v1, v8;
	_ =	sdelay $0x2  }
0x23d: {  	s23 =	sshra.s32 s21, $0x2  }
0x23e: {  	[tilespmem:s23+$0x5400] =	vst v9  }
0x23f: {  	v9 =	vld.idx.msk [tilespmem:v10+s4+$0x0], $0xffff  }
0x240: {  	v36 =	vadd.s32 v2, v8;
	_ =	sdelay $0x3  }
0x241: {  	[tilespmem:s23+$0x5410] =	vst v9  }
0x242: {  	v9 =	vld.idx.msk [tilespmem:v36+s4+$0x0], $0xffff  }
0x243: {  	v37 =	vadd.s32 v3, v8;
	_ =	sdelay $0x3  }
0x244: {  	[tilespmem:s23+$0x5420] =	vst v9  }
0x245: {  	v9 =	vld.idx.msk [tilespmem:v37+s4+$0x0], $0xffff  }
0x246: {  	v38 =	vadd.s32 v4, v8;
	_ =	sdelay $0x3  }
0x247: {  	[tilespmem:s23+$0x5430] =	vst v9  }
0x248: {  	v9 =	vld.idx.msk [tilespmem:v38+s4+$0x0], $0xffff  }
0x249: {  	v39 =	vadd.s32 v5, v8;
	_ =	sdelay $0x3  }
0x24a: {  	[tilespmem:s23+$0x5440] =	vst v9  }
0x24b: {  	v9 =	vld.idx.msk [tilespmem:v39+s4+$0x0], $0xffff  }
0x24c: {  	v40 =	vadd.s32 v6, v8;
	_ =	sdelay $0x3  }
0x24d: {  	[tilespmem:s23+$0x5450] =	vst v9  }
0x24e: {  	v9 =	vld.idx.msk [tilespmem:v40+s4+$0x0], $0xffff  }
0x24f: {  	v8 =	vadd.s32 v7, v8;
	_ =	sdelay $0x1  }
0x250: {  	s24 =	sadd.s32 $0xFFFFFFFE, s22  }
0x251: {  	v41 =	vmov s24  }
0x252: {  	v42 =	vand.u32 $0xFFFFFFFD, v41;
	[tilespmem:s23+$0x5460] =	vst v9  }
0x253: {  	v9 =	vbroadcast v42, $0x0;
	v8 =	vld.idx.msk [tilespmem:v8+s4+$0x0], $0xffff;
	_ =	sdelay $0x4  }
0x254: {  	[tilespmem:s23+$0x5470] =	vst v8  }
0x255: {  	v8 =	vld.idx.msk [tilespmem:v9+s9+$0x0], $0xffff;
	_ =	sdelay $0x4  }
0x256: {  	v9 =	vadd.s32 v0, v8;
	_ =	sdelay $0x4  }
0x257: {  	v9 =	vld.idx.msk [tilespmem:v9+s4+$0x0], $0xffff  }
0x258: {  	v43 =	vadd.s32 v1, v8;
	_ =	sdelay $0x3  }
0x259: {  	[tilespmem:s23+$0x5480] =	vst v9  }
0x25a: {  	v9 =	vld.idx.msk [tilespmem:v43+s4+$0x0], $0xffff  }
0x25b: {  	v44 =	vadd.s32 v2, v8;
	_ =	sdelay $0x3  }
0x25c: {  	[tilespmem:s23+$0x5490] =	vst v9  }
0x25d: {  	v9 =	vld.idx.msk [tilespmem:v44+s4+$0x0], $0xffff  }
0x25e: {  	v45 =	vadd.s32 v3, v8;
	_ =	sdelay $0x3  }
0x25f: {  	[tilespmem:s23+$0x54A0] =	vst v9  }
0x260: {  	v9 =	vld.idx.msk [tilespmem:v45+s4+$0x0], $0xffff  }
0x261: {  	v46 =	vadd.s32 v4, v8;
	_ =	sdelay $0x3  }
0x262: {  	[tilespmem:s23+$0x54B0] =	vst v9  }
0x263: {  	v9 =	vld.idx.msk [tilespmem:v46+s4+$0x0], $0xffff  }
0x264: {  	v47 =	vadd.s32 v5, v8;
	_ =	sdelay $0x3  }
0x265: {  	[tilespmem:s23+$0x54C0] =	vst v9  }
0x266: {  	v9 =	vld.idx.msk [tilespmem:v47+s4+$0x0], $0xffff  }
0x267: {  	v48 =	vadd.s32 v6, v8;
	_ =	sdelay $0x3  }
0x268: {  	[tilespmem:s23+$0x54D0] =	vst v9  }
0x269: {  	v9 =	vld.idx.msk [tilespmem:v48+s4+$0x0], $0xffff  }
0x26a: {  	v8 =	vadd.s32 v7, v8;
	_ =	sdelay $0x1  }
0x26b: {  	s24 =	sadd.s32 $0xFFFFFFFF, s22  }
0x26c: {  	v49 =	vmov s24  }
0x26d: {  	v50 =	vand.u32 $0xFFFFFFFE, v49;
	[tilespmem:s23+$0x54E0] =	vst v9  }
0x26e: {  	v9 =	vbroadcast v50, $0x0;
	v8 =	vld.idx.msk [tilespmem:v8+s4+$0x0], $0xffff;
	_ =	sdelay $0x4  }
0x26f: {  	[tilespmem:s23+$0x54F0] =	vst v8  }
0x270: {  	v8 =	vld.idx.msk [tilespmem:v9+s9+$0x0], $0xffff;
	_ =	sdelay $0x4  }
0x271: {  	v9 =	vadd.s32 v0, v8;
	_ =	sdelay $0x4  }
0x272: {  	v9 =	vld.idx.msk [tilespmem:v9+s4+$0x0], $0xffff  }
0x273: {  	v51 =	vadd.s32 v1, v8;
	_ =	sdelay $0x3  }
0x274: {  	[tilespmem:s23+$0x5500] =	vst v9  }
0x275: {  	v9 =	vld.idx.msk [tilespmem:v51+s4+$0x0], $0xffff  }
0x276: {  	v52 =	vadd.s32 v2, v8;
	_ =	sdelay $0x3  }
0x277: {  	[tilespmem:s23+$0x5510] =	vst v9  }
0x278: {  	v9 =	vld.idx.msk [tilespmem:v52+s4+$0x0], $0xffff  }
0x279: {  	v53 =	vadd.s32 v3, v8;
	_ =	sdelay $0x3  }
0x27a: {  	[tilespmem:s23+$0x5520] =	vst v9  }
0x27b: {  	v9 =	vld.idx.msk [tilespmem:v53+s4+$0x0], $0xffff  }
0x27c: {  	v54 =	vadd.s32 v4, v8;
	_ =	sdelay $0x3  }
0x27d: {  	[tilespmem:s23+$0x5530] =	vst v9  }
0x27e: {  	v9 =	vld.idx.msk [tilespmem:v54+s4+$0x0], $0xffff  }
0x27f: {  	v55 =	vadd.s32 v5, v8;
	_ =	sdelay $0x3  }
0x280: {  	[tilespmem:s23+$0x5540] =	vst v9  }
0x281: {  	v9 =	vld.idx.msk [tilespmem:v55+s4+$0x0], $0xffff  }
0x282: {  	v56 =	vadd.s32 v6, v8;
	_ =	sdelay $0x3  }
0x283: {  	[tilespmem:s23+$0x5550] =	vst v9  }
0x284: {  	v9 =	vld.idx.msk [tilespmem:v56+s4+$0x0], $0xffff  }
0x285: {  	v8 =	vadd.s32 v7, v8;
	_ =	sdelay $0x3  }
0x286: {  	[tilespmem:s23+$0x5560] =	vst v9  }
0x287: {  	v8 =	vld.idx.msk [tilespmem:v8+s4+$0x0], $0xffff  }
0x288: {  	v57 =	vmov s22;
	_ =	sdelay $0x3  }
0x289: {  	[tilespmem:s23+$0x5570] =	vst v8  }
0x28a: {  	v8 =	vld.idx.msk [tilespmem:v57+s9+$0x0], $0xffff;
	_ =	sdelay $0x4  }
0x28b: {  	v9 =	vadd.s32 v0, v8;
	_ =	sdelay $0x4  }
0x28c: {  	v9 =	vld.idx.msk [tilespmem:v9+s4+$0x0], $0xffff  }
0x28d: {  	v58 =	vadd.s32 v1, v8;
	_ =	sdelay $0x3  }
0x28e: {  	[tilespmem:s23+$0x5580] =	vst v9  }
0x28f: {  	v9 =	vld.idx.msk [tilespmem:v58+s4+$0x0], $0xffff  }
0x290: {  	v59 =	vadd.s32 v2, v8;
	_ =	sdelay $0x3  }
0x291: {  	[tilespmem:s23+$0x5590] =	vst v9  }
0x292: {  	v9 =	vld.idx.msk [tilespmem:v59+s4+$0x0], $0xffff  }
0x293: {  	v60 =	vadd.s32 v3, v8;
	_ =	sdelay $0x3  }
0x294: {  	[tilespmem:s23+$0x55A0] =	vst v9  }
0x295: {  	v9 =	vld.idx.msk [tilespmem:v60+s4+$0x0], $0xffff  }
0x296: {  	v61 =	vadd.s32 v4, v8;
	_ =	sdelay $0x3  }
0x297: {  	[tilespmem:s23+$0x55B0] =	vst v9  }
0x298: {  	v9 =	vld.idx.msk [tilespmem:v61+s4+$0x0], $0xffff  }
0x299: {  	v62 =	vadd.s32 v5, v8;
	_ =	sdelay $0x3  }
0x29a: {  	[tilespmem:s23+$0x55C0] =	vst v9  }
0x29b: {  	v9 =	vld.idx.msk [tilespmem:v62+s4+$0x0], $0xffff  }
0x29c: {  	v63 =	vadd.s32 v6, v8;
	_ =	sdelay $0x3  }
0x29d: {  	[tilespmem:s23+$0x55D0] =	vst v9  }
0x29e: {  	v9 =	vld.idx.msk [tilespmem:v63+s4+$0x0], $0xffff  }
0x29f: {  	v8 =	vadd.s32 v7, v8;
	_ =	sdelay $0x3  }
0x2a0: {  	[tilespmem:s23+$0x55E0] =	vst v9  }
0x2a1: {  	p0 =	sne.s32 s21, $0xF800;
	v8 =	vld.idx.msk [tilespmem:v8+s4+$0x0], $0xffff  }
.Ltmp3:
0x2a2: {  	_ = 	snop;
	(pc) =	sbr.rel @p0 .LBB2_9-.Ltmp3, $2  }
0x2a3: {  	_ =	sdelay $0x2  }
0x2a4: {  	s22 =	sadd.s32 $0x4, s22;
	s21 =	sadd.s32 $0x800, s21;
	[tilespmem:s23+$0x55F0] =	vst v8  }
0x2a5: {  	s20 =	sor.u32 $0x80, s20  }
0x2a6: {  	s21 =	sshll.u32 s20, $0x4  }
0x2a7: {  	s18 =	sadd.s32 $0x1, s18;
	s20 =	sshrl.u32 s20, $0x3;
	s21 =	sadd.s32 s3, s21  }
0x2a8: {  	[hbm4b:s21+s4] =	stream.linear.scatter [tilespmem:s13], [sflag:$0x2], $0x4000, $0x38;
	[tilespmem:$0x9400] =	vst v63  }
0x2a9: {  	s19 =	sadd.s32 s19, s28;
	p0 =	sne.s32 s18, $0x3F;
	s20 =	sadd.s32 s7, s20  }
0x2aa: {  	[hbm4b:s20+s4] =	stream.linear.scatter [tilespmem:s14], [sflag:$0x2], $0x80, $0x38;
	[tilespmem:$0x9400] =	vst v63  }
.Ltmp4:
0x2ab: {  	s19 =	sshrl.u32 s19, $0x3;
	(pc) =	sbr.rel @p0 .LBB2_6-.Ltmp4, $4  }
0x2ac: {  	s24 =	sadd.s32 s1, s19  }
0x2ad: {  	[tilespmem:s0], [sflag:$0x4] =	stream.linear.gather [hbm4b:s24+s4], $0x80, $0x38;
	[tilespmem:$0x9400] =	vst v63  }
0x2ae: {  	s19 =	sadd.s32 s6, s19  }
0x2af: {  	[tilespmem:s5], [sflag:$0x4] =	stream.linear.gather [hbm4b:s19+s4], $0x80, $0x38;
	[tilespmem:$0x9400] =	vst v63  }
0x2b0: {  	_ =	swait.ge [sflag:s2], $0x80  }
0x2b1: {  	[sflag:s2] =	ssyncset.done $0x0  }
0x2b2: {  	[sflag:s2] =	ssyncadd.s32 $0xFFFFFF80  }
0x2b3: {  	_ =	swait.ge [sflag:s2], $0x80  }
0x2b4: {  	[sflag:s2] =	ssyncset.done $0x0  }
0x2b5: {  	[sflag:s2] =	ssyncadd.s32 $0xFFFFFF80  }
0x2b6: {  	_ =	swait.ge [sflag:s15], $0x4000  }
0x2b7: {  	[sflag:s15] =	ssyncset.done $0x0  }
0x2b8: {  	[sflag:s15] =	ssyncadd.s32 $0xFFFFC000  }
0x2b9: {  	_ =	swait.ge [sflag:s15], $0x80  }
0x2ba: {  	[sflag:s15] =	ssyncset.done $0x0  }
0x2bb: {  	[sflag:s15] =	ssyncadd.s32 $0xFFFFFF80  }
0x2bc: {  	v8 =	vld [tilespmem:$0x1080]  }
0x2bd: {  	v9 =	vld [tilespmem:$0x1180]  }
0x2be: {  	v10 =	vld [tilespmem:$0x1090]  }
0x2bf: {  	v11 =	vld [tilespmem:$0x1190]  }
0x2c0: {  	v12 =	vld [tilespmem:$0x10A0]  }
0x2c1: {  	v13 =	vld [tilespmem:$0x11A0]  }
0x2c2: {  	v14 =	vld [tilespmem:$0x10B0]  }
0x2c3: {  	v15 =	vld [tilespmem:$0x11B0]  }
0x2c4: {  	v17 =	vld [tilespmem:$0x11C0];
	vm0 =	vne.s32 v8, $0x0  }
0x2c5: {  	v52 =	vld [tilespmem:$0x11D0];
	vm1 =	vgt.s32 v9, $0xFFFFFFFF;
	vm2 =	vne.s32 v9, $0xFFFFFFFF;
	vm13 =	vne.s32 v10, $0x0  }
0x2c6: {  	v55 =	vld [tilespmem:$0x10E0];
	vm14 =	vne.s32 v11, $0xFFFFFFFF;
	vm3 =	vgt.s32 v11, $0xFFFFFFFF;
	vm4 =	vne.s32 v12, $0x0  }
0x2c7: {  	v56 =	vld [tilespmem:$0x11E0];
	vm5 =	vne.s32 v13, $0xFFFFFFFF;
	vm7 =	vgt.s32 v13, $0xFFFFFFFF;
	vm8 =	vne.s32 v14, $0x0  }
0x2c8: {  	vm9 =	vgt.s32 v15, $0xFFFFFFFF;
	vm11 =	vne.s32 v15, $0xFFFFFFFF;
	vm1 =	vmand vm0, vm1  }
0x2c9: {  	v16 =	vld [tilespmem:$0x10C0];
	vm0 =	vmand vm0, vm2;
	vm15 =	vmand vm13, vm14;
	vm6 =	vmand vm4, vm5  }
0x2ca: {  	v18 =	vld [tilespmem:$0x10D0];
	vm10 =	vmand vm8, vm9;
	vm12 =	vmand vm8, vm11;
	vm14 =	vne.s32 v17, $0xFFFFFFFF  }
0x2cb: {  	vm8 =	vne.s32 v52, $0xFFFFFFFF;
	v9 =	vsel vm1, v9, v8;
	v8 =	vnsel vm0, $0xFFFFFF9C, v8  }
0x2cc: {  	vm9 =	vne.s32 v55, $0x0;
	vm11 =	vne.s32 v56, $0xFFFFFFFF;
	v54 =	vnsel vm6, $0xFFFFFF9C, v12;
	[tilespmem:$0x1300] =	vst v8  }
0x2cd: {  	vm1 =	vmand vm13, vm3;
	v53 =	vsel vm10, v15, v14;
	v9 =	vshll.u32 v9, $0x7;
	[tilespmem:$0x1320] =	vst v54  }
0x2ce: {  	vm13 =	vne.s32 v16, $0x0;
	v11 =	vsel vm1, v11, v10;
	v10 =	vnsel vm15, $0xFFFFFF9C, v10;
	[tilespmem:$0x1280] =	vst v9  }
0x2cf: {  	vm6 =	vne.s32 v18, $0x0;
	vm10 =	vgt.s32 v56, $0xFFFFFFFF;
	v50 =	vshll.u32 v11, $0x7;
	[tilespmem:$0x1310] =	vst v10  }
0x2d0: {  	v57 =	vld [tilespmem:$0x10F0];
	vm1 =	vmand vm4, vm7;
	vm5 =	vmand vm13, vm14;
	v11 =	vshll.u32 v53, $0x7;
	[tilespmem:$0x1290] =	vst v50  }
0x2d1: {  	v59 =	vld [tilespmem:$0x11F0];
	vm15 =	vgt.s32 v17, $0xFFFFFFFF;
	v51 =	vsel vm1, v13, v12;
	v60 =	vnsel vm5, $0xFFFFFF9C, v16;
	[tilespmem:$0x12B0] =	vst v11  }
0x2d2: {  	vm7 =	vgt.s32 v52, $0xFFFFFFFF;
	vm1 =	vmand vm13, vm15;
	v8 =	vshll.u32 v51, $0x7;
	[tilespmem:$0x1340] =	vst v60  }
0x2d3: {  	vm2 =	vmand vm6, vm7;
	v58 =	vsel vm1, v17, v16;
	[tilespmem:$0x12A0] =	vst v8;
	v8 =	vnsel vm12, $0xFFFFFF9C, v14  }
0x2d4: {  	vm0 =	vmand vm6, vm8;
	v61 =	vsel vm2, v52, v18;
	[tilespmem:$0x1330] =	vst v8;
	v8 =	vshll.u32 v58, $0x7  }
0x2d5: {  	v62 =	vnsel vm0, $0xFFFFFF9C, v18;
	vm2 =	vmand vm9, vm10;
	[tilespmem:$0x12C0] =	vst v8;
	v8 =	vshll.u32 v61, $0x7  }
0x2d6: {  	vm13 =	vgt.s32 v59, $0xFFFFFFFF;
	vm12 =	vne.s32 v57, $0x0;
	[tilespmem:$0x12D0] =	vst v8;
	v8 =	vsel vm2, v56, v55  }
0x2d7: {  	vm0 =	vmand vm9, vm11;
	[tilespmem:$0x1350] =	vst v62;
	vm14 =	vmand vm12, vm13;
	v8 =	vshll.u32 v8, $0x7  }
0x2d8: {  	vm15 =	vne.s32 v59, $0xFFFFFFFF;
	v63 =	vsel vm14, v59, v57;
	[tilespmem:$0x12E0] =	vst v8;
	v8 =	vnsel vm0, $0xFFFFFF9C, v55  }
0x2d9: {  	vm0 =	vmand vm12, vm15;
	[tilespmem:$0x1360] =	vst v8;
	v8 =	vshll.u32 v63, $0x7  }
0x2da: {  	[tilespmem:$0x12F0] =	vst v8;
	v8 =	vnsel vm0, $0xFFFFFF9C, v57  }
0x2db: {  	s18 =	simm.s32 $0x0;
	s19 =	simm.s32 $0x1500;
	[tilespmem:$0x1370] =	vst v8  }
.LBB2_12:
0x2dc: {  	v8 =	vmov s18  }
0x2dd: {  	v8 =	vand.u32 $0xFFFFFFFC, v8  }
0x2de: {  	v8 =	vbroadcast v8, $0x0;
	_ =	sdelay $0x5  }
0x2df: {  	v8 =	vld.idx.msk [tilespmem:v8+s9+$0x0], $0xffff;
	_ =	sdelay $0x4  }
0x2e0: {  	v9 =	vadd.s32 v0, v8;
	_ =	sdelay $0x4  }
0x2e1: {  	v9 =	vld.idx.msk [tilespmem:v9+s4+$0x0], $0xffff  }
0x2e2: {  	v10 =	vadd.s32 v1, v8;
	_ =	sdelay $0x3  }
0x2e3: {  	[tilespmem:s19+$0xFFFFFF00] =	vst v9  }
0x2e4: {  	v9 =	vld.idx.msk [tilespmem:v10+s4+$0x0], $0xffff  }
0x2e5: {  	v36 =	vadd.s32 v2, v8;
	_ =	sdelay $0x3  }
0x2e6: {  	[tilespmem:s19+$0xFFFFFF10] =	vst v9  }
0x2e7: {  	v9 =	vld.idx.msk [tilespmem:v36+s4+$0x0], $0xffff  }
0x2e8: {  	v37 =	vadd.s32 v3, v8;
	_ =	sdelay $0x3  }
0x2e9: {  	[tilespmem:s19+$0xFFFFFF20] =	vst v9  }
0x2ea: {  	v9 =	vld.idx.msk [tilespmem:v37+s4+$0x0], $0xffff  }
0x2eb: {  	v38 =	vadd.s32 v4, v8;
	_ =	sdelay $0x3  }
0x2ec: {  	[tilespmem:s19+$0xFFFFFF30] =	vst v9  }
0x2ed: {  	v9 =	vld.idx.msk [tilespmem:v38+s4+$0x0], $0xffff  }
0x2ee: {  	v39 =	vadd.s32 v5, v8;
	_ =	sdelay $0x3  }
0x2ef: {  	[tilespmem:s19+$0xFFFFFF40] =	vst v9  }
0x2f0: {  	v9 =	vld.idx.msk [tilespmem:v39+s4+$0x0], $0xffff  }
0x2f1: {  	v40 =	vadd.s32 v6, v8;
	_ =	sdelay $0x3  }
0x2f2: {  	[tilespmem:s19+$0xFFFFFF50] =	vst v9  }
0x2f3: {  	v9 =	vld.idx.msk [tilespmem:v40+s4+$0x0], $0xffff  }
0x2f4: {  	v8 =	vadd.s32 v7, v8;
	_ =	sdelay $0x1  }
0x2f5: {  	s20 =	sadd.s32 $0x1, s18  }
0x2f6: {  	v41 =	vmov s20  }
0x2f7: {  	v42 =	vand.u32 $0xFFFFFFFD, v41;
	[tilespmem:s19+$0xFFFFFF60] =	vst v9  }
0x2f8: {  	v9 =	vbroadcast v42, $0x0;
	v8 =	vld.idx.msk [tilespmem:v8+s4+$0x0], $0xffff;
	_ =	sdelay $0x4  }
0x2f9: {  	[tilespmem:s19+$0xFFFFFF70] =	vst v8  }
0x2fa: {  	v8 =	vld.idx.msk [tilespmem:v9+s9+$0x0], $0xffff;
	_ =	sdelay $0x4  }
0x2fb: {  	v9 =	vadd.s32 v0, v8;
	_ =	sdelay $0x4  }
0x2fc: {  	v9 =	vld.idx.msk [tilespmem:v9+s4+$0x0], $0xffff  }
0x2fd: {  	v43 =	vadd.s32 v1, v8;
	_ =	sdelay $0x3  }
0x2fe: {  	[tilespmem:s19+$0xFFFFFF80] =	vst v9  }
0x2ff: {  	v9 =	vld.idx.msk [tilespmem:v43+s4+$0x0], $0xffff  }
0x300: {  	v44 =	vadd.s32 v2, v8;
	_ =	sdelay $0x3  }
0x301: {  	[tilespmem:s19+$0xFFFFFF90] =	vst v9  }
0x302: {  	v9 =	vld.idx.msk [tilespmem:v44+s4+$0x0], $0xffff  }
0x303: {  	v45 =	vadd.s32 v3, v8;
	_ =	sdelay $0x3  }
0x304: {  	[tilespmem:s19+$0xFFFFFFA0] =	vst v9  }
0x305: {  	v9 =	vld.idx.msk [tilespmem:v45+s4+$0x0], $0xffff  }
0x306: {  	v46 =	vadd.s32 v4, v8;
	_ =	sdelay $0x3  }
0x307: {  	[tilespmem:s19+$0xFFFFFFB0] =	vst v9  }
0x308: {  	v9 =	vld.idx.msk [tilespmem:v46+s4+$0x0], $0xffff  }
0x309: {  	v47 =	vadd.s32 v5, v8;
	_ =	sdelay $0x3  }
0x30a: {  	[tilespmem:s19+$0xFFFFFFC0] =	vst v9  }
0x30b: {  	v9 =	vld.idx.msk [tilespmem:v47+s4+$0x0], $0xffff  }
0x30c: {  	v48 =	vadd.s32 v6, v8;
	_ =	sdelay $0x3  }
0x30d: {  	[tilespmem:s19+$0xFFFFFFD0] =	vst v9  }
0x30e: {  	v9 =	vld.idx.msk [tilespmem:v48+s4+$0x0], $0xffff  }
0x30f: {  	v8 =	vadd.s32 v7, v8;
	_ =	sdelay $0x1  }
0x310: {  	s23 =	sadd.s32 $0x2, s18  }
0x311: {  	v49 =	vmov s23  }
0x312: {  	v50 =	vand.u32 $0xFFFFFFFE, v49;
	[tilespmem:s19+$0xFFFFFFE0] =	vst v9  }
0x313: {  	v9 =	vbroadcast v50, $0x0;
	v8 =	vld.idx.msk [tilespmem:v8+s4+$0x0], $0xffff;
	_ =	sdelay $0x4  }
0x314: {  	[tilespmem:s19+$0xFFFFFFF0] =	vst v8  }
0x315: {  	v8 =	vld.idx.msk [tilespmem:v9+s9+$0x0], $0xffff;
	_ =	sdelay $0x4  }
0x316: {  	v9 =	vadd.s32 v0, v8;
	_ =	sdelay $0x4  }
0x317: {  	v9 =	vld.idx.msk [tilespmem:v9+s4+$0x0], $0xffff  }
0x318: {  	v51 =	vadd.s32 v1, v8;
	_ =	sdelay $0x3  }
0x319: {  	[tilespmem:s19+$0x0] =	vst v9  }
0x31a: {  	v9 =	vld.idx.msk [tilespmem:v51+s4+$0x0], $0xffff  }
0x31b: {  	v52 =	vadd.s32 v2, v8;
	_ =	sdelay $0x3  }
0x31c: {  	[tilespmem:s19+$0x10] =	vst v9  }
0x31d: {  	v9 =	vld.idx.msk [tilespmem:v52+s4+$0x0], $0xffff  }
0x31e: {  	v53 =	vadd.s32 v3, v8;
	_ =	sdelay $0x3  }
0x31f: {  	[tilespmem:s19+$0x20] =	vst v9  }
0x320: {  	v9 =	vld.idx.msk [tilespmem:v53+s4+$0x0], $0xffff  }
0x321: {  	v54 =	vadd.s32 v4, v8;
	_ =	sdelay $0x3  }
0x322: {  	[tilespmem:s19+$0x30] =	vst v9  }
0x323: {  	v9 =	vld.idx.msk [tilespmem:v54+s4+$0x0], $0xffff  }
0x324: {  	v55 =	vadd.s32 v5, v8;
	_ =	sdelay $0x3  }
0x325: {  	[tilespmem:s19+$0x40] =	vst v9  }
0x326: {  	v9 =	vld.idx.msk [tilespmem:v55+s4+$0x0], $0xffff  }
0x327: {  	v56 =	vadd.s32 v6, v8;
	_ =	sdelay $0x3  }
0x328: {  	[tilespmem:s19+$0x50] =	vst v9  }
0x329: {  	v9 =	vld.idx.msk [tilespmem:v56+s4+$0x0], $0xffff  }
0x32a: {  	v8 =	vadd.s32 v7, v8;
	_ =	sdelay $0x3  }
0x32b: {  	[tilespmem:s19+$0x60] =	vst v9  }
0x32c: {  	s24 =	sadd.s32 $0x3, s18;
	v8 =	vld.idx.msk [tilespmem:v8+s4+$0x0], $0xffff  }
0x32d: {  	v57 =	vmov s24;
	_ =	sdelay $0x3  }
0x32e: {  	[tilespmem:s19+$0x70] =	vst v8  }
0x32f: {  	v8 =	vld.idx.msk [tilespmem:v57+s9+$0x0], $0xffff;
	_ =	sdelay $0x4  }
0x330: {  	v9 =	vadd.s32 v0, v8;
	_ =	sdelay $0x4  }
0x331: {  	v9 =	vld.idx.msk [tilespmem:v9+s4+$0x0], $0xffff  }
0x332: {  	v58 =	vadd.s32 v1, v8;
	_ =	sdelay $0x3  }
0x333: {  	[tilespmem:s19+$0x80] =	vst v9  }
0x334: {  	v9 =	vld.idx.msk [tilespmem:v58+s4+$0x0], $0xffff  }
0x335: {  	v59 =	vadd.s32 v2, v8;
	_ =	sdelay $0x3  }
0x336: {  	[tilespmem:s19+$0x90] =	vst v9  }
0x337: {  	v9 =	vld.idx.msk [tilespmem:v59+s4+$0x0], $0xffff  }
0x338: {  	v60 =	vadd.s32 v3, v8;
	_ =	sdelay $0x3  }
0x339: {  	[tilespmem:s19+$0xA0] =	vst v9  }
0x33a: {  	v9 =	vld.idx.msk [tilespmem:v60+s4+$0x0], $0xffff  }
0x33b: {  	v61 =	vadd.s32 v4, v8;
	_ =	sdelay $0x3  }
0x33c: {  	[tilespmem:s19+$0xB0] =	vst v9  }
0x33d: {  	v9 =	vld.idx.msk [tilespmem:v61+s4+$0x0], $0xffff  }
0x33e: {  	v62 =	vadd.s32 v5, v8;
	_ =	sdelay $0x3  }
0x33f: {  	[tilespmem:s19+$0xC0] =	vst v9  }
0x340: {  	v9 =	vld.idx.msk [tilespmem:v62+s4+$0x0], $0xffff  }
0x341: {  	v63 =	vadd.s32 v6, v8;
	_ =	sdelay $0x3  }
0x342: {  	[tilespmem:s19+$0xD0] =	vst v9  }
0x343: {  	v9 =	vld.idx.msk [tilespmem:v63+s4+$0x0], $0xffff  }
0x344: {  	v8 =	vadd.s32 v7, v8;
	_ =	sdelay $0x3  }
0x345: {  	[tilespmem:s19+$0xE0] =	vst v9  }
0x346: {  	p0 =	sne.s32 s18, $0x7C;
	v8 =	vld.idx.msk [tilespmem:v8+s4+$0x0], $0xffff  }
.Ltmp5:
0x347: {  	_ = 	snop;
	(pc) =	sbr.rel @p0 .LBB2_12-.Ltmp5, $2  }
0x348: {  	_ =	sdelay $0x2  }
0x349: {  	s18 =	sadd.s32 $0x4, s18;
	[tilespmem:s19+$0xF0] =	vst v8;
	s19 =	sadd.s32 $0x200, s19  }
0x34a: {  	s18 =	simm.s32 $0x0;
	s19 =	rddreg [dreg:$0x11]  }
0x34b: {  	[hbm4b:s19+s18] =	stream.linear.scatter [tilespmem:s10], [sflag:$0x1], $0x4000, $0x38;
	[tilespmem:$0x9400] =	vst v63  }
0x34c: {  	s24 =	rddreg [dreg:$0x12]  }
0x34d: {  	[hbm4b:s24+s18] =	stream.linear.scatter [tilespmem:s11], [sflag:$0x1], $0x80, $0x38;
	[tilespmem:$0x9400] =	vst v63  }
0x34e: {  	_ =	swait.ge [sflag:s12], $0x80  }
0x34f: {  	[sflag:s12] =	ssyncset.done $0x0  }
0x350: {  	[sflag:s12] =	ssyncadd.s32 $0xFFFFFF80  }
0x351: {  	_ =	swait.ge [sflag:s12], $0x80  }
0x352: {  	[sflag:s12] =	ssyncset.done $0x0  }
0x353: {  	[sflag:s12] =	ssyncadd.s32 $0xFFFFFF80  }
0x354: {  	_ =	swait.ge [sflag:s16], $0x4000  }
0x355: {  	[sflag:s16] =	ssyncset.done $0x0  }
0x356: {  	[sflag:s16] =	ssyncadd.s32 $0xFFFFC000  }
0x357: {  	_ =	swait.ge [sflag:s16], $0x80  }
0x358: {  	[sflag:s16] =	ssyncset.done $0x0  }
0x359: {  	[sflag:s16] =	ssyncadd.s32 $0xFFFFFF80  }
0x35a: {  	v8 =	vld [tilespmem:$0x1100]  }
0x35b: {  	v9 =	vld [tilespmem:$0x1200]  }
0x35c: {  	v10 =	vld [tilespmem:$0x1110]  }
0x35d: {  	v11 =	vld [tilespmem:$0x1210]  }
0x35e: {  	v12 =	vld [tilespmem:$0x1120]  }
0x35f: {  	v13 =	vld [tilespmem:$0x1220]  }
0x360: {  	v14 =	vld [tilespmem:$0x1130]  }
0x361: {  	v15 =	vld [tilespmem:$0x1230]  }
0x362: {  	v17 =	vld [tilespmem:$0x1240];
	vm0 =	vne.s32 v8, $0x0  }
0x363: {  	v52 =	vld [tilespmem:$0x1250];
	vm1 =	vgt.s32 v9, $0xFFFFFFFF;
	vm2 =	vne.s32 v9, $0xFFFFFFFF;
	vm13 =	vne.s32 v10, $0x0  }
0x364: {  	v55 =	vld [tilespmem:$0x1160];
	vm14 =	vne.s32 v11, $0xFFFFFFFF;
	vm3 =	vgt.s32 v11, $0xFFFFFFFF;
	vm4 =	vne.s32 v12, $0x0  }
0x365: {  	v56 =	vld [tilespmem:$0x1260];
	vm5 =	vne.s32 v13, $0xFFFFFFFF;
	vm7 =	vgt.s32 v13, $0xFFFFFFFF;
	vm8 =	vne.s32 v14, $0x0  }
0x366: {  	vm9 =	vgt.s32 v15, $0xFFFFFFFF;
	vm11 =	vne.s32 v15, $0xFFFFFFFF;
	vm1 =	vmand vm0, vm1  }
0x367: {  	v16 =	vld [tilespmem:$0x1140];
	vm0 =	vmand vm0, vm2;
	vm15 =	vmand vm13, vm14;
	vm6 =	vmand vm4, vm5  }
0x368: {  	v18 =	vld [tilespmem:$0x1150];
	vm10 =	vmand vm8, vm9;
	vm12 =	vmand vm8, vm11;
	vm14 =	vne.s32 v17, $0xFFFFFFFF  }
0x369: {  	vm8 =	vne.s32 v52, $0xFFFFFFFF;
	v9 =	vsel vm1, v9, v8;
	v8 =	vnsel vm0, $0xFFFFFF9C, v8  }
0x36a: {  	vm9 =	vne.s32 v55, $0x0;
	vm11 =	vne.s32 v56, $0xFFFFFFFF;
	v54 =	vnsel vm6, $0xFFFFFF9C, v12;
	[tilespmem:$0x1380] =	vst v8  }
0x36b: {  	vm1 =	vmand vm13, vm3;
	v53 =	vsel vm10, v15, v14;
	v9 =	vshll.u32 v9, $0x7;
	[tilespmem:$0x13A0] =	vst v54  }
0x36c: {  	vm13 =	vne.s32 v16, $0x0;
	v11 =	vsel vm1, v11, v10;
	v10 =	vnsel vm15, $0xFFFFFF9C, v10;
	[tilespmem:$0x1280] =	vst v9  }
0x36d: {  	vm6 =	vne.s32 v18, $0x0;
	vm10 =	vgt.s32 v56, $0xFFFFFFFF;
	v50 =	vshll.u32 v11, $0x7;
	[tilespmem:$0x1390] =	vst v10  }
0x36e: {  	v57 =	vld [tilespmem:$0x1170];
	vm1 =	vmand vm4, vm7;
	vm5 =	vmand vm13, vm14;
	v11 =	vshll.u32 v53, $0x7;
	[tilespmem:$0x1290] =	vst v50  }
0x36f: {  	v59 =	vld [tilespmem:$0x1270];
	vm15 =	vgt.s32 v17, $0xFFFFFFFF;
	v51 =	vsel vm1, v13, v12;
	v60 =	vnsel vm5, $0xFFFFFF9C, v16;
	[tilespmem:$0x12B0] =	vst v11  }
0x370: {  	vm7 =	vgt.s32 v52, $0xFFFFFFFF;
	vm1 =	vmand vm13, vm15;
	v8 =	vshll.u32 v51, $0x7;
	[tilespmem:$0x13C0] =	vst v60  }
0x371: {  	vm2 =	vmand vm6, vm7;
	v58 =	vsel vm1, v17, v16;
	[tilespmem:$0x12A0] =	vst v8;
	v8 =	vnsel vm12, $0xFFFFFF9C, v14  }
0x372: {  	vm0 =	vmand vm6, vm8;
	v61 =	vsel vm2, v52, v18;
	[tilespmem:$0x13B0] =	vst v8;
	v8 =	vshll.u32 v58, $0x7  }
0x373: {  	v62 =	vnsel vm0, $0xFFFFFF9C, v18;
	vm2 =	vmand vm9, vm10;
	[tilespmem:$0x12C0] =	vst v8;
	v8 =	vshll.u32 v61, $0x7  }
0x374: {  	vm13 =	vgt.s32 v59, $0xFFFFFFFF;
	vm12 =	vne.s32 v57, $0x0;
	[tilespmem:$0x12D0] =	vst v8;
	v8 =	vsel vm2, v56, v55  }
0x375: {  	vm0 =	vmand vm9, vm11;
	[tilespmem:$0x13D0] =	vst v62;
	vm14 =	vmand vm12, vm13;
	v8 =	vshll.u32 v8, $0x7  }
0x376: {  	vm15 =	vne.s32 v59, $0xFFFFFFFF;
	v63 =	vsel vm14, v59, v57;
	[tilespmem:$0x12E0] =	vst v8;
	v8 =	vnsel vm0, $0xFFFFFF9C, v55  }
0x377: {  	vm0 =	vmand vm12, vm15;
	[tilespmem:$0x13E0] =	vst v8;
	v8 =	vshll.u32 v63, $0x7  }
0x378: {  	[tilespmem:$0x12F0] =	vst v8;
	v8 =	vnsel vm0, $0xFFFFFF9C, v57  }
0x379: {  	s19 =	simm.s32 $0x3;
	[tilespmem:$0x13F0] =	vst v8  }
.LBB2_14:
0x37a: {  	s20 =	sadd.s32 $0xFFFFFFFD, s19  }
0x37b: {  	v8 =	vmov s20  }
0x37c: {  	v8 =	vand.u32 $0xFFFFFFFC, v8  }
0x37d: {  	v8 =	vbroadcast v8, $0x0;
	_ =	sdelay $0x5  }
0x37e: {  	v8 =	vld.idx.msk [tilespmem:v8+s9+$0x0], $0xffff;
	_ =	sdelay $0x4  }
0x37f: {  	v9 =	vadd.s32 v0, v8;
	_ =	sdelay $0x4  }
0x380: {  	v9 =	vld.idx.msk [tilespmem:v9+s4+$0x0], $0xffff  }
0x381: {  	v10 =	vadd.s32 v1, v8;
	_ =	sdelay $0x2  }
0x382: {  	s23 =	sshra.s32 s18, $0x2  }
0x383: {  	[tilespmem:s23+$0x5400] =	vst v9  }
0x384: {  	v9 =	vld.idx.msk [tilespmem:v10+s4+$0x0], $0xffff  }
0x385: {  	v36 =	vadd.s32 v2, v8;
	_ =	sdelay $0x3  }
0x386: {  	[tilespmem:s23+$0x5410] =	vst v9  }
0x387: {  	v9 =	vld.idx.msk [tilespmem:v36+s4+$0x0], $0xffff  }
0x388: {  	v37 =	vadd.s32 v3, v8;
	_ =	sdelay $0x3  }
0x389: {  	[tilespmem:s23+$0x5420] =	vst v9  }
0x38a: {  	v9 =	vld.idx.msk [tilespmem:v37+s4+$0x0], $0xffff  }
0x38b: {  	v38 =	vadd.s32 v4, v8;
	_ =	sdelay $0x3  }
0x38c: {  	[tilespmem:s23+$0x5430] =	vst v9  }
0x38d: {  	v9 =	vld.idx.msk [tilespmem:v38+s4+$0x0], $0xffff  }
0x38e: {  	v39 =	vadd.s32 v5, v8;
	_ =	sdelay $0x3  }
0x38f: {  	[tilespmem:s23+$0x5440] =	vst v9  }
0x390: {  	v9 =	vld.idx.msk [tilespmem:v39+s4+$0x0], $0xffff  }
0x391: {  	v40 =	vadd.s32 v6, v8;
	_ =	sdelay $0x3  }
0x392: {  	[tilespmem:s23+$0x5450] =	vst v9  }
0x393: {  	v9 =	vld.idx.msk [tilespmem:v40+s4+$0x0], $0xffff  }
0x394: {  	v8 =	vadd.s32 v7, v8;
	_ =	sdelay $0x1  }
0x395: {  	s21 =	sadd.s32 $0xFFFFFFFE, s19  }
0x396: {  	v41 =	vmov s21  }
0x397: {  	v42 =	vand.u32 $0xFFFFFFFD, v41;
	[tilespmem:s23+$0x5460] =	vst v9  }
0x398: {  	v9 =	vbroadcast v42, $0x0;
	v8 =	vld.idx.msk [tilespmem:v8+s4+$0x0], $0xffff;
	_ =	sdelay $0x4  }
0x399: {  	[tilespmem:s23+$0x5470] =	vst v8  }
0x39a: {  	v8 =	vld.idx.msk [tilespmem:v9+s9+$0x0], $0xffff;
	_ =	sdelay $0x4  }
0x39b: {  	v9 =	vadd.s32 v0, v8;
	_ =	sdelay $0x4  }
0x39c: {  	v9 =	vld.idx.msk [tilespmem:v9+s4+$0x0], $0xffff  }
0x39d: {  	v43 =	vadd.s32 v1, v8;
	_ =	sdelay $0x3  }
0x39e: {  	[tilespmem:s23+$0x5480] =	vst v9  }
0x39f: {  	v9 =	vld.idx.msk [tilespmem:v43+s4+$0x0], $0xffff  }
0x3a0: {  	v44 =	vadd.s32 v2, v8;
	_ =	sdelay $0x3  }
0x3a1: {  	[tilespmem:s23+$0x5490] =	vst v9  }
0x3a2: {  	v9 =	vld.idx.msk [tilespmem:v44+s4+$0x0], $0xffff  }
0x3a3: {  	v45 =	vadd.s32 v3, v8;
	_ =	sdelay $0x3  }
0x3a4: {  	[tilespmem:s23+$0x54A0] =	vst v9  }
0x3a5: {  	v9 =	vld.idx.msk [tilespmem:v45+s4+$0x0], $0xffff  }
0x3a6: {  	v46 =	vadd.s32 v4, v8;
	_ =	sdelay $0x3  }
0x3a7: {  	[tilespmem:s23+$0x54B0] =	vst v9  }
0x3a8: {  	v9 =	vld.idx.msk [tilespmem:v46+s4+$0x0], $0xffff  }
0x3a9: {  	v47 =	vadd.s32 v5, v8;
	_ =	sdelay $0x3  }
0x3aa: {  	[tilespmem:s23+$0x54C0] =	vst v9  }
0x3ab: {  	v9 =	vld.idx.msk [tilespmem:v47+s4+$0x0], $0xffff  }
0x3ac: {  	v48 =	vadd.s32 v6, v8;
	_ =	sdelay $0x3  }
0x3ad: {  	[tilespmem:s23+$0x54D0] =	vst v9  }
0x3ae: {  	v9 =	vld.idx.msk [tilespmem:v48+s4+$0x0], $0xffff  }
0x3af: {  	v8 =	vadd.s32 v7, v8;
	_ =	sdelay $0x1  }
0x3b0: {  	s24 =	sadd.s32 $0xFFFFFFFF, s19  }
0x3b1: {  	v49 =	vmov s24  }
0x3b2: {  	v50 =	vand.u32 $0xFFFFFFFE, v49;
	[tilespmem:s23+$0x54E0] =	vst v9  }
0x3b3: {  	v9 =	vbroadcast v50, $0x0;
	v8 =	vld.idx.msk [tilespmem:v8+s4+$0x0], $0xffff;
	_ =	sdelay $0x4  }
0x3b4: {  	[tilespmem:s23+$0x54F0] =	vst v8  }
0x3b5: {  	v8 =	vld.idx.msk [tilespmem:v9+s9+$0x0], $0xffff;
	_ =	sdelay $0x4  }
0x3b6: {  	v9 =	vadd.s32 v0, v8;
	_ =	sdelay $0x4  }
0x3b7: {  	v9 =	vld.idx.msk [tilespmem:v9+s4+$0x0], $0xffff  }
0x3b8: {  	v51 =	vadd.s32 v1, v8;
	_ =	sdelay $0x3  }
0x3b9: {  	[tilespmem:s23+$0x5500] =	vst v9  }
0x3ba: {  	v9 =	vld.idx.msk [tilespmem:v51+s4+$0x0], $0xffff  }
0x3bb: {  	v52 =	vadd.s32 v2, v8;
	_ =	sdelay $0x3  }
0x3bc: {  	[tilespmem:s23+$0x5510] =	vst v9  }
0x3bd: {  	v9 =	vld.idx.msk [tilespmem:v52+s4+$0x0], $0xffff  }
0x3be: {  	v53 =	vadd.s32 v3, v8;
	_ =	sdelay $0x3  }
0x3bf: {  	[tilespmem:s23+$0x5520] =	vst v9  }
0x3c0: {  	v9 =	vld.idx.msk [tilespmem:v53+s4+$0x0], $0xffff  }
0x3c1: {  	v54 =	vadd.s32 v4, v8;
	_ =	sdelay $0x3  }
0x3c2: {  	[tilespmem:s23+$0x5530] =	vst v9  }
0x3c3: {  	v9 =	vld.idx.msk [tilespmem:v54+s4+$0x0], $0xffff  }
0x3c4: {  	v55 =	vadd.s32 v5, v8;
	_ =	sdelay $0x3  }
0x3c5: {  	[tilespmem:s23+$0x5540] =	vst v9  }
0x3c6: {  	v9 =	vld.idx.msk [tilespmem:v55+s4+$0x0], $0xffff  }
0x3c7: {  	v56 =	vadd.s32 v6, v8;
	_ =	sdelay $0x3  }
0x3c8: {  	[tilespmem:s23+$0x5550] =	vst v9  }
0x3c9: {  	v9 =	vld.idx.msk [tilespmem:v56+s4+$0x0], $0xffff  }
0x3ca: {  	v8 =	vadd.s32 v7, v8;
	_ =	sdelay $0x3  }
0x3cb: {  	[tilespmem:s23+$0x5560] =	vst v9  }
0x3cc: {  	v8 =	vld.idx.msk [tilespmem:v8+s4+$0x0], $0xffff  }
0x3cd: {  	v57 =	vmov s19;
	_ =	sdelay $0x3  }
0x3ce: {  	[tilespmem:s23+$0x5570] =	vst v8  }
0x3cf: {  	v8 =	vld.idx.msk [tilespmem:v57+s9+$0x0], $0xffff;
	_ =	sdelay $0x4  }
0x3d0: {  	v9 =	vadd.s32 v0, v8;
	_ =	sdelay $0x4  }
0x3d1: {  	v9 =	vld.idx.msk [tilespmem:v9+s4+$0x0], $0xffff  }
0x3d2: {  	v58 =	vadd.s32 v1, v8;
	_ =	sdelay $0x3  }
0x3d3: {  	[tilespmem:s23+$0x5580] =	vst v9  }
0x3d4: {  	v9 =	vld.idx.msk [tilespmem:v58+s4+$0x0], $0xffff  }
0x3d5: {  	v59 =	vadd.s32 v2, v8;
	_ =	sdelay $0x3  }
0x3d6: {  	[tilespmem:s23+$0x5590] =	vst v9  }
0x3d7: {  	v9 =	vld.idx.msk [tilespmem:v59+s4+$0x0], $0xffff  }
0x3d8: {  	v60 =	vadd.s32 v3, v8;
	_ =	sdelay $0x3  }
0x3d9: {  	[tilespmem:s23+$0x55A0] =	vst v9  }
0x3da: {  	v9 =	vld.idx.msk [tilespmem:v60+s4+$0x0], $0xffff  }
0x3db: {  	v61 =	vadd.s32 v4, v8;
	_ =	sdelay $0x3  }
0x3dc: {  	[tilespmem:s23+$0x55B0] =	vst v9  }
0x3dd: {  	v9 =	vld.idx.msk [tilespmem:v61+s4+$0x0], $0xffff  }
0x3de: {  	v62 =	vadd.s32 v5, v8;
	_ =	sdelay $0x3  }
0x3df: {  	[tilespmem:s23+$0x55C0] =	vst v9  }
0x3e0: {  	v9 =	vld.idx.msk [tilespmem:v62+s4+$0x0], $0xffff  }
0x3e1: {  	v63 =	vadd.s32 v6, v8;
	_ =	sdelay $0x3  }
0x3e2: {  	[tilespmem:s23+$0x55D0] =	vst v9  }
0x3e3: {  	v9 =	vld.idx.msk [tilespmem:v63+s4+$0x0], $0xffff  }
0x3e4: {  	v8 =	vadd.s32 v7, v8;
	_ =	sdelay $0x3  }
0x3e5: {  	[tilespmem:s23+$0x55E0] =	vst v9  }
0x3e6: {  	p0 =	sne.s32 s18, $0xF800;
	v8 =	vld.idx.msk [tilespmem:v8+s4+$0x0], $0xffff  }
.Ltmp6:
0x3e7: {  	_ = 	snop;
	(pc) =	sbr.rel @p0 .LBB2_14-.Ltmp6, $2  }
0x3e8: {  	_ =	sdelay $0x2  }
0x3e9: {  	s19 =	sadd.s32 $0x4, s19;
	s18 =	sadd.s32 $0x800, s18;
	[tilespmem:s23+$0x55F0] =	vst v8  }
0x3ea: {  	s18 =	rddreg [dreg:$0x13]  }
0x3eb: {  	[hbm4b:s18+s4] =	stream.linear.scatter [tilespmem:s13], [sflag:$0x2], $0x4000, $0x38;
	[tilespmem:$0x9400] =	vst v63  }
0x3ec: {  	s24 =	rddreg [dreg:$0x14]  }
0x3ed: {  	[hbm4b:s24+s4] =	stream.linear.scatter [tilespmem:s14], [sflag:$0x2], $0x80, $0x38;
	[tilespmem:$0x9400] =	vst v63  }
0x3ee: {  	_ =	swait.ge [sflag:s15], $0x4000  }
0x3ef: {  	[sflag:s15] =	ssyncset.done $0x0  }
0x3f0: {  	[sflag:s15] =	ssyncadd.s32 $0xFFFFC000  }
0x3f1: {  	_ =	swait.ge [sflag:s15], $0x80  }
0x3f2: {  	[sflag:s15] =	ssyncset.done $0x0  }
0x3f3: {  	s17 =	sadd.s32 $0x1, s17;
	[sflag:s15] =	ssyncadd.s32 $0xFFFFFF80  }
0x3f4: {  	p0 =	sne.s32 s17, s25;
	_ =	swait.ge [sflag:s16], $0x4000  }
.Ltmp7:
0x3f5: {  	[sflag:s16] =	ssyncset.done $0x0;
	(pc) =	sbr.rel @p0 .LBB2_1-.Ltmp7, $4  }
0x3f6: {  	[sflag:s16] =	ssyncadd.s32 $0xFFFFC000  }
0x3f7: {  	_ =	swait.ge [sflag:s16], $0x80  }
0x3f8: {  	[sflag:s16] =	ssyncset.done $0x0  }
0x3f9: {  	[sflag:s16] =	ssyncadd.s32 $0xFFFFFF80  }
0x3fa: {  	_ =	sfence.sel $0x180000  }
0x3fb: {  	[bflag:$0x0] =	sbarrier.arrive $0xFFFF  }
0x3fc: {  	_ =	strace $0x90000047  }
0x3fd: {  	s0 =	stileid.u32;
	[bflag:$0x2] =	sbarrier.arrive $0xFFFF  }
0x3fe: {  	p0 =	sne.s32 s0, $0x0;
	s0 =	rddreg [dreg:$0x4]  }
0x3ff: {  	s0 =	sadd.s32 @!p0 $0x100000, s0  }
0x400: {  	[sflag:s0] =	ssyncadd.tile.s32 @!p0 $0x1;
	_ =	shalt  }
.Lfunc_end2:
_tile_overlayer_lowered:
.L_overlay_start_2:
0x401: {  	(tag) =	ssettag $0x2  }
0x402: {  	s0 =	rddreg [dreg:$0x0];
	s2 =	stileid.u32  }
0x403: {  	s1 =	rddreg [dreg:$0x1];
	p0 =	sne.s32 s2, $0x0  }
0x404: {  	s3 =	rddreg [dreg:$0x2];
	[bflag:$0x3] =	sbarrier.arrive $0xFFFF;
	s2 =	simm.s32 @!p0 $0x1C05  }
0x405: {  	[timem:s3], [sflag:s2] =	dma.local @!p0 [hbm:s0], s1  }
0x406: {  	s0 =	simm.s32 @!p0 $0x5  }
0x407: {  	_ =	swait.ge @!p0 [sflag:s0], s1  }
0x408: {  	s1 =	ssub.s32 @!p0 $0x0, s1;
	[sflag:s0] =	ssyncset.done @!p0 $0x0  }
0x409: {  	[sflag:s0] =	ssyncadd.s32 @!p0 s1  }
0x40a: {  	[bflag:$0x3] =	sbarrier.arrive $0xFFFF  }
0x40b: {  	_ =	shalt  }

</sc_bundles>
